<compile_context>
chip_gen: v7x
topology: tpu7x:2x2x1
jax: 0.10.2.dev20260603
libtpu: 0.0.44.dev20260713+nightly
codegen_flags: <defaults>
</compile_context>

<pallas_src>
import functools

import jax
import jax.numpy as jnp
from jax import lax
from jax.experimental import pallas as pl
from jax.experimental.pallas import tpu as pltpu
from jax.experimental.pallas import tpu_sc as plsc

N_FEATURES = 26
VOCAB = 100000
OUT_DIM = 64
BATCH = 16384

LANES = 16
D_PER_W = 4
F_GROUPS = 2
F_PER_W = N_FEATURES // F_GROUPS
D_GROUPS = OUT_DIM // D_PER_W
OCHUNK = 4096
N_OCH = BATCH // OCHUNK
GRP = 16

assert F_GROUPS * D_GROUPS == 32
assert F_PER_W * F_GROUPS == N_FEATURES
assert D_PER_W * D_GROUPS == OUT_DIM
assert N_OCH * OCHUNK == BATCH


def _body(idx_hbm, tab_hbm, out_hbm, idx_v, row_v, ob0, ob1, ws0, ws1, rsem):
    c = lax.axis_index("c")
    s = lax.axis_index("s")
    wid = s * 2 + c
    d0 = (wid % D_GROUPS) * D_PER_W
    f0 = (wid // D_GROUPS) * F_PER_W
    obufs = (ob0, ob1)
    wsems = (ws0, ws1)

    def per_feature(f, first):
        pltpu.sync_copy(idx_hbm.at[f], idx_v)
        for dd in range(D_PER_W):
            d = d0 + dd
            pltpu.async_copy(tab_hbm.at[f, d], row_v, rsem).wait()
            for ci in range(N_OCH):
                ob = obufs[ci % 2]
                wsem = wsems[ci % 2]
                dst = out_hbm.at[f, d, pl.ds(ci * OCHUNK, OCHUNK)]
                if not (first and dd == 0 and ci < 2):
                    pltpu.make_async_copy(ob, dst, wsem).wait()

                @plsc.parallel_loop(0, OCHUNK // LANES, 1, unroll=GRP)
                def gather_grp(g, ci=ci, ob=ob):
                    off = idx_v[pl.ds(ci * OCHUNK + g * LANES, LANES)]
                    ob[pl.ds(g * LANES, LANES)] = plsc.load_gather(row_v, [off])

                pltpu.async_copy(ob, dst, wsem)

    per_feature(f0, True)

    def rest(ff, carry):
        per_feature(f0 + ff, False)
        return carry

    lax.fori_loop(1, F_PER_W, rest, 0)

    for ci in range(2):
        r = N_OCH - 2 + ci
        pltpu.make_async_copy(
            obufs[r % 2],
            out_hbm.at[f0 + F_PER_W - 1, d0 + D_PER_W - 1, pl.ds(r * OCHUNK, OCHUNK)],
            wsems[r % 2],
        ).wait()


@jax.jit
def _embed(idx_t, tab_t):
    run = functools.partial(
        pl.kernel,
        mesh=plsc.VectorSubcoreMesh(core_axis_name="c", subcore_axis_name="s"),
        out_type=jax.ShapeDtypeStruct((N_FEATURES, OUT_DIM, BATCH), jnp.float32),
        scratch_types=[
            pltpu.VMEM((BATCH,), jnp.int32),
            pltpu.VMEM((VOCAB,), jnp.float32),
            pltpu.VMEM((OCHUNK,), jnp.float32),
            pltpu.VMEM((OCHUNK,), jnp.float32),
            pltpu.SemaphoreType.DMA,
            pltpu.SemaphoreType.DMA,
            pltpu.SemaphoreType.DMA,
        ],
        compiler_params=pltpu.CompilerParams(needs_layout_passes=False),
    )(_body)
    return run(idx_t, tab_t)


def kernel(inp, tables):
    idx_t = inp.astype(jnp.int32).T
    tab_t = jnp.swapaxes(tables, 1, 2)
    out_t = _embed(idx_t, tab_t)
    return jnp.transpose(out_t, (2, 0, 1))

# --- scband reference (transcript-rebuilt; emitter-appended) ---
"""Pipeline reference for scband-categorical-embedder-62508954026310 (READ-ONLY COPY).

The authoritative reference and input builder live on the scoring server;
editing this copy changes nothing except your own understanding.
"""

import jax, jax.numpy as jnp
import numpy as np

N_FEATURES = 26
VOCAB = 100000
OUT_DIM = 64
BATCH = 16384


def setup_inputs(seed: int = 0) -> dict:
    key = jax.random.key(seed)
    k_inp, k_tab = jax.random.split(key)
    inp = jax.random.randint(k_inp, (BATCH, N_FEATURES), 0, VOCAB, dtype=jnp.int64 if jax.config.jax_enable_x64 else jnp.int32)
    # One embedding table per categorical feature, stacked: [n_features, vocab, out_dim]
    tables = jax.random.normal(k_tab, (N_FEATURES, VOCAB, OUT_DIM), dtype=jnp.float32)
    return {"inp": inp, "tables": tables}


def reference(inp, tables):
    # Faithful translation of CategoricalEmbedder.forward:
    # emb = [self.embed[cat](inp[..., cat]) for cat in self.features]
    # return pt.stack(emb, -2)
    emb = [jnp.take(tables[cat], inp[..., cat], axis=0) for cat in range(N_FEATURES)]
    return jnp.stack(emb, axis=-2)

if __name__ == "__main__":
    import jax
    _d = setup_inputs()
    print(jax.jit(kernel)(*tuple(_d.values())))

</pallas_src>

<mosaic_0001>
#map = affine_map<(d0, d1) -> (0, 0)>
#map1 = affine_map<(d0, d1) -> (0, 0, 0)>
module attributes {stable_mosaic.version = 14 : i64} {
  func.func @_body(%arg0: i32, %arg1: i32, %arg2: memref<26x16384xi32, #tpu.memory_space<hbm>>, %arg3: memref<26x64x100000xf32, #tpu.memory_space<hbm>>, %arg4: memref<26x64x16384xf32, #tpu.memory_space<hbm>>, %arg5: memref<16384xi32, #tpu.memory_space<vmem>>, %arg6: memref<100000xf32, #tpu.memory_space<vmem>>, %arg7: memref<4096xf32, #tpu.memory_space<vmem>>, %arg8: memref<4096xf32, #tpu.memory_space<vmem>>, %arg9: memref<!tpu.dma_semaphore, #tpu.memory_space<semaphore_mem>>, %arg10: memref<!tpu.dma_semaphore, #tpu.memory_space<semaphore_mem>>, %arg11: memref<!tpu.dma_semaphore, #tpu.memory_space<semaphore_mem>>) attributes {dimension_semantics = [#tpu.dimension_semantics<core_parallel>, #tpu.dimension_semantics<subcore_parallel>], iteration_bounds = array<i64: 2, 16>, scalar_prefetch = 0 : i64, scratch_operands = 7 : i64, tpu.core_type = #tpu.core_type<sc_vector_subcore>, window_params = [{transform_indices = #map}, {transform_indices = #map1}, {transform_indices = #map1}]} {
    %mul3A = arith.constant 2 : i32
    %mul3A_0 = arith.muli %arg1, %mul3A : i32
    %add3A = arith.addi %mul3A_0, %arg0 : i32
    %jit3A = arith.constant 16 : i32
    %eq3A = arith.constant 0 : i32
    %eq3A_1 = arith.cmpi eq, %jit3A, %eq3A : i32
    %jit3A_2 = arith.constant 1 : i32
    %select_n3A = arith.select %eq3A_1, %jit3A_2, %jit3A : i32
    %rem3A = arith.remsi %add3A, %select_n3A : i32
    %ne3A = arith.constant 0 : i32
    %ne3A_3 = arith.cmpi ne, %rem3A, %ne3A : i32
    %lt3A = arith.constant 0 : i32
    %lt3A_4 = arith.cmpi slt, %rem3A, %lt3A : i32
    %lt3A_5 = arith.constant 0 : i32
    %lt3A_6 = arith.cmpi slt, %select_n3A, %lt3A_5 : i32
    %ne3A_7 = arith.xori %lt3A_4, %lt3A_6 : i1
    %and3A = arith.andi %ne3A_7, %ne3A_3 : i1
    %add3A_8 = arith.addi %rem3A, %select_n3A : i32
    %select_n3A_9 = arith.select %and3A, %add3A_8, %rem3A : i32
    %mul3A_10 = arith.constant 4 : i32
    %mul3A_11 = arith.muli %select_n3A_9, %mul3A_10 : i32
    %jit3A_12 = arith.constant 16 : i32
    %div3A = arith.divsi %add3A, %jit3A_12 : i32
    %sign3A = arith.constant 0 : i32
    %sign3A_13 = arith.cmpi sgt, %add3A, %sign3A : i32
    %sign3A_14 = arith.extui %sign3A_13 : i1 to i32
    %sign3A_15 = arith.constant 0 : i32
    %sign3A_16 = arith.cmpi slt, %add3A, %sign3A_15 : i32
    %sign3A_17 = arith.extui %sign3A_16 : i1 to i32
    %sign3A_18 = arith.subi %sign3A_14, %sign3A_17 : i32
    %sign3A_19 = arith.constant 0 : i32
    %sign3A_20 = arith.cmpi sgt, %jit3A_12, %sign3A_19 : i32
    %sign3A_21 = arith.extui %sign3A_20 : i1 to i32
    %sign3A_22 = arith.constant 0 : i32
    %sign3A_23 = arith.cmpi slt, %jit3A_12, %sign3A_22 : i32
    %sign3A_24 = arith.extui %sign3A_23 : i1 to i32
    %sign3A_25 = arith.subi %sign3A_21, %sign3A_24 : i32
    %ne3A_26 = arith.cmpi ne, %sign3A_18, %sign3A_25 : i32
    %rem3A_27 = arith.remsi %add3A, %jit3A_12 : i32
    %ne3A_28 = arith.constant 0 : i32
    %ne3A_29 = arith.cmpi ne, %rem3A_27, %ne3A_28 : i32
    %and3A_30 = arith.andi %ne3A_26, %ne3A_29 : i1
    %sub3A = arith.constant 1 : i32
    %sub3A_31 = arith.subi %div3A, %sub3A : i32
    %select_n3A_32 = arith.select %and3A_30, %sub3A_31, %div3A : i32
    %mul3A_33 = arith.constant 13 : i32
    %mul3A_34 = arith.muli %select_n3A_32, %mul3A_33 : i32
    "tpu.region"() ({
      %run_scoped3A = tpu.sem_alloc : memref<!tpu.dma_semaphore, #tpu.memory_space<semaphore_mem>>
      %dma_start3A_349 = arith.constant 0 : i32
      %dma_start3A_350 = tpu.memref_slice %arg2[%mul3A_34, %dma_start3A_349] : memref<26x16384xi32, #tpu.memory_space<hbm>> -> memref<1x16384xi32, #tpu.memory_space<hbm>>
      %dma_start3A_351 = tpu.memref_squeeze %dma_start3A_350 : memref<1x16384xi32, #tpu.memory_space<hbm>> -> memref<16384xi32, #tpu.memory_space<hbm>>
      %dma_start3A_352 = arith.constant 0 : i32
      %dma_start3A_353 = tpu.memref_slice %arg2[%mul3A_34, %dma_start3A_352] : memref<26x16384xi32, #tpu.memory_space<hbm>> -> memref<1x16384xi32, #tpu.memory_space<hbm>>
      %dma_start3A_354 = tpu.memref_squeeze %dma_start3A_353 : memref<1x16384xi32, #tpu.memory_space<hbm>> -> memref<16384xi32, #tpu.memory_space<hbm>>
      tpu.enqueue_dma source(%dma_start3A_354 : memref<16384xi32, #tpu.memory_space<hbm>>) target(%arg5 : memref<16384xi32, #tpu.memory_space<vmem>>) target_semaphore(%run_scoped3A : memref<!tpu.dma_semaphore, #tpu.memory_space<semaphore_mem>>)
      %dma_wait3A_355 = arith.constant 0 : i32
      %dma_wait3A_356 = tpu.memref_slice %arg2[%mul3A_34, %dma_wait3A_355] : memref<26x16384xi32, #tpu.memory_space<hbm>> -> memref<1x16384xi32, #tpu.memory_space<hbm>>
      %dma_wait3A_357 = tpu.memref_squeeze %dma_wait3A_356 : memref<1x16384xi32, #tpu.memory_space<hbm>> -> memref<16384xi32, #tpu.memory_space<hbm>>
      %dma_wait3A_358 = arith.constant 0 : i32
      %dma_wait3A_359 = tpu.memref_slice %arg2[%mul3A_34, %dma_wait3A_358] : memref<26x16384xi32, #tpu.memory_space<hbm>> -> memref<1x16384xi32, #tpu.memory_space<hbm>>
      %dma_wait3A_360 = tpu.memref_squeeze %dma_wait3A_359 : memref<1x16384xi32, #tpu.memory_space<hbm>> -> memref<16384xi32, #tpu.memory_space<hbm>>
      tpu.wait_dma2 semaphore(%run_scoped3A : memref<!tpu.dma_semaphore, #tpu.memory_space<semaphore_mem>>) src(%dma_wait3A_360 : memref<16384xi32, #tpu.memory_space<hbm>>) dst(%arg5 : memref<16384xi32, #tpu.memory_space<vmem>>)
      tpu.yield
    }) : () -> ()
    %add3A_35 = arith.constant 0 : i32
    %add3A_36 = arith.addi %mul3A_11, %add3A_35 : i32
    %dma_start3A = arith.constant 0 : i32
    %dma_start3A_37 = tpu.memref_slice %arg3[%mul3A_34, %add3A_36, %dma_start3A] : memref<26x64x100000xf32, #tpu.memory_space<hbm>> -> memref<1x1x100000xf32, #tpu.memory_space<hbm>>
    %dma_start3A_38 = tpu.memref_squeeze %dma_start3A_37 : memref<1x1x100000xf32, #tpu.memory_space<hbm>> -> memref<100000xf32, #tpu.memory_space<hbm>>
    %dma_start3A_39 = arith.constant 0 : i32
    %dma_start3A_40 = tpu.memref_slice %arg3[%mul3A_34, %add3A_36, %dma_start3A_39] : memref<26x64x100000xf32, #tpu.memory_space<hbm>> -> memref<1x1x100000xf32, #tpu.memory_space<hbm>>
    %dma_start3A_41 = tpu.memref_squeeze %dma_start3A_40 : memref<1x1x100000xf32, #tpu.memory_space<hbm>> -> memref<100000xf32, #tpu.memory_space<hbm>>
    tpu.enqueue_dma source(%dma_start3A_41 : memref<100000xf32, #tpu.memory_space<hbm>>) target(%arg6 : memref<100000xf32, #tpu.memory_space<vmem>>) target_semaphore(%arg11 : memref<!tpu.dma_semaphore, #tpu.memory_space<semaphore_mem>>)
    %dma_wait3A = arith.constant 0 : i32
    %dma_wait3A_42 = tpu.memref_slice %arg3[%mul3A_34, %add3A_36, %dma_wait3A] : memref<26x64x100000xf32, #tpu.memory_space<hbm>> -> memref<1x1x100000xf32, #tpu.memory_space<hbm>>
    %dma_wait3A_43 = tpu.memref_squeeze %dma_wait3A_42 : memref<1x1x100000xf32, #tpu.memory_space<hbm>> -> memref<100000xf32, #tpu.memory_space<hbm>>
    %dma_wait3A_44 = arith.constant 0 : i32
    %dma_wait3A_45 = tpu.memref_slice %arg3[%mul3A_34, %add3A_36, %dma_wait3A_44] : memref<26x64x100000xf32, #tpu.memory_space<hbm>> -> memref<1x1x100000xf32, #tpu.memory_space<hbm>>
    %dma_wait3A_46 = tpu.memref_squeeze %dma_wait3A_45 : memref<1x1x100000xf32, #tpu.memory_space<hbm>> -> memref<100000xf32, #tpu.memory_space<hbm>>
    tpu.wait_dma2 semaphore(%arg11 : memref<!tpu.dma_semaphore, #tpu.memory_space<semaphore_mem>>) src(%dma_wait3A_46 : memref<100000xf32, #tpu.memory_space<hbm>>) dst(%arg6 : memref<100000xf32, #tpu.memory_space<vmem>>)
    %parallel_loop3A = arith.constant 0 : i32
    %parallel_loop3A_47 = arith.constant 256 : i32
    %parallel_loop3A_48 = arith.constant 1 : i32
    scf.for %parallel_loop3A_349 = %parallel_loop3A to %parallel_loop3A_47 step %parallel_loop3A_48  : i32 {
      %parallel_loop3A_350 = arith.constant 16 : i32
      %parallel_loop3A_351 = arith.muli %parallel_loop3A_349, %parallel_loop3A_350 : i32
      %parallel_loop3A_352 = arith.constant 0 : i32
      %parallel_loop3A_353 = arith.addi %parallel_loop3A_352, %parallel_loop3A_351 : i32
      %parallel_loop3A_354 = arith.index_cast %parallel_loop3A_353 : i32 to index
      %parallel_loop3A_355 = tpu.vector_load %arg5[%parallel_loop3A_354] {strides = array<i32>} : memref<16384xi32, #tpu.memory_space<vmem>>, vector<16xi32>,
      %parallel_loop3A_356 = tpu.vector_load_idx %arg6[%parallel_loop3A_355] : memref<100000xf32, #tpu.memory_space<vmem>>[vector<16xi32>], vector<16xf32>,
      %parallel_loop3A_357 = arith.constant 16 : i32
      %parallel_loop3A_358 = arith.muli %parallel_loop3A_349, %parallel_loop3A_357 : i32
      %parallel_loop3A_359 = arith.index_cast %parallel_loop3A_358 : i32 to index
      %parallel_loop3A_360 = tpu.vector_load %arg7[%parallel_loop3A_359] {strides = array<i32>} : memref<4096xf32, #tpu.memory_space<vmem>>, vector<16xf32>,
      tpu.vector_store %arg7[%parallel_loop3A_359], %parallel_loop3A_356 {strides = array<i32>} : memref<4096xf32, #tpu.memory_space<vmem>>, vector<16xf32>,
    } {sc.loop_unroll_factor = 16 : i64, sc.parallel_access}
    %dma_start3A_49 = arith.constant 0 : i32
    %dma_start3A_50 = tpu.memref_slice %arg4[%mul3A_34, %add3A_36, %dma_start3A_49] : memref<26x64x16384xf32, #tpu.memory_space<hbm>> -> memref<1x1x4096xf32, #tpu.memory_space<hbm>>
    %dma_start3A_51 = tpu.memref_squeeze %dma_start3A_50 : memref<1x1x4096xf32, #tpu.memory_space<hbm>> -> memref<4096xf32, #tpu.memory_space<hbm>>
    %dma_start3A_52 = arith.constant 0 : i32
    %dma_start3A_53 = tpu.memref_slice %arg4[%mul3A_34, %add3A_36, %dma_start3A_52] : memref<26x64x16384xf32, #tpu.memory_space<hbm>> -> memref<1x1x4096xf32, #tpu.memory_space<hbm>>
    %dma_start3A_54 = tpu.memref_squeeze %dma_start3A_53 : memref<1x1x4096xf32, #tpu.memory_space<hbm>> -> memref<4096xf32, #tpu.memory_space<hbm>>
    tpu.enqueue_dma source(%arg7 : memref<4096xf32, #tpu.memory_space<vmem>>) target(%dma_start3A_54 : memref<4096xf32, #tpu.memory_space<hbm>>) target_semaphore(%arg9 : memref<!tpu.dma_semaphore, #tpu.memory_space<semaphore_mem>>)
    %parallel_loop3A_55 = arith.constant 0 : i32
    %parallel_loop3A_56 = arith.constant 256 : i32
    %parallel_loop3A_57 = arith.constant 1 : i32
    scf.for %parallel_loop3A_349 = %parallel_loop3A_55 to %parallel_loop3A_56 step %parallel_loop3A_57  : i32 {
      %parallel_loop3A_350 = arith.constant 16 : i32
      %parallel_loop3A_351 = arith.muli %parallel_loop3A_349, %parallel_loop3A_350 : i32
      %parallel_loop3A_352 = arith.constant 4096 : i32
      %parallel_loop3A_353 = arith.addi %parallel_loop3A_352, %parallel_loop3A_351 : i32
      %parallel_loop3A_354 = arith.index_cast %parallel_loop3A_353 : i32 to index
      %parallel_loop3A_355 = tpu.vector_load %arg5[%parallel_loop3A_354] {strides = array<i32>} : memref<16384xi32, #tpu.memory_space<vmem>>, vector<16xi32>,
      %parallel_loop3A_356 = tpu.vector_load_idx %arg6[%parallel_loop3A_355] : memref<100000xf32, #tpu.memory_space<vmem>>[vector<16xi32>], vector<16xf32>,
      %parallel_loop3A_357 = arith.constant 16 : i32
      %parallel_loop3A_358 = arith.muli %parallel_loop3A_349, %parallel_loop3A_357 : i32
      %parallel_loop3A_359 = arith.index_cast %parallel_loop3A_358 : i32 to index
      %parallel_loop3A_360 = tpu.vector_load %arg8[%parallel_loop3A_359] {strides = array<i32>} : memref<4096xf32, #tpu.memory_space<vmem>>, vector<16xf32>,
      tpu.vector_store %arg8[%parallel_loop3A_359], %parallel_loop3A_356 {strides = array<i32>} : memref<4096xf32, #tpu.memory_space<vmem>>, vector<16xf32>,
    } {sc.loop_unroll_factor = 16 : i64, sc.parallel_access}
    %dma_start3A_58 = arith.constant 4096 : i32
    %dma_start3A_59 = tpu.memref_slice %arg4[%mul3A_34, %add3A_36, %dma_start3A_58] : memref<26x64x16384xf32, #tpu.memory_space<hbm>> -> memref<1x1x4096xf32, #tpu.memory_space<hbm>>
    %dma_start3A_60 = tpu.memref_squeeze %dma_start3A_59 : memref<1x1x4096xf32, #tpu.memory_space<hbm>> -> memref<4096xf32, #tpu.memory_space<hbm>>
    %dma_start3A_61 = arith.constant 4096 : i32
    %dma_start3A_62 = tpu.memref_slice %arg4[%mul3A_34, %add3A_36, %dma_start3A_61] : memref<26x64x16384xf32, #tpu.memory_space<hbm>> -> memref<1x1x4096xf32, #tpu.memory_space<hbm>>
    %dma_start3A_63 = tpu.memref_squeeze %dma_start3A_62 : memref<1x1x4096xf32, #tpu.memory_space<hbm>> -> memref<4096xf32, #tpu.memory_space<hbm>>
    tpu.enqueue_dma source(%arg8 : memref<4096xf32, #tpu.memory_space<vmem>>) target(%dma_start3A_63 : memref<4096xf32, #tpu.memory_space<hbm>>) target_semaphore(%arg10 : memref<!tpu.dma_semaphore, #tpu.memory_space<semaphore_mem>>)
    %dma_wait3A_64 = arith.constant 8192 : i32
    %dma_wait3A_65 = tpu.memref_slice %arg4[%mul3A_34, %add3A_36, %dma_wait3A_64] : memref<26x64x16384xf32, #tpu.memory_space<hbm>> -> memref<1x1x4096xf32, #tpu.memory_space<hbm>>
    %dma_wait3A_66 = tpu.memref_squeeze %dma_wait3A_65 : memref<1x1x4096xf32, #tpu.memory_space<hbm>> -> memref<4096xf32, #tpu.memory_space<hbm>>
    %dma_wait3A_67 = arith.constant 8192 : i32
    %dma_wait3A_68 = tpu.memref_slice %arg4[%mul3A_34, %add3A_36, %dma_wait3A_67] : memref<26x64x16384xf32, #tpu.memory_space<hbm>> -> memref<1x1x4096xf32, #tpu.memory_space<hbm>>
    %dma_wait3A_69 = tpu.memref_squeeze %dma_wait3A_68 : memref<1x1x4096xf32, #tpu.memory_space<hbm>> -> memref<4096xf32, #tpu.memory_space<hbm>>
    tpu.wait_dma2 semaphore(%arg9 : memref<!tpu.dma_semaphore, #tpu.memory_space<semaphore_mem>>) src(%arg7 : memref<4096xf32, #tpu.memory_space<vmem>>) dst(%dma_wait3A_69 : memref<4096xf32, #tpu.memory_space<hbm>>)
    %parallel_loop3A_70 = arith.constant 0 : i32
    %parallel_loop3A_71 = arith.constant 256 : i32
    %parallel_loop3A_72 = arith.constant 1 : i32
    scf.for %parallel_loop3A_349 = %parallel_loop3A_70 to %parallel_loop3A_71 step %parallel_loop3A_72  : i32 {
      %parallel_loop3A_350 = arith.constant 16 : i32
      %parallel_loop3A_351 = arith.muli %parallel_loop3A_349, %parallel_loop3A_350 : i32
      %parallel_loop3A_352 = arith.constant 8192 : i32
      %parallel_loop3A_353 = arith.addi %parallel_loop3A_352, %parallel_loop3A_351 : i32
      %parallel_loop3A_354 = arith.index_cast %parallel_loop3A_353 : i32 to index
      %parallel_loop3A_355 = tpu.vector_load %arg5[%parallel_loop3A_354] {strides = array<i32>} : memref<16384xi32, #tpu.memory_space<vmem>>, vector<16xi32>,
      %parallel_loop3A_356 = tpu.vector_load_idx %arg6[%parallel_loop3A_355] : memref<100000xf32, #tpu.memory_space<vmem>>[vector<16xi32>], vector<16xf32>,
      %parallel_loop3A_357 = arith.constant 16 : i32
      %parallel_loop3A_358 = arith.muli %parallel_loop3A_349, %parallel_loop3A_357 : i32
      %parallel_loop3A_359 = arith.index_cast %parallel_loop3A_358 : i32 to index
      %parallel_loop3A_360 = tpu.vector_load %arg7[%parallel_loop3A_359] {strides = array<i32>} : memref<4096xf32, #tpu.memory_space<vmem>>, vector<16xf32>,
      tpu.vector_store %arg7[%parallel_loop3A_359], %parallel_loop3A_356 {strides = array<i32>} : memref<4096xf32, #tpu.memory_space<vmem>>, vector<16xf32>,
    } {sc.loop_unroll_factor = 16 : i64, sc.parallel_access}
    %dma_start3A_73 = arith.constant 8192 : i32
    %dma_start3A_74 = tpu.memref_slice %arg4[%mul3A_34, %add3A_36, %dma_start3A_73] : memref<26x64x16384xf32, #tpu.memory_space<hbm>> -> memref<1x1x4096xf32, #tpu.memory_space<hbm>>
    %dma_start3A_75 = tpu.memref_squeeze %dma_start3A_74 : memref<1x1x4096xf32, #tpu.memory_space<hbm>> -> memref<4096xf32, #tpu.memory_space<hbm>>
    %dma_start3A_76 = arith.constant 8192 : i32
    %dma_start3A_77 = tpu.memref_slice %arg4[%mul3A_34, %add3A_36, %dma_start3A_76] : memref<26x64x16384xf32, #tpu.memory_space<hbm>> -> memref<1x1x4096xf32, #tpu.memory_space<hbm>>
    %dma_start3A_78 = tpu.memref_squeeze %dma_start3A_77 : memref<1x1x4096xf32, #tpu.memory_space<hbm>> -> memref<4096xf32, #tpu.memory_space<hbm>>
    tpu.enqueue_dma source(%arg7 : memref<4096xf32, #tpu.memory_space<vmem>>) target(%dma_start3A_78 : memref<4096xf32, #tpu.memory_space<hbm>>) target_semaphore(%arg9 : memref<!tpu.dma_semaphore, #tpu.memory_space<semaphore_mem>>)
    %dma_wait3A_79 = arith.constant 12288 : i32
    %dma_wait3A_80 = tpu.memref_slice %arg4[%mul3A_34, %add3A_36, %dma_wait3A_79] : memref<26x64x16384xf32, #tpu.memory_space<hbm>> -> memref<1x1x4096xf32, #tpu.memory_space<hbm>>
    %dma_wait3A_81 = tpu.memref_squeeze %dma_wait3A_80 : memref<1x1x4096xf32, #tpu.memory_space<hbm>> -> memref<4096xf32, #tpu.memory_space<hbm>>
    %dma_wait3A_82 = arith.constant 12288 : i32
    %dma_wait3A_83 = tpu.memref_slice %arg4[%mul3A_34, %add3A_36, %dma_wait3A_82] : memref<26x64x16384xf32, #tpu.memory_space<hbm>> -> memref<1x1x4096xf32, #tpu.memory_space<hbm>>
    %dma_wait3A_84 = tpu.memref_squeeze %dma_wait3A_83 : memref<1x1x4096xf32, #tpu.memory_space<hbm>> -> memref<4096xf32, #tpu.memory_space<hbm>>
    tpu.wait_dma2 semaphore(%arg10 : memref<!tpu.dma_semaphore, #tpu.memory_space<semaphore_mem>>) src(%arg8 : memref<4096xf32, #tpu.memory_space<vmem>>) dst(%dma_wait3A_84 : memref<4096xf32, #tpu.memory_space<hbm>>)
    %parallel_loop3A_85 = arith.constant 0 : i32
    %parallel_loop3A_86 = arith.constant 256 : i32
    %parallel_loop3A_87 = arith.constant 1 : i32
    scf.for %parallel_loop3A_349 = %parallel_loop3A_85 to %parallel_loop3A_86 step %parallel_loop3A_87  : i32 {
      %parallel_loop3A_350 = arith.constant 16 : i32
      %parallel_loop3A_351 = arith.muli %parallel_loop3A_349, %parallel_loop3A_350 : i32
      %parallel_loop3A_352 = arith.constant 12288 : i32
      %parallel_loop3A_353 = arith.addi %parallel_loop3A_352, %parallel_loop3A_351 : i32
      %parallel_loop3A_354 = arith.index_cast %parallel_loop3A_353 : i32 to index
      %parallel_loop3A_355 = tpu.vector_load %arg5[%parallel_loop3A_354] {strides = array<i32>} : memref<16384xi32, #tpu.memory_space<vmem>>, vector<16xi32>,
      %parallel_loop3A_356 = tpu.vector_load_idx %arg6[%parallel_loop3A_355] : memref<100000xf32, #tpu.memory_space<vmem>>[vector<16xi32>], vector<16xf32>,
      %parallel_loop3A_357 = arith.constant 16 : i32
      %parallel_loop3A_358 = arith.muli %parallel_loop3A_349, %parallel_loop3A_357 : i32
      %parallel_loop3A_359 = arith.index_cast %parallel_loop3A_358 : i32 to index
      %parallel_loop3A_360 = tpu.vector_load %arg8[%parallel_loop3A_359] {strides = array<i32>} : memref<4096xf32, #tpu.memory_space<vmem>>, vector<16xf32>,
      tpu.vector_store %arg8[%parallel_loop3A_359], %parallel_loop3A_356 {strides = array<i32>} : memref<4096xf32, #tpu.memory_space<vmem>>, vector<16xf32>,
    } {sc.loop_unroll_factor = 16 : i64, sc.parallel_access}
    %dma_start3A_88 = arith.constant 12288 : i32
    %dma_start3A_89 = tpu.memref_slice %arg4[%mul3A_34, %add3A_36, %dma_start3A_88] : memref<26x64x16384xf32, #tpu.memory_space<hbm>> -> memref<1x1x4096xf32, #tpu.memory_space<hbm>>
    %dma_start3A_90 = tpu.memref_squeeze %dma_start3A_89 : memref<1x1x4096xf32, #tpu.memory_space<hbm>> -> memref<4096xf32, #tpu.memory_space<hbm>>
    %dma_start3A_91 = arith.constant 12288 : i32
    %dma_start3A_92 = tpu.memref_slice %arg4[%mul3A_34, %add3A_36, %dma_start3A_91] : memref<26x64x16384xf32, #tpu.memory_space<hbm>> -> memref<1x1x4096xf32, #tpu.memory_space<hbm>>
    %dma_start3A_93 = tpu.memref_squeeze %dma_start3A_92 : memref<1x1x4096xf32, #tpu.memory_space<hbm>> -> memref<4096xf32, #tpu.memory_space<hbm>>
    tpu.enqueue_dma source(%arg8 : memref<4096xf32, #tpu.memory_space<vmem>>) target(%dma_start3A_93 : memref<4096xf32, #tpu.memory_space<hbm>>) target_semaphore(%arg10 : memref<!tpu.dma_semaphore, #tpu.memory_space<semaphore_mem>>)
    %add3A_94 = arith.constant 1 : i32
    %add3A_95 = arith.addi %mul3A_11, %add3A_94 : i32
    %dma_start3A_96 = arith.constant 0 : i32
    %dma_start3A_97 = tpu.memref_slice %arg3[%mul3A_34, %add3A_95, %dma_start3A_96] : memref<26x64x100000xf32, #tpu.memory_space<hbm>> -> memref<1x1x100000xf32, #tpu.memory_space<hbm>>
    %dma_start3A_98 = tpu.memref_squeeze %dma_start3A_97 : memref<1x1x100000xf32, #tpu.memory_space<hbm>> -> memref<100000xf32, #tpu.memory_space<hbm>>
    %dma_start3A_99 = arith.constant 0 : i32
    %dma_start3A_100 = tpu.memref_slice %arg3[%mul3A_34, %add3A_95, %dma_start3A_99] : memref<26x64x100000xf32, #tpu.memory_space<hbm>> -> memref<1x1x100000xf32, #tpu.memory_space<hbm>>
    %dma_start3A_101 = tpu.memref_squeeze %dma_start3A_100 : memref<1x1x100000xf32, #tpu.memory_space<hbm>> -> memref<100000xf32, #tpu.memory_space<hbm>>
    tpu.enqueue_dma source(%dma_start3A_101 : memref<100000xf32, #tpu.memory_space<hbm>>) target(%arg6 : memref<100000xf32, #tpu.memory_space<vmem>>) target_semaphore(%arg11 : memref<!tpu.dma_semaphore, #tpu.memory_space<semaphore_mem>>)
    %dma_wait3A_102 = arith.constant 0 : i32
    %dma_wait3A_103 = tpu.memref_slice %arg3[%mul3A_34, %add3A_95, %dma_wait3A_102] : memref<26x64x100000xf32, #tpu.memory_space<hbm>> -> memref<1x1x100000xf32, #tpu.memory_space<hbm>>
    %dma_wait3A_104 = tpu.memref_squeeze %dma_wait3A_103 : memref<1x1x100000xf32, #tpu.memory_space<hbm>> -> memref<100000xf32, #tpu.memory_space<hbm>>
    %dma_wait3A_105 = arith.constant 0 : i32
    %dma_wait3A_106 = tpu.memref_slice %arg3[%mul3A_34, %add3A_95, %dma_wait3A_105] : memref<26x64x100000xf32, #tpu.memory_space<hbm>> -> memref<1x1x100000xf32, #tpu.memory_space<hbm>>
    %dma_wait3A_107 = tpu.memref_squeeze %dma_wait3A_106 : memref<1x1x100000xf32, #tpu.memory_space<hbm>> -> memref<100000xf32, #tpu.memory_space<hbm>>
    tpu.wait_dma2 semaphore(%arg11 : memref<!tpu.dma_semaphore, #tpu.memory_space<semaphore_mem>>) src(%dma_wait3A_107 : memref<100000xf32, #tpu.memory_space<hbm>>) dst(%arg6 : memref<100000xf32, #tpu.memory_space<vmem>>)
    %dma_wait3A_108 = arith.constant 0 : i32
    %dma_wait3A_109 = tpu.memref_slice %arg4[%mul3A_34, %add3A_95, %dma_wait3A_108] : memref<26x64x16384xf32, #tpu.memory_space<hbm>> -> memref<1x1x4096xf32, #tpu.memory_space<hbm>>
    %dma_wait3A_110 = tpu.memref_squeeze %dma_wait3A_109 : memref<1x1x4096xf32, #tpu.memory_space<hbm>> -> memref<4096xf32, #tpu.memory_space<hbm>>
    %dma_wait3A_111 = arith.constant 0 : i32
    %dma_wait3A_112 = tpu.memref_slice %arg4[%mul3A_34, %add3A_95, %dma_wait3A_111] : memref<26x64x16384xf32, #tpu.memory_space<hbm>> -> memref<1x1x4096xf32, #tpu.memory_space<hbm>>
    %dma_wait3A_113 = tpu.memref_squeeze %dma_wait3A_112 : memref<1x1x4096xf32, #tpu.memory_space<hbm>> -> memref<4096xf32, #tpu.memory_space<hbm>>
    tpu.wait_dma2 semaphore(%arg9 : memref<!tpu.dma_semaphore, #tpu.memory_space<semaphore_mem>>) src(%arg7 : memref<4096xf32, #tpu.memory_space<vmem>>) dst(%dma_wait3A_113 : memref<4096xf32, #tpu.memory_space<hbm>>)
    %parallel_loop3A_114 = arith.constant 0 : i32
    %parallel_loop3A_115 = arith.constant 256 : i32
    %parallel_loop3A_116 = arith.constant 1 : i32
    scf.for %parallel_loop3A_349 = %parallel_loop3A_114 to %parallel_loop3A_115 step %parallel_loop3A_116  : i32 {
      %parallel_loop3A_350 = arith.constant 16 : i32
      %parallel_loop3A_351 = arith.muli %parallel_loop3A_349, %parallel_loop3A_350 : i32
      %parallel_loop3A_352 = arith.constant 0 : i32
      %parallel_loop3A_353 = arith.addi %parallel_loop3A_352, %parallel_loop3A_351 : i32
      %parallel_loop3A_354 = arith.index_cast %parallel_loop3A_353 : i32 to index
      %parallel_loop3A_355 = tpu.vector_load %arg5[%parallel_loop3A_354] {strides = array<i32>} : memref<16384xi32, #tpu.memory_space<vmem>>, vector<16xi32>,
      %parallel_loop3A_356 = tpu.vector_load_idx %arg6[%parallel_loop3A_355] : memref<100000xf32, #tpu.memory_space<vmem>>[vector<16xi32>], vector<16xf32>,
      %parallel_loop3A_357 = arith.constant 16 : i32
      %parallel_loop3A_358 = arith.muli %parallel_loop3A_349, %parallel_loop3A_357 : i32
      %parallel_loop3A_359 = arith.index_cast %parallel_loop3A_358 : i32 to index
      %parallel_loop3A_360 = tpu.vector_load %arg7[%parallel_loop3A_359] {strides = array<i32>} : memref<4096xf32, #tpu.memory_space<vmem>>, vector<16xf32>,
      tpu.vector_store %arg7[%parallel_loop3A_359], %parallel_loop3A_356 {strides = array<i32>} : memref<4096xf32, #tpu.memory_space<vmem>>, vector<16xf32>,
    } {sc.loop_unroll_factor = 16 : i64, sc.parallel_access}
    %dma_start3A_117 = arith.constant 0 : i32
    %dma_start3A_118 = tpu.memref_slice %arg4[%mul3A_34, %add3A_95, %dma_start3A_117] : memref<26x64x16384xf32, #tpu.memory_space<hbm>> -> memref<1x1x4096xf32, #tpu.memory_space<hbm>>
    %dma_start3A_119 = tpu.memref_squeeze %dma_start3A_118 : memref<1x1x4096xf32, #tpu.memory_space<hbm>> -> memref<4096xf32, #tpu.memory_space<hbm>>
    %dma_start3A_120 = arith.constant 0 : i32
    %dma_start3A_121 = tpu.memref_slice %arg4[%mul3A_34, %add3A_95, %dma_start3A_120] : memref<26x64x16384xf32, #tpu.memory_space<hbm>> -> memref<1x1x4096xf32, #tpu.memory_space<hbm>>
    %dma_start3A_122 = tpu.memref_squeeze %dma_start3A_121 : memref<1x1x4096xf32, #tpu.memory_space<hbm>> -> memref<4096xf32, #tpu.memory_space<hbm>>
    tpu.enqueue_dma source(%arg7 : memref<4096xf32, #tpu.memory_space<vmem>>) target(%dma_start3A_122 : memref<4096xf32, #tpu.memory_space<hbm>>) target_semaphore(%arg9 : memref<!tpu.dma_semaphore, #tpu.memory_space<semaphore_mem>>)
    %dma_wait3A_123 = arith.constant 4096 : i32
    %dma_wait3A_124 = tpu.memref_slice %arg4[%mul3A_34, %add3A_95, %dma_wait3A_123] : memref<26x64x16384xf32, #tpu.memory_space<hbm>> -> memref<1x1x4096xf32, #tpu.memory_space<hbm>>
    %dma_wait3A_125 = tpu.memref_squeeze %dma_wait3A_124 : memref<1x1x4096xf32, #tpu.memory_space<hbm>> -> memref<4096xf32, #tpu.memory_space<hbm>>
    %dma_wait3A_126 = arith.constant 4096 : i32
    %dma_wait3A_127 = tpu.memref_slice %arg4[%mul3A_34, %add3A_95, %dma_wait3A_126] : memref<26x64x16384xf32, #tpu.memory_space<hbm>> -> memref<1x1x4096xf32, #tpu.memory_space<hbm>>
    %dma_wait3A_128 = tpu.memref_squeeze %dma_wait3A_127 : memref<1x1x4096xf32, #tpu.memory_space<hbm>> -> memref<4096xf32, #tpu.memory_space<hbm>>
    tpu.wait_dma2 semaphore(%arg10 : memref<!tpu.dma_semaphore, #tpu.memory_space<semaphore_mem>>) src(%arg8 : memref<4096xf32, #tpu.memory_space<vmem>>) dst(%dma_wait3A_128 : memref<4096xf32, #tpu.memory_space<hbm>>)
    %parallel_loop3A_129 = arith.constant 0 : i32
    %parallel_loop3A_130 = arith.constant 256 : i32
    %parallel_loop3A_131 = arith.constant 1 : i32
    scf.for %parallel_loop3A_349 = %parallel_loop3A_129 to %parallel_loop3A_130 step %parallel_loop3A_131  : i32 {
      %parallel_loop3A_350 = arith.constant 16 : i32
      %parallel_loop3A_351 = arith.muli %parallel_loop3A_349, %parallel_loop3A_350 : i32
      %parallel_loop3A_352 = arith.constant 4096 : i32
      %parallel_loop3A_353 = arith.addi %parallel_loop3A_352, %parallel_loop3A_351 : i32
      %parallel_loop3A_354 = arith.index_cast %parallel_loop3A_353 : i32 to index
      %parallel_loop3A_355 = tpu.vector_load %arg5[%parallel_loop3A_354] {strides = array<i32>} : memref<16384xi32, #tpu.memory_space<vmem>>, vector<16xi32>,
      %parallel_loop3A_356 = tpu.vector_load_idx %arg6[%parallel_loop3A_355] : memref<100000xf32, #tpu.memory_space<vmem>>[vector<16xi32>], vector<16xf32>,
      %parallel_loop3A_357 = arith.constant 16 : i32
      %parallel_loop3A_358 = arith.muli %parallel_loop3A_349, %parallel_loop3A_357 : i32
      %parallel_loop3A_359 = arith.index_cast %parallel_loop3A_358 : i32 to index
      %parallel_loop3A_360 = tpu.vector_load %arg8[%parallel_loop3A_359] {strides = array<i32>} : memref<4096xf32, #tpu.memory_space<vmem>>, vector<16xf32>,
      tpu.vector_store %arg8[%parallel_loop3A_359], %parallel_loop3A_356 {strides = array<i32>} : memref<4096xf32, #tpu.memory_space<vmem>>, vector<16xf32>,
    } {sc.loop_unroll_factor = 16 : i64, sc.parallel_access}
    %dma_start3A_132 = arith.constant 4096 : i32
    %dma_start3A_133 = tpu.memref_slice %arg4[%mul3A_34, %add3A_95, %dma_start3A_132] : memref<26x64x16384xf32, #tpu.memory_space<hbm>> -> memref<1x1x4096xf32, #tpu.memory_space<hbm>>
    %dma_start3A_134 = tpu.memref_squeeze %dma_start3A_133 : memref<1x1x4096xf32, #tpu.memory_space<hbm>> -> memref<4096xf32, #tpu.memory_space<hbm>>
    %dma_start3A_135 = arith.constant 4096 : i32
    %dma_start3A_136 = tpu.memref_slice %arg4[%mul3A_34, %add3A_95, %dma_start3A_135] : memref<26x64x16384xf32, #tpu.memory_space<hbm>> -> memref<1x1x4096xf32, #tpu.memory_space<hbm>>
    %dma_start3A_137 = tpu.memref_squeeze %dma_start3A_136 : memref<1x1x4096xf32, #tpu.memory_space<hbm>> -> memref<4096xf32, #tpu.memory_space<hbm>>
    tpu.enqueue_dma source(%arg8 : memref<4096xf32, #tpu.memory_space<vmem>>) target(%dma_start3A_137 : memref<4096xf32, #tpu.memory_space<hbm>>) target_semaphore(%arg10 : memref<!tpu.dma_semaphore, #tpu.memory_space<semaphore_mem>>)
    %dma_wait3A_138 = arith.constant 8192 : i32
    %dma_wait3A_139 = tpu.memref_slice %arg4[%mul3A_34, %add3A_95, %dma_wait3A_138] : memref<26x64x16384xf32, #tpu.memory_space<hbm>> -> memref<1x1x4096xf32, #tpu.memory_space<hbm>>
    %dma_wait3A_140 = tpu.memref_squeeze %dma_wait3A_139 : memref<1x1x4096xf32, #tpu.memory_space<hbm>> -> memref<4096xf32, #tpu.memory_space<hbm>>
    %dma_wait3A_141 = arith.constant 8192 : i32
    %dma_wait3A_142 = tpu.memref_slice %arg4[%mul3A_34, %add3A_95, %dma_wait3A_141] : memref<26x64x16384xf32, #tpu.memory_space<hbm>> -> memref<1x1x4096xf32, #tpu.memory_space<hbm>>
    %dma_wait3A_143 = tpu.memref_squeeze %dma_wait3A_142 : memref<1x1x4096xf32, #tpu.memory_space<hbm>> -> memref<4096xf32, #tpu.memory_space<hbm>>
    tpu.wait_dma2 semaphore(%arg9 : memref<!tpu.dma_semaphore, #tpu.memory_space<semaphore_mem>>) src(%arg7 : memref<4096xf32, #tpu.memory_space<vmem>>) dst(%dma_wait3A_143 : memref<4096xf32, #tpu.memory_space<hbm>>)
    %parallel_loop3A_144 = arith.constant 0 : i32
    %parallel_loop3A_145 = arith.constant 256 : i32
    %parallel_loop3A_146 = arith.constant 1 : i32
    scf.for %parallel_loop3A_349 = %parallel_loop3A_144 to %parallel_loop3A_145 step %parallel_loop3A_146  : i32 {
      %parallel_loop3A_350 = arith.constant 16 : i32
      %parallel_loop3A_351 = arith.muli %parallel_loop3A_349, %parallel_loop3A_350 : i32
      %parallel_loop3A_352 = arith.constant 8192 : i32
      %parallel_loop3A_353 = arith.addi %parallel_loop3A_352, %parallel_loop3A_351 : i32
      %parallel_loop3A_354 = arith.index_cast %parallel_loop3A_353 : i32 to index
      %parallel_loop3A_355 = tpu.vector_load %arg5[%parallel_loop3A_354] {strides = array<i32>} : memref<16384xi32, #tpu.memory_space<vmem>>, vector<16xi32>,
      %parallel_loop3A_356 = tpu.vector_load_idx %arg6[%parallel_loop3A_355] : memref<100000xf32, #tpu.memory_space<vmem>>[vector<16xi32>], vector<16xf32>,
      %parallel_loop3A_357 = arith.constant 16 : i32
      %parallel_loop3A_358 = arith.muli %parallel_loop3A_349, %parallel_loop3A_357 : i32
      %parallel_loop3A_359 = arith.index_cast %parallel_loop3A_358 : i32 to index
      %parallel_loop3A_360 = tpu.vector_load %arg7[%parallel_loop3A_359] {strides = array<i32>} : memref<4096xf32, #tpu.memory_space<vmem>>, vector<16xf32>,
      tpu.vector_store %arg7[%parallel_loop3A_359], %parallel_loop3A_356 {strides = array<i32>} : memref<4096xf32, #tpu.memory_space<vmem>>, vector<16xf32>,
    } {sc.loop_unroll_factor = 16 : i64, sc.parallel_access}
    %dma_start3A_147 = arith.constant 8192 : i32
    %dma_start3A_148 = tpu.memref_slice %arg4[%mul3A_34, %add3A_95, %dma_start3A_147] : memref<26x64x16384xf32, #tpu.memory_space<hbm>> -> memref<1x1x4096xf32, #tpu.memory_space<hbm>>
    %dma_start3A_149 = tpu.memref_squeeze %dma_start3A_148 : memref<1x1x4096xf32, #tpu.memory_space<hbm>> -> memref<4096xf32, #tpu.memory_space<hbm>>
    %dma_start3A_150 = arith.constant 8192 : i32
    %dma_start3A_151 = tpu.memref_slice %arg4[%mul3A_34, %add3A_95, %dma_start3A_150] : memref<26x64x16384xf32, #tpu.memory_space<hbm>> -> memref<1x1x4096xf32, #tpu.memory_space<hbm>>
    %dma_start3A_152 = tpu.memref_squeeze %dma_start3A_151 : memref<1x1x4096xf32, #tpu.memory_space<hbm>> -> memref<4096xf32, #tpu.memory_space<hbm>>
    tpu.enqueue_dma source(%arg7 : memref<4096xf32, #tpu.memory_space<vmem>>) target(%dma_start3A_152 : memref<4096xf32, #tpu.memory_space<hbm>>) target_semaphore(%arg9 : memref<!tpu.dma_semaphore, #tpu.memory_space<semaphore_mem>>)
    %dma_wait3A_153 = arith.constant 12288 : i32
    %dma_wait3A_154 = tpu.memref_slice %arg4[%mul3A_34, %add3A_95, %dma_wait3A_153] : memref<26x64x16384xf32, #tpu.memory_space<hbm>> -> memref<1x1x4096xf32, #tpu.memory_space<hbm>>
    %dma_wait3A_155 = tpu.memref_squeeze %dma_wait3A_154 : memref<1x1x4096xf32, #tpu.memory_space<hbm>> -> memref<4096xf32, #tpu.memory_space<hbm>>
    %dma_wait3A_156 = arith.constant 12288 : i32
    %dma_wait3A_157 = tpu.memref_slice %arg4[%mul3A_34, %add3A_95, %dma_wait3A_156] : memref<26x64x16384xf32, #tpu.memory_space<hbm>> -> memref<1x1x4096xf32, #tpu.memory_space<hbm>>
    %dma_wait3A_158 = tpu.memref_squeeze %dma_wait3A_157 : memref<1x1x4096xf32, #tpu.memory_space<hbm>> -> memref<4096xf32, #tpu.memory_space<hbm>>
    tpu.wait_dma2 semaphore(%arg10 : memref<!tpu.dma_semaphore, #tpu.memory_space<semaphore_mem>>) src(%arg8 : memref<4096xf32, #tpu.memory_space<vmem>>) dst(%dma_wait3A_158 : memref<4096xf32, #tpu.memory_space<hbm>>)
    %parallel_loop3A_159 = arith.constant 0 : i32
    %parallel_loop3A_160 = arith.constant 256 : i32
    %parallel_loop3A_161 = arith.constant 1 : i32
    scf.for %parallel_loop3A_349 = %parallel_loop3A_159 to %parallel_loop3A_160 step %parallel_loop3A_161  : i32 {
      %parallel_loop3A_350 = arith.constant 16 : i32
      %parallel_loop3A_351 = arith.muli %parallel_loop3A_349, %parallel_loop3A_350 : i32
      %parallel_loop3A_352 = arith.constant 12288 : i32
      %parallel_loop3A_353 = arith.addi %parallel_loop3A_352, %parallel_loop3A_351 : i32
      %parallel_loop3A_354 = arith.index_cast %parallel_loop3A_353 : i32 to index
      %parallel_loop3A_355 = tpu.vector_load %arg5[%parallel_loop3A_354] {strides = array<i32>} : memref<16384xi32, #tpu.memory_space<vmem>>, vector<16xi32>,
      %parallel_loop3A_356 = tpu.vector_load_idx %arg6[%parallel_loop3A_355] : memref<100000xf32, #tpu.memory_space<vmem>>[vector<16xi32>], vector<16xf32>,
      %parallel_loop3A_357 = arith.constant 16 : i32
      %parallel_loop3A_358 = arith.muli %parallel_loop3A_349, %parallel_loop3A_357 : i32
      %parallel_loop3A_359 = arith.index_cast %parallel_loop3A_358 : i32 to index
      %parallel_loop3A_360 = tpu.vector_load %arg8[%parallel_loop3A_359] {strides = array<i32>} : memref<4096xf32, #tpu.memory_space<vmem>>, vector<16xf32>,
      tpu.vector_store %arg8[%parallel_loop3A_359], %parallel_loop3A_356 {strides = array<i32>} : memref<4096xf32, #tpu.memory_space<vmem>>, vector<16xf32>,
    } {sc.loop_unroll_factor = 16 : i64, sc.parallel_access}
    %dma_start3A_162 = arith.constant 12288 : i32
    %dma_start3A_163 = tpu.memref_slice %arg4[%mul3A_34, %add3A_95, %dma_start3A_162] : memref<26x64x16384xf32, #tpu.memory_space<hbm>> -> memref<1x1x4096xf32, #tpu.memory_space<hbm>>
    %dma_start3A_164 = tpu.memref_squeeze %dma_start3A_163 : memref<1x1x4096xf32, #tpu.memory_space<hbm>> -> memref<4096xf32, #tpu.memory_space<hbm>>
    %dma_start3A_165 = arith.constant 12288 : i32
    %dma_start3A_166 = tpu.memref_slice %arg4[%mul3A_34, %add3A_95, %dma_start3A_165] : memref<26x64x16384xf32, #tpu.memory_space<hbm>> -> memref<1x1x4096xf32, #tpu.memory_space<hbm>>
    %dma_start3A_167 = tpu.memref_squeeze %dma_start3A_166 : memref<1x1x4096xf32, #tpu.memory_space<hbm>> -> memref<4096xf32, #tpu.memory_space<hbm>>
    tpu.enqueue_dma source(%arg8 : memref<4096xf32, #tpu.memory_space<vmem>>) target(%dma_start3A_167 : memref<4096xf32, #tpu.memory_space<hbm>>) target_semaphore(%arg10 : memref<!tpu.dma_semaphore, #tpu.memory_space<semaphore_mem>>)
    %add3A_168 = arith.constant 2 : i32
    %add3A_169 = arith.addi %mul3A_11, %add3A_168 : i32
    %dma_start3A_170 = arith.constant 0 : i32
    %dma_start3A_171 = tpu.memref_slice %arg3[%mul3A_34, %add3A_169, %dma_start3A_170] : memref<26x64x100000xf32, #tpu.memory_space<hbm>> -> memref<1x1x100000xf32, #tpu.memory_space<hbm>>
    %dma_start3A_172 = tpu.memref_squeeze %dma_start3A_171 : memref<1x1x100000xf32, #tpu.memory_space<hbm>> -> memref<100000xf32, #tpu.memory_space<hbm>>
    %dma_start3A_173 = arith.constant 0 : i32
    %dma_start3A_174 = tpu.memref_slice %arg3[%mul3A_34, %add3A_169, %dma_start3A_173] : memref<26x64x100000xf32, #tpu.memory_space<hbm>> -> memref<1x1x100000xf32, #tpu.memory_space<hbm>>
    %dma_start3A_175 = tpu.memref_squeeze %dma_start3A_174 : memref<1x1x100000xf32, #tpu.memory_space<hbm>> -> memref<100000xf32, #tpu.memory_space<hbm>>
    tpu.enqueue_dma source(%dma_start3A_175 : memref<100000xf32, #tpu.memory_space<hbm>>) target(%arg6 : memref<100000xf32, #tpu.memory_space<vmem>>) target_semaphore(%arg11 : memref<!tpu.dma_semaphore, #tpu.memory_space<semaphore_mem>>)
    %dma_wait3A_176 = arith.constant 0 : i32
    %dma_wait3A_177 = tpu.memref_slice %arg3[%mul3A_34, %add3A_169, %dma_wait3A_176] : memref<26x64x100000xf32, #tpu.memory_space<hbm>> -> memref<1x1x100000xf32, #tpu.memory_space<hbm>>
    %dma_wait3A_178 = tpu.memref_squeeze %dma_wait3A_177 : memref<1x1x100000xf32, #tpu.memory_space<hbm>> -> memref<100000xf32, #tpu.memory_space<hbm>>
    %dma_wait3A_179 = arith.constant 0 : i32
    %dma_wait3A_180 = tpu.memref_slice %arg3[%mul3A_34, %add3A_169, %dma_wait3A_179] : memref<26x64x100000xf32, #tpu.memory_space<hbm>> -> memref<1x1x100000xf32, #tpu.memory_space<hbm>>
    %dma_wait3A_181 = tpu.memref_squeeze %dma_wait3A_180 : memref<1x1x100000xf32, #tpu.memory_space<hbm>> -> memref<100000xf32, #tpu.memory_space<hbm>>
    tpu.wait_dma2 semaphore(%arg11 : memref<!tpu.dma_semaphore, #tpu.memory_space<semaphore_mem>>) src(%dma_wait3A_181 : memref<100000xf32, #tpu.memory_space<hbm>>) dst(%arg6 : memref<100000xf32, #tpu.memory_space<vmem>>)
    %dma_wait3A_182 = arith.constant 0 : i32
    %dma_wait3A_183 = tpu.memref_slice %arg4[%mul3A_34, %add3A_169, %dma_wait3A_182] : memref<26x64x16384xf32, #tpu.memory_space<hbm>> -> memref<1x1x4096xf32, #tpu.memory_space<hbm>>
    %dma_wait3A_184 = tpu.memref_squeeze %dma_wait3A_183 : memref<1x1x4096xf32, #tpu.memory_space<hbm>> -> memref<4096xf32, #tpu.memory_space<hbm>>
    %dma_wait3A_185 = arith.constant 0 : i32
    %dma_wait3A_186 = tpu.memref_slice %arg4[%mul3A_34, %add3A_169, %dma_wait3A_185] : memref<26x64x16384xf32, #tpu.memory_space<hbm>> -> memref<1x1x4096xf32, #tpu.memory_space<hbm>>
    %dma_wait3A_187 = tpu.memref_squeeze %dma_wait3A_186 : memref<1x1x4096xf32, #tpu.memory_space<hbm>> -> memref<4096xf32, #tpu.memory_space<hbm>>
    tpu.wait_dma2 semaphore(%arg9 : memref<!tpu.dma_semaphore, #tpu.memory_space<semaphore_mem>>) src(%arg7 : memref<4096xf32, #tpu.memory_space<vmem>>) dst(%dma_wait3A_187 : memref<4096xf32, #tpu.memory_space<hbm>>)
    %parallel_loop3A_188 = arith.constant 0 : i32
    %parallel_loop3A_189 = arith.constant 256 : i32
    %parallel_loop3A_190 = arith.constant 1 : i32
    scf.for %parallel_loop3A_349 = %parallel_loop3A_188 to %parallel_loop3A_189 step %parallel_loop3A_190  : i32 {
      %parallel_loop3A_350 = arith.constant 16 : i32
      %parallel_loop3A_351 = arith.muli %parallel_loop3A_349, %parallel_loop3A_350 : i32
      %parallel_loop3A_352 = arith.constant 0 : i32
      %parallel_loop3A_353 = arith.addi %parallel_loop3A_352, %parallel_loop3A_351 : i32
      %parallel_loop3A_354 = arith.index_cast %parallel_loop3A_353 : i32 to index
      %parallel_loop3A_355 = tpu.vector_load %arg5[%parallel_loop3A_354] {strides = array<i32>} : memref<16384xi32, #tpu.memory_space<vmem>>, vector<16xi32>,
      %parallel_loop3A_356 = tpu.vector_load_idx %arg6[%parallel_loop3A_355] : memref<100000xf32, #tpu.memory_space<vmem>>[vector<16xi32>], vector<16xf32>,
      %parallel_loop3A_357 = arith.constant 16 : i32
      %parallel_loop3A_358 = arith.muli %parallel_loop3A_349, %parallel_loop3A_357 : i32
      %parallel_loop3A_359 = arith.index_cast %parallel_loop3A_358 : i32 to index
      %parallel_loop3A_360 = tpu.vector_load %arg7[%parallel_loop3A_359] {strides = array<i32>} : memref<4096xf32, #tpu.memory_space<vmem>>, vector<16xf32>,
      tpu.vector_store %arg7[%parallel_loop3A_359], %parallel_loop3A_356 {strides = array<i32>} : memref<4096xf32, #tpu.memory_space<vmem>>, vector<16xf32>,
    } {sc.loop_unroll_factor = 16 : i64, sc.parallel_access}
    %dma_start3A_191 = arith.constant 0 : i32
    %dma_start3A_192 = tpu.memref_slice %arg4[%mul3A_34, %add3A_169, %dma_start3A_191] : memref<26x64x16384xf32, #tpu.memory_space<hbm>> -> memref<1x1x4096xf32, #tpu.memory_space<hbm>>
    %dma_start3A_193 = tpu.memref_squeeze %dma_start3A_192 : memref<1x1x4096xf32, #tpu.memory_space<hbm>> -> memref<4096xf32, #tpu.memory_space<hbm>>
    %dma_start3A_194 = arith.constant 0 : i32
    %dma_start3A_195 = tpu.memref_slice %arg4[%mul3A_34, %add3A_169, %dma_start3A_194] : memref<26x64x16384xf32, #tpu.memory_space<hbm>> -> memref<1x1x4096xf32, #tpu.memory_space<hbm>>
    %dma_start3A_196 = tpu.memref_squeeze %dma_start3A_195 : memref<1x1x4096xf32, #tpu.memory_space<hbm>> -> memref<4096xf32, #tpu.memory_space<hbm>>
    tpu.enqueue_dma source(%arg7 : memref<4096xf32, #tpu.memory_space<vmem>>) target(%dma_start3A_196 : memref<4096xf32, #tpu.memory_space<hbm>>) target_semaphore(%arg9 : memref<!tpu.dma_semaphore, #tpu.memory_space<semaphore_mem>>)
    %dma_wait3A_197 = arith.constant 4096 : i32
    %dma_wait3A_198 = tpu.memref_slice %arg4[%mul3A_34, %add3A_169, %dma_wait3A_197] : memref<26x64x16384xf32, #tpu.memory_space<hbm>> -> memref<1x1x4096xf32, #tpu.memory_space<hbm>>
    %dma_wait3A_199 = tpu.memref_squeeze %dma_wait3A_198 : memref<1x1x4096xf32, #tpu.memory_space<hbm>> -> memref<4096xf32, #tpu.memory_space<hbm>>
    %dma_wait3A_200 = arith.constant 4096 : i32
    %dma_wait3A_201 = tpu.memref_slice %arg4[%mul3A_34, %add3A_169, %dma_wait3A_200] : memref<26x64x16384xf32, #tpu.memory_space<hbm>> -> memref<1x1x4096xf32, #tpu.memory_space<hbm>>
    %dma_wait3A_202 = tpu.memref_squeeze %dma_wait3A_201 : memref<1x1x4096xf32, #tpu.memory_space<hbm>> -> memref<4096xf32, #tpu.memory_space<hbm>>
    tpu.wait_dma2 semaphore(%arg10 : memref<!tpu.dma_semaphore, #tpu.memory_space<semaphore_mem>>) src(%arg8 : memref<4096xf32, #tpu.memory_space<vmem>>) dst(%dma_wait3A_202 : memref<4096xf32, #tpu.memory_space<hbm>>)
    %parallel_loop3A_203 = arith.constant 0 : i32
    %parallel_loop3A_204 = arith.constant 256 : i32
    %parallel_loop3A_205 = arith.constant 1 : i32
    scf.for %parallel_loop3A_349 = %parallel_loop3A_203 to %parallel_loop3A_204 step %parallel_loop3A_205  : i32 {
      %parallel_loop3A_350 = arith.constant 16 : i32
      %parallel_loop3A_351 = arith.muli %parallel_loop3A_349, %parallel_loop3A_350 : i32
      %parallel_loop3A_352 = arith.constant 4096 : i32
      %parallel_loop3A_353 = arith.addi %parallel_loop3A_352, %parallel_loop3A_351 : i32
      %parallel_loop3A_354 = arith.index_cast %parallel_loop3A_353 : i32 to index
      %parallel_loop3A_355 = tpu.vector_load %arg5[%parallel_loop3A_354] {strides = array<i32>} : memref<16384xi32, #tpu.memory_space<vmem>>, vector<16xi32>,
      %parallel_loop3A_356 = tpu.vector_load_idx %arg6[%parallel_loop3A_355] : memref<100000xf32, #tpu.memory_space<vmem>>[vector<16xi32>], vector<16xf32>,
      %parallel_loop3A_357 = arith.constant 16 : i32
      %parallel_loop3A_358 = arith.muli %parallel_loop3A_349, %parallel_loop3A_357 : i32
      %parallel_loop3A_359 = arith.index_cast %parallel_loop3A_358 : i32 to index
      %parallel_loop3A_360 = tpu.vector_load %arg8[%parallel_loop3A_359] {strides = array<i32>} : memref<4096xf32, #tpu.memory_space<vmem>>, vector<16xf32>,
      tpu.vector_store %arg8[%parallel_loop3A_359], %parallel_loop3A_356 {strides = array<i32>} : memref<4096xf32, #tpu.memory_space<vmem>>, vector<16xf32>,
    } {sc.loop_unroll_factor = 16 : i64, sc.parallel_access}
    %dma_start3A_206 = arith.constant 4096 : i32
    %dma_start3A_207 = tpu.memref_slice %arg4[%mul3A_34, %add3A_169, %dma_start3A_206] : memref<26x64x16384xf32, #tpu.memory_space<hbm>> -> memref<1x1x4096xf32, #tpu.memory_space<hbm>>
    %dma_start3A_208 = tpu.memref_squeeze %dma_start3A_207 : memref<1x1x4096xf32, #tpu.memory_space<hbm>> -> memref<4096xf32, #tpu.memory_space<hbm>>
    %dma_start3A_209 = arith.constant 4096 : i32
    %dma_start3A_210 = tpu.memref_slice %arg4[%mul3A_34, %add3A_169, %dma_start3A_209] : memref<26x64x16384xf32, #tpu.memory_space<hbm>> -> memref<1x1x4096xf32, #tpu.memory_space<hbm>>
    %dma_start3A_211 = tpu.memref_squeeze %dma_start3A_210 : memref<1x1x4096xf32, #tpu.memory_space<hbm>> -> memref<4096xf32, #tpu.memory_space<hbm>>
    tpu.enqueue_dma source(%arg8 : memref<4096xf32, #tpu.memory_space<vmem>>) target(%dma_start3A_211 : memref<4096xf32, #tpu.memory_space<hbm>>) target_semaphore(%arg10 : memref<!tpu.dma_semaphore, #tpu.memory_space<semaphore_mem>>)
    %dma_wait3A_212 = arith.constant 8192 : i32
    %dma_wait3A_213 = tpu.memref_slice %arg4[%mul3A_34, %add3A_169, %dma_wait3A_212] : memref<26x64x16384xf32, #tpu.memory_space<hbm>> -> memref<1x1x4096xf32, #tpu.memory_space<hbm>>
    %dma_wait3A_214 = tpu.memref_squeeze %dma_wait3A_213 : memref<1x1x4096xf32, #tpu.memory_space<hbm>> -> memref<4096xf32, #tpu.memory_space<hbm>>
    %dma_wait3A_215 = arith.constant 8192 : i32
    %dma_wait3A_216 = tpu.memref_slice %arg4[%mul3A_34, %add3A_169, %dma_wait3A_215] : memref<26x64x16384xf32, #tpu.memory_space<hbm>> -> memref<1x1x4096xf32, #tpu.memory_space<hbm>>
    %dma_wait3A_217 = tpu.memref_squeeze %dma_wait3A_216 : memref<1x1x4096xf32, #tpu.memory_space<hbm>> -> memref<4096xf32, #tpu.memory_space<hbm>>
    tpu.wait_dma2 semaphore(%arg9 : memref<!tpu.dma_semaphore, #tpu.memory_space<semaphore_mem>>) src(%arg7 : memref<4096xf32, #tpu.memory_space<vmem>>) dst(%dma_wait3A_217 : memref<4096xf32, #tpu.memory_space<hbm>>)
    %parallel_loop3A_218 = arith.constant 0 : i32
    %parallel_loop3A_219 = arith.constant 256 : i32
    %parallel_loop3A_220 = arith.constant 1 : i32
    scf.for %parallel_loop3A_349 = %parallel_loop3A_218 to %parallel_loop3A_219 step %parallel_loop3A_220  : i32 {
      %parallel_loop3A_350 = arith.constant 16 : i32
      %parallel_loop3A_351 = arith.muli %parallel_loop3A_349, %parallel_loop3A_350 : i32
      %parallel_loop3A_352 = arith.constant 8192 : i32
      %parallel_loop3A_353 = arith.addi %parallel_loop3A_352, %parallel_loop3A_351 : i32
      %parallel_loop3A_354 = arith.index_cast %parallel_loop3A_353 : i32 to index
      %parallel_loop3A_355 = tpu.vector_load %arg5[%parallel_loop3A_354] {strides = array<i32>} : memref<16384xi32, #tpu.memory_space<vmem>>, vector<16xi32>,
      %parallel_loop3A_356 = tpu.vector_load_idx %arg6[%parallel_loop3A_355] : memref<100000xf32, #tpu.memory_space<vmem>>[vector<16xi32>], vector<16xf32>,
      %parallel_loop3A_357 = arith.constant 16 : i32
      %parallel_loop3A_358 = arith.muli %parallel_loop3A_349, %parallel_loop3A_357 : i32
      %parallel_loop3A_359 = arith.index_cast %parallel_loop3A_358 : i32 to index
      %parallel_loop3A_360 = tpu.vector_load %arg7[%parallel_loop3A_359] {strides = array<i32>} : memref<4096xf32, #tpu.memory_space<vmem>>, vector<16xf32>,
      tpu.vector_store %arg7[%parallel_loop3A_359], %parallel_loop3A_356 {strides = array<i32>} : memref<4096xf32, #tpu.memory_space<vmem>>, vector<16xf32>,
    } {sc.loop_unroll_factor = 16 : i64, sc.parallel_access}
    %dma_start3A_221 = arith.constant 8192 : i32
    %dma_start3A_222 = tpu.memref_slice %arg4[%mul3A_34, %add3A_169, %dma_start3A_221] : memref<26x64x16384xf32, #tpu.memory_space<hbm>> -> memref<1x1x4096xf32, #tpu.memory_space<hbm>>
    %dma_start3A_223 = tpu.memref_squeeze %dma_start3A_222 : memref<1x1x4096xf32, #tpu.memory_space<hbm>> -> memref<4096xf32, #tpu.memory_space<hbm>>
    %dma_start3A_224 = arith.constant 8192 : i32
    %dma_start3A_225 = tpu.memref_slice %arg4[%mul3A_34, %add3A_169, %dma_start3A_224] : memref<26x64x16384xf32, #tpu.memory_space<hbm>> -> memref<1x1x4096xf32, #tpu.memory_space<hbm>>
    %dma_start3A_226 = tpu.memref_squeeze %dma_start3A_225 : memref<1x1x4096xf32, #tpu.memory_space<hbm>> -> memref<4096xf32, #tpu.memory_space<hbm>>
    tpu.enqueue_dma source(%arg7 : memref<4096xf32, #tpu.memory_space<vmem>>) target(%dma_start3A_226 : memref<4096xf32, #tpu.memory_space<hbm>>) target_semaphore(%arg9 : memref<!tpu.dma_semaphore, #tpu.memory_space<semaphore_mem>>)
    %dma_wait3A_227 = arith.constant 12288 : i32
    %dma_wait3A_228 = tpu.memref_slice %arg4[%mul3A_34, %add3A_169, %dma_wait3A_227] : memref<26x64x16384xf32, #tpu.memory_space<hbm>> -> memref<1x1x4096xf32, #tpu.memory_space<hbm>>
    %dma_wait3A_229 = tpu.memref_squeeze %dma_wait3A_228 : memref<1x1x4096xf32, #tpu.memory_space<hbm>> -> memref<4096xf32, #tpu.memory_space<hbm>>
    %dma_wait3A_230 = arith.constant 12288 : i32
    %dma_wait3A_231 = tpu.memref_slice %arg4[%mul3A_34, %add3A_169, %dma_wait3A_230] : memref<26x64x16384xf32, #tpu.memory_space<hbm>> -> memref<1x1x4096xf32, #tpu.memory_space<hbm>>
    %dma_wait3A_232 = tpu.memref_squeeze %dma_wait3A_231 : memref<1x1x4096xf32, #tpu.memory_space<hbm>> -> memref<4096xf32, #tpu.memory_space<hbm>>
    tpu.wait_dma2 semaphore(%arg10 : memref<!tpu.dma_semaphore, #tpu.memory_space<semaphore_mem>>) src(%arg8 : memref<4096xf32, #tpu.memory_space<vmem>>) dst(%dma_wait3A_232 : memref<4096xf32, #tpu.memory_space<hbm>>)
    %parallel_loop3A_233 = arith.constant 0 : i32
    %parallel_loop3A_234 = arith.constant 256 : i32
    %parallel_loop3A_235 = arith.constant 1 : i32
    scf.for %parallel_loop3A_349 = %parallel_loop3A_233 to %parallel_loop3A_234 step %parallel_loop3A_235  : i32 {
      %parallel_loop3A_350 = arith.constant 16 : i32
      %parallel_loop3A_351 = arith.muli %parallel_loop3A_349, %parallel_loop3A_350 : i32
      %parallel_loop3A_352 = arith.constant 12288 : i32
      %parallel_loop3A_353 = arith.addi %parallel_loop3A_352, %parallel_loop3A_351 : i32
      %parallel_loop3A_354 = arith.index_cast %parallel_loop3A_353 : i32 to index
      %parallel_loop3A_355 = tpu.vector_load %arg5[%parallel_loop3A_354] {strides = array<i32>} : memref<16384xi32, #tpu.memory_space<vmem>>, vector<16xi32>,
      %parallel_loop3A_356 = tpu.vector_load_idx %arg6[%parallel_loop3A_355] : memref<100000xf32, #tpu.memory_space<vmem>>[vector<16xi32>], vector<16xf32>,
      %parallel_loop3A_357 = arith.constant 16 : i32
      %parallel_loop3A_358 = arith.muli %parallel_loop3A_349, %parallel_loop3A_357 : i32
      %parallel_loop3A_359 = arith.index_cast %parallel_loop3A_358 : i32 to index
      %parallel_loop3A_360 = tpu.vector_load %arg8[%parallel_loop3A_359] {strides = array<i32>} : memref<4096xf32, #tpu.memory_space<vmem>>, vector<16xf32>,
      tpu.vector_store %arg8[%parallel_loop3A_359], %parallel_loop3A_356 {strides = array<i32>} : memref<4096xf32, #tpu.memory_space<vmem>>, vector<16xf32>,
    } {sc.loop_unroll_factor = 16 : i64, sc.parallel_access}
    %dma_start3A_236 = arith.constant 12288 : i32
    %dma_start3A_237 = tpu.memref_slice %arg4[%mul3A_34, %add3A_169, %dma_start3A_236] : memref<26x64x16384xf32, #tpu.memory_space<hbm>> -> memref<1x1x4096xf32, #tpu.memory_space<hbm>>
    %dma_start3A_238 = tpu.memref_squeeze %dma_start3A_237 : memref<1x1x4096xf32, #tpu.memory_space<hbm>> -> memref<4096xf32, #tpu.memory_space<hbm>>
    %dma_start3A_239 = arith.constant 12288 : i32
    %dma_start3A_240 = tpu.memref_slice %arg4[%mul3A_34, %add3A_169, %dma_start3A_239] : memref<26x64x16384xf32, #tpu.memory_space<hbm>> -> memref<1x1x4096xf32, #tpu.memory_space<hbm>>
    %dma_start3A_241 = tpu.memref_squeeze %dma_start3A_240 : memref<1x1x4096xf32, #tpu.memory_space<hbm>> -> memref<4096xf32, #tpu.memory_space<hbm>>
    tpu.enqueue_dma source(%arg8 : memref<4096xf32, #tpu.memory_space<vmem>>) target(%dma_start3A_241 : memref<4096xf32, #tpu.memory_space<hbm>>) target_semaphore(%arg10 : memref<!tpu.dma_semaphore, #tpu.memory_space<semaphore_mem>>)
    %add3A_242 = arith.constant 3 : i32
    %add3A_243 = arith.addi %mul3A_11, %add3A_242 : i32
    %dma_start3A_244 = arith.constant 0 : i32
    %dma_start3A_245 = tpu.memref_slice %arg3[%mul3A_34, %add3A_243, %dma_start3A_244] : memref<26x64x100000xf32, #tpu.memory_space<hbm>> -> memref<1x1x100000xf32, #tpu.memory_space<hbm>>
    %dma_start3A_246 = tpu.memref_squeeze %dma_start3A_245 : memref<1x1x100000xf32, #tpu.memory_space<hbm>> -> memref<100000xf32, #tpu.memory_space<hbm>>
    %dma_start3A_247 = arith.constant 0 : i32
    %dma_start3A_248 = tpu.memref_slice %arg3[%mul3A_34, %add3A_243, %dma_start3A_247] : memref<26x64x100000xf32, #tpu.memory_space<hbm>> -> memref<1x1x100000xf32, #tpu.memory_space<hbm>>
    %dma_start3A_249 = tpu.memref_squeeze %dma_start3A_248 : memref<1x1x100000xf32, #tpu.memory_space<hbm>> -> memref<100000xf32, #tpu.memory_space<hbm>>
    tpu.enqueue_dma source(%dma_start3A_249 : memref<100000xf32, #tpu.memory_space<hbm>>) target(%arg6 : memref<100000xf32, #tpu.memory_space<vmem>>) target_semaphore(%arg11 : memref<!tpu.dma_semaphore, #tpu.memory_space<semaphore_mem>>)
    %dma_wait3A_250 = arith.constant 0 : i32
    %dma_wait3A_251 = tpu.memref_slice %arg3[%mul3A_34, %add3A_243, %dma_wait3A_250] : memref<26x64x100000xf32, #tpu.memory_space<hbm>> -> memref<1x1x100000xf32, #tpu.memory_space<hbm>>
    %dma_wait3A_252 = tpu.memref_squeeze %dma_wait3A_251 : memref<1x1x100000xf32, #tpu.memory_space<hbm>> -> memref<100000xf32, #tpu.memory_space<hbm>>
    %dma_wait3A_253 = arith.constant 0 : i32
    %dma_wait3A_254 = tpu.memref_slice %arg3[%mul3A_34, %add3A_243, %dma_wait3A_253] : memref<26x64x100000xf32, #tpu.memory_space<hbm>> -> memref<1x1x100000xf32, #tpu.memory_space<hbm>>
    %dma_wait3A_255 = tpu.memref_squeeze %dma_wait3A_254 : memref<1x1x100000xf32, #tpu.memory_space<hbm>> -> memref<100000xf32, #tpu.memory_space<hbm>>
    tpu.wait_dma2 semaphore(%arg11 : memref<!tpu.dma_semaphore, #tpu.memory_space<semaphore_mem>>) src(%dma_wait3A_255 : memref<100000xf32, #tpu.memory_space<hbm>>) dst(%arg6 : memref<100000xf32, #tpu.memory_space<vmem>>)
    %dma_wait3A_256 = arith.constant 0 : i32
    %dma_wait3A_257 = tpu.memref_slice %arg4[%mul3A_34, %add3A_243, %dma_wait3A_256] : memref<26x64x16384xf32, #tpu.memory_space<hbm>> -> memref<1x1x4096xf32, #tpu.memory_space<hbm>>
    %dma_wait3A_258 = tpu.memref_squeeze %dma_wait3A_257 : memref<1x1x4096xf32, #tpu.memory_space<hbm>> -> memref<4096xf32, #tpu.memory_space<hbm>>
    %dma_wait3A_259 = arith.constant 0 : i32
    %dma_wait3A_260 = tpu.memref_slice %arg4[%mul3A_34, %add3A_243, %dma_wait3A_259] : memref<26x64x16384xf32, #tpu.memory_space<hbm>> -> memref<1x1x4096xf32, #tpu.memory_space<hbm>>
    %dma_wait3A_261 = tpu.memref_squeeze %dma_wait3A_260 : memref<1x1x4096xf32, #tpu.memory_space<hbm>> -> memref<4096xf32, #tpu.memory_space<hbm>>
    tpu.wait_dma2 semaphore(%arg9 : memref<!tpu.dma_semaphore, #tpu.memory_space<semaphore_mem>>) src(%arg7 : memref<4096xf32, #tpu.memory_space<vmem>>) dst(%dma_wait3A_261 : memref<4096xf32, #tpu.memory_space<hbm>>)
    %parallel_loop3A_262 = arith.constant 0 : i32
    %parallel_loop3A_263 = arith.constant 256 : i32
    %parallel_loop3A_264 = arith.constant 1 : i32
    scf.for %parallel_loop3A_349 = %parallel_loop3A_262 to %parallel_loop3A_263 step %parallel_loop3A_264  : i32 {
      %parallel_loop3A_350 = arith.constant 16 : i32
      %parallel_loop3A_351 = arith.muli %parallel_loop3A_349, %parallel_loop3A_350 : i32
      %parallel_loop3A_352 = arith.constant 0 : i32
      %parallel_loop3A_353 = arith.addi %parallel_loop3A_352, %parallel_loop3A_351 : i32
      %parallel_loop3A_354 = arith.index_cast %parallel_loop3A_353 : i32 to index
      %parallel_loop3A_355 = tpu.vector_load %arg5[%parallel_loop3A_354] {strides = array<i32>} : memref<16384xi32, #tpu.memory_space<vmem>>, vector<16xi32>,
      %parallel_loop3A_356 = tpu.vector_load_idx %arg6[%parallel_loop3A_355] : memref<100000xf32, #tpu.memory_space<vmem>>[vector<16xi32>], vector<16xf32>,
      %parallel_loop3A_357 = arith.constant 16 : i32
      %parallel_loop3A_358 = arith.muli %parallel_loop3A_349, %parallel_loop3A_357 : i32
      %parallel_loop3A_359 = arith.index_cast %parallel_loop3A_358 : i32 to index
      %parallel_loop3A_360 = tpu.vector_load %arg7[%parallel_loop3A_359] {strides = array<i32>} : memref<4096xf32, #tpu.memory_space<vmem>>, vector<16xf32>,
      tpu.vector_store %arg7[%parallel_loop3A_359], %parallel_loop3A_356 {strides = array<i32>} : memref<4096xf32, #tpu.memory_space<vmem>>, vector<16xf32>,
    } {sc.loop_unroll_factor = 16 : i64, sc.parallel_access}
    %dma_start3A_265 = arith.constant 0 : i32
    %dma_start3A_266 = tpu.memref_slice %arg4[%mul3A_34, %add3A_243, %dma_start3A_265] : memref<26x64x16384xf32, #tpu.memory_space<hbm>> -> memref<1x1x4096xf32, #tpu.memory_space<hbm>>
    %dma_start3A_267 = tpu.memref_squeeze %dma_start3A_266 : memref<1x1x4096xf32, #tpu.memory_space<hbm>> -> memref<4096xf32, #tpu.memory_space<hbm>>
    %dma_start3A_268 = arith.constant 0 : i32
    %dma_start3A_269 = tpu.memref_slice %arg4[%mul3A_34, %add3A_243, %dma_start3A_268] : memref<26x64x16384xf32, #tpu.memory_space<hbm>> -> memref<1x1x4096xf32, #tpu.memory_space<hbm>>
    %dma_start3A_270 = tpu.memref_squeeze %dma_start3A_269 : memref<1x1x4096xf32, #tpu.memory_space<hbm>> -> memref<4096xf32, #tpu.memory_space<hbm>>
    tpu.enqueue_dma source(%arg7 : memref<4096xf32, #tpu.memory_space<vmem>>) target(%dma_start3A_270 : memref<4096xf32, #tpu.memory_space<hbm>>) target_semaphore(%arg9 : memref<!tpu.dma_semaphore, #tpu.memory_space<semaphore_mem>>)
    %dma_wait3A_271 = arith.constant 4096 : i32
    %dma_wait3A_272 = tpu.memref_slice %arg4[%mul3A_34, %add3A_243, %dma_wait3A_271] : memref<26x64x16384xf32, #tpu.memory_space<hbm>> -> memref<1x1x4096xf32, #tpu.memory_space<hbm>>
    %dma_wait3A_273 = tpu.memref_squeeze %dma_wait3A_272 : memref<1x1x4096xf32, #tpu.memory_space<hbm>> -> memref<4096xf32, #tpu.memory_space<hbm>>
    %dma_wait3A_274 = arith.constant 4096 : i32
    %dma_wait3A_275 = tpu.memref_slice %arg4[%mul3A_34, %add3A_243, %dma_wait3A_274] : memref<26x64x16384xf32, #tpu.memory_space<hbm>> -> memref<1x1x4096xf32, #tpu.memory_space<hbm>>
    %dma_wait3A_276 = tpu.memref_squeeze %dma_wait3A_275 : memref<1x1x4096xf32, #tpu.memory_space<hbm>> -> memref<4096xf32, #tpu.memory_space<hbm>>
    tpu.wait_dma2 semaphore(%arg10 : memref<!tpu.dma_semaphore, #tpu.memory_space<semaphore_mem>>) src(%arg8 : memref<4096xf32, #tpu.memory_space<vmem>>) dst(%dma_wait3A_276 : memref<4096xf32, #tpu.memory_space<hbm>>)
    %parallel_loop3A_277 = arith.constant 0 : i32
    %parallel_loop3A_278 = arith.constant 256 : i32
    %parallel_loop3A_279 = arith.constant 1 : i32
    scf.for %parallel_loop3A_349 = %parallel_loop3A_277 to %parallel_loop3A_278 step %parallel_loop3A_279  : i32 {
      %parallel_loop3A_350 = arith.constant 16 : i32
      %parallel_loop3A_351 = arith.muli %parallel_loop3A_349, %parallel_loop3A_350 : i32
      %parallel_loop3A_352 = arith.constant 4096 : i32
      %parallel_loop3A_353 = arith.addi %parallel_loop3A_352, %parallel_loop3A_351 : i32
      %parallel_loop3A_354 = arith.index_cast %parallel_loop3A_353 : i32 to index
      %parallel_loop3A_355 = tpu.vector_load %arg5[%parallel_loop3A_354] {strides = array<i32>} : memref<16384xi32, #tpu.memory_space<vmem>>, vector<16xi32>,
      %parallel_loop3A_356 = tpu.vector_load_idx %arg6[%parallel_loop3A_355] : memref<100000xf32, #tpu.memory_space<vmem>>[vector<16xi32>], vector<16xf32>,
      %parallel_loop3A_357 = arith.constant 16 : i32
      %parallel_loop3A_358 = arith.muli %parallel_loop3A_349, %parallel_loop3A_357 : i32
      %parallel_loop3A_359 = arith.index_cast %parallel_loop3A_358 : i32 to index
      %parallel_loop3A_360 = tpu.vector_load %arg8[%parallel_loop3A_359] {strides = array<i32>} : memref<4096xf32, #tpu.memory_space<vmem>>, vector<16xf32>,
      tpu.vector_store %arg8[%parallel_loop3A_359], %parallel_loop3A_356 {strides = array<i32>} : memref<4096xf32, #tpu.memory_space<vmem>>, vector<16xf32>,
    } {sc.loop_unroll_factor = 16 : i64, sc.parallel_access}
    %dma_start3A_280 = arith.constant 4096 : i32
    %dma_start3A_281 = tpu.memref_slice %arg4[%mul3A_34, %add3A_243, %dma_start3A_280] : memref<26x64x16384xf32, #tpu.memory_space<hbm>> -> memref<1x1x4096xf32, #tpu.memory_space<hbm>>
    %dma_start3A_282 = tpu.memref_squeeze %dma_start3A_281 : memref<1x1x4096xf32, #tpu.memory_space<hbm>> -> memref<4096xf32, #tpu.memory_space<hbm>>
    %dma_start3A_283 = arith.constant 4096 : i32
    %dma_start3A_284 = tpu.memref_slice %arg4[%mul3A_34, %add3A_243, %dma_start3A_283] : memref<26x64x16384xf32, #tpu.memory_space<hbm>> -> memref<1x1x4096xf32, #tpu.memory_space<hbm>>
    %dma_start3A_285 = tpu.memref_squeeze %dma_start3A_284 : memref<1x1x4096xf32, #tpu.memory_space<hbm>> -> memref<4096xf32, #tpu.memory_space<hbm>>
    tpu.enqueue_dma source(%arg8 : memref<4096xf32, #tpu.memory_space<vmem>>) target(%dma_start3A_285 : memref<4096xf32, #tpu.memory_space<hbm>>) target_semaphore(%arg10 : memref<!tpu.dma_semaphore, #tpu.memory_space<semaphore_mem>>)
    %dma_wait3A_286 = arith.constant 8192 : i32
    %dma_wait3A_287 = tpu.memref_slice %arg4[%mul3A_34, %add3A_243, %dma_wait3A_286] : memref<26x64x16384xf32, #tpu.memory_space<hbm>> -> memref<1x1x4096xf32, #tpu.memory_space<hbm>>
    %dma_wait3A_288 = tpu.memref_squeeze %dma_wait3A_287 : memref<1x1x4096xf32, #tpu.memory_space<hbm>> -> memref<4096xf32, #tpu.memory_space<hbm>>
    %dma_wait3A_289 = arith.constant 8192 : i32
    %dma_wait3A_290 = tpu.memref_slice %arg4[%mul3A_34, %add3A_243, %dma_wait3A_289] : memref<26x64x16384xf32, #tpu.memory_space<hbm>> -> memref<1x1x4096xf32, #tpu.memory_space<hbm>>
    %dma_wait3A_291 = tpu.memref_squeeze %dma_wait3A_290 : memref<1x1x4096xf32, #tpu.memory_space<hbm>> -> memref<4096xf32, #tpu.memory_space<hbm>>
    tpu.wait_dma2 semaphore(%arg9 : memref<!tpu.dma_semaphore, #tpu.memory_space<semaphore_mem>>) src(%arg7 : memref<4096xf32, #tpu.memory_space<vmem>>) dst(%dma_wait3A_291 : memref<4096xf32, #tpu.memory_space<hbm>>)
    %parallel_loop3A_292 = arith.constant 0 : i32
    %parallel_loop3A_293 = arith.constant 256 : i32
    %parallel_loop3A_294 = arith.constant 1 : i32
    scf.for %parallel_loop3A_349 = %parallel_loop3A_292 to %parallel_loop3A_293 step %parallel_loop3A_294  : i32 {
      %parallel_loop3A_350 = arith.constant 16 : i32
      %parallel_loop3A_351 = arith.muli %parallel_loop3A_349, %parallel_loop3A_350 : i32
      %parallel_loop3A_352 = arith.constant 8192 : i32
      %parallel_loop3A_353 = arith.addi %parallel_loop3A_352, %parallel_loop3A_351 : i32
      %parallel_loop3A_354 = arith.index_cast %parallel_loop3A_353 : i32 to index
      %parallel_loop3A_355 = tpu.vector_load %arg5[%parallel_loop3A_354] {strides = array<i32>} : memref<16384xi32, #tpu.memory_space<vmem>>, vector<16xi32>,
      %parallel_loop3A_356 = tpu.vector_load_idx %arg6[%parallel_loop3A_355] : memref<100000xf32, #tpu.memory_space<vmem>>[vector<16xi32>], vector<16xf32>,
      %parallel_loop3A_357 = arith.constant 16 : i32
      %parallel_loop3A_358 = arith.muli %parallel_loop3A_349, %parallel_loop3A_357 : i32
      %parallel_loop3A_359 = arith.index_cast %parallel_loop3A_358 : i32 to index
      %parallel_loop3A_360 = tpu.vector_load %arg7[%parallel_loop3A_359] {strides = array<i32>} : memref<4096xf32, #tpu.memory_space<vmem>>, vector<16xf32>,
      tpu.vector_store %arg7[%parallel_loop3A_359], %parallel_loop3A_356 {strides = array<i32>} : memref<4096xf32, #tpu.memory_space<vmem>>, vector<16xf32>,
    } {sc.loop_unroll_factor = 16 : i64, sc.parallel_access}
    %dma_start3A_295 = arith.constant 8192 : i32
    %dma_start3A_296 = tpu.memref_slice %arg4[%mul3A_34, %add3A_243, %dma_start3A_295] : memref<26x64x16384xf32, #tpu.memory_space<hbm>> -> memref<1x1x4096xf32, #tpu.memory_space<hbm>>
    %dma_start3A_297 = tpu.memref_squeeze %dma_start3A_296 : memref<1x1x4096xf32, #tpu.memory_space<hbm>> -> memref<4096xf32, #tpu.memory_space<hbm>>
    %dma_start3A_298 = arith.constant 8192 : i32
    %dma_start3A_299 = tpu.memref_slice %arg4[%mul3A_34, %add3A_243, %dma_start3A_298] : memref<26x64x16384xf32, #tpu.memory_space<hbm>> -> memref<1x1x4096xf32, #tpu.memory_space<hbm>>
    %dma_start3A_300 = tpu.memref_squeeze %dma_start3A_299 : memref<1x1x4096xf32, #tpu.memory_space<hbm>> -> memref<4096xf32, #tpu.memory_space<hbm>>
    tpu.enqueue_dma source(%arg7 : memref<4096xf32, #tpu.memory_space<vmem>>) target(%dma_start3A_300 : memref<4096xf32, #tpu.memory_space<hbm>>) target_semaphore(%arg9 : memref<!tpu.dma_semaphore, #tpu.memory_space<semaphore_mem>>)
    %dma_wait3A_301 = arith.constant 12288 : i32
    %dma_wait3A_302 = tpu.memref_slice %arg4[%mul3A_34, %add3A_243, %dma_wait3A_301] : memref<26x64x16384xf32, #tpu.memory_space<hbm>> -> memref<1x1x4096xf32, #tpu.memory_space<hbm>>
    %dma_wait3A_303 = tpu.memref_squeeze %dma_wait3A_302 : memref<1x1x4096xf32, #tpu.memory_space<hbm>> -> memref<4096xf32, #tpu.memory_space<hbm>>
    %dma_wait3A_304 = arith.constant 12288 : i32
    %dma_wait3A_305 = tpu.memref_slice %arg4[%mul3A_34, %add3A_243, %dma_wait3A_304] : memref<26x64x16384xf32, #tpu.memory_space<hbm>> -> memref<1x1x4096xf32, #tpu.memory_space<hbm>>
    %dma_wait3A_306 = tpu.memref_squeeze %dma_wait3A_305 : memref<1x1x4096xf32, #tpu.memory_space<hbm>> -> memref<4096xf32, #tpu.memory_space<hbm>>
    tpu.wait_dma2 semaphore(%arg10 : memref<!tpu.dma_semaphore, #tpu.memory_space<semaphore_mem>>) src(%arg8 : memref<4096xf32, #tpu.memory_space<vmem>>) dst(%dma_wait3A_306 : memref<4096xf32, #tpu.memory_space<hbm>>)
    %parallel_loop3A_307 = arith.constant 0 : i32
    %parallel_loop3A_308 = arith.constant 256 : i32
    %parallel_loop3A_309 = arith.constant 1 : i32
    scf.for %parallel_loop3A_349 = %parallel_loop3A_307 to %parallel_loop3A_308 step %parallel_loop3A_309  : i32 {
      %parallel_loop3A_350 = arith.constant 16 : i32
      %parallel_loop3A_351 = arith.muli %parallel_loop3A_349, %parallel_loop3A_350 : i32
      %parallel_loop3A_352 = arith.constant 12288 : i32
      %parallel_loop3A_353 = arith.addi %parallel_loop3A_352, %parallel_loop3A_351 : i32
      %parallel_loop3A_354 = arith.index_cast %parallel_loop3A_353 : i32 to index
      %parallel_loop3A_355 = tpu.vector_load %arg5[%parallel_loop3A_354] {strides = array<i32>} : memref<16384xi32, #tpu.memory_space<vmem>>, vector<16xi32>,
      %parallel_loop3A_356 = tpu.vector_load_idx %arg6[%parallel_loop3A_355] : memref<100000xf32, #tpu.memory_space<vmem>>[vector<16xi32>], vector<16xf32>,
      %parallel_loop3A_357 = arith.constant 16 : i32
      %parallel_loop3A_358 = arith.muli %parallel_loop3A_349, %parallel_loop3A_357 : i32
      %parallel_loop3A_359 = arith.index_cast %parallel_loop3A_358 : i32 to index
      %parallel_loop3A_360 = tpu.vector_load %arg8[%parallel_loop3A_359] {strides = array<i32>} : memref<4096xf32, #tpu.memory_space<vmem>>, vector<16xf32>,
      tpu.vector_store %arg8[%parallel_loop3A_359], %parallel_loop3A_356 {strides = array<i32>} : memref<4096xf32, #tpu.memory_space<vmem>>, vector<16xf32>,
    } {sc.loop_unroll_factor = 16 : i64, sc.parallel_access}
    %dma_start3A_310 = arith.constant 12288 : i32
    %dma_start3A_311 = tpu.memref_slice %arg4[%mul3A_34, %add3A_243, %dma_start3A_310] : memref<26x64x16384xf32, #tpu.memory_space<hbm>> -> memref<1x1x4096xf32, #tpu.memory_space<hbm>>
    %dma_start3A_312 = tpu.memref_squeeze %dma_start3A_311 : memref<1x1x4096xf32, #tpu.memory_space<hbm>> -> memref<4096xf32, #tpu.memory_space<hbm>>
    %dma_start3A_313 = arith.constant 12288 : i32
    %dma_start3A_314 = tpu.memref_slice %arg4[%mul3A_34, %add3A_243, %dma_start3A_313] : memref<26x64x16384xf32, #tpu.memory_space<hbm>> -> memref<1x1x4096xf32, #tpu.memory_space<hbm>>
    %dma_start3A_315 = tpu.memref_squeeze %dma_start3A_314 : memref<1x1x4096xf32, #tpu.memory_space<hbm>> -> memref<4096xf32, #tpu.memory_space<hbm>>
    tpu.enqueue_dma source(%arg8 : memref<4096xf32, #tpu.memory_space<vmem>>) target(%dma_start3A_315 : memref<4096xf32, #tpu.memory_space<hbm>>) target_semaphore(%arg10 : memref<!tpu.dma_semaphore, #tpu.memory_space<semaphore_mem>>)
    %scan3A = arith.constant 0 : i32
    %scan3A_316 = arith.constant 1 : i32
    %scan3A_317 = arith.constant 12 : i32
    %scan3A_318 = arith.addi %scan3A_316, %scan3A_317 : i32
    %scan3A_319 = arith.constant 1 : i32
    scf.for %scan3A_349 = %scan3A_316 to %scan3A_318 step %scan3A_319  : i32 {
      %add3A_350 = arith.addi %mul3A_34, %scan3A_349 : i32
      "tpu.region"() ({
        %run_scoped3A = tpu.sem_alloc : memref<!tpu.dma_semaphore, #tpu.memory_space<semaphore_mem>>
        %dma_start3A_647 = arith.constant 0 : i32
        %dma_start3A_648 = tpu.memref_slice %arg2[%add3A_350, %dma_start3A_647] : memref<26x16384xi32, #tpu.memory_space<hbm>> -> memref<1x16384xi32, #tpu.memory_space<hbm>>
        %dma_start3A_649 = tpu.memref_squeeze %dma_start3A_648 : memref<1x16384xi32, #tpu.memory_space<hbm>> -> memref<16384xi32, #tpu.memory_space<hbm>>
        %dma_start3A_650 = arith.constant 0 : i32
        %dma_start3A_651 = tpu.memref_slice %arg2[%add3A_350, %dma_start3A_650] : memref<26x16384xi32, #tpu.memory_space<hbm>> -> memref<1x16384xi32, #tpu.memory_space<hbm>>
        %dma_start3A_652 = tpu.memref_squeeze %dma_start3A_651 : memref<1x16384xi32, #tpu.memory_space<hbm>> -> memref<16384xi32, #tpu.memory_space<hbm>>
        tpu.enqueue_dma source(%dma_start3A_652 : memref<16384xi32, #tpu.memory_space<hbm>>) target(%arg5 : memref<16384xi32, #tpu.memory_space<vmem>>) target_semaphore(%run_scoped3A : memref<!tpu.dma_semaphore, #tpu.memory_space<semaphore_mem>>)
        %dma_wait3A_653 = arith.constant 0 : i32
        %dma_wait3A_654 = tpu.memref_slice %arg2[%add3A_350, %dma_wait3A_653] : memref<26x16384xi32, #tpu.memory_space<hbm>> -> memref<1x16384xi32, #tpu.memory_space<hbm>>
        %dma_wait3A_655 = tpu.memref_squeeze %dma_wait3A_654 : memref<1x16384xi32, #tpu.memory_space<hbm>> -> memref<16384xi32, #tpu.memory_space<hbm>>
        %dma_wait3A_656 = arith.constant 0 : i32
        %dma_wait3A_657 = tpu.memref_slice %arg2[%add3A_350, %dma_wait3A_656] : memref<26x16384xi32, #tpu.memory_space<hbm>> -> memref<1x16384xi32, #tpu.memory_space<hbm>>
        %dma_wait3A_658 = tpu.memref_squeeze %dma_wait3A_657 : memref<1x16384xi32, #tpu.memory_space<hbm>> -> memref<16384xi32, #tpu.memory_space<hbm>>
        tpu.wait_dma2 semaphore(%run_scoped3A : memref<!tpu.dma_semaphore, #tpu.memory_space<semaphore_mem>>) src(%dma_wait3A_658 : memref<16384xi32, #tpu.memory_space<hbm>>) dst(%arg5 : memref<16384xi32, #tpu.memory_space<vmem>>)
        tpu.yield
      }) : () -> ()
      %add3A_351 = arith.constant 0 : i32
      %add3A_352 = arith.addi %mul3A_11, %add3A_351 : i32
      %dma_start3A_353 = arith.constant 0 : i32
      %dma_start3A_354 = tpu.memref_slice %arg3[%add3A_350, %add3A_352, %dma_start3A_353] : memref<26x64x100000xf32, #tpu.memory_space<hbm>> -> memref<1x1x100000xf32, #tpu.memory_space<hbm>>
      %dma_start3A_355 = tpu.memref_squeeze %dma_start3A_354 : memref<1x1x100000xf32, #tpu.memory_space<hbm>> -> memref<100000xf32, #tpu.memory_space<hbm>>
      %dma_start3A_356 = arith.constant 0 : i32
      %dma_start3A_357 = tpu.memref_slice %arg3[%add3A_350, %add3A_352, %dma_start3A_356] : memref<26x64x100000xf32, #tpu.memory_space<hbm>> -> memref<1x1x100000xf32, #tpu.memory_space<hbm>>
      %dma_start3A_358 = tpu.memref_squeeze %dma_start3A_357 : memref<1x1x100000xf32, #tpu.memory_space<hbm>> -> memref<100000xf32, #tpu.memory_space<hbm>>
      tpu.enqueue_dma source(%dma_start3A_358 : memref<100000xf32, #tpu.memory_space<hbm>>) target(%arg6 : memref<100000xf32, #tpu.memory_space<vmem>>) target_semaphore(%arg11 : memref<!tpu.dma_semaphore, #tpu.memory_space<semaphore_mem>>)
      %dma_wait3A_359 = arith.constant 0 : i32
      %dma_wait3A_360 = tpu.memref_slice %arg3[%add3A_350, %add3A_352, %dma_wait3A_359] : memref<26x64x100000xf32, #tpu.memory_space<hbm>> -> memref<1x1x100000xf32, #tpu.memory_space<hbm>>
      %dma_wait3A_361 = tpu.memref_squeeze %dma_wait3A_360 : memref<1x1x100000xf32, #tpu.memory_space<hbm>> -> memref<100000xf32, #tpu.memory_space<hbm>>
      %dma_wait3A_362 = arith.constant 0 : i32
      %dma_wait3A_363 = tpu.memref_slice %arg3[%add3A_350, %add3A_352, %dma_wait3A_362] : memref<26x64x100000xf32, #tpu.memory_space<hbm>> -> memref<1x1x100000xf32, #tpu.memory_space<hbm>>
      %dma_wait3A_364 = tpu.memref_squeeze %dma_wait3A_363 : memref<1x1x100000xf32, #tpu.memory_space<hbm>> -> memref<100000xf32, #tpu.memory_space<hbm>>
      tpu.wait_dma2 semaphore(%arg11 : memref<!tpu.dma_semaphore, #tpu.memory_space<semaphore_mem>>) src(%dma_wait3A_364 : memref<100000xf32, #tpu.memory_space<hbm>>) dst(%arg6 : memref<100000xf32, #tpu.memory_space<vmem>>)
      %dma_wait3A_365 = arith.constant 0 : i32
      %dma_wait3A_366 = tpu.memref_slice %arg4[%add3A_350, %add3A_352, %dma_wait3A_365] : memref<26x64x16384xf32, #tpu.memory_space<hbm>> -> memref<1x1x4096xf32, #tpu.memory_space<hbm>>
      %dma_wait3A_367 = tpu.memref_squeeze %dma_wait3A_366 : memref<1x1x4096xf32, #tpu.memory_space<hbm>> -> memref<4096xf32, #tpu.memory_space<hbm>>
      %dma_wait3A_368 = arith.constant 0 : i32
      %dma_wait3A_369 = tpu.memref_slice %arg4[%add3A_350, %add3A_352, %dma_wait3A_368] : memref<26x64x16384xf32, #tpu.memory_space<hbm>> -> memref<1x1x4096xf32, #tpu.memory_space<hbm>>
      %dma_wait3A_370 = tpu.memref_squeeze %dma_wait3A_369 : memref<1x1x4096xf32, #tpu.memory_space<hbm>> -> memref<4096xf32, #tpu.memory_space<hbm>>
      tpu.wait_dma2 semaphore(%arg9 : memref<!tpu.dma_semaphore, #tpu.memory_space<semaphore_mem>>) src(%arg7 : memref<4096xf32, #tpu.memory_space<vmem>>) dst(%dma_wait3A_370 : memref<4096xf32, #tpu.memory_space<hbm>>)
      %parallel_loop3A_371 = arith.constant 0 : i32
      %parallel_loop3A_372 = arith.constant 256 : i32
      %parallel_loop3A_373 = arith.constant 1 : i32
      scf.for %parallel_loop3A_647 = %parallel_loop3A_371 to %parallel_loop3A_372 step %parallel_loop3A_373  : i32 {
        %parallel_loop3A_648 = arith.constant 16 : i32
        %parallel_loop3A_649 = arith.muli %parallel_loop3A_647, %parallel_loop3A_648 : i32
        %parallel_loop3A_650 = arith.constant 0 : i32
        %parallel_loop3A_651 = arith.addi %parallel_loop3A_650, %parallel_loop3A_649 : i32
        %parallel_loop3A_652 = arith.index_cast %parallel_loop3A_651 : i32 to index
        %parallel_loop3A_653 = tpu.vector_load %arg5[%parallel_loop3A_652] {strides = array<i32>} : memref<16384xi32, #tpu.memory_space<vmem>>, vector<16xi32>,
        %parallel_loop3A_654 = tpu.vector_load_idx %arg6[%parallel_loop3A_653] : memref<100000xf32, #tpu.memory_space<vmem>>[vector<16xi32>], vector<16xf32>,
        %parallel_loop3A_655 = arith.constant 16 : i32
        %parallel_loop3A_656 = arith.muli %parallel_loop3A_647, %parallel_loop3A_655 : i32
        %parallel_loop3A_657 = arith.index_cast %parallel_loop3A_656 : i32 to index
        %parallel_loop3A_658 = tpu.vector_load %arg7[%parallel_loop3A_657] {strides = array<i32>} : memref<4096xf32, #tpu.memory_space<vmem>>, vector<16xf32>,
        tpu.vector_store %arg7[%parallel_loop3A_657], %parallel_loop3A_654 {strides = array<i32>} : memref<4096xf32, #tpu.memory_space<vmem>>, vector<16xf32>,
      } {sc.loop_unroll_factor = 16 : i64, sc.parallel_access}
      %dma_start3A_374 = arith.constant 0 : i32
      %dma_start3A_375 = tpu.memref_slice %arg4[%add3A_350, %add3A_352, %dma_start3A_374] : memref<26x64x16384xf32, #tpu.memory_space<hbm>> -> memref<1x1x4096xf32, #tpu.memory_space<hbm>>
      %dma_start3A_376 = tpu.memref_squeeze %dma_start3A_375 : memref<1x1x4096xf32, #tpu.memory_space<hbm>> -> memref<4096xf32, #tpu.memory_space<hbm>>
      %dma_start3A_377 = arith.constant 0 : i32
      %dma_start3A_378 = tpu.memref_slice %arg4[%add3A_350, %add3A_352, %dma_start3A_377] : memref<26x64x16384xf32, #tpu.memory_space<hbm>> -> memref<1x1x4096xf32, #tpu.memory_space<hbm>>
      %dma_start3A_379 = tpu.memref_squeeze %dma_start3A_378 : memref<1x1x4096xf32, #tpu.memory_space<hbm>> -> memref<4096xf32, #tpu.memory_space<hbm>>
      tpu.enqueue_dma source(%arg7 : memref<4096xf32, #tpu.memory_space<vmem>>) target(%dma_start3A_379 : memref<4096xf32, #tpu.memory_space<hbm>>) target_semaphore(%arg9 : memref<!tpu.dma_semaphore, #tpu.memory_space<semaphore_mem>>)
      %dma_wait3A_380 = arith.constant 4096 : i32
      %dma_wait3A_381 = tpu.memref_slice %arg4[%add3A_350, %add3A_352, %dma_wait3A_380] : memref<26x64x16384xf32, #tpu.memory_space<hbm>> -> memref<1x1x4096xf32, #tpu.memory_space<hbm>>
      %dma_wait3A_382 = tpu.memref_squeeze %dma_wait3A_381 : memref<1x1x4096xf32, #tpu.memory_space<hbm>> -> memref<4096xf32, #tpu.memory_space<hbm>>
      %dma_wait3A_383 = arith.constant 4096 : i32
      %dma_wait3A_384 = tpu.memref_slice %arg4[%add3A_350, %add3A_352, %dma_wait3A_383] : memref<26x64x16384xf32, #tpu.memory_space<hbm>> -> memref<1x1x4096xf32, #tpu.memory_space<hbm>>
      %dma_wait3A_385 = tpu.memref_squeeze %dma_wait3A_384 : memref<1x1x4096xf32, #tpu.memory_space<hbm>> -> memref<4096xf32, #tpu.memory_space<hbm>>
      tpu.wait_dma2 semaphore(%arg10 : memref<!tpu.dma_semaphore, #tpu.memory_space<semaphore_mem>>) src(%arg8 : memref<4096xf32, #tpu.memory_space<vmem>>) dst(%dma_wait3A_385 : memref<4096xf32, #tpu.memory_space<hbm>>)
      %parallel_loop3A_386 = arith.constant 0 : i32
      %parallel_loop3A_387 = arith.constant 256 : i32
      %parallel_loop3A_388 = arith.constant 1 : i32
      scf.for %parallel_loop3A_647 = %parallel_loop3A_386 to %parallel_loop3A_387 step %parallel_loop3A_388  : i32 {
        %parallel_loop3A_648 = arith.constant 16 : i32
        %parallel_loop3A_649 = arith.muli %parallel_loop3A_647, %parallel_loop3A_648 : i32
        %parallel_loop3A_650 = arith.constant 4096 : i32
        %parallel_loop3A_651 = arith.addi %parallel_loop3A_650, %parallel_loop3A_649 : i32
        %parallel_loop3A_652 = arith.index_cast %parallel_loop3A_651 : i32 to index
        %parallel_loop3A_653 = tpu.vector_load %arg5[%parallel_loop3A_652] {strides = array<i32>} : memref<16384xi32, #tpu.memory_space<vmem>>, vector<16xi32>,
        %parallel_loop3A_654 = tpu.vector_load_idx %arg6[%parallel_loop3A_653] : memref<100000xf32, #tpu.memory_space<vmem>>[vector<16xi32>], vector<16xf32>,
        %parallel_loop3A_655 = arith.constant 16 : i32
        %parallel_loop3A_656 = arith.muli %parallel_loop3A_647, %parallel_loop3A_655 : i32
        %parallel_loop3A_657 = arith.index_cast %parallel_loop3A_656 : i32 to index
        %parallel_loop3A_658 = tpu.vector_load %arg8[%parallel_loop3A_657] {strides = array<i32>} : memref<4096xf32, #tpu.memory_space<vmem>>, vector<16xf32>,
        tpu.vector_store %arg8[%parallel_loop3A_657], %parallel_loop3A_654 {strides = array<i32>} : memref<4096xf32, #tpu.memory_space<vmem>>, vector<16xf32>,
      } {sc.loop_unroll_factor = 16 : i64, sc.parallel_access}
      %dma_start3A_389 = arith.constant 4096 : i32
      %dma_start3A_390 = tpu.memref_slice %arg4[%add3A_350, %add3A_352, %dma_start3A_389] : memref<26x64x16384xf32, #tpu.memory_space<hbm>> -> memref<1x1x4096xf32, #tpu.memory_space<hbm>>
      %dma_start3A_391 = tpu.memref_squeeze %dma_start3A_390 : memref<1x1x4096xf32, #tpu.memory_space<hbm>> -> memref<4096xf32, #tpu.memory_space<hbm>>
      %dma_start3A_392 = arith.constant 4096 : i32
      %dma_start3A_393 = tpu.memref_slice %arg4[%add3A_350, %add3A_352, %dma_start3A_392] : memref<26x64x16384xf32, #tpu.memory_space<hbm>> -> memref<1x1x4096xf32, #tpu.memory_space<hbm>>
      %dma_start3A_394 = tpu.memref_squeeze %dma_start3A_393 : memref<1x1x4096xf32, #tpu.memory_space<hbm>> -> memref<4096xf32, #tpu.memory_space<hbm>>
      tpu.enqueue_dma source(%arg8 : memref<4096xf32, #tpu.memory_space<vmem>>) target(%dma_start3A_394 : memref<4096xf32, #tpu.memory_space<hbm>>) target_semaphore(%arg10 : memref<!tpu.dma_semaphore, #tpu.memory_space<semaphore_mem>>)
      %dma_wait3A_395 = arith.constant 8192 : i32
      %dma_wait3A_396 = tpu.memref_slice %arg4[%add3A_350, %add3A_352, %dma_wait3A_395] : memref<26x64x16384xf32, #tpu.memory_space<hbm>> -> memref<1x1x4096xf32, #tpu.memory_space<hbm>>
      %dma_wait3A_397 = tpu.memref_squeeze %dma_wait3A_396 : memref<1x1x4096xf32, #tpu.memory_space<hbm>> -> memref<4096xf32, #tpu.memory_space<hbm>>
      %dma_wait3A_398 = arith.constant 8192 : i32
      %dma_wait3A_399 = tpu.memref_slice %arg4[%add3A_350, %add3A_352, %dma_wait3A_398] : memref<26x64x16384xf32, #tpu.memory_space<hbm>> -> memref<1x1x4096xf32, #tpu.memory_space<hbm>>
      %dma_wait3A_400 = tpu.memref_squeeze %dma_wait3A_399 : memref<1x1x4096xf32, #tpu.memory_space<hbm>> -> memref<4096xf32, #tpu.memory_space<hbm>>
      tpu.wait_dma2 semaphore(%arg9 : memref<!tpu.dma_semaphore, #tpu.memory_space<semaphore_mem>>) src(%arg7 : memref<4096xf32, #tpu.memory_space<vmem>>) dst(%dma_wait3A_400 : memref<4096xf32, #tpu.memory_space<hbm>>)
      %parallel_loop3A_401 = arith.constant 0 : i32
      %parallel_loop3A_402 = arith.constant 256 : i32
      %parallel_loop3A_403 = arith.constant 1 : i32
      scf.for %parallel_loop3A_647 = %parallel_loop3A_401 to %parallel_loop3A_402 step %parallel_loop3A_403  : i32 {
        %parallel_loop3A_648 = arith.constant 16 : i32
        %parallel_loop3A_649 = arith.muli %parallel_loop3A_647, %parallel_loop3A_648 : i32
        %parallel_loop3A_650 = arith.constant 8192 : i32
        %parallel_loop3A_651 = arith.addi %parallel_loop3A_650, %parallel_loop3A_649 : i32
        %parallel_loop3A_652 = arith.index_cast %parallel_loop3A_651 : i32 to index
        %parallel_loop3A_653 = tpu.vector_load %arg5[%parallel_loop3A_652] {strides = array<i32>} : memref<16384xi32, #tpu.memory_space<vmem>>, vector<16xi32>,
        %parallel_loop3A_654 = tpu.vector_load_idx %arg6[%parallel_loop3A_653] : memref<100000xf32, #tpu.memory_space<vmem>>[vector<16xi32>], vector<16xf32>,
        %parallel_loop3A_655 = arith.constant 16 : i32
        %parallel_loop3A_656 = arith.muli %parallel_loop3A_647, %parallel_loop3A_655 : i32
        %parallel_loop3A_657 = arith.index_cast %parallel_loop3A_656 : i32 to index
        %parallel_loop3A_658 = tpu.vector_load %arg7[%parallel_loop3A_657] {strides = array<i32>} : memref<4096xf32, #tpu.memory_space<vmem>>, vector<16xf32>,
        tpu.vector_store %arg7[%parallel_loop3A_657], %parallel_loop3A_654 {strides = array<i32>} : memref<4096xf32, #tpu.memory_space<vmem>>, vector<16xf32>,
      } {sc.loop_unroll_factor = 16 : i64, sc.parallel_access}
      %dma_start3A_404 = arith.constant 8192 : i32
      %dma_start3A_405 = tpu.memref_slice %arg4[%add3A_350, %add3A_352, %dma_start3A_404] : memref<26x64x16384xf32, #tpu.memory_space<hbm>> -> memref<1x1x4096xf32, #tpu.memory_space<hbm>>
      %dma_start3A_406 = tpu.memref_squeeze %dma_start3A_405 : memref<1x1x4096xf32, #tpu.memory_space<hbm>> -> memref<4096xf32, #tpu.memory_space<hbm>>
      %dma_start3A_407 = arith.constant 8192 : i32
      %dma_start3A_408 = tpu.memref_slice %arg4[%add3A_350, %add3A_352, %dma_start3A_407] : memref<26x64x16384xf32, #tpu.memory_space<hbm>> -> memref<1x1x4096xf32, #tpu.memory_space<hbm>>
      %dma_start3A_409 = tpu.memref_squeeze %dma_start3A_408 : memref<1x1x4096xf32, #tpu.memory_space<hbm>> -> memref<4096xf32, #tpu.memory_space<hbm>>
      tpu.enqueue_dma source(%arg7 : memref<4096xf32, #tpu.memory_space<vmem>>) target(%dma_start3A_409 : memref<4096xf32, #tpu.memory_space<hbm>>) target_semaphore(%arg9 : memref<!tpu.dma_semaphore, #tpu.memory_space<semaphore_mem>>)
      %dma_wait3A_410 = arith.constant 12288 : i32
      %dma_wait3A_411 = tpu.memref_slice %arg4[%add3A_350, %add3A_352, %dma_wait3A_410] : memref<26x64x16384xf32, #tpu.memory_space<hbm>> -> memref<1x1x4096xf32, #tpu.memory_space<hbm>>
      %dma_wait3A_412 = tpu.memref_squeeze %dma_wait3A_411 : memref<1x1x4096xf32, #tpu.memory_space<hbm>> -> memref<4096xf32, #tpu.memory_space<hbm>>
      %dma_wait3A_413 = arith.constant 12288 : i32
      %dma_wait3A_414 = tpu.memref_slice %arg4[%add3A_350, %add3A_352, %dma_wait3A_413] : memref<26x64x16384xf32, #tpu.memory_space<hbm>> -> memref<1x1x4096xf32, #tpu.memory_space<hbm>>
      %dma_wait3A_415 = tpu.memref_squeeze %dma_wait3A_414 : memref<1x1x4096xf32, #tpu.memory_space<hbm>> -> memref<4096xf32, #tpu.memory_space<hbm>>
      tpu.wait_dma2 semaphore(%arg10 : memref<!tpu.dma_semaphore, #tpu.memory_space<semaphore_mem>>) src(%arg8 : memref<4096xf32, #tpu.memory_space<vmem>>) dst(%dma_wait3A_415 : memref<4096xf32, #tpu.memory_space<hbm>>)
      %parallel_loop3A_416 = arith.constant 0 : i32
      %parallel_loop3A_417 = arith.constant 256 : i32
      %parallel_loop3A_418 = arith.constant 1 : i32
      scf.for %parallel_loop3A_647 = %parallel_loop3A_416 to %parallel_loop3A_417 step %parallel_loop3A_418  : i32 {
        %parallel_loop3A_648 = arith.constant 16 : i32
        %parallel_loop3A_649 = arith.muli %parallel_loop3A_647, %parallel_loop3A_648 : i32
        %parallel_loop3A_650 = arith.constant 12288 : i32
        %parallel_loop3A_651 = arith.addi %parallel_loop3A_650, %parallel_loop3A_649 : i32
        %parallel_loop3A_652 = arith.index_cast %parallel_loop3A_651 : i32 to index
        %parallel_loop3A_653 = tpu.vector_load %arg5[%parallel_loop3A_652] {strides = array<i32>} : memref<16384xi32, #tpu.memory_space<vmem>>, vector<16xi32>,
        %parallel_loop3A_654 = tpu.vector_load_idx %arg6[%parallel_loop3A_653] : memref<100000xf32, #tpu.memory_space<vmem>>[vector<16xi32>], vector<16xf32>,
        %parallel_loop3A_655 = arith.constant 16 : i32
        %parallel_loop3A_656 = arith.muli %parallel_loop3A_647, %parallel_loop3A_655 : i32
        %parallel_loop3A_657 = arith.index_cast %parallel_loop3A_656 : i32 to index
        %parallel_loop3A_658 = tpu.vector_load %arg8[%parallel_loop3A_657] {strides = array<i32>} : memref<4096xf32, #tpu.memory_space<vmem>>, vector<16xf32>,
        tpu.vector_store %arg8[%parallel_loop3A_657], %parallel_loop3A_654 {strides = array<i32>} : memref<4096xf32, #tpu.memory_space<vmem>>, vector<16xf32>,
      } {sc.loop_unroll_factor = 16 : i64, sc.parallel_access}
      %dma_start3A_419 = arith.constant 12288 : i32
      %dma_start3A_420 = tpu.memref_slice %arg4[%add3A_350, %add3A_352, %dma_start3A_419] : memref<26x64x16384xf32, #tpu.memory_space<hbm>> -> memref<1x1x4096xf32, #tpu.memory_space<hbm>>
      %dma_start3A_421 = tpu.memref_squeeze %dma_start3A_420 : memref<1x1x4096xf32, #tpu.memory_space<hbm>> -> memref<4096xf32, #tpu.memory_space<hbm>>
      %dma_start3A_422 = arith.constant 12288 : i32
      %dma_start3A_423 = tpu.memref_slice %arg4[%add3A_350, %add3A_352, %dma_start3A_422] : memref<26x64x16384xf32, #tpu.memory_space<hbm>> -> memref<1x1x4096xf32, #tpu.memory_space<hbm>>
      %dma_start3A_424 = tpu.memref_squeeze %dma_start3A_423 : memref<1x1x4096xf32, #tpu.memory_space<hbm>> -> memref<4096xf32, #tpu.memory_space<hbm>>
      tpu.enqueue_dma source(%arg8 : memref<4096xf32, #tpu.memory_space<vmem>>) target(%dma_start3A_424 : memref<4096xf32, #tpu.memory_space<hbm>>) target_semaphore(%arg10 : memref<!tpu.dma_semaphore, #tpu.memory_space<semaphore_mem>>)
      %add3A_425 = arith.constant 1 : i32
      %add3A_426 = arith.addi %mul3A_11, %add3A_425 : i32
      %dma_start3A_427 = arith.constant 0 : i32
      %dma_start3A_428 = tpu.memref_slice %arg3[%add3A_350, %add3A_426, %dma_start3A_427] : memref<26x64x100000xf32, #tpu.memory_space<hbm>> -> memref<1x1x100000xf32, #tpu.memory_space<hbm>>
      %dma_start3A_429 = tpu.memref_squeeze %dma_start3A_428 : memref<1x1x100000xf32, #tpu.memory_space<hbm>> -> memref<100000xf32, #tpu.memory_space<hbm>>
      %dma_start3A_430 = arith.constant 0 : i32
      %dma_start3A_431 = tpu.memref_slice %arg3[%add3A_350, %add3A_426, %dma_start3A_430] : memref<26x64x100000xf32, #tpu.memory_space<hbm>> -> memref<1x1x100000xf32, #tpu.memory_space<hbm>>
      %dma_start3A_432 = tpu.memref_squeeze %dma_start3A_431 : memref<1x1x100000xf32, #tpu.memory_space<hbm>> -> memref<100000xf32, #tpu.memory_space<hbm>>
      tpu.enqueue_dma source(%dma_start3A_432 : memref<100000xf32, #tpu.memory_space<hbm>>) target(%arg6 : memref<100000xf32, #tpu.memory_space<vmem>>) target_semaphore(%arg11 : memref<!tpu.dma_semaphore, #tpu.memory_space<semaphore_mem>>)
      %dma_wait3A_433 = arith.constant 0 : i32
      %dma_wait3A_434 = tpu.memref_slice %arg3[%add3A_350, %add3A_426, %dma_wait3A_433] : memref<26x64x100000xf32, #tpu.memory_space<hbm>> -> memref<1x1x100000xf32, #tpu.memory_space<hbm>>
      %dma_wait3A_435 = tpu.memref_squeeze %dma_wait3A_434 : memref<1x1x100000xf32, #tpu.memory_space<hbm>> -> memref<100000xf32, #tpu.memory_space<hbm>>
      %dma_wait3A_436 = arith.constant 0 : i32
      %dma_wait3A_437 = tpu.memref_slice %arg3[%add3A_350, %add3A_426, %dma_wait3A_436] : memref<26x64x100000xf32, #tpu.memory_space<hbm>> -> memref<1x1x100000xf32, #tpu.memory_space<hbm>>
      %dma_wait3A_438 = tpu.memref_squeeze %dma_wait3A_437 : memref<1x1x100000xf32, #tpu.memory_space<hbm>> -> memref<100000xf32, #tpu.memory_space<hbm>>
      tpu.wait_dma2 semaphore(%arg11 : memref<!tpu.dma_semaphore, #tpu.memory_space<semaphore_mem>>) src(%dma_wait3A_438 : memref<100000xf32, #tpu.memory_space<hbm>>) dst(%arg6 : memref<100000xf32, #tpu.memory_space<vmem>>)
      %dma_wait3A_439 = arith.constant 0 : i32
      %dma_wait3A_440 = tpu.memref_slice %arg4[%add3A_350, %add3A_426, %dma_wait3A_439] : memref<26x64x16384xf32, #tpu.memory_space<hbm>> -> memref<1x1x4096xf32, #tpu.memory_space<hbm>>
      %dma_wait3A_441 = tpu.memref_squeeze %dma_wait3A_440 : memref<1x1x4096xf32, #tpu.memory_space<hbm>> -> memref<4096xf32, #tpu.memory_space<hbm>>
      %dma_wait3A_442 = arith.constant 0 : i32
      %dma_wait3A_443 = tpu.memref_slice %arg4[%add3A_350, %add3A_426, %dma_wait3A_442] : memref<26x64x16384xf32, #tpu.memory_space<hbm>> -> memref<1x1x4096xf32, #tpu.memory_space<hbm>>
      %dma_wait3A_444 = tpu.memref_squeeze %dma_wait3A_443 : memref<1x1x4096xf32, #tpu.memory_space<hbm>> -> memref<4096xf32, #tpu.memory_space<hbm>>
      tpu.wait_dma2 semaphore(%arg9 : memref<!tpu.dma_semaphore, #tpu.memory_space<semaphore_mem>>) src(%arg7 : memref<4096xf32, #tpu.memory_space<vmem>>) dst(%dma_wait3A_444 : memref<4096xf32, #tpu.memory_space<hbm>>)
      %parallel_loop3A_445 = arith.constant 0 : i32
      %parallel_loop3A_446 = arith.constant 256 : i32
      %parallel_loop3A_447 = arith.constant 1 : i32
      scf.for %parallel_loop3A_647 = %parallel_loop3A_445 to %parallel_loop3A_446 step %parallel_loop3A_447  : i32 {
        %parallel_loop3A_648 = arith.constant 16 : i32
        %parallel_loop3A_649 = arith.muli %parallel_loop3A_647, %parallel_loop3A_648 : i32
        %parallel_loop3A_650 = arith.constant 0 : i32
        %parallel_loop3A_651 = arith.addi %parallel_loop3A_650, %parallel_loop3A_649 : i32
        %parallel_loop3A_652 = arith.index_cast %parallel_loop3A_651 : i32 to index
        %parallel_loop3A_653 = tpu.vector_load %arg5[%parallel_loop3A_652] {strides = array<i32>} : memref<16384xi32, #tpu.memory_space<vmem>>, vector<16xi32>,
        %parallel_loop3A_654 = tpu.vector_load_idx %arg6[%parallel_loop3A_653] : memref<100000xf32, #tpu.memory_space<vmem>>[vector<16xi32>], vector<16xf32>,
        %parallel_loop3A_655 = arith.constant 16 : i32
        %parallel_loop3A_656 = arith.muli %parallel_loop3A_647, %parallel_loop3A_655 : i32
        %parallel_loop3A_657 = arith.index_cast %parallel_loop3A_656 : i32 to index
        %parallel_loop3A_658 = tpu.vector_load %arg7[%parallel_loop3A_657] {strides = array<i32>} : memref<4096xf32, #tpu.memory_space<vmem>>, vector<16xf32>,
        tpu.vector_store %arg7[%parallel_loop3A_657], %parallel_loop3A_654 {strides = array<i32>} : memref<4096xf32, #tpu.memory_space<vmem>>, vector<16xf32>,
      } {sc.loop_unroll_factor = 16 : i64, sc.parallel_access}
      %dma_start3A_448 = arith.constant 0 : i32
      %dma_start3A_449 = tpu.memref_slice %arg4[%add3A_350, %add3A_426, %dma_start3A_448] : memref<26x64x16384xf32, #tpu.memory_space<hbm>> -> memref<1x1x4096xf32, #tpu.memory_space<hbm>>
      %dma_start3A_450 = tpu.memref_squeeze %dma_start3A_449 : memref<1x1x4096xf32, #tpu.memory_space<hbm>> -> memref<4096xf32, #tpu.memory_space<hbm>>
      %dma_start3A_451 = arith.constant 0 : i32
      %dma_start3A_452 = tpu.memref_slice %arg4[%add3A_350, %add3A_426, %dma_start3A_451] : memref<26x64x16384xf32, #tpu.memory_space<hbm>> -> memref<1x1x4096xf32, #tpu.memory_space<hbm>>
      %dma_start3A_453 = tpu.memref_squeeze %dma_start3A_452 : memref<1x1x4096xf32, #tpu.memory_space<hbm>> -> memref<4096xf32, #tpu.memory_space<hbm>>
      tpu.enqueue_dma source(%arg7 : memref<4096xf32, #tpu.memory_space<vmem>>) target(%dma_start3A_453 : memref<4096xf32, #tpu.memory_space<hbm>>) target_semaphore(%arg9 : memref<!tpu.dma_semaphore, #tpu.memory_space<semaphore_mem>>)
      %dma_wait3A_454 = arith.constant 4096 : i32
      %dma_wait3A_455 = tpu.memref_slice %arg4[%add3A_350, %add3A_426, %dma_wait3A_454] : memref<26x64x16384xf32, #tpu.memory_space<hbm>> -> memref<1x1x4096xf32, #tpu.memory_space<hbm>>
      %dma_wait3A_456 = tpu.memref_squeeze %dma_wait3A_455 : memref<1x1x4096xf32, #tpu.memory_space<hbm>> -> memref<4096xf32, #tpu.memory_space<hbm>>
      %dma_wait3A_457 = arith.constant 4096 : i32
      %dma_wait3A_458 = tpu.memref_slice %arg4[%add3A_350, %add3A_426, %dma_wait3A_457] : memref<26x64x16384xf32, #tpu.memory_space<hbm>> -> memref<1x1x4096xf32, #tpu.memory_space<hbm>>
      %dma_wait3A_459 = tpu.memref_squeeze %dma_wait3A_458 : memref<1x1x4096xf32, #tpu.memory_space<hbm>> -> memref<4096xf32, #tpu.memory_space<hbm>>
      tpu.wait_dma2 semaphore(%arg10 : memref<!tpu.dma_semaphore, #tpu.memory_space<semaphore_mem>>) src(%arg8 : memref<4096xf32, #tpu.memory_space<vmem>>) dst(%dma_wait3A_459 : memref<4096xf32, #tpu.memory_space<hbm>>)
      %parallel_loop3A_460 = arith.constant 0 : i32
      %parallel_loop3A_461 = arith.constant 256 : i32
      %parallel_loop3A_462 = arith.constant 1 : i32
      scf.for %parallel_loop3A_647 = %parallel_loop3A_460 to %parallel_loop3A_461 step %parallel_loop3A_462  : i32 {
        %parallel_loop3A_648 = arith.constant 16 : i32
        %parallel_loop3A_649 = arith.muli %parallel_loop3A_647, %parallel_loop3A_648 : i32
        %parallel_loop3A_650 = arith.constant 4096 : i32
        %parallel_loop3A_651 = arith.addi %parallel_loop3A_650, %parallel_loop3A_649 : i32
        %parallel_loop3A_652 = arith.index_cast %parallel_loop3A_651 : i32 to index
        %parallel_loop3A_653 = tpu.vector_load %arg5[%parallel_loop3A_652] {strides = array<i32>} : memref<16384xi32, #tpu.memory_space<vmem>>, vector<16xi32>,
        %parallel_loop3A_654 = tpu.vector_load_idx %arg6[%parallel_loop3A_653] : memref<100000xf32, #tpu.memory_space<vmem>>[vector<16xi32>], vector<16xf32>,
        %parallel_loop3A_655 = arith.constant 16 : i32
        %parallel_loop3A_656 = arith.muli %parallel_loop3A_647, %parallel_loop3A_655 : i32
        %parallel_loop3A_657 = arith.index_cast %parallel_loop3A_656 : i32 to index
        %parallel_loop3A_658 = tpu.vector_load %arg8[%parallel_loop3A_657] {strides = array<i32>} : memref<4096xf32, #tpu.memory_space<vmem>>, vector<16xf32>,
        tpu.vector_store %arg8[%parallel_loop3A_657], %parallel_loop3A_654 {strides = array<i32>} : memref<4096xf32, #tpu.memory_space<vmem>>, vector<16xf32>,
      } {sc.loop_unroll_factor = 16 : i64, sc.parallel_access}
      %dma_start3A_463 = arith.constant 4096 : i32
      %dma_start3A_464 = tpu.memref_slice %arg4[%add3A_350, %add3A_426, %dma_start3A_463] : memref<26x64x16384xf32, #tpu.memory_space<hbm>> -> memref<1x1x4096xf32, #tpu.memory_space<hbm>>
      %dma_start3A_465 = tpu.memref_squeeze %dma_start3A_464 : memref<1x1x4096xf32, #tpu.memory_space<hbm>> -> memref<4096xf32, #tpu.memory_space<hbm>>
      %dma_start3A_466 = arith.constant 4096 : i32
      %dma_start3A_467 = tpu.memref_slice %arg4[%add3A_350, %add3A_426, %dma_start3A_466] : memref<26x64x16384xf32, #tpu.memory_space<hbm>> -> memref<1x1x4096xf32, #tpu.memory_space<hbm>>
      %dma_start3A_468 = tpu.memref_squeeze %dma_start3A_467 : memref<1x1x4096xf32, #tpu.memory_space<hbm>> -> memref<4096xf32, #tpu.memory_space<hbm>>
      tpu.enqueue_dma source(%arg8 : memref<4096xf32, #tpu.memory_space<vmem>>) target(%dma_start3A_468 : memref<4096xf32, #tpu.memory_space<hbm>>) target_semaphore(%arg10 : memref<!tpu.dma_semaphore, #tpu.memory_space<semaphore_mem>>)
      %dma_wait3A_469 = arith.constant 8192 : i32
      %dma_wait3A_470 = tpu.memref_slice %arg4[%add3A_350, %add3A_426, %dma_wait3A_469] : memref<26x64x16384xf32, #tpu.memory_space<hbm>> -> memref<1x1x4096xf32, #tpu.memory_space<hbm>>
      %dma_wait3A_471 = tpu.memref_squeeze %dma_wait3A_470 : memref<1x1x4096xf32, #tpu.memory_space<hbm>> -> memref<4096xf32, #tpu.memory_space<hbm>>
      %dma_wait3A_472 = arith.constant 8192 : i32
      %dma_wait3A_473 = tpu.memref_slice %arg4[%add3A_350, %add3A_426, %dma_wait3A_472] : memref<26x64x16384xf32, #tpu.memory_space<hbm>> -> memref<1x1x4096xf32, #tpu.memory_space<hbm>>
      %dma_wait3A_474 = tpu.memref_squeeze %dma_wait3A_473 : memref<1x1x4096xf32, #tpu.memory_space<hbm>> -> memref<4096xf32, #tpu.memory_space<hbm>>
      tpu.wait_dma2 semaphore(%arg9 : memref<!tpu.dma_semaphore, #tpu.memory_space<semaphore_mem>>) src(%arg7 : memref<4096xf32, #tpu.memory_space<vmem>>) dst(%dma_wait3A_474 : memref<4096xf32, #tpu.memory_space<hbm>>)
      %parallel_loop3A_475 = arith.constant 0 : i32
      %parallel_loop3A_476 = arith.constant 256 : i32
      %parallel_loop3A_477 = arith.constant 1 : i32
      scf.for %parallel_loop3A_647 = %parallel_loop3A_475 to %parallel_loop3A_476 step %parallel_loop3A_477  : i32 {
        %parallel_loop3A_648 = arith.constant 16 : i32
        %parallel_loop3A_649 = arith.muli %parallel_loop3A_647, %parallel_loop3A_648 : i32
        %parallel_loop3A_650 = arith.constant 8192 : i32
        %parallel_loop3A_651 = arith.addi %parallel_loop3A_650, %parallel_loop3A_649 : i32
        %parallel_loop3A_652 = arith.index_cast %parallel_loop3A_651 : i32 to index
        %parallel_loop3A_653 = tpu.vector_load %arg5[%parallel_loop3A_652] {strides = array<i32>} : memref<16384xi32, #tpu.memory_space<vmem>>, vector<16xi32>,
        %parallel_loop3A_654 = tpu.vector_load_idx %arg6[%parallel_loop3A_653] : memref<100000xf32, #tpu.memory_space<vmem>>[vector<16xi32>], vector<16xf32>,
        %parallel_loop3A_655 = arith.constant 16 : i32
        %parallel_loop3A_656 = arith.muli %parallel_loop3A_647, %parallel_loop3A_655 : i32
        %parallel_loop3A_657 = arith.index_cast %parallel_loop3A_656 : i32 to index
        %parallel_loop3A_658 = tpu.vector_load %arg7[%parallel_loop3A_657] {strides = array<i32>} : memref<4096xf32, #tpu.memory_space<vmem>>, vector<16xf32>,
        tpu.vector_store %arg7[%parallel_loop3A_657], %parallel_loop3A_654 {strides = array<i32>} : memref<4096xf32, #tpu.memory_space<vmem>>, vector<16xf32>,
      } {sc.loop_unroll_factor = 16 : i64, sc.parallel_access}
      %dma_start3A_478 = arith.constant 8192 : i32
      %dma_start3A_479 = tpu.memref_slice %arg4[%add3A_350, %add3A_426, %dma_start3A_478] : memref<26x64x16384xf32, #tpu.memory_space<hbm>> -> memref<1x1x4096xf32, #tpu.memory_space<hbm>>
      %dma_start3A_480 = tpu.memref_squeeze %dma_start3A_479 : memref<1x1x4096xf32, #tpu.memory_space<hbm>> -> memref<4096xf32, #tpu.memory_space<hbm>>
      %dma_start3A_481 = arith.constant 8192 : i32
      %dma_start3A_482 = tpu.memref_slice %arg4[%add3A_350, %add3A_426, %dma_start3A_481] : memref<26x64x16384xf32, #tpu.memory_space<hbm>> -> memref<1x1x4096xf32, #tpu.memory_space<hbm>>
      %dma_start3A_483 = tpu.memref_squeeze %dma_start3A_482 : memref<1x1x4096xf32, #tpu.memory_space<hbm>> -> memref<4096xf32, #tpu.memory_space<hbm>>
      tpu.enqueue_dma source(%arg7 : memref<4096xf32, #tpu.memory_space<vmem>>) target(%dma_start3A_483 : memref<4096xf32, #tpu.memory_space<hbm>>) target_semaphore(%arg9 : memref<!tpu.dma_semaphore, #tpu.memory_space<semaphore_mem>>)
      %dma_wait3A_484 = arith.constant 12288 : i32
      %dma_wait3A_485 = tpu.memref_slice %arg4[%add3A_350, %add3A_426, %dma_wait3A_484] : memref<26x64x16384xf32, #tpu.memory_space<hbm>> -> memref<1x1x4096xf32, #tpu.memory_space<hbm>>
      %dma_wait3A_486 = tpu.memref_squeeze %dma_wait3A_485 : memref<1x1x4096xf32, #tpu.memory_space<hbm>> -> memref<4096xf32, #tpu.memory_space<hbm>>
      %dma_wait3A_487 = arith.constant 12288 : i32
      %dma_wait3A_488 = tpu.memref_slice %arg4[%add3A_350, %add3A_426, %dma_wait3A_487] : memref<26x64x16384xf32, #tpu.memory_space<hbm>> -> memref<1x1x4096xf32, #tpu.memory_space<hbm>>
      %dma_wait3A_489 = tpu.memref_squeeze %dma_wait3A_488 : memref<1x1x4096xf32, #tpu.memory_space<hbm>> -> memref<4096xf32, #tpu.memory_space<hbm>>
      tpu.wait_dma2 semaphore(%arg10 : memref<!tpu.dma_semaphore, #tpu.memory_space<semaphore_mem>>) src(%arg8 : memref<4096xf32, #tpu.memory_space<vmem>>) dst(%dma_wait3A_489 : memref<4096xf32, #tpu.memory_space<hbm>>)
      %parallel_loop3A_490 = arith.constant 0 : i32
      %parallel_loop3A_491 = arith.constant 256 : i32
      %parallel_loop3A_492 = arith.constant 1 : i32
      scf.for %parallel_loop3A_647 = %parallel_loop3A_490 to %parallel_loop3A_491 step %parallel_loop3A_492  : i32 {
        %parallel_loop3A_648 = arith.constant 16 : i32
        %parallel_loop3A_649 = arith.muli %parallel_loop3A_647, %parallel_loop3A_648 : i32
        %parallel_loop3A_650 = arith.constant 12288 : i32
        %parallel_loop3A_651 = arith.addi %parallel_loop3A_650, %parallel_loop3A_649 : i32
        %parallel_loop3A_652 = arith.index_cast %parallel_loop3A_651 : i32 to index
        %parallel_loop3A_653 = tpu.vector_load %arg5[%parallel_loop3A_652] {strides = array<i32>} : memref<16384xi32, #tpu.memory_space<vmem>>, vector<16xi32>,
        %parallel_loop3A_654 = tpu.vector_load_idx %arg6[%parallel_loop3A_653] : memref<100000xf32, #tpu.memory_space<vmem>>[vector<16xi32>], vector<16xf32>,
        %parallel_loop3A_655 = arith.constant 16 : i32
        %parallel_loop3A_656 = arith.muli %parallel_loop3A_647, %parallel_loop3A_655 : i32
        %parallel_loop3A_657 = arith.index_cast %parallel_loop3A_656 : i32 to index
        %parallel_loop3A_658 = tpu.vector_load %arg8[%parallel_loop3A_657] {strides = array<i32>} : memref<4096xf32, #tpu.memory_space<vmem>>, vector<16xf32>,
        tpu.vector_store %arg8[%parallel_loop3A_657], %parallel_loop3A_654 {strides = array<i32>} : memref<4096xf32, #tpu.memory_space<vmem>>, vector<16xf32>,
      } {sc.loop_unroll_factor = 16 : i64, sc.parallel_access}
      %dma_start3A_493 = arith.constant 12288 : i32
      %dma_start3A_494 = tpu.memref_slice %arg4[%add3A_350, %add3A_426, %dma_start3A_493] : memref<26x64x16384xf32, #tpu.memory_space<hbm>> -> memref<1x1x4096xf32, #tpu.memory_space<hbm>>
      %dma_start3A_495 = tpu.memref_squeeze %dma_start3A_494 : memref<1x1x4096xf32, #tpu.memory_space<hbm>> -> memref<4096xf32, #tpu.memory_space<hbm>>
      %dma_start3A_496 = arith.constant 12288 : i32
      %dma_start3A_497 = tpu.memref_slice %arg4[%add3A_350, %add3A_426, %dma_start3A_496] : memref<26x64x16384xf32, #tpu.memory_space<hbm>> -> memref<1x1x4096xf32, #tpu.memory_space<hbm>>
      %dma_start3A_498 = tpu.memref_squeeze %dma_start3A_497 : memref<1x1x4096xf32, #tpu.memory_space<hbm>> -> memref<4096xf32, #tpu.memory_space<hbm>>
      tpu.enqueue_dma source(%arg8 : memref<4096xf32, #tpu.memory_space<vmem>>) target(%dma_start3A_498 : memref<4096xf32, #tpu.memory_space<hbm>>) target_semaphore(%arg10 : memref<!tpu.dma_semaphore, #tpu.memory_space<semaphore_mem>>)
      %add3A_499 = arith.constant 2 : i32
      %add3A_500 = arith.addi %mul3A_11, %add3A_499 : i32
      %dma_start3A_501 = arith.constant 0 : i32
      %dma_start3A_502 = tpu.memref_slice %arg3[%add3A_350, %add3A_500, %dma_start3A_501] : memref<26x64x100000xf32, #tpu.memory_space<hbm>> -> memref<1x1x100000xf32, #tpu.memory_space<hbm>>
      %dma_start3A_503 = tpu.memref_squeeze %dma_start3A_502 : memref<1x1x100000xf32, #tpu.memory_space<hbm>> -> memref<100000xf32, #tpu.memory_space<hbm>>
      %dma_start3A_504 = arith.constant 0 : i32
      %dma_start3A_505 = tpu.memref_slice %arg3[%add3A_350, %add3A_500, %dma_start3A_504] : memref<26x64x100000xf32, #tpu.memory_space<hbm>> -> memref<1x1x100000xf32, #tpu.memory_space<hbm>>
      %dma_start3A_506 = tpu.memref_squeeze %dma_start3A_505 : memref<1x1x100000xf32, #tpu.memory_space<hbm>> -> memref<100000xf32, #tpu.memory_space<hbm>>
      tpu.enqueue_dma source(%dma_start3A_506 : memref<100000xf32, #tpu.memory_space<hbm>>) target(%arg6 : memref<100000xf32, #tpu.memory_space<vmem>>) target_semaphore(%arg11 : memref<!tpu.dma_semaphore, #tpu.memory_space<semaphore_mem>>)
      %dma_wait3A_507 = arith.constant 0 : i32
      %dma_wait3A_508 = tpu.memref_slice %arg3[%add3A_350, %add3A_500, %dma_wait3A_507] : memref<26x64x100000xf32, #tpu.memory_space<hbm>> -> memref<1x1x100000xf32, #tpu.memory_space<hbm>>
      %dma_wait3A_509 = tpu.memref_squeeze %dma_wait3A_508 : memref<1x1x100000xf32, #tpu.memory_space<hbm>> -> memref<100000xf32, #tpu.memory_space<hbm>>
      %dma_wait3A_510 = arith.constant 0 : i32
      %dma_wait3A_511 = tpu.memref_slice %arg3[%add3A_350, %add3A_500, %dma_wait3A_510] : memref<26x64x100000xf32, #tpu.memory_space<hbm>> -> memref<1x1x100000xf32, #tpu.memory_space<hbm>>
      %dma_wait3A_512 = tpu.memref_squeeze %dma_wait3A_511 : memref<1x1x100000xf32, #tpu.memory_space<hbm>> -> memref<100000xf32, #tpu.memory_space<hbm>>
      tpu.wait_dma2 semaphore(%arg11 : memref<!tpu.dma_semaphore, #tpu.memory_space<semaphore_mem>>) src(%dma_wait3A_512 : memref<100000xf32, #tpu.memory_space<hbm>>) dst(%arg6 : memref<100000xf32, #tpu.memory_space<vmem>>)
      %dma_wait3A_513 = arith.constant 0 : i32
      %dma_wait3A_514 = tpu.memref_slice %arg4[%add3A_350, %add3A_500, %dma_wait3A_513] : memref<26x64x16384xf32, #tpu.memory_space<hbm>> -> memref<1x1x4096xf32, #tpu.memory_space<hbm>>
      %dma_wait3A_515 = tpu.memref_squeeze %dma_wait3A_514 : memref<1x1x4096xf32, #tpu.memory_space<hbm>> -> memref<4096xf32, #tpu.memory_space<hbm>>
      %dma_wait3A_516 = arith.constant 0 : i32
      %dma_wait3A_517 = tpu.memref_slice %arg4[%add3A_350, %add3A_500, %dma_wait3A_516] : memref<26x64x16384xf32, #tpu.memory_space<hbm>> -> memref<1x1x4096xf32, #tpu.memory_space<hbm>>
      %dma_wait3A_518 = tpu.memref_squeeze %dma_wait3A_517 : memref<1x1x4096xf32, #tpu.memory_space<hbm>> -> memref<4096xf32, #tpu.memory_space<hbm>>
      tpu.wait_dma2 semaphore(%arg9 : memref<!tpu.dma_semaphore, #tpu.memory_space<semaphore_mem>>) src(%arg7 : memref<4096xf32, #tpu.memory_space<vmem>>) dst(%dma_wait3A_518 : memref<4096xf32, #tpu.memory_space<hbm>>)
      %parallel_loop3A_519 = arith.constant 0 : i32
      %parallel_loop3A_520 = arith.constant 256 : i32
      %parallel_loop3A_521 = arith.constant 1 : i32
      scf.for %parallel_loop3A_647 = %parallel_loop3A_519 to %parallel_loop3A_520 step %parallel_loop3A_521  : i32 {
        %parallel_loop3A_648 = arith.constant 16 : i32
        %parallel_loop3A_649 = arith.muli %parallel_loop3A_647, %parallel_loop3A_648 : i32
        %parallel_loop3A_650 = arith.constant 0 : i32
        %parallel_loop3A_651 = arith.addi %parallel_loop3A_650, %parallel_loop3A_649 : i32
        %parallel_loop3A_652 = arith.index_cast %parallel_loop3A_651 : i32 to index
        %parallel_loop3A_653 = tpu.vector_load %arg5[%parallel_loop3A_652] {strides = array<i32>} : memref<16384xi32, #tpu.memory_space<vmem>>, vector<16xi32>,
        %parallel_loop3A_654 = tpu.vector_load_idx %arg6[%parallel_loop3A_653] : memref<100000xf32, #tpu.memory_space<vmem>>[vector<16xi32>], vector<16xf32>,
        %parallel_loop3A_655 = arith.constant 16 : i32
        %parallel_loop3A_656 = arith.muli %parallel_loop3A_647, %parallel_loop3A_655 : i32
        %parallel_loop3A_657 = arith.index_cast %parallel_loop3A_656 : i32 to index
        %parallel_loop3A_658 = tpu.vector_load %arg7[%parallel_loop3A_657] {strides = array<i32>} : memref<4096xf32, #tpu.memory_space<vmem>>, vector<16xf32>,
        tpu.vector_store %arg7[%parallel_loop3A_657], %parallel_loop3A_654 {strides = array<i32>} : memref<4096xf32, #tpu.memory_space<vmem>>, vector<16xf32>,
      } {sc.loop_unroll_factor = 16 : i64, sc.parallel_access}
      %dma_start3A_522 = arith.constant 0 : i32
      %dma_start3A_523 = tpu.memref_slice %arg4[%add3A_350, %add3A_500, %dma_start3A_522] : memref<26x64x16384xf32, #tpu.memory_space<hbm>> -> memref<1x1x4096xf32, #tpu.memory_space<hbm>>
      %dma_start3A_524 = tpu.memref_squeeze %dma_start3A_523 : memref<1x1x4096xf32, #tpu.memory_space<hbm>> -> memref<4096xf32, #tpu.memory_space<hbm>>
      %dma_start3A_525 = arith.constant 0 : i32
      %dma_start3A_526 = tpu.memref_slice %arg4[%add3A_350, %add3A_500, %dma_start3A_525] : memref<26x64x16384xf32, #tpu.memory_space<hbm>> -> memref<1x1x4096xf32, #tpu.memory_space<hbm>>
      %dma_start3A_527 = tpu.memref_squeeze %dma_start3A_526 : memref<1x1x4096xf32, #tpu.memory_space<hbm>> -> memref<4096xf32, #tpu.memory_space<hbm>>
      tpu.enqueue_dma source(%arg7 : memref<4096xf32, #tpu.memory_space<vmem>>) target(%dma_start3A_527 : memref<4096xf32, #tpu.memory_space<hbm>>) target_semaphore(%arg9 : memref<!tpu.dma_semaphore, #tpu.memory_space<semaphore_mem>>)
      %dma_wait3A_528 = arith.constant 4096 : i32
      %dma_wait3A_529 = tpu.memref_slice %arg4[%add3A_350, %add3A_500, %dma_wait3A_528] : memref<26x64x16384xf32, #tpu.memory_space<hbm>> -> memref<1x1x4096xf32, #tpu.memory_space<hbm>>
      %dma_wait3A_530 = tpu.memref_squeeze %dma_wait3A_529 : memref<1x1x4096xf32, #tpu.memory_space<hbm>> -> memref<4096xf32, #tpu.memory_space<hbm>>
      %dma_wait3A_531 = arith.constant 4096 : i32
      %dma_wait3A_532 = tpu.memref_slice %arg4[%add3A_350, %add3A_500, %dma_wait3A_531] : memref<26x64x16384xf32, #tpu.memory_space<hbm>> -> memref<1x1x4096xf32, #tpu.memory_space<hbm>>
      %dma_wait3A_533 = tpu.memref_squeeze %dma_wait3A_532 : memref<1x1x4096xf32, #tpu.memory_space<hbm>> -> memref<4096xf32, #tpu.memory_space<hbm>>
      tpu.wait_dma2 semaphore(%arg10 : memref<!tpu.dma_semaphore, #tpu.memory_space<semaphore_mem>>) src(%arg8 : memref<4096xf32, #tpu.memory_space<vmem>>) dst(%dma_wait3A_533 : memref<4096xf32, #tpu.memory_space<hbm>>)
      %parallel_loop3A_534 = arith.constant 0 : i32
      %parallel_loop3A_535 = arith.constant 256 : i32
      %parallel_loop3A_536 = arith.constant 1 : i32
      scf.for %parallel_loop3A_647 = %parallel_loop3A_534 to %parallel_loop3A_535 step %parallel_loop3A_536  : i32 {
        %parallel_loop3A_648 = arith.constant 16 : i32
        %parallel_loop3A_649 = arith.muli %parallel_loop3A_647, %parallel_loop3A_648 : i32
        %parallel_loop3A_650 = arith.constant 4096 : i32
        %parallel_loop3A_651 = arith.addi %parallel_loop3A_650, %parallel_loop3A_649 : i32
        %parallel_loop3A_652 = arith.index_cast %parallel_loop3A_651 : i32 to index
        %parallel_loop3A_653 = tpu.vector_load %arg5[%parallel_loop3A_652] {strides = array<i32>} : memref<16384xi32, #tpu.memory_space<vmem>>, vector<16xi32>,
        %parallel_loop3A_654 = tpu.vector_load_idx %arg6[%parallel_loop3A_653] : memref<100000xf32, #tpu.memory_space<vmem>>[vector<16xi32>], vector<16xf32>,
        %parallel_loop3A_655 = arith.constant 16 : i32
        %parallel_loop3A_656 = arith.muli %parallel_loop3A_647, %parallel_loop3A_655 : i32
        %parallel_loop3A_657 = arith.index_cast %parallel_loop3A_656 : i32 to index
        %parallel_loop3A_658 = tpu.vector_load %arg8[%parallel_loop3A_657] {strides = array<i32>} : memref<4096xf32, #tpu.memory_space<vmem>>, vector<16xf32>,
        tpu.vector_store %arg8[%parallel_loop3A_657], %parallel_loop3A_654 {strides = array<i32>} : memref<4096xf32, #tpu.memory_space<vmem>>, vector<16xf32>,
      } {sc.loop_unroll_factor = 16 : i64, sc.parallel_access}
      %dma_start3A_537 = arith.constant 4096 : i32
      %dma_start3A_538 = tpu.memref_slice %arg4[%add3A_350, %add3A_500, %dma_start3A_537] : memref<26x64x16384xf32, #tpu.memory_space<hbm>> -> memref<1x1x4096xf32, #tpu.memory_space<hbm>>
      %dma_start3A_539 = tpu.memref_squeeze %dma_start3A_538 : memref<1x1x4096xf32, #tpu.memory_space<hbm>> -> memref<4096xf32, #tpu.memory_space<hbm>>
      %dma_start3A_540 = arith.constant 4096 : i32
      %dma_start3A_541 = tpu.memref_slice %arg4[%add3A_350, %add3A_500, %dma_start3A_540] : memref<26x64x16384xf32, #tpu.memory_space<hbm>> -> memref<1x1x4096xf32, #tpu.memory_space<hbm>>
      %dma_start3A_542 = tpu.memref_squeeze %dma_start3A_541 : memref<1x1x4096xf32, #tpu.memory_space<hbm>> -> memref<4096xf32, #tpu.memory_space<hbm>>
      tpu.enqueue_dma source(%arg8 : memref<4096xf32, #tpu.memory_space<vmem>>) target(%dma_start3A_542 : memref<4096xf32, #tpu.memory_space<hbm>>) target_semaphore(%arg10 : memref<!tpu.dma_semaphore, #tpu.memory_space<semaphore_mem>>)
      %dma_wait3A_543 = arith.constant 8192 : i32
      %dma_wait3A_544 = tpu.memref_slice %arg4[%add3A_350, %add3A_500, %dma_wait3A_543] : memref<26x64x16384xf32, #tpu.memory_space<hbm>> -> memref<1x1x4096xf32, #tpu.memory_space<hbm>>
      %dma_wait3A_545 = tpu.memref_squeeze %dma_wait3A_544 : memref<1x1x4096xf32, #tpu.memory_space<hbm>> -> memref<4096xf32, #tpu.memory_space<hbm>>
      %dma_wait3A_546 = arith.constant 8192 : i32
      %dma_wait3A_547 = tpu.memref_slice %arg4[%add3A_350, %add3A_500, %dma_wait3A_546] : memref<26x64x16384xf32, #tpu.memory_space<hbm>> -> memref<1x1x4096xf32, #tpu.memory_space<hbm>>
      %dma_wait3A_548 = tpu.memref_squeeze %dma_wait3A_547 : memref<1x1x4096xf32, #tpu.memory_space<hbm>> -> memref<4096xf32, #tpu.memory_space<hbm>>
      tpu.wait_dma2 semaphore(%arg9 : memref<!tpu.dma_semaphore, #tpu.memory_space<semaphore_mem>>) src(%arg7 : memref<4096xf32, #tpu.memory_space<vmem>>) dst(%dma_wait3A_548 : memref<4096xf32, #tpu.memory_space<hbm>>)
      %parallel_loop3A_549 = arith.constant 0 : i32
      %parallel_loop3A_550 = arith.constant 256 : i32
      %parallel_loop3A_551 = arith.constant 1 : i32
      scf.for %parallel_loop3A_647 = %parallel_loop3A_549 to %parallel_loop3A_550 step %parallel_loop3A_551  : i32 {
        %parallel_loop3A_648 = arith.constant 16 : i32
        %parallel_loop3A_649 = arith.muli %parallel_loop3A_647, %parallel_loop3A_648 : i32
        %parallel_loop3A_650 = arith.constant 8192 : i32
        %parallel_loop3A_651 = arith.addi %parallel_loop3A_650, %parallel_loop3A_649 : i32
        %parallel_loop3A_652 = arith.index_cast %parallel_loop3A_651 : i32 to index
        %parallel_loop3A_653 = tpu.vector_load %arg5[%parallel_loop3A_652] {strides = array<i32>} : memref<16384xi32, #tpu.memory_space<vmem>>, vector<16xi32>,
        %parallel_loop3A_654 = tpu.vector_load_idx %arg6[%parallel_loop3A_653] : memref<100000xf32, #tpu.memory_space<vmem>>[vector<16xi32>], vector<16xf32>,
        %parallel_loop3A_655 = arith.constant 16 : i32
        %parallel_loop3A_656 = arith.muli %parallel_loop3A_647, %parallel_loop3A_655 : i32
        %parallel_loop3A_657 = arith.index_cast %parallel_loop3A_656 : i32 to index
        %parallel_loop3A_658 = tpu.vector_load %arg7[%parallel_loop3A_657] {strides = array<i32>} : memref<4096xf32, #tpu.memory_space<vmem>>, vector<16xf32>,
        tpu.vector_store %arg7[%parallel_loop3A_657], %parallel_loop3A_654 {strides = array<i32>} : memref<4096xf32, #tpu.memory_space<vmem>>, vector<16xf32>,
      } {sc.loop_unroll_factor = 16 : i64, sc.parallel_access}
      %dma_start3A_552 = arith.constant 8192 : i32
      %dma_start3A_553 = tpu.memref_slice %arg4[%add3A_350, %add3A_500, %dma_start3A_552] : memref<26x64x16384xf32, #tpu.memory_space<hbm>> -> memref<1x1x4096xf32, #tpu.memory_space<hbm>>
      %dma_start3A_554 = tpu.memref_squeeze %dma_start3A_553 : memref<1x1x4096xf32, #tpu.memory_space<hbm>> -> memref<4096xf32, #tpu.memory_space<hbm>>
      %dma_start3A_555 = arith.constant 8192 : i32
      %dma_start3A_556 = tpu.memref_slice %arg4[%add3A_350, %add3A_500, %dma_start3A_555] : memref<26x64x16384xf32, #tpu.memory_space<hbm>> -> memref<1x1x4096xf32, #tpu.memory_space<hbm>>
      %dma_start3A_557 = tpu.memref_squeeze %dma_start3A_556 : memref<1x1x4096xf32, #tpu.memory_space<hbm>> -> memref<4096xf32, #tpu.memory_space<hbm>>
      tpu.enqueue_dma source(%arg7 : memref<4096xf32, #tpu.memory_space<vmem>>) target(%dma_start3A_557 : memref<4096xf32, #tpu.memory_space<hbm>>) target_semaphore(%arg9 : memref<!tpu.dma_semaphore, #tpu.memory_space<semaphore_mem>>)
      %dma_wait3A_558 = arith.constant 12288 : i32
      %dma_wait3A_559 = tpu.memref_slice %arg4[%add3A_350, %add3A_500, %dma_wait3A_558] : memref<26x64x16384xf32, #tpu.memory_space<hbm>> -> memref<1x1x4096xf32, #tpu.memory_space<hbm>>
      %dma_wait3A_560 = tpu.memref_squeeze %dma_wait3A_559 : memref<1x1x4096xf32, #tpu.memory_space<hbm>> -> memref<4096xf32, #tpu.memory_space<hbm>>
      %dma_wait3A_561 = arith.constant 12288 : i32
      %dma_wait3A_562 = tpu.memref_slice %arg4[%add3A_350, %add3A_500, %dma_wait3A_561] : memref<26x64x16384xf32, #tpu.memory_space<hbm>> -> memref<1x1x4096xf32, #tpu.memory_space<hbm>>
      %dma_wait3A_563 = tpu.memref_squeeze %dma_wait3A_562 : memref<1x1x4096xf32, #tpu.memory_space<hbm>> -> memref<4096xf32, #tpu.memory_space<hbm>>
      tpu.wait_dma2 semaphore(%arg10 : memref<!tpu.dma_semaphore, #tpu.memory_space<semaphore_mem>>) src(%arg8 : memref<4096xf32, #tpu.memory_space<vmem>>) dst(%dma_wait3A_563 : memref<4096xf32, #tpu.memory_space<hbm>>)
      %parallel_loop3A_564 = arith.constant 0 : i32
      %parallel_loop3A_565 = arith.constant 256 : i32
      %parallel_loop3A_566 = arith.constant 1 : i32
      scf.for %parallel_loop3A_647 = %parallel_loop3A_564 to %parallel_loop3A_565 step %parallel_loop3A_566  : i32 {
        %parallel_loop3A_648 = arith.constant 16 : i32
        %parallel_loop3A_649 = arith.muli %parallel_loop3A_647, %parallel_loop3A_648 : i32
        %parallel_loop3A_650 = arith.constant 12288 : i32
        %parallel_loop3A_651 = arith.addi %parallel_loop3A_650, %parallel_loop3A_649 : i32
        %parallel_loop3A_652 = arith.index_cast %parallel_loop3A_651 : i32 to index
        %parallel_loop3A_653 = tpu.vector_load %arg5[%parallel_loop3A_652] {strides = array<i32>} : memref<16384xi32, #tpu.memory_space<vmem>>, vector<16xi32>,
        %parallel_loop3A_654 = tpu.vector_load_idx %arg6[%parallel_loop3A_653] : memref<100000xf32, #tpu.memory_space<vmem>>[vector<16xi32>], vector<16xf32>,
        %parallel_loop3A_655 = arith.constant 16 : i32
        %parallel_loop3A_656 = arith.muli %parallel_loop3A_647, %parallel_loop3A_655 : i32
        %parallel_loop3A_657 = arith.index_cast %parallel_loop3A_656 : i32 to index
        %parallel_loop3A_658 = tpu.vector_load %arg8[%parallel_loop3A_657] {strides = array<i32>} : memref<4096xf32, #tpu.memory_space<vmem>>, vector<16xf32>,
        tpu.vector_store %arg8[%parallel_loop3A_657], %parallel_loop3A_654 {strides = array<i32>} : memref<4096xf32, #tpu.memory_space<vmem>>, vector<16xf32>,
      } {sc.loop_unroll_factor = 16 : i64, sc.parallel_access}
      %dma_start3A_567 = arith.constant 12288 : i32
      %dma_start3A_568 = tpu.memref_slice %arg4[%add3A_350, %add3A_500, %dma_start3A_567] : memref<26x64x16384xf32, #tpu.memory_space<hbm>> -> memref<1x1x4096xf32, #tpu.memory_space<hbm>>
      %dma_start3A_569 = tpu.memref_squeeze %dma_start3A_568 : memref<1x1x4096xf32, #tpu.memory_space<hbm>> -> memref<4096xf32, #tpu.memory_space<hbm>>
      %dma_start3A_570 = arith.constant 12288 : i32
      %dma_start3A_571 = tpu.memref_slice %arg4[%add3A_350, %add3A_500, %dma_start3A_570] : memref<26x64x16384xf32, #tpu.memory_space<hbm>> -> memref<1x1x4096xf32, #tpu.memory_space<hbm>>
      %dma_start3A_572 = tpu.memref_squeeze %dma_start3A_571 : memref<1x1x4096xf32, #tpu.memory_space<hbm>> -> memref<4096xf32, #tpu.memory_space<hbm>>
      tpu.enqueue_dma source(%arg8 : memref<4096xf32, #tpu.memory_space<vmem>>) target(%dma_start3A_572 : memref<4096xf32, #tpu.memory_space<hbm>>) target_semaphore(%arg10 : memref<!tpu.dma_semaphore, #tpu.memory_space<semaphore_mem>>)
      %add3A_573 = arith.constant 3 : i32
      %add3A_574 = arith.addi %mul3A_11, %add3A_573 : i32
      %dma_start3A_575 = arith.constant 0 : i32
      %dma_start3A_576 = tpu.memref_slice %arg3[%add3A_350, %add3A_574, %dma_start3A_575] : memref<26x64x100000xf32, #tpu.memory_space<hbm>> -> memref<1x1x100000xf32, #tpu.memory_space<hbm>>
      %dma_start3A_577 = tpu.memref_squeeze %dma_start3A_576 : memref<1x1x100000xf32, #tpu.memory_space<hbm>> -> memref<100000xf32, #tpu.memory_space<hbm>>
      %dma_start3A_578 = arith.constant 0 : i32
      %dma_start3A_579 = tpu.memref_slice %arg3[%add3A_350, %add3A_574, %dma_start3A_578] : memref<26x64x100000xf32, #tpu.memory_space<hbm>> -> memref<1x1x100000xf32, #tpu.memory_space<hbm>>
      %dma_start3A_580 = tpu.memref_squeeze %dma_start3A_579 : memref<1x1x100000xf32, #tpu.memory_space<hbm>> -> memref<100000xf32, #tpu.memory_space<hbm>>
      tpu.enqueue_dma source(%dma_start3A_580 : memref<100000xf32, #tpu.memory_space<hbm>>) target(%arg6 : memref<100000xf32, #tpu.memory_space<vmem>>) target_semaphore(%arg11 : memref<!tpu.dma_semaphore, #tpu.memory_space<semaphore_mem>>)
      %dma_wait3A_581 = arith.constant 0 : i32
      %dma_wait3A_582 = tpu.memref_slice %arg3[%add3A_350, %add3A_574, %dma_wait3A_581] : memref<26x64x100000xf32, #tpu.memory_space<hbm>> -> memref<1x1x100000xf32, #tpu.memory_space<hbm>>
      %dma_wait3A_583 = tpu.memref_squeeze %dma_wait3A_582 : memref<1x1x100000xf32, #tpu.memory_space<hbm>> -> memref<100000xf32, #tpu.memory_space<hbm>>
      %dma_wait3A_584 = arith.constant 0 : i32
      %dma_wait3A_585 = tpu.memref_slice %arg3[%add3A_350, %add3A_574, %dma_wait3A_584] : memref<26x64x100000xf32, #tpu.memory_space<hbm>> -> memref<1x1x100000xf32, #tpu.memory_space<hbm>>
      %dma_wait3A_586 = tpu.memref_squeeze %dma_wait3A_585 : memref<1x1x100000xf32, #tpu.memory_space<hbm>> -> memref<100000xf32, #tpu.memory_space<hbm>>
      tpu.wait_dma2 semaphore(%arg11 : memref<!tpu.dma_semaphore, #tpu.memory_space<semaphore_mem>>) src(%dma_wait3A_586 : memref<100000xf32, #tpu.memory_space<hbm>>) dst(%arg6 : memref<100000xf32, #tpu.memory_space<vmem>>)
      %dma_wait3A_587 = arith.constant 0 : i32
      %dma_wait3A_588 = tpu.memref_slice %arg4[%add3A_350, %add3A_574, %dma_wait3A_587] : memref<26x64x16384xf32, #tpu.memory_space<hbm>> -> memref<1x1x4096xf32, #tpu.memory_space<hbm>>
      %dma_wait3A_589 = tpu.memref_squeeze %dma_wait3A_588 : memref<1x1x4096xf32, #tpu.memory_space<hbm>> -> memref<4096xf32, #tpu.memory_space<hbm>>
      %dma_wait3A_590 = arith.constant 0 : i32
      %dma_wait3A_591 = tpu.memref_slice %arg4[%add3A_350, %add3A_574, %dma_wait3A_590] : memref<26x64x16384xf32, #tpu.memory_space<hbm>> -> memref<1x1x4096xf32, #tpu.memory_space<hbm>>
      %dma_wait3A_592 = tpu.memref_squeeze %dma_wait3A_591 : memref<1x1x4096xf32, #tpu.memory_space<hbm>> -> memref<4096xf32, #tpu.memory_space<hbm>>
      tpu.wait_dma2 semaphore(%arg9 : memref<!tpu.dma_semaphore, #tpu.memory_space<semaphore_mem>>) src(%arg7 : memref<4096xf32, #tpu.memory_space<vmem>>) dst(%dma_wait3A_592 : memref<4096xf32, #tpu.memory_space<hbm>>)
      %parallel_loop3A_593 = arith.constant 0 : i32
      %parallel_loop3A_594 = arith.constant 256 : i32
      %parallel_loop3A_595 = arith.constant 1 : i32
      scf.for %parallel_loop3A_647 = %parallel_loop3A_593 to %parallel_loop3A_594 step %parallel_loop3A_595  : i32 {
        %parallel_loop3A_648 = arith.constant 16 : i32
        %parallel_loop3A_649 = arith.muli %parallel_loop3A_647, %parallel_loop3A_648 : i32
        %parallel_loop3A_650 = arith.constant 0 : i32
        %parallel_loop3A_651 = arith.addi %parallel_loop3A_650, %parallel_loop3A_649 : i32
        %parallel_loop3A_652 = arith.index_cast %parallel_loop3A_651 : i32 to index
        %parallel_loop3A_653 = tpu.vector_load %arg5[%parallel_loop3A_652] {strides = array<i32>} : memref<16384xi32, #tpu.memory_space<vmem>>, vector<16xi32>,
        %parallel_loop3A_654 = tpu.vector_load_idx %arg6[%parallel_loop3A_653] : memref<100000xf32, #tpu.memory_space<vmem>>[vector<16xi32>], vector<16xf32>,
        %parallel_loop3A_655 = arith.constant 16 : i32
        %parallel_loop3A_656 = arith.muli %parallel_loop3A_647, %parallel_loop3A_655 : i32
        %parallel_loop3A_657 = arith.index_cast %parallel_loop3A_656 : i32 to index
        %parallel_loop3A_658 = tpu.vector_load %arg7[%parallel_loop3A_657] {strides = array<i32>} : memref<4096xf32, #tpu.memory_space<vmem>>, vector<16xf32>,
        tpu.vector_store %arg7[%parallel_loop3A_657], %parallel_loop3A_654 {strides = array<i32>} : memref<4096xf32, #tpu.memory_space<vmem>>, vector<16xf32>,
      } {sc.loop_unroll_factor = 16 : i64, sc.parallel_access}
      %dma_start3A_596 = arith.constant 0 : i32
      %dma_start3A_597 = tpu.memref_slice %arg4[%add3A_350, %add3A_574, %dma_start3A_596] : memref<26x64x16384xf32, #tpu.memory_space<hbm>> -> memref<1x1x4096xf32, #tpu.memory_space<hbm>>
      %dma_start3A_598 = tpu.memref_squeeze %dma_start3A_597 : memref<1x1x4096xf32, #tpu.memory_space<hbm>> -> memref<4096xf32, #tpu.memory_space<hbm>>
      %dma_start3A_599 = arith.constant 0 : i32
      %dma_start3A_600 = tpu.memref_slice %arg4[%add3A_350, %add3A_574, %dma_start3A_599] : memref<26x64x16384xf32, #tpu.memory_space<hbm>> -> memref<1x1x4096xf32, #tpu.memory_space<hbm>>
      %dma_start3A_601 = tpu.memref_squeeze %dma_start3A_600 : memref<1x1x4096xf32, #tpu.memory_space<hbm>> -> memref<4096xf32, #tpu.memory_space<hbm>>
      tpu.enqueue_dma source(%arg7 : memref<4096xf32, #tpu.memory_space<vmem>>) target(%dma_start3A_601 : memref<4096xf32, #tpu.memory_space<hbm>>) target_semaphore(%arg9 : memref<!tpu.dma_semaphore, #tpu.memory_space<semaphore_mem>>)
      %dma_wait3A_602 = arith.constant 4096 : i32
      %dma_wait3A_603 = tpu.memref_slice %arg4[%add3A_350, %add3A_574, %dma_wait3A_602] : memref<26x64x16384xf32, #tpu.memory_space<hbm>> -> memref<1x1x4096xf32, #tpu.memory_space<hbm>>
      %dma_wait3A_604 = tpu.memref_squeeze %dma_wait3A_603 : memref<1x1x4096xf32, #tpu.memory_space<hbm>> -> memref<4096xf32, #tpu.memory_space<hbm>>
      %dma_wait3A_605 = arith.constant 4096 : i32
      %dma_wait3A_606 = tpu.memref_slice %arg4[%add3A_350, %add3A_574, %dma_wait3A_605] : memref<26x64x16384xf32, #tpu.memory_space<hbm>> -> memref<1x1x4096xf32, #tpu.memory_space<hbm>>
      %dma_wait3A_607 = tpu.memref_squeeze %dma_wait3A_606 : memref<1x1x4096xf32, #tpu.memory_space<hbm>> -> memref<4096xf32, #tpu.memory_space<hbm>>
      tpu.wait_dma2 semaphore(%arg10 : memref<!tpu.dma_semaphore, #tpu.memory_space<semaphore_mem>>) src(%arg8 : memref<4096xf32, #tpu.memory_space<vmem>>) dst(%dma_wait3A_607 : memref<4096xf32, #tpu.memory_space<hbm>>)
      %parallel_loop3A_608 = arith.constant 0 : i32
      %parallel_loop3A_609 = arith.constant 256 : i32
      %parallel_loop3A_610 = arith.constant 1 : i32
      scf.for %parallel_loop3A_647 = %parallel_loop3A_608 to %parallel_loop3A_609 step %parallel_loop3A_610  : i32 {
        %parallel_loop3A_648 = arith.constant 16 : i32
        %parallel_loop3A_649 = arith.muli %parallel_loop3A_647, %parallel_loop3A_648 : i32
        %parallel_loop3A_650 = arith.constant 4096 : i32
        %parallel_loop3A_651 = arith.addi %parallel_loop3A_650, %parallel_loop3A_649 : i32
        %parallel_loop3A_652 = arith.index_cast %parallel_loop3A_651 : i32 to index
        %parallel_loop3A_653 = tpu.vector_load %arg5[%parallel_loop3A_652] {strides = array<i32>} : memref<16384xi32, #tpu.memory_space<vmem>>, vector<16xi32>,
        %parallel_loop3A_654 = tpu.vector_load_idx %arg6[%parallel_loop3A_653] : memref<100000xf32, #tpu.memory_space<vmem>>[vector<16xi32>], vector<16xf32>,
        %parallel_loop3A_655 = arith.constant 16 : i32
        %parallel_loop3A_656 = arith.muli %parallel_loop3A_647, %parallel_loop3A_655 : i32
        %parallel_loop3A_657 = arith.index_cast %parallel_loop3A_656 : i32 to index
        %parallel_loop3A_658 = tpu.vector_load %arg8[%parallel_loop3A_657] {strides = array<i32>} : memref<4096xf32, #tpu.memory_space<vmem>>, vector<16xf32>,
        tpu.vector_store %arg8[%parallel_loop3A_657], %parallel_loop3A_654 {strides = array<i32>} : memref<4096xf32, #tpu.memory_space<vmem>>, vector<16xf32>,
      } {sc.loop_unroll_factor = 16 : i64, sc.parallel_access}
      %dma_start3A_611 = arith.constant 4096 : i32
      %dma_start3A_612 = tpu.memref_slice %arg4[%add3A_350, %add3A_574, %dma_start3A_611] : memref<26x64x16384xf32, #tpu.memory_space<hbm>> -> memref<1x1x4096xf32, #tpu.memory_space<hbm>>
      %dma_start3A_613 = tpu.memref_squeeze %dma_start3A_612 : memref<1x1x4096xf32, #tpu.memory_space<hbm>> -> memref<4096xf32, #tpu.memory_space<hbm>>
      %dma_start3A_614 = arith.constant 4096 : i32
      %dma_start3A_615 = tpu.memref_slice %arg4[%add3A_350, %add3A_574, %dma_start3A_614] : memref<26x64x16384xf32, #tpu.memory_space<hbm>> -> memref<1x1x4096xf32, #tpu.memory_space<hbm>>
      %dma_start3A_616 = tpu.memref_squeeze %dma_start3A_615 : memref<1x1x4096xf32, #tpu.memory_space<hbm>> -> memref<4096xf32, #tpu.memory_space<hbm>>
      tpu.enqueue_dma source(%arg8 : memref<4096xf32, #tpu.memory_space<vmem>>) target(%dma_start3A_616 : memref<4096xf32, #tpu.memory_space<hbm>>) target_semaphore(%arg10 : memref<!tpu.dma_semaphore, #tpu.memory_space<semaphore_mem>>)
      %dma_wait3A_617 = arith.constant 8192 : i32
      %dma_wait3A_618 = tpu.memref_slice %arg4[%add3A_350, %add3A_574, %dma_wait3A_617] : memref<26x64x16384xf32, #tpu.memory_space<hbm>> -> memref<1x1x4096xf32, #tpu.memory_space<hbm>>
      %dma_wait3A_619 = tpu.memref_squeeze %dma_wait3A_618 : memref<1x1x4096xf32, #tpu.memory_space<hbm>> -> memref<4096xf32, #tpu.memory_space<hbm>>
      %dma_wait3A_620 = arith.constant 8192 : i32
      %dma_wait3A_621 = tpu.memref_slice %arg4[%add3A_350, %add3A_574, %dma_wait3A_620] : memref<26x64x16384xf32, #tpu.memory_space<hbm>> -> memref<1x1x4096xf32, #tpu.memory_space<hbm>>
      %dma_wait3A_622 = tpu.memref_squeeze %dma_wait3A_621 : memref<1x1x4096xf32, #tpu.memory_space<hbm>> -> memref<4096xf32, #tpu.memory_space<hbm>>
      tpu.wait_dma2 semaphore(%arg9 : memref<!tpu.dma_semaphore, #tpu.memory_space<semaphore_mem>>) src(%arg7 : memref<4096xf32, #tpu.memory_space<vmem>>) dst(%dma_wait3A_622 : memref<4096xf32, #tpu.memory_space<hbm>>)
      %parallel_loop3A_623 = arith.constant 0 : i32
      %parallel_loop3A_624 = arith.constant 256 : i32
      %parallel_loop3A_625 = arith.constant 1 : i32
      scf.for %parallel_loop3A_647 = %parallel_loop3A_623 to %parallel_loop3A_624 step %parallel_loop3A_625  : i32 {
        %parallel_loop3A_648 = arith.constant 16 : i32
        %parallel_loop3A_649 = arith.muli %parallel_loop3A_647, %parallel_loop3A_648 : i32
        %parallel_loop3A_650 = arith.constant 8192 : i32
        %parallel_loop3A_651 = arith.addi %parallel_loop3A_650, %parallel_loop3A_649 : i32
        %parallel_loop3A_652 = arith.index_cast %parallel_loop3A_651 : i32 to index
        %parallel_loop3A_653 = tpu.vector_load %arg5[%parallel_loop3A_652] {strides = array<i32>} : memref<16384xi32, #tpu.memory_space<vmem>>, vector<16xi32>,
        %parallel_loop3A_654 = tpu.vector_load_idx %arg6[%parallel_loop3A_653] : memref<100000xf32, #tpu.memory_space<vmem>>[vector<16xi32>], vector<16xf32>,
        %parallel_loop3A_655 = arith.constant 16 : i32
        %parallel_loop3A_656 = arith.muli %parallel_loop3A_647, %parallel_loop3A_655 : i32
        %parallel_loop3A_657 = arith.index_cast %parallel_loop3A_656 : i32 to index
        %parallel_loop3A_658 = tpu.vector_load %arg7[%parallel_loop3A_657] {strides = array<i32>} : memref<4096xf32, #tpu.memory_space<vmem>>, vector<16xf32>,
        tpu.vector_store %arg7[%parallel_loop3A_657], %parallel_loop3A_654 {strides = array<i32>} : memref<4096xf32, #tpu.memory_space<vmem>>, vector<16xf32>,
      } {sc.loop_unroll_factor = 16 : i64, sc.parallel_access}
      %dma_start3A_626 = arith.constant 8192 : i32
      %dma_start3A_627 = tpu.memref_slice %arg4[%add3A_350, %add3A_574, %dma_start3A_626] : memref<26x64x16384xf32, #tpu.memory_space<hbm>> -> memref<1x1x4096xf32, #tpu.memory_space<hbm>>
      %dma_start3A_628 = tpu.memref_squeeze %dma_start3A_627 : memref<1x1x4096xf32, #tpu.memory_space<hbm>> -> memref<4096xf32, #tpu.memory_space<hbm>>
      %dma_start3A_629 = arith.constant 8192 : i32
      %dma_start3A_630 = tpu.memref_slice %arg4[%add3A_350, %add3A_574, %dma_start3A_629] : memref<26x64x16384xf32, #tpu.memory_space<hbm>> -> memref<1x1x4096xf32, #tpu.memory_space<hbm>>
      %dma_start3A_631 = tpu.memref_squeeze %dma_start3A_630 : memref<1x1x4096xf32, #tpu.memory_space<hbm>> -> memref<4096xf32, #tpu.memory_space<hbm>>
      tpu.enqueue_dma source(%arg7 : memref<4096xf32, #tpu.memory_space<vmem>>) target(%dma_start3A_631 : memref<4096xf32, #tpu.memory_space<hbm>>) target_semaphore(%arg9 : memref<!tpu.dma_semaphore, #tpu.memory_space<semaphore_mem>>)
      %dma_wait3A_632 = arith.constant 12288 : i32
      %dma_wait3A_633 = tpu.memref_slice %arg4[%add3A_350, %add3A_574, %dma_wait3A_632] : memref<26x64x16384xf32, #tpu.memory_space<hbm>> -> memref<1x1x4096xf32, #tpu.memory_space<hbm>>
      %dma_wait3A_634 = tpu.memref_squeeze %dma_wait3A_633 : memref<1x1x4096xf32, #tpu.memory_space<hbm>> -> memref<4096xf32, #tpu.memory_space<hbm>>
      %dma_wait3A_635 = arith.constant 12288 : i32
      %dma_wait3A_636 = tpu.memref_slice %arg4[%add3A_350, %add3A_574, %dma_wait3A_635] : memref<26x64x16384xf32, #tpu.memory_space<hbm>> -> memref<1x1x4096xf32, #tpu.memory_space<hbm>>
      %dma_wait3A_637 = tpu.memref_squeeze %dma_wait3A_636 : memref<1x1x4096xf32, #tpu.memory_space<hbm>> -> memref<4096xf32, #tpu.memory_space<hbm>>
      tpu.wait_dma2 semaphore(%arg10 : memref<!tpu.dma_semaphore, #tpu.memory_space<semaphore_mem>>) src(%arg8 : memref<4096xf32, #tpu.memory_space<vmem>>) dst(%dma_wait3A_637 : memref<4096xf32, #tpu.memory_space<hbm>>)
      %parallel_loop3A_638 = arith.constant 0 : i32
      %parallel_loop3A_639 = arith.constant 256 : i32
      %parallel_loop3A_640 = arith.constant 1 : i32
      scf.for %parallel_loop3A_647 = %parallel_loop3A_638 to %parallel_loop3A_639 step %parallel_loop3A_640  : i32 {
        %parallel_loop3A_648 = arith.constant 16 : i32
        %parallel_loop3A_649 = arith.muli %parallel_loop3A_647, %parallel_loop3A_648 : i32
        %parallel_loop3A_650 = arith.constant 12288 : i32
        %parallel_loop3A_651 = arith.addi %parallel_loop3A_650, %parallel_loop3A_649 : i32
        %parallel_loop3A_652 = arith.index_cast %parallel_loop3A_651 : i32 to index
        %parallel_loop3A_653 = tpu.vector_load %arg5[%parallel_loop3A_652] {strides = array<i32>} : memref<16384xi32, #tpu.memory_space<vmem>>, vector<16xi32>,
        %parallel_loop3A_654 = tpu.vector_load_idx %arg6[%parallel_loop3A_653] : memref<100000xf32, #tpu.memory_space<vmem>>[vector<16xi32>], vector<16xf32>,
        %parallel_loop3A_655 = arith.constant 16 : i32
        %parallel_loop3A_656 = arith.muli %parallel_loop3A_647, %parallel_loop3A_655 : i32
        %parallel_loop3A_657 = arith.index_cast %parallel_loop3A_656 : i32 to index
        %parallel_loop3A_658 = tpu.vector_load %arg8[%parallel_loop3A_657] {strides = array<i32>} : memref<4096xf32, #tpu.memory_space<vmem>>, vector<16xf32>,
        tpu.vector_store %arg8[%parallel_loop3A_657], %parallel_loop3A_654 {strides = array<i32>} : memref<4096xf32, #tpu.memory_space<vmem>>, vector<16xf32>,
      } {sc.loop_unroll_factor = 16 : i64, sc.parallel_access}
      %dma_start3A_641 = arith.constant 12288 : i32
      %dma_start3A_642 = tpu.memref_slice %arg4[%add3A_350, %add3A_574, %dma_start3A_641] : memref<26x64x16384xf32, #tpu.memory_space<hbm>> -> memref<1x1x4096xf32, #tpu.memory_space<hbm>>
      %dma_start3A_643 = tpu.memref_squeeze %dma_start3A_642 : memref<1x1x4096xf32, #tpu.memory_space<hbm>> -> memref<4096xf32, #tpu.memory_space<hbm>>
      %dma_start3A_644 = arith.constant 12288 : i32
      %dma_start3A_645 = tpu.memref_slice %arg4[%add3A_350, %add3A_574, %dma_start3A_644] : memref<26x64x16384xf32, #tpu.memory_space<hbm>> -> memref<1x1x4096xf32, #tpu.memory_space<hbm>>
      %dma_start3A_646 = tpu.memref_squeeze %dma_start3A_645 : memref<1x1x4096xf32, #tpu.memory_space<hbm>> -> memref<4096xf32, #tpu.memory_space<hbm>>
      tpu.enqueue_dma source(%arg8 : memref<4096xf32, #tpu.memory_space<vmem>>) target(%dma_start3A_646 : memref<4096xf32, #tpu.memory_space<hbm>>) target_semaphore(%arg10 : memref<!tpu.dma_semaphore, #tpu.memory_space<semaphore_mem>>)
    }
    %scan3A_320 = arith.constant 12 : i32
    %add3A_321 = arith.constant 13 : i32
    %add3A_322 = arith.addi %mul3A_34, %add3A_321 : i32
    %sub3A_323 = arith.constant 1 : i32
    %sub3A_324 = arith.subi %add3A_322, %sub3A_323 : i32
    %add3A_325 = arith.constant 4 : i32
    %add3A_326 = arith.addi %mul3A_11, %add3A_325 : i32
    %sub3A_327 = arith.constant 1 : i32
    %sub3A_328 = arith.subi %add3A_326, %sub3A_327 : i32
    %dma_wait3A_329 = arith.constant 8192 : i32
    %dma_wait3A_330 = tpu.memref_slice %arg4[%sub3A_324, %sub3A_328, %dma_wait3A_329] : memref<26x64x16384xf32, #tpu.memory_space<hbm>> -> memref<1x1x4096xf32, #tpu.memory_space<hbm>>
    %dma_wait3A_331 = tpu.memref_squeeze %dma_wait3A_330 : memref<1x1x4096xf32, #tpu.memory_space<hbm>> -> memref<4096xf32, #tpu.memory_space<hbm>>
    %dma_wait3A_332 = arith.constant 8192 : i32
    %dma_wait3A_333 = tpu.memref_slice %arg4[%sub3A_324, %sub3A_328, %dma_wait3A_332] : memref<26x64x16384xf32, #tpu.memory_space<hbm>> -> memref<1x1x4096xf32, #tpu.memory_space<hbm>>
    %dma_wait3A_334 = tpu.memref_squeeze %dma_wait3A_333 : memref<1x1x4096xf32, #tpu.memory_space<hbm>> -> memref<4096xf32, #tpu.memory_space<hbm>>
    tpu.wait_dma2 semaphore(%arg9 : memref<!tpu.dma_semaphore, #tpu.memory_space<semaphore_mem>>) src(%arg7 : memref<4096xf32, #tpu.memory_space<vmem>>) dst(%dma_wait3A_334 : memref<4096xf32, #tpu.memory_space<hbm>>)
    %add3A_335 = arith.constant 13 : i32
    %add3A_336 = arith.addi %mul3A_34, %add3A_335 : i32
    %sub3A_337 = arith.constant 1 : i32
    %sub3A_338 = arith.subi %add3A_336, %sub3A_337 : i32
    %add3A_339 = arith.constant 4 : i32
    %add3A_340 = arith.addi %mul3A_11, %add3A_339 : i32
    %sub3A_341 = arith.constant 1 : i32
    %sub3A_342 = arith.subi %add3A_340, %sub3A_341 : i32
    %dma_wait3A_343 = arith.constant 12288 : i32
    %dma_wait3A_344 = tpu.memref_slice %arg4[%sub3A_338, %sub3A_342, %dma_wait3A_343] : memref<26x64x16384xf32, #tpu.memory_space<hbm>> -> memref<1x1x4096xf32, #tpu.memory_space<hbm>>
    %dma_wait3A_345 = tpu.memref_squeeze %dma_wait3A_344 : memref<1x1x4096xf32, #tpu.memory_space<hbm>> -> memref<4096xf32, #tpu.memory_space<hbm>>
    %dma_wait3A_346 = arith.constant 12288 : i32
    %dma_wait3A_347 = tpu.memref_slice %arg4[%sub3A_338, %sub3A_342, %dma_wait3A_346] : memref<26x64x16384xf32, #tpu.memory_space<hbm>> -> memref<1x1x4096xf32, #tpu.memory_space<hbm>>
    %dma_wait3A_348 = tpu.memref_squeeze %dma_wait3A_347 : memref<1x1x4096xf32, #tpu.memory_space<hbm>> -> memref<4096xf32, #tpu.memory_space<hbm>>
    tpu.wait_dma2 semaphore(%arg10 : memref<!tpu.dma_semaphore, #tpu.memory_space<semaphore_mem>>) src(%arg8 : memref<4096xf32, #tpu.memory_space<vmem>>) dst(%dma_wait3A_348 : memref<4096xf32, #tpu.memory_space<hbm>>)
    return
  }
}

</mosaic_0001>

<sc_bundles>
// kernel: _embed.3.cloned.1.call-start
scs
__scs_entry_jumppad:
0x0: {  	(pc) =	sbr.rel $0x88, $3  }
0x1: {  	(tag) =	ssettag $0x0;
	lr =	simm.s32 $0x1  }
0x2: {  	[smem:$0x3F9F] =	sst lr;
	_ =	strace $0xD0000000  }
0x3: {  	_ = 	snop  }
0x4: {  	_ = 	snop  }
0x5: {  	_ = 	snop  }
0x6: {  	_ = 	snop  }
0x7: {  	_ = 	snop  }
__scs_overlays_trampoline_lowered:
0x8: {  	[smem:$0x3FAE] =	sst s0  }
0x9: {  	[smem:$0x3FAF] =	sst s1  }
0xa: {  	[smem:$0x3FB0] =	sst s2  }
0xb: {  	[smem:$0x3FB1] =	sst s3  }
0xc: {  	[smem:$0x3FB2] =	sst s4  }
0xd: {  	[smem:$0x3FB3] =	sst s5  }
0xe: {  	[smem:$0x3FB4] =	sst s6  }
0xf: {  	[smem:$0x3FB5] =	sst s7  }
0x10: {  	[smem:$0x3FB6] =	sst s8  }
0x11: {  	[smem:$0x3FB7] =	sst s9;
	s0 =	simm.s32 @!p0 $0x0  }
0x12: {  	s1 =	sld [smem:$0x3F9D];
	s0 =	simm.s32 @p0 $0x1  }
0x13: {  	[smem:$0x3FB8] =	sst s0;
	s0 =	simm.s32 @!p1 $0x0  }
0x14: {  	s2 =	sld [smem:$0x3F9C];
	s0 =	simm.s32 @p1 $0x1  }
0x15: {  	[smem:$0x3FB9] =	sst s0;
	s0 =	simm.s32 @!p2 $0x0  }
0x16: {  	s3 =	sld [smem:$0x3FDB];
	s0 =	simm.s32 @p2 $0x1  }
0x17: {  	s4 =	simm.s32 $0x1BF5;
	[smem:$0x3FBB] =	sst s0  }
0x18: {  	s0 =	sld [smem:$0x3F9E];
	_ =	swait.ge [sflag:s4], $0x0  }
0x19: {  	s7 =	sld [smem:$0x3F9F]  }
0x1a: {  	s8 =	sadd.s32 $0xFFFFE003, lr  }
0x1b: {  	s9 =	sadd.s32 $0xFFFFFEF7, lr;
	s5 =	simm.s32 $0xFFFFFFFF;
	p2 =	slt.u32 s8, $0xFFFFF086  }
0x1c: {  	p1 =	slt.u32 s9, $0xF7A;
	s5 =	simm.s32 @!p2 $0x0  }
0x1d: {  	s5 =	simm.s32 @p1 $0x1;
	p0 =	seq.s32 s7, s2  }
0x1e: {  	s7 =	smul.u32 @!p0 $0xF7A, s2;
	p2 =	seq.s32 @!p0 s5, $0x0  }
0x1f: {  	s9 =	smul.u32 $0xF7A, s1;
	s8 =	simm.s32 @!p0 $0x1BF5;
	p2 =	por !p2, p0  }
0x20: {  	[sflag:s8] =	ssyncset.s32 @!p0 $0xFFFFF086;
	s6 =	sadd.s32 @!p0 s3, s7;
	s7 =	simm.s32 @!p0 $0x108  }
0x21: {  	s3 =	sadd.s32 s3, s9;
	s6 =	sadd.s32 @!p0 $0x88, s6;
	s7 =	simm.s32 @p2 $0x1082  }
0x22: {  	[simem:s7], [sflag:s8] =	dma.local @!p0 [hbm:s6], $0xF7A  }
0x23: {  	s9 =	sor.u32 $0xD0000000, s2;
	s6 =	simm.s32 $0x108;
	_ =	swait.ge @!p0 [sflag:s8], $0x0  }
0x24: {  	s3 =	sadd.s32 $0x88, s3;
	s6 =	simm.s32 @!p1 $0x1082;
	[sflag:s4] =	ssyncset.s32 $0xFFFFF086  }
0x25: {  	[simem:s6], [sflag:s4] =	dma.local [hbm:s3], $0xF7A  }
0x26: {  	[smem:$0x3F9F] =	sst s1;
	(tag) =	ssettag s2;
	_ =	strace s9  }
0x27: {  	s1 =	sld [smem:$0x3FAF]  }
0x28: {  	s2 =	sld [smem:$0x3FB0]  }
0x29: {  	s4 =	sld [smem:$0x3FB2]  }
0x2a: {  	p0 =	seq.s32 s5, $0x0;
	s5 =	sld [smem:$0x3FB3]  }
0x2b: {  	s6 =	sld [smem:$0x3FB4]  }
0x2c: {  	s7 =	sld [smem:$0x3FB5]  }
0x2d: {  	s3 =	simm.s32 $0x108;
	s8 =	sld [smem:$0x3FB6]  }
0x2e: {  	s3 =	simm.s32 @!p0 $0x1082;
	s9 =	sld [smem:$0x3FB7]  }
0x2f: {  	lr =	sadd.s32 s0, s3;
	s0 =	sld [smem:$0x3FAE]  }
0x30: {  	s3 =	sld [smem:$0x3FB1]  }
0x31: {  	[smem:$0x3FBA] =	sst s10  }
0x32: {  	s10 =	sld [smem:$0x3FB8];
	_ =	sdelay $0x3  }
0x33: {  	p0 =	seq.s32 s10, $0x1;
	s10 =	sld [smem:$0x3FBA];
	_ =	sdelay $0x3  }
0x34: {  	[smem:$0x3FBA] =	sst s10  }
0x35: {  	s10 =	sld [smem:$0x3FB9];
	_ =	sdelay $0x3  }
0x36: {  	p1 =	seq.s32 s10, $0x1;
	s10 =	sld [smem:$0x3FBA];
	_ =	sdelay $0x3  }
0x37: {  	[smem:$0x3FBA] =	sst s10  }
0x38: {  	s10 =	sld [smem:$0x3FBB]  }
0x39: {  	_ = 	snop;
	(pc) =	sbr.ind lr, $3  }
0x3a: {  	_ = 	snop  }
0x3b: {  	_ = 	snop  }
0x3c: {  	p2 =	seq.s32 s10, $0x1;
	s10 =	sld [smem:$0x3FBA]  }
0x3d: {  	_ =	shalt  }
0x3e: {  	_ =	shalt  }
0x3f: {  	_ =	shalt  }
0x40: {  	_ =	shalt  }
0x41: {  	_ =	shalt  }
0x42: {  	_ =	shalt  }
0x43: {  	_ =	shalt  }
0x44: {  	_ =	shalt  }
0x45: {  	_ =	shalt  }
0x46: {  	_ =	shalt  }
0x47: {  	_ =	shalt  }
0x48: {  	_ =	shalt  }
0x49: {  	_ =	shalt  }
0x4a: {  	_ =	shalt  }
0x4b: {  	_ =	shalt  }
0x4c: {  	_ =	shalt  }
0x4d: {  	_ =	shalt  }
0x4e: {  	_ =	shalt  }
0x4f: {  	_ =	shalt  }
0x50: {  	_ =	shalt  }
0x51: {  	_ =	shalt  }
0x52: {  	_ =	shalt  }
0x53: {  	_ =	shalt  }
0x54: {  	_ =	shalt  }
0x55: {  	_ =	shalt  }
0x56: {  	_ =	shalt  }
0x57: {  	_ =	shalt  }
0x58: {  	_ =	shalt  }
0x59: {  	_ =	shalt  }
0x5a: {  	_ =	shalt  }
0x5b: {  	_ =	shalt  }
0x5c: {  	_ =	shalt  }
0x5d: {  	_ =	shalt  }
0x5e: {  	_ =	shalt  }
0x5f: {  	_ =	shalt  }
0x60: {  	_ =	shalt  }
0x61: {  	_ =	shalt  }
0x62: {  	_ =	shalt  }
0x63: {  	_ =	shalt  }
0x64: {  	_ =	shalt  }
0x65: {  	_ =	shalt  }
0x66: {  	_ =	shalt  }
0x67: {  	_ =	shalt  }
0x68: {  	_ =	shalt  }
0x69: {  	_ =	shalt  }
0x6a: {  	_ =	shalt  }
0x6b: {  	_ =	shalt  }
0x6c: {  	_ =	shalt  }
0x6d: {  	_ =	shalt  }
0x6e: {  	_ =	shalt  }
0x6f: {  	_ =	shalt  }
0x70: {  	_ =	shalt  }
0x71: {  	_ =	shalt  }
0x72: {  	_ =	shalt  }
0x73: {  	_ =	shalt  }
0x74: {  	_ =	shalt  }
0x75: {  	_ =	shalt  }
0x76: {  	_ =	shalt  }
0x77: {  	_ =	shalt  }
0x78: {  	_ =	shalt  }
0x79: {  	_ =	shalt  }
0x7a: {  	_ =	shalt  }
0x7b: {  	_ =	shalt  }
0x7c: {  	_ =	shalt  }
0x7d: {  	_ =	shalt  }
0x7e: {  	_ =	shalt  }
0x7f: {  	_ =	shalt  }
0x80: {  	_ =	shalt  }
0x81: {  	_ =	shalt  }
0x82: {  	_ =	shalt  }
0x83: {  	_ =	shalt  }
0x84: {  	_ =	shalt  }
0x85: {  	_ =	shalt  }
0x86: {  	_ =	shalt  }
0x87: {  	_ =	shalt  }
.Lfunc_end0:
.L_simem_size_0:
called_computation_lowered:
.L_overlay_start_0:
0x88: {  	s2 =	sld [smem:$0x3FD9]  }
0x89: {  	s3 =	sld [smem:$0x3FFE];
	_ =	sdelay $0x1  }
0x8a: {  	s1 =	srdreg.scid  }
0x8b: {  	s0 =	sand.u32 $0x1, s1  }
0x8c: {  	s18 =	sshll.u32 s0, $0xA;
	s2 =	sadd.s32 s3, s2  }
0x8d: {  	s2 =	sadd.s32 s2, s18  }
0x8e: {  	[smem:$0x3FC6] =	sst s2  }
0x8f: {  	_ = 	snop  }
0x90: {  	s2 =	sld [smem:$0x3FC9]  }
0x91: {  	s19 =	sld [smem:$0x3FC8]  }
0x92: {  	s4 =	sld [smem:$0x3FD0];
	(tm) =	ssettm $0x1  }
0x93: {  	s5 =	sld [smem:$0x3FFB];
	_ =	sdelay $0x3  }
0x94: {  	_ =	strace s5  }
0x95: {  	s5 =	sld [smem:$0x3FFC];
	_ =	sdelay $0x3  }
0x96: {  	_ =	strace s5  }
0x97: {  	s5 =	sld [smem:$0x3FFD];
	_ =	sdelay $0x3  }
0x98: {  	_ =	strace s5  }
0x99: {  	_ =	strace $0x8FFFFFFF  }
0x9a: {  	s20 =	sld [smem:$0x3FDB];
	_ =	sdelay $0x1  }
0x9b: {  	s6 =	simm.s32 $_scs_section_size  }
0x9c: {  	s7 =	simm.s32 $_size__tile_overlayer_lowered;
	s8 =	simm.s32 $_tile_overlayer_lowered  }
0x9d: {  	s23 =	simm.s32 $0x1BFF;
	s22 =	sshll.u32 s8, $0x1;
	s5 =	sadd.s32 s6, s20  }
0x9e: {  	s9 =	simm.s32 $0x0;
	s21 =	sshll.u32 s7, $0x1;
	s7 =	sadd.s32 s22, s5  }
0x9f: {  	[timem:s9], [sflag:s23] =	dma.local [hbm:s7], s21  }
0xa0: {  	_ =	swait.ge [sflag:s23], s21  }
0xa1: {  	s6 =	ssub.s32 $0x0, s21;
	[sflag:s23] =	ssyncset.done $0x0  }
0xa2: {  	[sflag:s23] =	ssyncadd.s32 s6;
	_ =	sdelay $0x1  }
0xa3: {  	s24 =	simm.s32 $0x1B8B  }
0xa4: {  	_ =	swait.ge [sflag:s24], $0x1  }
0xa5: {  	[sflag:s24] =	ssyncset.done $0x0  }
0xa6: {  	s25 =	simm.s32 $0x1B8E;
	[sflag:s24] =	ssyncadd.s32 $0xFFFFFFFF  }
0xa7: {  	s26 =	simm.s32 $execute0_lowered;
	[smem:$0x3FD2] =	sst s25  }
0xa8: {  	s6 =	sshll.u32 s26, $0x1;
	_ =	strace $0x80000046;
	[dreg:$0x1] =	wrdreg $0xFFFFFFFF  }
0xa9: {  	s28 =	simm.s32 $_size_execute0_lowered;
	s5 =	sadd.s32 s5, s6;
	[dreg:$0x0] =	wrdreg $0x0  }
0xaa: {  	s6 =	sshll.u32 s28, $0x1;
	[dreg:$0x2] =	wrdreg s5  }
0xab: {  	[dreg:$0x3] =	wrdreg s6  }
0xac: {  	[dreg:$0x4] =	wrdreg $0xC0  }
0xad: {  	_ =	task [dreg:s9], $0x5FFFF  }
0xae: {  	[dreg:$0x1] =	wrdreg $0xFFFFFFFF  }
0xaf: {  	[dreg:$0x0] =	wrdreg $0x60  }
0xb0: {  	[dreg:$0x2] =	wrdreg s2  }
0xb1: {  	[dreg:$0x3] =	wrdreg s19  }
0xb2: {  	[dreg:$0x4] =	wrdreg s4  }
0xb3: {  	[dreg:$0x5] =	wrdreg $0x9  }
0xb4: {  	_ =	task.clear_ibuf [dreg:s9], $0x6FFFF;
	_ =	strace $0x90000046  }
0xb5: {  	s29 =	simm.s32 $0x9;
	_ =	strace $0x80000048  }
0xb6: {  	_ =	swait.ge [sflag:s29], $0x1  }
0xb7: {  	[sflag:s29] =	ssyncadd.s32 $0xFFFFFFFF  }
0xb8: {  	_ =	strace $0x90000048  }
0xb9: {  	_ =	sfence  }
0xba: {  	s30 =	sld [smem:$0x0];
	_ =	sdelay $0x2  }
0xbb: {  	s31 =	sshll.u32 s1, $0xD;
	s1 =	sshrl.u32 s1, $0x2  }
0xbc: {  	s3 =	sand.u32 $0x4000, s31;
	s1 =	sadd.s32 s1, s30  }
0xbd: {  	s0 =	sor.u32 s3, s0;
	s1 =	sshll.u32 s1, $0x11  }
0xbe: {  	s0 =	sor.u32 s1, s0  }
0xbf: {  	s0 =	sadd.s32 $0x8F2B, s0  }
0xc0: {  	[sflag:s0] =	ssyncadd.remote.s32 $0x1  }
0xc1: {  	_ =	sfence.sel $0xFFFF  }
0xc2: {  	[dreg:$0x0] =	wrdreg $0xFFFFFFFF;
	(pc) =	sbr.abs _section_cstart, $3  }
0xc3: {  	[dreg:$0x1] =	wrdreg $0xFFFFFFFF  }
0xc4: {  	_ =	task.clear_ibuf [dreg:s9], $0x2FFFF;
	_ =	strace $0x9FFFFFFF  }
0xc5: {  	(tm) =	ssettm $0x7FFFFFFF  }
tec
execute0_lowered:
.L_overlay_start_1:
0x0: {  	(tag) =	ssettag $0x1  }
0x1: {  	s2 =	rddreg [dreg:$0x0]  }
0x2: {  	s3 =	rddreg [dreg:$0x1]  }
0x3: {  	s4 =	rddreg [dreg:$0x2];
	s7 =	stileid.u32  }
0x4: {  	s5 =	simm.s32 $0x0;
	s1 =	srdreg.scid;
	s0 =	sshrl.u32 s7, $0x3  }
0x5: {  	[smem:$0x7FF] =	sst s5;
	s6 =	smul.u32 $0xD, s0  }
0x6: {  	s7 =	sshll.u32 s7, $0x1;
	s1 =	sand.u32 $0x1, s1;
	s8 =	smul.u32 $0x34000, s0  }
0x7: {  	s18 =	sadd.s32 $0x3000, s4;
	s9 =	sand.u32 $0xE, s7;
	s10 =	smul.u32 $0x280, s0  }
0x8: {  	s11 =	ssub.s32 $0x2, s1;
	s12 =	smul.u32 $0x4F6C000, s0;
	_ =	strace $0x80000047  }
0x9: {  	s0 =	smul.u32 $0xD00000, s0;
	s7 =	sshrl.u32 s9, $0x1;
	s13 =	sshrl.u32 s11, $0x1  }
0xa: {  	s9 =	sshll.u32 s9, $0x10;
	s7 =	smul.u32 $0xC3800, s7;
	s11 =	ssub.s32 s11, s13  }
0xb: {  	s31 =	sand.u32 $0x20000, s8;
	s8 =	sshll.u32 s1, $0x9;
	s0 =	sor.u32 s0, s9  }
0xc: {  	s13 =	sadd.s32 $0x1000, s4;
	s10 =	sor.u32 s10, s31;
	s14 =	sor.u32 s8, s0  }
0xd: {  	s17 =	sor.u32 $0x80, s8;
	s1 =	sadd.s32 s12, s7;
	s10 =	sshrl.u32 s10, $0x3  }
0xe: {  	s16 =	sshrl.u32 s14, $0x3;
	s14 =	sadd.s32 $0x2000, s4;
	s10 =	sadd.s32 s2, s10  }
0xf: {  	s12 =	sor.u32 s8, s1;
	s19 =	sadd.s32 s4, s16;
	[dreg:$0x4] =	wrdreg s10  }
0x10: {  	s20 =	sadd.s32 s16, s13;
	s21 =	sadd.s32 s16, s14;
	[dreg:$0x6] =	wrdreg s19  }
0x11: {  	s22 =	sor.u32 s17, s1;
	s12 =	sshrl.u32 s12, $0x3;
	[dreg:$0x7] =	wrdreg s20  }
0x12: {  	[dreg:$0x8] =	wrdreg s21;
	s10 =	sadd.s32 s16, s18;
	s15 =	sadd.s32 s3, s12  }
0x13: {  	s23 =	sshrl.u32 s22, $0x3;
	[dreg:$0x5] =	wrdreg s15;
	s15 =	sor.u32 s17, s0  }
0x14: {  	[dreg:$0x9] =	wrdreg s10;
	s10 =	sadd.s32 s3, s23;
	s24 =	sshrl.u32 s15, $0x3  }
0x15: {  	s28 =	simm.s32 $0x1D700;
	[dreg:$0xa] =	wrdreg s10;
	s25 =	sadd.s32 s4, s24  }
0x16: {  	s22 =	sor.u32 $0x100, s8;
	s26 =	sadd.s32 s24, s13;
	[dreg:$0xb] =	wrdreg s25  }
0x17: {  	s15 =	sor.u32 s22, s1;
	s31 =	sadd.s32 s24, s14;
	[dreg:$0xc] =	wrdreg s26  }
0x18: {  	s12 =	sadd.s32 s24, s18;
	s10 =	sshrl.u32 s15, $0x3;
	[dreg:$0xd] =	wrdreg s31  }
0x19: {  	s16 =	sor.u32 s22, s0;
	[dreg:$0xe] =	wrdreg s12;
	s10 =	sadd.s32 s3, s10  }
0x1a: {  	s31 =	smax.u32 s11, $0x1;
	[dreg:$0xf] =	wrdreg s10;
	s10 =	sshrl.u32 s16, $0x3  }
0x1b: {  	s26 =	sor.u32 $0x180, s8;
	[dreg:$0x19] =	wrdreg s31;
	s19 =	sadd.s32 s4, s10  }
0x1c: {  	s1 =	sor.u32 s26, s1;
	s20 =	sadd.s32 s10, s13;
	[dreg:$0x10] =	wrdreg s19  }
0x1d: {  	s0 =	sor.u32 s26, s0;
	s21 =	sadd.s32 s10, s14;
	[dreg:$0x11] =	wrdreg s20  }
0x1e: {  	s1 =	sshrl.u32 s1, $0x3;
	s10 =	sadd.s32 s10, s18;
	[dreg:$0x12] =	wrdreg s21  }
0x1f: {  	s0 =	sshrl.u32 s0, $0x3;
	[dreg:$0x13] =	wrdreg s10;
	s1 =	sadd.s32 s3, s1  }
0x20: {  	s29 =	simm.s32 $0x1;
	s23 =	sadd.s32 s4, s0;
	[dreg:$0x14] =	wrdreg s1  }
0x21: {  	s30 =	simm.s32 $0x2;
	s24 =	sadd.s32 s0, s13;
	[dreg:$0x15] =	wrdreg s23  }
0x22: {  	s25 =	sadd.s32 s0, s14;
	s0 =	sadd.s32 s0, s18;
	[dreg:$0x16] =	wrdreg s24  }
0x23: {  	s19 =	simm.s32 $0x400;
	s20 =	simm.s32 $0x4;
	[dreg:$0x17] =	wrdreg s25  }
0x24: {  	s21 =	simm.s32 $0x4000;
	[dreg:$0x18] =	wrdreg s0;
	s23 =	simm.s32 $0x3  }
0x25: {  	s24 =	simm.s32 $0x80;
	s25 =	simm.s32 $0x1C700;
	s1 =	simm.s32 $0x0  }
.LBB2_1:
0x26: {  	[dreg:$0x1a] =	wrdreg s1  }
0x27: {  	s0 =	rddreg [dreg:$0x4]  }
0x28: {  	[tilespmem:s5], [sflag:$0x4] =	stream.strided.gather [hbm4b:s0+s24], $0x4000, s19, s24, $0x38;
	[tilespmem:$0x1E700] =	vst v63  }
0x29: {  	_ =	swait.ge [sflag:s20], $0x4000  }
0x2a: {  	[sflag:s20] =	ssyncset.done $0x0  }
0x2b: {  	s31 =	rddreg [dreg:$0x5];
	[sflag:s20] =	ssyncadd.s32 $0xFFFFC000  }
0x2c: {  	[tilespmem:s21], [sflag:$0x3] =	stream.strided.gather [hbm4b:s31+s24], $0x18700, s19, s24, $0x38;
	[tilespmem:$0x1E700] =	vst v63  }
0x2d: {  	_ =	swait.ge [sflag:s23], $0x18700  }
0x2e: {  	[sflag:s23] =	ssyncset.done $0x0  }
0x2f: {  	[sflag:s23] =	ssyncadd.s32 $0xFFFE7900  }
0x30: {  	v0 =	vld [tilespmem:s24+$0x70]  }
0x31: {  	v1 =	vld [tilespmem:s24+$0xFFFFFF90]  }
0x32: {  	v2 =	vld [tilespmem:s24+$0xFFFFFFA0]  }
0x33: {  	v3 =	vld [tilespmem:s24+$0xFFFFFFB0]  }
0x34: {  	v4 =	vld [tilespmem:s24+$0xFFFFFFC0]  }
0x35: {  	v5 =	vld [tilespmem:s24+$0xFFFFFFD0]  }
0x36: {  	v6 =	vld [tilespmem:s24+$0xFFFFFFE0]  }
0x37: {  	v7 =	vld [tilespmem:s24+$0xFFFFFFF0]  }
0x38: {  	v8 =	vld [tilespmem:s24+$0x0]  }
0x39: {  	v9 =	vld [tilespmem:s24+$0x10]  }
0x3a: {  	v10 =	vld [tilespmem:s24+$0x20]  }
0x3b: {  	v11 =	vld [tilespmem:s24+$0x30]  }
0x3c: {  	v12 =	vld [tilespmem:s24+$0x40]  }
0x3d: {  	v13 =	vld [tilespmem:s24+$0x50]  }
0x3e: {  	v14 =	vld [tilespmem:s24+$0x60]  }
0x3f: {  	v15 =	vld [tilespmem:s24+$0xFFFFFF80]  }
0x40: {  	v0 =	vld.idx.msk [tilespmem:v0+s21+$0x0], $0xffff  }
0x41: {  	v1 =	vld.idx.msk [tilespmem:v1+s21+$0x0], $0xffff  }
0x42: {  	v2 =	vld.idx.msk [tilespmem:v2+s21+$0x0], $0xffff  }
0x43: {  	v3 =	vld.idx.msk [tilespmem:v3+s21+$0x0], $0xffff  }
0x44: {  	v4 =	vld.idx.msk [tilespmem:v4+s21+$0x0], $0xffff  }
0x45: {  	s0 =	simm.s32 $0x1C780;
	v5 =	vld.idx.msk [tilespmem:v5+s21+$0x0], $0xffff  }
0x46: {  	v6 =	vld.idx.msk [tilespmem:v6+s21+$0x0], $0xffff;
	[tilespmem:s0+$0x70] =	vst v0  }
0x47: {  	v7 =	vld.idx.msk [tilespmem:v7+s21+$0x0], $0xffff;
	[tilespmem:s0+$0xFFFFFF90] =	vst v1  }
0x48: {  	v15 =	vld.idx.msk [tilespmem:v15+s21+$0x0], $0xffff;
	[tilespmem:s0+$0xFFFFFFA0] =	vst v2  }
0x49: {  	v8 =	vld.idx.msk [tilespmem:v8+s21+$0x0], $0xffff;
	[tilespmem:s0+$0xFFFFFFB0] =	vst v3  }
0x4a: {  	[tilespmem:s0+$0xFFFFFFC0] =	vst v4;
	v0 =	vld.idx.msk [tilespmem:v9+s21+$0x0], $0xffff  }
0x4b: {  	[tilespmem:s0+$0xFFFFFFD0] =	vst v5;
	v1 =	vld.idx.msk [tilespmem:v10+s21+$0x0], $0xffff  }
0x4c: {  	[tilespmem:s0+$0xFFFFFFE0] =	vst v6;
	v2 =	vld.idx.msk [tilespmem:v11+s21+$0x0], $0xffff  }
0x4d: {  	[tilespmem:s0+$0xFFFFFFF0] =	vst v7;
	v3 =	vld.idx.msk [tilespmem:v12+s21+$0x0], $0xffff  }
0x4e: {  	[tilespmem:s0+$0xFFFFFF80] =	vst v15;
	v4 =	vld.idx.msk [tilespmem:v13+s21+$0x0], $0xffff  }
0x4f: {  	s1 =	simm.s32 $0x0;
	s10 =	simm.s32 $0x180;
	[tilespmem:s0+$0x0] =	vst v8;
	v5 =	vld.idx.msk [tilespmem:v14+s21+$0x0], $0xffff  }
.LBB2_2:
0x50: {  	v6 =	vld [tilespmem:s10+$0x70];
	s1 =	sadd.s32 $0x10, s1;
	[tilespmem:s0+$0x10] =	vst v0  }
0x51: {  	v0 =	vld [tilespmem:s10+$0xFFFFFF90];
	p0 =	slt.u32 s1, $0xF0;
	[tilespmem:s0+$0x20] =	vst v1  }
0x52: {  	v1 =	vld [tilespmem:s10+$0xFFFFFFA0];
	[tilespmem:s0+$0x30] =	vst v2  }
0x53: {  	v2 =	vld [tilespmem:s10+$0xFFFFFFB0];
	[tilespmem:s0+$0x40] =	vst v3  }
0x54: {  	v3 =	vld [tilespmem:s10+$0xFFFFFFC0];
	[tilespmem:s0+$0x50] =	vst v4  }
0x55: {  	v4 =	vld [tilespmem:s10+$0xFFFFFFD0];
	[tilespmem:s0+$0x60] =	vst v5  }
0x56: {  	v5 =	vld [tilespmem:s10+$0xFFFFFFE0]  }
0x57: {  	v7 =	vld [tilespmem:s10+$0xFFFFFFF0]  }
0x58: {  	v6 =	vld.idx.msk [tilespmem:v6+s21+$0x0], $0xffff  }
0x59: {  	v8 =	vld [tilespmem:s10+$0x0]  }
0x5a: {  	v9 =	vld [tilespmem:s10+$0x10]  }
0x5b: {  	v10 =	vld [tilespmem:s10+$0x20]  }
0x5c: {  	v11 =	vld [tilespmem:s10+$0x30]  }
0x5d: {  	s0 =	sadd.s32 $0x100, s0;
	v12 =	vld [tilespmem:s10+$0x40]  }
0x5e: {  	v13 =	vld [tilespmem:s10+$0x50];
	[tilespmem:s0+$0x70] =	vst v6  }
0x5f: {  	v6 =	vld [tilespmem:s10+$0x60]  }
0x60: {  	v14 =	vld [tilespmem:s10+$0xFFFFFF80]  }
0x61: {  	v0 =	vld.idx.msk [tilespmem:v0+s21+$0x0], $0xffff  }
0x62: {  	v1 =	vld.idx.msk [tilespmem:v1+s21+$0x0], $0xffff  }
0x63: {  	v2 =	vld.idx.msk [tilespmem:v2+s21+$0x0], $0xffff  }
0x64: {  	v3 =	vld.idx.msk [tilespmem:v3+s21+$0x0], $0xffff  }
0x65: {  	v4 =	vld.idx.msk [tilespmem:v4+s21+$0x0], $0xffff  }
0x66: {  	v5 =	vld.idx.msk [tilespmem:v5+s21+$0x0], $0xffff  }
0x67: {  	[tilespmem:s0+$0xFFFFFF90] =	vst v0;
	v7 =	vld.idx.msk [tilespmem:v7+s21+$0x0], $0xffff  }
0x68: {  	v14 =	vld.idx.msk [tilespmem:v14+s21+$0x0], $0xffff;
	[tilespmem:s0+$0xFFFFFFA0] =	vst v1  }
0x69: {  	[tilespmem:s0+$0xFFFFFFB0] =	vst v2;
	v8 =	vld.idx.msk [tilespmem:v8+s21+$0x0], $0xffff  }
0x6a: {  	[tilespmem:s0+$0xFFFFFFC0] =	vst v3;
	v0 =	vld.idx.msk [tilespmem:v9+s21+$0x0], $0xffff  }
.Ltmp0:
0x6b: {  	[tilespmem:s0+$0xFFFFFFD0] =	vst v4;
	v1 =	vld.idx.msk [tilespmem:v10+s21+$0x0], $0xffff;
	(pc) =	sbr.rel @p0 .LBB2_2-.Ltmp0, $4  }
0x6c: {  	[tilespmem:s0+$0xFFFFFFE0] =	vst v5;
	v2 =	vld.idx.msk [tilespmem:v11+s21+$0x0], $0xffff  }
0x6d: {  	[tilespmem:s0+$0xFFFFFFF0] =	vst v7;
	v3 =	vld.idx.msk [tilespmem:v12+s21+$0x0], $0xffff  }
0x6e: {  	[tilespmem:s0+$0xFFFFFF80] =	vst v14;
	v4 =	vld.idx.msk [tilespmem:v13+s21+$0x0], $0xffff  }
0x6f: {  	s10 =	sadd.s32 $0x100, s10;
	[tilespmem:s0+$0x0] =	vst v8;
	v5 =	vld.idx.msk [tilespmem:v6+s21+$0x0], $0xffff  }
0x70: {  	[tilespmem:s0+$0x10] =	vst v0  }
0x71: {  	[tilespmem:s0+$0x20] =	vst v1  }
0x72: {  	[tilespmem:s0+$0x30] =	vst v2  }
0x73: {  	[tilespmem:s0+$0x40] =	vst v3  }
0x74: {  	[tilespmem:s0+$0x50] =	vst v4  }
0x75: {  	[tilespmem:s0+$0x60] =	vst v5  }
0x76: {  	s31 =	simm.s32 $0x10F0;
	s0 =	rddreg [dreg:$0x6]  }
0x77: {  	[hbm4b:s0+s24] =	stream.strided.scatter [tilespmem:s25], [sflag:$0x1], $0x1000, s19, s24, $0x38;
	[tilespmem:$0x1E700] =	vst v63  }
0x78: {  	v0 =	vld [tilespmem:s31+$0x0]  }
0x79: {  	v1 =	vld [tilespmem:s31+$0xFFFFFF20]  }
0x7a: {  	v2 =	vld [tilespmem:s31+$0xFFFFFF30]  }
0x7b: {  	v3 =	vld [tilespmem:s31+$0xFFFFFF40]  }
0x7c: {  	v4 =	vld [tilespmem:s31+$0xFFFFFF50]  }
0x7d: {  	v5 =	vld [tilespmem:s31+$0xFFFFFF60]  }
0x7e: {  	v6 =	vld [tilespmem:s31+$0xFFFFFF70]  }
0x7f: {  	v7 =	vld [tilespmem:s31+$0xFFFFFF80]  }
0x80: {  	v8 =	vld [tilespmem:s31+$0xFFFFFF90]  }
0x81: {  	v9 =	vld [tilespmem:s31+$0xFFFFFFA0]  }
0x82: {  	v10 =	vld [tilespmem:s31+$0xFFFFFFB0]  }
0x83: {  	v11 =	vld [tilespmem:s31+$0xFFFFFFC0]  }
0x84: {  	v12 =	vld [tilespmem:s31+$0xFFFFFFD0]  }
0x85: {  	v13 =	vld [tilespmem:s31+$0xFFFFFFE0]  }
0x86: {  	v14 =	vld [tilespmem:s31+$0xFFFFFFF0]  }
0x87: {  	v15 =	vld [tilespmem:s31+$0xFFFFFF10]  }
0x88: {  	v0 =	vld.idx.msk [tilespmem:v0+s21+$0x0], $0xffff  }
0x89: {  	v1 =	vld.idx.msk [tilespmem:v1+s21+$0x0], $0xffff  }
0x8a: {  	v2 =	vld.idx.msk [tilespmem:v2+s21+$0x0], $0xffff  }
0x8b: {  	v3 =	vld.idx.msk [tilespmem:v3+s21+$0x0], $0xffff  }
0x8c: {  	v4 =	vld.idx.msk [tilespmem:v4+s21+$0x0], $0xffff  }
0x8d: {  	s0 =	simm.s32 $0x1D780;
	v5 =	vld.idx.msk [tilespmem:v5+s21+$0x0], $0xffff  }
0x8e: {  	v6 =	vld.idx.msk [tilespmem:v6+s21+$0x0], $0xffff;
	[tilespmem:s0+$0x70] =	vst v0  }
0x8f: {  	v7 =	vld.idx.msk [tilespmem:v7+s21+$0x0], $0xffff;
	[tilespmem:s0+$0xFFFFFF90] =	vst v1  }
0x90: {  	v15 =	vld.idx.msk [tilespmem:v15+s21+$0x0], $0xffff;
	[tilespmem:s0+$0xFFFFFFA0] =	vst v2  }
0x91: {  	v8 =	vld.idx.msk [tilespmem:v8+s21+$0x0], $0xffff;
	[tilespmem:s0+$0xFFFFFFB0] =	vst v3  }
0x92: {  	[tilespmem:s0+$0xFFFFFFC0] =	vst v4;
	v0 =	vld.idx.msk [tilespmem:v9+s21+$0x0], $0xffff  }
0x93: {  	[tilespmem:s0+$0xFFFFFFD0] =	vst v5;
	v1 =	vld.idx.msk [tilespmem:v10+s21+$0x0], $0xffff  }
0x94: {  	[tilespmem:s0+$0xFFFFFFE0] =	vst v6;
	v2 =	vld.idx.msk [tilespmem:v11+s21+$0x0], $0xffff  }
0x95: {  	[tilespmem:s0+$0xFFFFFFF0] =	vst v7;
	v3 =	vld.idx.msk [tilespmem:v12+s21+$0x0], $0xffff  }
0x96: {  	[tilespmem:s0+$0xFFFFFF80] =	vst v15;
	v4 =	vld.idx.msk [tilespmem:v13+s21+$0x0], $0xffff  }
0x97: {  	s1 =	simm.s32 $0x0;
	s10 =	simm.s32 $0x11F0;
	[tilespmem:s0+$0x0] =	vst v8;
	v5 =	vld.idx.msk [tilespmem:v14+s21+$0x0], $0xffff  }
.LBB2_4:
0x98: {  	v6 =	vld [tilespmem:s10+$0x0];
	s1 =	sadd.s32 $0x10, s1;
	[tilespmem:s0+$0x10] =	vst v0  }
0x99: {  	v0 =	vld [tilespmem:s10+$0xFFFFFF20];
	p0 =	slt.u32 s1, $0xF0;
	[tilespmem:s0+$0x20] =	vst v1  }
0x9a: {  	v1 =	vld [tilespmem:s10+$0xFFFFFF30];
	[tilespmem:s0+$0x30] =	vst v2  }
0x9b: {  	v2 =	vld [tilespmem:s10+$0xFFFFFF40];
	[tilespmem:s0+$0x40] =	vst v3  }
0x9c: {  	v3 =	vld [tilespmem:s10+$0xFFFFFF50];
	[tilespmem:s0+$0x50] =	vst v4  }
0x9d: {  	v4 =	vld [tilespmem:s10+$0xFFFFFF60];
	[tilespmem:s0+$0x60] =	vst v5  }
0x9e: {  	v5 =	vld [tilespmem:s10+$0xFFFFFF70]  }
0x9f: {  	v7 =	vld [tilespmem:s10+$0xFFFFFF80]  }
0xa0: {  	v6 =	vld.idx.msk [tilespmem:v6+s21+$0x0], $0xffff  }
0xa1: {  	v8 =	vld [tilespmem:s10+$0xFFFFFF90]  }
0xa2: {  	v9 =	vld [tilespmem:s10+$0xFFFFFFA0]  }
0xa3: {  	v10 =	vld [tilespmem:s10+$0xFFFFFFB0]  }
0xa4: {  	v11 =	vld [tilespmem:s10+$0xFFFFFFC0]  }
0xa5: {  	s0 =	sadd.s32 $0x100, s0;
	v12 =	vld [tilespmem:s10+$0xFFFFFFD0]  }
0xa6: {  	v13 =	vld [tilespmem:s10+$0xFFFFFFE0];
	[tilespmem:s0+$0x70] =	vst v6  }
0xa7: {  	v6 =	vld [tilespmem:s10+$0xFFFFFFF0]  }
0xa8: {  	v14 =	vld [tilespmem:s10+$0xFFFFFF10]  }
0xa9: {  	v0 =	vld.idx.msk [tilespmem:v0+s21+$0x0], $0xffff  }
0xaa: {  	v1 =	vld.idx.msk [tilespmem:v1+s21+$0x0], $0xffff  }
0xab: {  	v2 =	vld.idx.msk [tilespmem:v2+s21+$0x0], $0xffff  }
0xac: {  	v3 =	vld.idx.msk [tilespmem:v3+s21+$0x0], $0xffff  }
0xad: {  	v4 =	vld.idx.msk [tilespmem:v4+s21+$0x0], $0xffff  }
0xae: {  	v5 =	vld.idx.msk [tilespmem:v5+s21+$0x0], $0xffff  }
0xaf: {  	[tilespmem:s0+$0xFFFFFF90] =	vst v0;
	v7 =	vld.idx.msk [tilespmem:v7+s21+$0x0], $0xffff  }
0xb0: {  	v14 =	vld.idx.msk [tilespmem:v14+s21+$0x0], $0xffff;
	[tilespmem:s0+$0xFFFFFFA0] =	vst v1  }
0xb1: {  	[tilespmem:s0+$0xFFFFFFB0] =	vst v2;
	v8 =	vld.idx.msk [tilespmem:v8+s21+$0x0], $0xffff  }
0xb2: {  	[tilespmem:s0+$0xFFFFFFC0] =	vst v3;
	v0 =	vld.idx.msk [tilespmem:v9+s21+$0x0], $0xffff  }
.Ltmp1:
0xb3: {  	[tilespmem:s0+$0xFFFFFFD0] =	vst v4;
	v1 =	vld.idx.msk [tilespmem:v10+s21+$0x0], $0xffff;
	(pc) =	sbr.rel @p0 .LBB2_4-.Ltmp1, $4  }
0xb4: {  	[tilespmem:s0+$0xFFFFFFE0] =	vst v5;
	v2 =	vld.idx.msk [tilespmem:v11+s21+$0x0], $0xffff  }
0xb5: {  	[tilespmem:s0+$0xFFFFFFF0] =	vst v7;
	v3 =	vld.idx.msk [tilespmem:v12+s21+$0x0], $0xffff  }
0xb6: {  	[tilespmem:s0+$0xFFFFFF80] =	vst v14;
	v4 =	vld.idx.msk [tilespmem:v13+s21+$0x0], $0xffff  }
0xb7: {  	s10 =	sadd.s32 $0x100, s10;
	[tilespmem:s0+$0x0] =	vst v8;
	v5 =	vld.idx.msk [tilespmem:v6+s21+$0x0], $0xffff  }
0xb8: {  	[tilespmem:s0+$0x10] =	vst v0  }
0xb9: {  	[tilespmem:s0+$0x20] =	vst v1  }
0xba: {  	[tilespmem:s0+$0x30] =	vst v2  }
0xbb: {  	[tilespmem:s0+$0x40] =	vst v3  }
0xbc: {  	[tilespmem:s0+$0x50] =	vst v4  }
0xbd: {  	[tilespmem:s0+$0x60] =	vst v5  }
0xbe: {  	s0 =	rddreg [dreg:$0x7]  }
0xbf: {  	[hbm4b:s0+s24] =	stream.strided.scatter [tilespmem:s28], [sflag:$0x2], $0x1000, s19, s24, $0x38;
	[tilespmem:$0x1E700] =	vst v63  }
0xc0: {  	_ =	swait.ge [sflag:s29], $0x1000  }
0xc1: {  	[sflag:s29] =	ssyncset.done $0x0  }
0xc2: {  	s31 =	simm.s32 $0x20F0;
	[sflag:s29] =	ssyncadd.s32 $0xFFFFF000  }
0xc3: {  	v0 =	vld [tilespmem:s31+$0x0]  }
0xc4: {  	v1 =	vld [tilespmem:s31+$0xFFFFFF20]  }
0xc5: {  	v2 =	vld [tilespmem:s31+$0xFFFFFF30]  }
0xc6: {  	v3 =	vld [tilespmem:s31+$0xFFFFFF40]  }
0xc7: {  	v4 =	vld [tilespmem:s31+$0xFFFFFF50]  }
0xc8: {  	v5 =	vld [tilespmem:s31+$0xFFFFFF60]  }
0xc9: {  	v6 =	vld [tilespmem:s31+$0xFFFFFF70]  }
0xca: {  	v7 =	vld [tilespmem:s31+$0xFFFFFF80]  }
0xcb: {  	v8 =	vld [tilespmem:s31+$0xFFFFFF90]  }
0xcc: {  	v9 =	vld [tilespmem:s31+$0xFFFFFFA0]  }
0xcd: {  	v10 =	vld [tilespmem:s31+$0xFFFFFFB0]  }
0xce: {  	v11 =	vld [tilespmem:s31+$0xFFFFFFC0]  }
0xcf: {  	v12 =	vld [tilespmem:s31+$0xFFFFFFD0]  }
0xd0: {  	v13 =	vld [tilespmem:s31+$0xFFFFFFE0]  }
0xd1: {  	v14 =	vld [tilespmem:s31+$0xFFFFFFF0]  }
0xd2: {  	v15 =	vld [tilespmem:s31+$0xFFFFFF10]  }
0xd3: {  	v0 =	vld.idx.msk [tilespmem:v0+s21+$0x0], $0xffff  }
0xd4: {  	v1 =	vld.idx.msk [tilespmem:v1+s21+$0x0], $0xffff  }
0xd5: {  	v2 =	vld.idx.msk [tilespmem:v2+s21+$0x0], $0xffff  }
0xd6: {  	v3 =	vld.idx.msk [tilespmem:v3+s21+$0x0], $0xffff  }
0xd7: {  	v4 =	vld.idx.msk [tilespmem:v4+s21+$0x0], $0xffff  }
0xd8: {  	s0 =	simm.s32 $0x1C780;
	v5 =	vld.idx.msk [tilespmem:v5+s21+$0x0], $0xffff  }
0xd9: {  	v6 =	vld.idx.msk [tilespmem:v6+s21+$0x0], $0xffff;
	[tilespmem:s0+$0x70] =	vst v0  }
0xda: {  	v7 =	vld.idx.msk [tilespmem:v7+s21+$0x0], $0xffff;
	[tilespmem:s0+$0xFFFFFF90] =	vst v1  }
0xdb: {  	v15 =	vld.idx.msk [tilespmem:v15+s21+$0x0], $0xffff;
	[tilespmem:s0+$0xFFFFFFA0] =	vst v2  }
0xdc: {  	v8 =	vld.idx.msk [tilespmem:v8+s21+$0x0], $0xffff;
	[tilespmem:s0+$0xFFFFFFB0] =	vst v3  }
0xdd: {  	[tilespmem:s0+$0xFFFFFFC0] =	vst v4;
	v0 =	vld.idx.msk [tilespmem:v9+s21+$0x0], $0xffff  }
0xde: {  	[tilespmem:s0+$0xFFFFFFD0] =	vst v5;
	v1 =	vld.idx.msk [tilespmem:v10+s21+$0x0], $0xffff  }
0xdf: {  	[tilespmem:s0+$0xFFFFFFE0] =	vst v6;
	v2 =	vld.idx.msk [tilespmem:v11+s21+$0x0], $0xffff  }
0xe0: {  	[tilespmem:s0+$0xFFFFFFF0] =	vst v7;
	v3 =	vld.idx.msk [tilespmem:v12+s21+$0x0], $0xffff  }
0xe1: {  	[tilespmem:s0+$0xFFFFFF80] =	vst v15;
	v4 =	vld.idx.msk [tilespmem:v13+s21+$0x0], $0xffff  }
0xe2: {  	s1 =	simm.s32 $0x0;
	s10 =	simm.s32 $0x21F0;
	[tilespmem:s0+$0x0] =	vst v8;
	v5 =	vld.idx.msk [tilespmem:v14+s21+$0x0], $0xffff  }
.LBB2_6:
0xe3: {  	v6 =	vld [tilespmem:s10+$0x0];
	s1 =	sadd.s32 $0x10, s1;
	[tilespmem:s0+$0x10] =	vst v0  }
0xe4: {  	v0 =	vld [tilespmem:s10+$0xFFFFFF20];
	p0 =	slt.u32 s1, $0xF0;
	[tilespmem:s0+$0x20] =	vst v1  }
0xe5: {  	v1 =	vld [tilespmem:s10+$0xFFFFFF30];
	[tilespmem:s0+$0x30] =	vst v2  }
0xe6: {  	v2 =	vld [tilespmem:s10+$0xFFFFFF40];
	[tilespmem:s0+$0x40] =	vst v3  }
0xe7: {  	v3 =	vld [tilespmem:s10+$0xFFFFFF50];
	[tilespmem:s0+$0x50] =	vst v4  }
0xe8: {  	v4 =	vld [tilespmem:s10+$0xFFFFFF60];
	[tilespmem:s0+$0x60] =	vst v5  }
0xe9: {  	v5 =	vld [tilespmem:s10+$0xFFFFFF70]  }
0xea: {  	v7 =	vld [tilespmem:s10+$0xFFFFFF80]  }
0xeb: {  	v6 =	vld.idx.msk [tilespmem:v6+s21+$0x0], $0xffff  }
0xec: {  	v8 =	vld [tilespmem:s10+$0xFFFFFF90]  }
0xed: {  	v9 =	vld [tilespmem:s10+$0xFFFFFFA0]  }
0xee: {  	v10 =	vld [tilespmem:s10+$0xFFFFFFB0]  }
0xef: {  	v11 =	vld [tilespmem:s10+$0xFFFFFFC0]  }
0xf0: {  	s0 =	sadd.s32 $0x100, s0;
	v12 =	vld [tilespmem:s10+$0xFFFFFFD0]  }
0xf1: {  	v13 =	vld [tilespmem:s10+$0xFFFFFFE0];
	[tilespmem:s0+$0x70] =	vst v6  }
0xf2: {  	v6 =	vld [tilespmem:s10+$0xFFFFFFF0]  }
0xf3: {  	v14 =	vld [tilespmem:s10+$0xFFFFFF10]  }
0xf4: {  	v0 =	vld.idx.msk [tilespmem:v0+s21+$0x0], $0xffff  }
0xf5: {  	v1 =	vld.idx.msk [tilespmem:v1+s21+$0x0], $0xffff  }
0xf6: {  	v2 =	vld.idx.msk [tilespmem:v2+s21+$0x0], $0xffff  }
0xf7: {  	v3 =	vld.idx.msk [tilespmem:v3+s21+$0x0], $0xffff  }
0xf8: {  	v4 =	vld.idx.msk [tilespmem:v4+s21+$0x0], $0xffff  }
0xf9: {  	v5 =	vld.idx.msk [tilespmem:v5+s21+$0x0], $0xffff  }
0xfa: {  	[tilespmem:s0+$0xFFFFFF90] =	vst v0;
	v7 =	vld.idx.msk [tilespmem:v7+s21+$0x0], $0xffff  }
0xfb: {  	v14 =	vld.idx.msk [tilespmem:v14+s21+$0x0], $0xffff;
	[tilespmem:s0+$0xFFFFFFA0] =	vst v1  }
0xfc: {  	[tilespmem:s0+$0xFFFFFFB0] =	vst v2;
	v8 =	vld.idx.msk [tilespmem:v8+s21+$0x0], $0xffff  }
0xfd: {  	[tilespmem:s0+$0xFFFFFFC0] =	vst v3;
	v0 =	vld.idx.msk [tilespmem:v9+s21+$0x0], $0xffff  }
.Ltmp2:
0xfe: {  	[tilespmem:s0+$0xFFFFFFD0] =	vst v4;
	v1 =	vld.idx.msk [tilespmem:v10+s21+$0x0], $0xffff;
	(pc) =	sbr.rel @p0 .LBB2_6-.Ltmp2, $4  }
0xff: {  	[tilespmem:s0+$0xFFFFFFE0] =	vst v5;
	v2 =	vld.idx.msk [tilespmem:v11+s21+$0x0], $0xffff  }
0x100: {  	[tilespmem:s0+$0xFFFFFFF0] =	vst v7;
	v3 =	vld.idx.msk [tilespmem:v12+s21+$0x0], $0xffff  }
0x101: {  	[tilespmem:s0+$0xFFFFFF80] =	vst v14;
	v4 =	vld.idx.msk [tilespmem:v13+s21+$0x0], $0xffff  }
0x102: {  	s10 =	sadd.s32 $0x100, s10;
	[tilespmem:s0+$0x0] =	vst v8;
	v5 =	vld.idx.msk [tilespmem:v6+s21+$0x0], $0xffff  }
0x103: {  	[tilespmem:s0+$0x10] =	vst v0  }
0x104: {  	[tilespmem:s0+$0x20] =	vst v1  }
0x105: {  	[tilespmem:s0+$0x30] =	vst v2  }
0x106: {  	[tilespmem:s0+$0x40] =	vst v3  }
0x107: {  	[tilespmem:s0+$0x50] =	vst v4  }
0x108: {  	[tilespmem:s0+$0x60] =	vst v5  }
0x109: {  	s0 =	rddreg [dreg:$0x8]  }
0x10a: {  	[hbm4b:s0+s24] =	stream.strided.scatter [tilespmem:s25], [sflag:$0x1], $0x1000, s19, s24, $0x38;
	[tilespmem:$0x1E700] =	vst v63  }
0x10b: {  	_ =	swait.ge [sflag:s30], $0x1000  }
0x10c: {  	[sflag:s30] =	ssyncset.done $0x0  }
0x10d: {  	s31 =	simm.s32 $0x30F0;
	[sflag:s30] =	ssyncadd.s32 $0xFFFFF000  }
0x10e: {  	v0 =	vld [tilespmem:s31+$0x0]  }
0x10f: {  	v1 =	vld [tilespmem:s31+$0xFFFFFF20]  }
0x110: {  	v2 =	vld [tilespmem:s31+$0xFFFFFF30]  }
0x111: {  	v3 =	vld [tilespmem:s31+$0xFFFFFF40]  }
0x112: {  	v4 =	vld [tilespmem:s31+$0xFFFFFF50]  }
0x113: {  	v5 =	vld [tilespmem:s31+$0xFFFFFF60]  }
0x114: {  	v6 =	vld [tilespmem:s31+$0xFFFFFF70]  }
0x115: {  	v7 =	vld [tilespmem:s31+$0xFFFFFF80]  }
0x116: {  	v8 =	vld [tilespmem:s31+$0xFFFFFF90]  }
0x117: {  	v9 =	vld [tilespmem:s31+$0xFFFFFFA0]  }
0x118: {  	v10 =	vld [tilespmem:s31+$0xFFFFFFB0]  }
0x119: {  	v11 =	vld [tilespmem:s31+$0xFFFFFFC0]  }
0x11a: {  	v12 =	vld [tilespmem:s31+$0xFFFFFFD0]  }
0x11b: {  	v13 =	vld [tilespmem:s31+$0xFFFFFFE0]  }
0x11c: {  	v14 =	vld [tilespmem:s31+$0xFFFFFFF0]  }
0x11d: {  	v15 =	vld [tilespmem:s31+$0xFFFFFF10]  }
0x11e: {  	v0 =	vld.idx.msk [tilespmem:v0+s21+$0x0], $0xffff  }
0x11f: {  	v1 =	vld.idx.msk [tilespmem:v1+s21+$0x0], $0xffff  }
0x120: {  	v2 =	vld.idx.msk [tilespmem:v2+s21+$0x0], $0xffff  }
0x121: {  	v3 =	vld.idx.msk [tilespmem:v3+s21+$0x0], $0xffff  }
0x122: {  	v4 =	vld.idx.msk [tilespmem:v4+s21+$0x0], $0xffff  }
0x123: {  	s0 =	simm.s32 $0x1D780;
	v5 =	vld.idx.msk [tilespmem:v5+s21+$0x0], $0xffff  }
0x124: {  	v6 =	vld.idx.msk [tilespmem:v6+s21+$0x0], $0xffff;
	[tilespmem:s0+$0x70] =	vst v0  }
0x125: {  	v7 =	vld.idx.msk [tilespmem:v7+s21+$0x0], $0xffff;
	[tilespmem:s0+$0xFFFFFF90] =	vst v1  }
0x126: {  	v15 =	vld.idx.msk [tilespmem:v15+s21+$0x0], $0xffff;
	[tilespmem:s0+$0xFFFFFFA0] =	vst v2  }
0x127: {  	v8 =	vld.idx.msk [tilespmem:v8+s21+$0x0], $0xffff;
	[tilespmem:s0+$0xFFFFFFB0] =	vst v3  }
0x128: {  	[tilespmem:s0+$0xFFFFFFC0] =	vst v4;
	v0 =	vld.idx.msk [tilespmem:v9+s21+$0x0], $0xffff  }
0x129: {  	[tilespmem:s0+$0xFFFFFFD0] =	vst v5;
	v1 =	vld.idx.msk [tilespmem:v10+s21+$0x0], $0xffff  }
0x12a: {  	[tilespmem:s0+$0xFFFFFFE0] =	vst v6;
	v2 =	vld.idx.msk [tilespmem:v11+s21+$0x0], $0xffff  }
0x12b: {  	[tilespmem:s0+$0xFFFFFFF0] =	vst v7;
	v3 =	vld.idx.msk [tilespmem:v12+s21+$0x0], $0xffff  }
0x12c: {  	[tilespmem:s0+$0xFFFFFF80] =	vst v15;
	v4 =	vld.idx.msk [tilespmem:v13+s21+$0x0], $0xffff  }
0x12d: {  	s1 =	simm.s32 $0x0;
	s10 =	simm.s32 $0x31F0;
	[tilespmem:s0+$0x0] =	vst v8;
	v5 =	vld.idx.msk [tilespmem:v14+s21+$0x0], $0xffff  }
.LBB2_8:
0x12e: {  	v6 =	vld [tilespmem:s10+$0x0];
	s1 =	sadd.s32 $0x10, s1;
	[tilespmem:s0+$0x10] =	vst v0  }
0x12f: {  	v0 =	vld [tilespmem:s10+$0xFFFFFF20];
	p0 =	slt.u32 s1, $0xF0;
	[tilespmem:s0+$0x20] =	vst v1  }
0x130: {  	v1 =	vld [tilespmem:s10+$0xFFFFFF30];
	[tilespmem:s0+$0x30] =	vst v2  }
0x131: {  	v2 =	vld [tilespmem:s10+$0xFFFFFF40];
	[tilespmem:s0+$0x40] =	vst v3  }
0x132: {  	v3 =	vld [tilespmem:s10+$0xFFFFFF50];
	[tilespmem:s0+$0x50] =	vst v4  }
0x133: {  	v4 =	vld [tilespmem:s10+$0xFFFFFF60];
	[tilespmem:s0+$0x60] =	vst v5  }
0x134: {  	v5 =	vld [tilespmem:s10+$0xFFFFFF70]  }
0x135: {  	v7 =	vld [tilespmem:s10+$0xFFFFFF80]  }
0x136: {  	v6 =	vld.idx.msk [tilespmem:v6+s21+$0x0], $0xffff  }
0x137: {  	v8 =	vld [tilespmem:s10+$0xFFFFFF90]  }
0x138: {  	v9 =	vld [tilespmem:s10+$0xFFFFFFA0]  }
0x139: {  	v10 =	vld [tilespmem:s10+$0xFFFFFFB0]  }
0x13a: {  	v11 =	vld [tilespmem:s10+$0xFFFFFFC0]  }
0x13b: {  	s0 =	sadd.s32 $0x100, s0;
	v12 =	vld [tilespmem:s10+$0xFFFFFFD0]  }
0x13c: {  	v13 =	vld [tilespmem:s10+$0xFFFFFFE0];
	[tilespmem:s0+$0x70] =	vst v6  }
0x13d: {  	v6 =	vld [tilespmem:s10+$0xFFFFFFF0]  }
0x13e: {  	v14 =	vld [tilespmem:s10+$0xFFFFFF10]  }
0x13f: {  	v0 =	vld.idx.msk [tilespmem:v0+s21+$0x0], $0xffff  }
0x140: {  	v1 =	vld.idx.msk [tilespmem:v1+s21+$0x0], $0xffff  }
0x141: {  	v2 =	vld.idx.msk [tilespmem:v2+s21+$0x0], $0xffff  }
0x142: {  	v3 =	vld.idx.msk [tilespmem:v3+s21+$0x0], $0xffff  }
0x143: {  	v4 =	vld.idx.msk [tilespmem:v4+s21+$0x0], $0xffff  }
0x144: {  	v5 =	vld.idx.msk [tilespmem:v5+s21+$0x0], $0xffff  }
0x145: {  	[tilespmem:s0+$0xFFFFFF90] =	vst v0;
	v7 =	vld.idx.msk [tilespmem:v7+s21+$0x0], $0xffff  }
0x146: {  	v14 =	vld.idx.msk [tilespmem:v14+s21+$0x0], $0xffff;
	[tilespmem:s0+$0xFFFFFFA0] =	vst v1  }
0x147: {  	[tilespmem:s0+$0xFFFFFFB0] =	vst v2;
	v8 =	vld.idx.msk [tilespmem:v8+s21+$0x0], $0xffff  }
0x148: {  	[tilespmem:s0+$0xFFFFFFC0] =	vst v3;
	v0 =	vld.idx.msk [tilespmem:v9+s21+$0x0], $0xffff  }
.Ltmp3:
0x149: {  	[tilespmem:s0+$0xFFFFFFD0] =	vst v4;
	v1 =	vld.idx.msk [tilespmem:v10+s21+$0x0], $0xffff;
	(pc) =	sbr.rel @p0 .LBB2_8-.Ltmp3, $4  }
0x14a: {  	[tilespmem:s0+$0xFFFFFFE0] =	vst v5;
	v2 =	vld.idx.msk [tilespmem:v11+s21+$0x0], $0xffff  }
0x14b: {  	[tilespmem:s0+$0xFFFFFFF0] =	vst v7;
	v3 =	vld.idx.msk [tilespmem:v12+s21+$0x0], $0xffff  }
0x14c: {  	[tilespmem:s0+$0xFFFFFF80] =	vst v14;
	v4 =	vld.idx.msk [tilespmem:v13+s21+$0x0], $0xffff  }
0x14d: {  	s10 =	sadd.s32 $0x100, s10;
	[tilespmem:s0+$0x0] =	vst v8;
	v5 =	vld.idx.msk [tilespmem:v6+s21+$0x0], $0xffff  }
0x14e: {  	[tilespmem:s0+$0x10] =	vst v0  }
0x14f: {  	[tilespmem:s0+$0x20] =	vst v1  }
0x150: {  	[tilespmem:s0+$0x30] =	vst v2  }
0x151: {  	[tilespmem:s0+$0x40] =	vst v3  }
0x152: {  	[tilespmem:s0+$0x50] =	vst v4  }
0x153: {  	[tilespmem:s0+$0x60] =	vst v5  }
0x154: {  	s16 =	simm.s32 $0x80;
	s1 =	rddreg [dreg:$0x9]  }
0x155: {  	[hbm4b:s1+s16] =	stream.strided.scatter [tilespmem:s28], [sflag:$0x2], $0x1000, s19, s16, $0x38;
	[tilespmem:$0x1E700] =	vst v63  }
0x156: {  	s31 =	rddreg [dreg:$0xa]  }
0x157: {  	[tilespmem:s21], [sflag:$0x3] =	stream.strided.gather [hbm4b:s31+s16], $0x18700, s19, s16, $0x38;
	[tilespmem:$0x1E700] =	vst v63  }
0x158: {  	_ =	swait.ge [sflag:s23], $0x18700  }
0x159: {  	[sflag:s23] =	ssyncset.done $0x0  }
0x15a: {  	[sflag:s23] =	ssyncadd.s32 $0xFFFE7900  }
0x15b: {  	_ =	swait.ge [sflag:s29], $0x1000  }
0x15c: {  	[sflag:s29] =	ssyncset.done $0x0  }
0x15d: {  	[sflag:s29] =	ssyncadd.s32 $0xFFFFF000  }
0x15e: {  	v0 =	vld [tilespmem:s16+$0x70]  }
0x15f: {  	v1 =	vld [tilespmem:s16+$0xFFFFFF90]  }
0x160: {  	v2 =	vld [tilespmem:s16+$0xFFFFFFA0]  }
0x161: {  	v3 =	vld [tilespmem:s16+$0xFFFFFFB0]  }
0x162: {  	v4 =	vld [tilespmem:s16+$0xFFFFFFC0]  }
0x163: {  	v5 =	vld [tilespmem:s16+$0xFFFFFFD0]  }
0x164: {  	v6 =	vld [tilespmem:s16+$0xFFFFFFE0]  }
0x165: {  	v7 =	vld [tilespmem:s16+$0xFFFFFFF0]  }
0x166: {  	v8 =	vld [tilespmem:s16+$0x0]  }
0x167: {  	v9 =	vld [tilespmem:s16+$0x10]  }
0x168: {  	v10 =	vld [tilespmem:s16+$0x20]  }
0x169: {  	v11 =	vld [tilespmem:s16+$0x30]  }
0x16a: {  	v12 =	vld [tilespmem:s16+$0x40]  }
0x16b: {  	v13 =	vld [tilespmem:s16+$0x50]  }
0x16c: {  	v14 =	vld [tilespmem:s16+$0x60]  }
0x16d: {  	v15 =	vld [tilespmem:s16+$0xFFFFFF80]  }
0x16e: {  	v0 =	vld.idx.msk [tilespmem:v0+s21+$0x0], $0xffff  }
0x16f: {  	v1 =	vld.idx.msk [tilespmem:v1+s21+$0x0], $0xffff  }
0x170: {  	v2 =	vld.idx.msk [tilespmem:v2+s21+$0x0], $0xffff  }
0x171: {  	v3 =	vld.idx.msk [tilespmem:v3+s21+$0x0], $0xffff  }
0x172: {  	v4 =	vld.idx.msk [tilespmem:v4+s21+$0x0], $0xffff  }
0x173: {  	s0 =	simm.s32 $0x1C780;
	v5 =	vld.idx.msk [tilespmem:v5+s21+$0x0], $0xffff  }
0x174: {  	v6 =	vld.idx.msk [tilespmem:v6+s21+$0x0], $0xffff;
	[tilespmem:s0+$0x70] =	vst v0  }
0x175: {  	v7 =	vld.idx.msk [tilespmem:v7+s21+$0x0], $0xffff;
	[tilespmem:s0+$0xFFFFFF90] =	vst v1  }
0x176: {  	v15 =	vld.idx.msk [tilespmem:v15+s21+$0x0], $0xffff;
	[tilespmem:s0+$0xFFFFFFA0] =	vst v2  }
0x177: {  	v8 =	vld.idx.msk [tilespmem:v8+s21+$0x0], $0xffff;
	[tilespmem:s0+$0xFFFFFFB0] =	vst v3  }
0x178: {  	[tilespmem:s0+$0xFFFFFFC0] =	vst v4;
	v0 =	vld.idx.msk [tilespmem:v9+s21+$0x0], $0xffff  }
0x179: {  	[tilespmem:s0+$0xFFFFFFD0] =	vst v5;
	v1 =	vld.idx.msk [tilespmem:v10+s21+$0x0], $0xffff  }
0x17a: {  	[tilespmem:s0+$0xFFFFFFE0] =	vst v6;
	v2 =	vld.idx.msk [tilespmem:v11+s21+$0x0], $0xffff  }
0x17b: {  	[tilespmem:s0+$0xFFFFFFF0] =	vst v7;
	v3 =	vld.idx.msk [tilespmem:v12+s21+$0x0], $0xffff  }
0x17c: {  	[tilespmem:s0+$0xFFFFFF80] =	vst v15;
	v4 =	vld.idx.msk [tilespmem:v13+s21+$0x0], $0xffff  }
0x17d: {  	s10 =	simm.s32 $0x180;
	s1 =	simm.s32 $0x0;
	[tilespmem:s0+$0x0] =	vst v8;
	v5 =	vld.idx.msk [tilespmem:v14+s21+$0x0], $0xffff  }
.LBB2_10:
0x17e: {  	v6 =	vld [tilespmem:s10+$0x70];
	s1 =	sadd.s32 $0x10, s1;
	[tilespmem:s0+$0x10] =	vst v0  }
0x17f: {  	v0 =	vld [tilespmem:s10+$0xFFFFFF90];
	p0 =	slt.u32 s1, $0xF0;
	[tilespmem:s0+$0x20] =	vst v1  }
0x180: {  	v1 =	vld [tilespmem:s10+$0xFFFFFFA0];
	[tilespmem:s0+$0x30] =	vst v2  }
0x181: {  	v2 =	vld [tilespmem:s10+$0xFFFFFFB0];
	[tilespmem:s0+$0x40] =	vst v3  }
0x182: {  	v3 =	vld [tilespmem:s10+$0xFFFFFFC0];
	[tilespmem:s0+$0x50] =	vst v4  }
0x183: {  	v4 =	vld [tilespmem:s10+$0xFFFFFFD0];
	[tilespmem:s0+$0x60] =	vst v5  }
0x184: {  	v5 =	vld [tilespmem:s10+$0xFFFFFFE0]  }
0x185: {  	v7 =	vld [tilespmem:s10+$0xFFFFFFF0]  }
0x186: {  	v6 =	vld.idx.msk [tilespmem:v6+s21+$0x0], $0xffff  }
0x187: {  	v8 =	vld [tilespmem:s10+$0x0]  }
0x188: {  	v9 =	vld [tilespmem:s10+$0x10]  }
0x189: {  	v10 =	vld [tilespmem:s10+$0x20]  }
0x18a: {  	v11 =	vld [tilespmem:s10+$0x30]  }
0x18b: {  	s0 =	sadd.s32 $0x100, s0;
	v12 =	vld [tilespmem:s10+$0x40]  }
0x18c: {  	v13 =	vld [tilespmem:s10+$0x50];
	[tilespmem:s0+$0x70] =	vst v6  }
0x18d: {  	v6 =	vld [tilespmem:s10+$0x60]  }
0x18e: {  	v14 =	vld [tilespmem:s10+$0xFFFFFF80]  }
0x18f: {  	v0 =	vld.idx.msk [tilespmem:v0+s21+$0x0], $0xffff  }
0x190: {  	v1 =	vld.idx.msk [tilespmem:v1+s21+$0x0], $0xffff  }
0x191: {  	v2 =	vld.idx.msk [tilespmem:v2+s21+$0x0], $0xffff  }
0x192: {  	v3 =	vld.idx.msk [tilespmem:v3+s21+$0x0], $0xffff  }
0x193: {  	v4 =	vld.idx.msk [tilespmem:v4+s21+$0x0], $0xffff  }
0x194: {  	v5 =	vld.idx.msk [tilespmem:v5+s21+$0x0], $0xffff  }
0x195: {  	[tilespmem:s0+$0xFFFFFF90] =	vst v0;
	v7 =	vld.idx.msk [tilespmem:v7+s21+$0x0], $0xffff  }
0x196: {  	v14 =	vld.idx.msk [tilespmem:v14+s21+$0x0], $0xffff;
	[tilespmem:s0+$0xFFFFFFA0] =	vst v1  }
0x197: {  	[tilespmem:s0+$0xFFFFFFB0] =	vst v2;
	v8 =	vld.idx.msk [tilespmem:v8+s21+$0x0], $0xffff  }
0x198: {  	[tilespmem:s0+$0xFFFFFFC0] =	vst v3;
	v0 =	vld.idx.msk [tilespmem:v9+s21+$0x0], $0xffff  }
.Ltmp4:
0x199: {  	[tilespmem:s0+$0xFFFFFFD0] =	vst v4;
	v1 =	vld.idx.msk [tilespmem:v10+s21+$0x0], $0xffff;
	(pc) =	sbr.rel @p0 .LBB2_10-.Ltmp4, $4  }
0x19a: {  	[tilespmem:s0+$0xFFFFFFE0] =	vst v5;
	v2 =	vld.idx.msk [tilespmem:v11+s21+$0x0], $0xffff  }
0x19b: {  	[tilespmem:s0+$0xFFFFFFF0] =	vst v7;
	v3 =	vld.idx.msk [tilespmem:v12+s21+$0x0], $0xffff  }
0x19c: {  	[tilespmem:s0+$0xFFFFFF80] =	vst v14;
	v4 =	vld.idx.msk [tilespmem:v13+s21+$0x0], $0xffff  }
0x19d: {  	s10 =	sadd.s32 $0x100, s10;
	[tilespmem:s0+$0x0] =	vst v8;
	v5 =	vld.idx.msk [tilespmem:v6+s21+$0x0], $0xffff  }
0x19e: {  	[tilespmem:s0+$0x10] =	vst v0  }
0x19f: {  	[tilespmem:s0+$0x20] =	vst v1  }
0x1a0: {  	[tilespmem:s0+$0x30] =	vst v2  }
0x1a1: {  	[tilespmem:s0+$0x40] =	vst v3  }
0x1a2: {  	[tilespmem:s0+$0x50] =	vst v4  }
0x1a3: {  	[tilespmem:s0+$0x60] =	vst v5  }
0x1a4: {  	s0 =	rddreg [dreg:$0xb]  }
0x1a5: {  	[hbm4b:s0+s24] =	stream.strided.scatter [tilespmem:s25], [sflag:$0x1], $0x1000, s19, s24, $0x38;
	[tilespmem:$0x1E700] =	vst v63  }
0x1a6: {  	_ =	swait.ge [sflag:s30], $0x1000  }
0x1a7: {  	[sflag:s30] =	ssyncset.done $0x0  }
0x1a8: {  	s31 =	simm.s32 $0x10F0;
	[sflag:s30] =	ssyncadd.s32 $0xFFFFF000  }
0x1a9: {  	v0 =	vld [tilespmem:s31+$0x0]  }
0x1aa: {  	v1 =	vld [tilespmem:s31+$0xFFFFFF20]  }
0x1ab: {  	v2 =	vld [tilespmem:s31+$0xFFFFFF30]  }
0x1ac: {  	v3 =	vld [tilespmem:s31+$0xFFFFFF40]  }
0x1ad: {  	v4 =	vld [tilespmem:s31+$0xFFFFFF50]  }
0x1ae: {  	v5 =	vld [tilespmem:s31+$0xFFFFFF60]  }
0x1af: {  	v6 =	vld [tilespmem:s31+$0xFFFFFF70]  }
0x1b0: {  	v7 =	vld [tilespmem:s31+$0xFFFFFF80]  }
0x1b1: {  	v8 =	vld [tilespmem:s31+$0xFFFFFF90]  }
0x1b2: {  	v9 =	vld [tilespmem:s31+$0xFFFFFFA0]  }
0x1b3: {  	v10 =	vld [tilespmem:s31+$0xFFFFFFB0]  }
0x1b4: {  	v11 =	vld [tilespmem:s31+$0xFFFFFFC0]  }
0x1b5: {  	v12 =	vld [tilespmem:s31+$0xFFFFFFD0]  }
0x1b6: {  	v13 =	vld [tilespmem:s31+$0xFFFFFFE0]  }
0x1b7: {  	v14 =	vld [tilespmem:s31+$0xFFFFFFF0]  }
0x1b8: {  	v15 =	vld [tilespmem:s31+$0xFFFFFF10]  }
0x1b9: {  	v0 =	vld.idx.msk [tilespmem:v0+s21+$0x0], $0xffff  }
0x1ba: {  	v1 =	vld.idx.msk [tilespmem:v1+s21+$0x0], $0xffff  }
0x1bb: {  	v2 =	vld.idx.msk [tilespmem:v2+s21+$0x0], $0xffff  }
0x1bc: {  	v3 =	vld.idx.msk [tilespmem:v3+s21+$0x0], $0xffff  }
0x1bd: {  	v4 =	vld.idx.msk [tilespmem:v4+s21+$0x0], $0xffff  }
0x1be: {  	s0 =	simm.s32 $0x1D780;
	v5 =	vld.idx.msk [tilespmem:v5+s21+$0x0], $0xffff  }
0x1bf: {  	v6 =	vld.idx.msk [tilespmem:v6+s21+$0x0], $0xffff;
	[tilespmem:s0+$0x70] =	vst v0  }
0x1c0: {  	v7 =	vld.idx.msk [tilespmem:v7+s21+$0x0], $0xffff;
	[tilespmem:s0+$0xFFFFFF90] =	vst v1  }
0x1c1: {  	v15 =	vld.idx.msk [tilespmem:v15+s21+$0x0], $0xffff;
	[tilespmem:s0+$0xFFFFFFA0] =	vst v2  }
0x1c2: {  	v8 =	vld.idx.msk [tilespmem:v8+s21+$0x0], $0xffff;
	[tilespmem:s0+$0xFFFFFFB0] =	vst v3  }
0x1c3: {  	[tilespmem:s0+$0xFFFFFFC0] =	vst v4;
	v0 =	vld.idx.msk [tilespmem:v9+s21+$0x0], $0xffff  }
0x1c4: {  	[tilespmem:s0+$0xFFFFFFD0] =	vst v5;
	v1 =	vld.idx.msk [tilespmem:v10+s21+$0x0], $0xffff  }
0x1c5: {  	[tilespmem:s0+$0xFFFFFFE0] =	vst v6;
	v2 =	vld.idx.msk [tilespmem:v11+s21+$0x0], $0xffff  }
0x1c6: {  	[tilespmem:s0+$0xFFFFFFF0] =	vst v7;
	v3 =	vld.idx.msk [tilespmem:v12+s21+$0x0], $0xffff  }
0x1c7: {  	[tilespmem:s0+$0xFFFFFF80] =	vst v15;
	v4 =	vld.idx.msk [tilespmem:v13+s21+$0x0], $0xffff  }
0x1c8: {  	s1 =	simm.s32 $0x0;
	s10 =	simm.s32 $0x11F0;
	[tilespmem:s0+$0x0] =	vst v8;
	v5 =	vld.idx.msk [tilespmem:v14+s21+$0x0], $0xffff  }
.LBB2_12:
0x1c9: {  	v6 =	vld [tilespmem:s10+$0x0];
	s1 =	sadd.s32 $0x10, s1;
	[tilespmem:s0+$0x10] =	vst v0  }
0x1ca: {  	v0 =	vld [tilespmem:s10+$0xFFFFFF20];
	p0 =	slt.u32 s1, $0xF0;
	[tilespmem:s0+$0x20] =	vst v1  }
0x1cb: {  	v1 =	vld [tilespmem:s10+$0xFFFFFF30];
	[tilespmem:s0+$0x30] =	vst v2  }
0x1cc: {  	v2 =	vld [tilespmem:s10+$0xFFFFFF40];
	[tilespmem:s0+$0x40] =	vst v3  }
0x1cd: {  	v3 =	vld [tilespmem:s10+$0xFFFFFF50];
	[tilespmem:s0+$0x50] =	vst v4  }
0x1ce: {  	v4 =	vld [tilespmem:s10+$0xFFFFFF60];
	[tilespmem:s0+$0x60] =	vst v5  }
0x1cf: {  	v5 =	vld [tilespmem:s10+$0xFFFFFF70]  }
0x1d0: {  	v7 =	vld [tilespmem:s10+$0xFFFFFF80]  }
0x1d1: {  	v6 =	vld.idx.msk [tilespmem:v6+s21+$0x0], $0xffff  }
0x1d2: {  	v8 =	vld [tilespmem:s10+$0xFFFFFF90]  }
0x1d3: {  	v9 =	vld [tilespmem:s10+$0xFFFFFFA0]  }
0x1d4: {  	v10 =	vld [tilespmem:s10+$0xFFFFFFB0]  }
0x1d5: {  	v11 =	vld [tilespmem:s10+$0xFFFFFFC0]  }
0x1d6: {  	s0 =	sadd.s32 $0x100, s0;
	v12 =	vld [tilespmem:s10+$0xFFFFFFD0]  }
0x1d7: {  	v13 =	vld [tilespmem:s10+$0xFFFFFFE0];
	[tilespmem:s0+$0x70] =	vst v6  }
0x1d8: {  	v6 =	vld [tilespmem:s10+$0xFFFFFFF0]  }
0x1d9: {  	v14 =	vld [tilespmem:s10+$0xFFFFFF10]  }
0x1da: {  	v0 =	vld.idx.msk [tilespmem:v0+s21+$0x0], $0xffff  }
0x1db: {  	v1 =	vld.idx.msk [tilespmem:v1+s21+$0x0], $0xffff  }
0x1dc: {  	v2 =	vld.idx.msk [tilespmem:v2+s21+$0x0], $0xffff  }
0x1dd: {  	v3 =	vld.idx.msk [tilespmem:v3+s21+$0x0], $0xffff  }
0x1de: {  	v4 =	vld.idx.msk [tilespmem:v4+s21+$0x0], $0xffff  }
0x1df: {  	v5 =	vld.idx.msk [tilespmem:v5+s21+$0x0], $0xffff  }
0x1e0: {  	[tilespmem:s0+$0xFFFFFF90] =	vst v0;
	v7 =	vld.idx.msk [tilespmem:v7+s21+$0x0], $0xffff  }
0x1e1: {  	v14 =	vld.idx.msk [tilespmem:v14+s21+$0x0], $0xffff;
	[tilespmem:s0+$0xFFFFFFA0] =	vst v1  }
0x1e2: {  	[tilespmem:s0+$0xFFFFFFB0] =	vst v2;
	v8 =	vld.idx.msk [tilespmem:v8+s21+$0x0], $0xffff  }
0x1e3: {  	[tilespmem:s0+$0xFFFFFFC0] =	vst v3;
	v0 =	vld.idx.msk [tilespmem:v9+s21+$0x0], $0xffff  }
.Ltmp5:
0x1e4: {  	[tilespmem:s0+$0xFFFFFFD0] =	vst v4;
	v1 =	vld.idx.msk [tilespmem:v10+s21+$0x0], $0xffff;
	(pc) =	sbr.rel @p0 .LBB2_12-.Ltmp5, $4  }
0x1e5: {  	[tilespmem:s0+$0xFFFFFFE0] =	vst v5;
	v2 =	vld.idx.msk [tilespmem:v11+s21+$0x0], $0xffff  }
0x1e6: {  	[tilespmem:s0+$0xFFFFFFF0] =	vst v7;
	v3 =	vld.idx.msk [tilespmem:v12+s21+$0x0], $0xffff  }
0x1e7: {  	[tilespmem:s0+$0xFFFFFF80] =	vst v14;
	v4 =	vld.idx.msk [tilespmem:v13+s21+$0x0], $0xffff  }
0x1e8: {  	s10 =	sadd.s32 $0x100, s10;
	[tilespmem:s0+$0x0] =	vst v8;
	v5 =	vld.idx.msk [tilespmem:v6+s21+$0x0], $0xffff  }
0x1e9: {  	[tilespmem:s0+$0x10] =	vst v0  }
0x1ea: {  	[tilespmem:s0+$0x20] =	vst v1  }
0x1eb: {  	[tilespmem:s0+$0x30] =	vst v2  }
0x1ec: {  	[tilespmem:s0+$0x40] =	vst v3  }
0x1ed: {  	[tilespmem:s0+$0x50] =	vst v4  }
0x1ee: {  	[tilespmem:s0+$0x60] =	vst v5  }
0x1ef: {  	s0 =	rddreg [dreg:$0xc]  }
0x1f0: {  	[hbm4b:s0+s24] =	stream.strided.scatter [tilespmem:s28], [sflag:$0x2], $0x1000, s19, s24, $0x38;
	[tilespmem:$0x1E700] =	vst v63  }
0x1f1: {  	_ =	swait.ge [sflag:s29], $0x1000  }
0x1f2: {  	[sflag:s29] =	ssyncset.done $0x0  }
0x1f3: {  	s31 =	simm.s32 $0x20F0;
	[sflag:s29] =	ssyncadd.s32 $0xFFFFF000  }
0x1f4: {  	v0 =	vld [tilespmem:s31+$0x0]  }
0x1f5: {  	v1 =	vld [tilespmem:s31+$0xFFFFFF20]  }
0x1f6: {  	v2 =	vld [tilespmem:s31+$0xFFFFFF30]  }
0x1f7: {  	v3 =	vld [tilespmem:s31+$0xFFFFFF40]  }
0x1f8: {  	v4 =	vld [tilespmem:s31+$0xFFFFFF50]  }
0x1f9: {  	v5 =	vld [tilespmem:s31+$0xFFFFFF60]  }
0x1fa: {  	v6 =	vld [tilespmem:s31+$0xFFFFFF70]  }
0x1fb: {  	v7 =	vld [tilespmem:s31+$0xFFFFFF80]  }
0x1fc: {  	v8 =	vld [tilespmem:s31+$0xFFFFFF90]  }
0x1fd: {  	v9 =	vld [tilespmem:s31+$0xFFFFFFA0]  }
0x1fe: {  	v10 =	vld [tilespmem:s31+$0xFFFFFFB0]  }
0x1ff: {  	v11 =	vld [tilespmem:s31+$0xFFFFFFC0]  }
0x200: {  	v12 =	vld [tilespmem:s31+$0xFFFFFFD0]  }
0x201: {  	v13 =	vld [tilespmem:s31+$0xFFFFFFE0]  }
0x202: {  	v14 =	vld [tilespmem:s31+$0xFFFFFFF0]  }
0x203: {  	v15 =	vld [tilespmem:s31+$0xFFFFFF10]  }
0x204: {  	v0 =	vld.idx.msk [tilespmem:v0+s21+$0x0], $0xffff  }
0x205: {  	v1 =	vld.idx.msk [tilespmem:v1+s21+$0x0], $0xffff  }
0x206: {  	v2 =	vld.idx.msk [tilespmem:v2+s21+$0x0], $0xffff  }
0x207: {  	v3 =	vld.idx.msk [tilespmem:v3+s21+$0x0], $0xffff  }
0x208: {  	v4 =	vld.idx.msk [tilespmem:v4+s21+$0x0], $0xffff  }
0x209: {  	s0 =	simm.s32 $0x1C780;
	v5 =	vld.idx.msk [tilespmem:v5+s21+$0x0], $0xffff  }
0x20a: {  	v6 =	vld.idx.msk [tilespmem:v6+s21+$0x0], $0xffff;
	[tilespmem:s0+$0x70] =	vst v0  }
0x20b: {  	v7 =	vld.idx.msk [tilespmem:v7+s21+$0x0], $0xffff;
	[tilespmem:s0+$0xFFFFFF90] =	vst v1  }
0x20c: {  	v15 =	vld.idx.msk [tilespmem:v15+s21+$0x0], $0xffff;
	[tilespmem:s0+$0xFFFFFFA0] =	vst v2  }
0x20d: {  	v8 =	vld.idx.msk [tilespmem:v8+s21+$0x0], $0xffff;
	[tilespmem:s0+$0xFFFFFFB0] =	vst v3  }
0x20e: {  	[tilespmem:s0+$0xFFFFFFC0] =	vst v4;
	v0 =	vld.idx.msk [tilespmem:v9+s21+$0x0], $0xffff  }
0x20f: {  	[tilespmem:s0+$0xFFFFFFD0] =	vst v5;
	v1 =	vld.idx.msk [tilespmem:v10+s21+$0x0], $0xffff  }
0x210: {  	[tilespmem:s0+$0xFFFFFFE0] =	vst v6;
	v2 =	vld.idx.msk [tilespmem:v11+s21+$0x0], $0xffff  }
0x211: {  	[tilespmem:s0+$0xFFFFFFF0] =	vst v7;
	v3 =	vld.idx.msk [tilespmem:v12+s21+$0x0], $0xffff  }
0x212: {  	[tilespmem:s0+$0xFFFFFF80] =	vst v15;
	v4 =	vld.idx.msk [tilespmem:v13+s21+$0x0], $0xffff  }
0x213: {  	s1 =	simm.s32 $0x0;
	s10 =	simm.s32 $0x21F0;
	[tilespmem:s0+$0x0] =	vst v8;
	v5 =	vld.idx.msk [tilespmem:v14+s21+$0x0], $0xffff  }
.LBB2_14:
0x214: {  	v6 =	vld [tilespmem:s10+$0x0];
	s1 =	sadd.s32 $0x10, s1;
	[tilespmem:s0+$0x10] =	vst v0  }
0x215: {  	v0 =	vld [tilespmem:s10+$0xFFFFFF20];
	p0 =	slt.u32 s1, $0xF0;
	[tilespmem:s0+$0x20] =	vst v1  }
0x216: {  	v1 =	vld [tilespmem:s10+$0xFFFFFF30];
	[tilespmem:s0+$0x30] =	vst v2  }
0x217: {  	v2 =	vld [tilespmem:s10+$0xFFFFFF40];
	[tilespmem:s0+$0x40] =	vst v3  }
0x218: {  	v3 =	vld [tilespmem:s10+$0xFFFFFF50];
	[tilespmem:s0+$0x50] =	vst v4  }
0x219: {  	v4 =	vld [tilespmem:s10+$0xFFFFFF60];
	[tilespmem:s0+$0x60] =	vst v5  }
0x21a: {  	v5 =	vld [tilespmem:s10+$0xFFFFFF70]  }
0x21b: {  	v7 =	vld [tilespmem:s10+$0xFFFFFF80]  }
0x21c: {  	v6 =	vld.idx.msk [tilespmem:v6+s21+$0x0], $0xffff  }
0x21d: {  	v8 =	vld [tilespmem:s10+$0xFFFFFF90]  }
0x21e: {  	v9 =	vld [tilespmem:s10+$0xFFFFFFA0]  }
0x21f: {  	v10 =	vld [tilespmem:s10+$0xFFFFFFB0]  }
0x220: {  	v11 =	vld [tilespmem:s10+$0xFFFFFFC0]  }
0x221: {  	s0 =	sadd.s32 $0x100, s0;
	v12 =	vld [tilespmem:s10+$0xFFFFFFD0]  }
0x222: {  	v13 =	vld [tilespmem:s10+$0xFFFFFFE0];
	[tilespmem:s0+$0x70] =	vst v6  }
0x223: {  	v6 =	vld [tilespmem:s10+$0xFFFFFFF0]  }
0x224: {  	v14 =	vld [tilespmem:s10+$0xFFFFFF10]  }
0x225: {  	v0 =	vld.idx.msk [tilespmem:v0+s21+$0x0], $0xffff  }
0x226: {  	v1 =	vld.idx.msk [tilespmem:v1+s21+$0x0], $0xffff  }
0x227: {  	v2 =	vld.idx.msk [tilespmem:v2+s21+$0x0], $0xffff  }
0x228: {  	v3 =	vld.idx.msk [tilespmem:v3+s21+$0x0], $0xffff  }
0x229: {  	v4 =	vld.idx.msk [tilespmem:v4+s21+$0x0], $0xffff  }
0x22a: {  	v5 =	vld.idx.msk [tilespmem:v5+s21+$0x0], $0xffff  }
0x22b: {  	[tilespmem:s0+$0xFFFFFF90] =	vst v0;
	v7 =	vld.idx.msk [tilespmem:v7+s21+$0x0], $0xffff  }
0x22c: {  	v14 =	vld.idx.msk [tilespmem:v14+s21+$0x0], $0xffff;
	[tilespmem:s0+$0xFFFFFFA0] =	vst v1  }
0x22d: {  	[tilespmem:s0+$0xFFFFFFB0] =	vst v2;
	v8 =	vld.idx.msk [tilespmem:v8+s21+$0x0], $0xffff  }
0x22e: {  	[tilespmem:s0+$0xFFFFFFC0] =	vst v3;
	v0 =	vld.idx.msk [tilespmem:v9+s21+$0x0], $0xffff  }
.Ltmp6:
0x22f: {  	[tilespmem:s0+$0xFFFFFFD0] =	vst v4;
	v1 =	vld.idx.msk [tilespmem:v10+s21+$0x0], $0xffff;
	(pc) =	sbr.rel @p0 .LBB2_14-.Ltmp6, $4  }
0x230: {  	[tilespmem:s0+$0xFFFFFFE0] =	vst v5;
	v2 =	vld.idx.msk [tilespmem:v11+s21+$0x0], $0xffff  }
0x231: {  	[tilespmem:s0+$0xFFFFFFF0] =	vst v7;
	v3 =	vld.idx.msk [tilespmem:v12+s21+$0x0], $0xffff  }
0x232: {  	[tilespmem:s0+$0xFFFFFF80] =	vst v14;
	v4 =	vld.idx.msk [tilespmem:v13+s21+$0x0], $0xffff  }
0x233: {  	s10 =	sadd.s32 $0x100, s10;
	[tilespmem:s0+$0x0] =	vst v8;
	v5 =	vld.idx.msk [tilespmem:v6+s21+$0x0], $0xffff  }
0x234: {  	[tilespmem:s0+$0x10] =	vst v0  }
0x235: {  	[tilespmem:s0+$0x20] =	vst v1  }
0x236: {  	[tilespmem:s0+$0x30] =	vst v2  }
0x237: {  	[tilespmem:s0+$0x40] =	vst v3  }
0x238: {  	[tilespmem:s0+$0x50] =	vst v4  }
0x239: {  	[tilespmem:s0+$0x60] =	vst v5  }
0x23a: {  	s0 =	rddreg [dreg:$0xd]  }
0x23b: {  	[hbm4b:s0+s24] =	stream.strided.scatter [tilespmem:s25], [sflag:$0x1], $0x1000, s19, s24, $0x38;
	[tilespmem:$0x1E700] =	vst v63  }
0x23c: {  	_ =	swait.ge [sflag:s30], $0x1000  }
0x23d: {  	[sflag:s30] =	ssyncset.done $0x0  }
0x23e: {  	s31 =	simm.s32 $0x30F0;
	[sflag:s30] =	ssyncadd.s32 $0xFFFFF000  }
0x23f: {  	v0 =	vld [tilespmem:s31+$0x0]  }
0x240: {  	v1 =	vld [tilespmem:s31+$0xFFFFFF20]  }
0x241: {  	v2 =	vld [tilespmem:s31+$0xFFFFFF30]  }
0x242: {  	v3 =	vld [tilespmem:s31+$0xFFFFFF40]  }
0x243: {  	v4 =	vld [tilespmem:s31+$0xFFFFFF50]  }
0x244: {  	v5 =	vld [tilespmem:s31+$0xFFFFFF60]  }
0x245: {  	v6 =	vld [tilespmem:s31+$0xFFFFFF70]  }
0x246: {  	v7 =	vld [tilespmem:s31+$0xFFFFFF80]  }
0x247: {  	v8 =	vld [tilespmem:s31+$0xFFFFFF90]  }
0x248: {  	v9 =	vld [tilespmem:s31+$0xFFFFFFA0]  }
0x249: {  	v10 =	vld [tilespmem:s31+$0xFFFFFFB0]  }
0x24a: {  	v11 =	vld [tilespmem:s31+$0xFFFFFFC0]  }
0x24b: {  	v12 =	vld [tilespmem:s31+$0xFFFFFFD0]  }
0x24c: {  	v13 =	vld [tilespmem:s31+$0xFFFFFFE0]  }
0x24d: {  	v14 =	vld [tilespmem:s31+$0xFFFFFFF0]  }
0x24e: {  	v15 =	vld [tilespmem:s31+$0xFFFFFF10]  }
0x24f: {  	v0 =	vld.idx.msk [tilespmem:v0+s21+$0x0], $0xffff  }
0x250: {  	v1 =	vld.idx.msk [tilespmem:v1+s21+$0x0], $0xffff  }
0x251: {  	v2 =	vld.idx.msk [tilespmem:v2+s21+$0x0], $0xffff  }
0x252: {  	v3 =	vld.idx.msk [tilespmem:v3+s21+$0x0], $0xffff  }
0x253: {  	v4 =	vld.idx.msk [tilespmem:v4+s21+$0x0], $0xffff  }
0x254: {  	s0 =	simm.s32 $0x1D780;
	v5 =	vld.idx.msk [tilespmem:v5+s21+$0x0], $0xffff  }
0x255: {  	v6 =	vld.idx.msk [tilespmem:v6+s21+$0x0], $0xffff;
	[tilespmem:s0+$0x70] =	vst v0  }
0x256: {  	v7 =	vld.idx.msk [tilespmem:v7+s21+$0x0], $0xffff;
	[tilespmem:s0+$0xFFFFFF90] =	vst v1  }
0x257: {  	v15 =	vld.idx.msk [tilespmem:v15+s21+$0x0], $0xffff;
	[tilespmem:s0+$0xFFFFFFA0] =	vst v2  }
0x258: {  	v8 =	vld.idx.msk [tilespmem:v8+s21+$0x0], $0xffff;
	[tilespmem:s0+$0xFFFFFFB0] =	vst v3  }
0x259: {  	[tilespmem:s0+$0xFFFFFFC0] =	vst v4;
	v0 =	vld.idx.msk [tilespmem:v9+s21+$0x0], $0xffff  }
0x25a: {  	[tilespmem:s0+$0xFFFFFFD0] =	vst v5;
	v1 =	vld.idx.msk [tilespmem:v10+s21+$0x0], $0xffff  }
0x25b: {  	[tilespmem:s0+$0xFFFFFFE0] =	vst v6;
	v2 =	vld.idx.msk [tilespmem:v11+s21+$0x0], $0xffff  }
0x25c: {  	[tilespmem:s0+$0xFFFFFFF0] =	vst v7;
	v3 =	vld.idx.msk [tilespmem:v12+s21+$0x0], $0xffff  }
0x25d: {  	[tilespmem:s0+$0xFFFFFF80] =	vst v15;
	v4 =	vld.idx.msk [tilespmem:v13+s21+$0x0], $0xffff  }
0x25e: {  	s1 =	simm.s32 $0x0;
	s10 =	simm.s32 $0x31F0;
	[tilespmem:s0+$0x0] =	vst v8;
	v5 =	vld.idx.msk [tilespmem:v14+s21+$0x0], $0xffff  }
.LBB2_16:
0x25f: {  	v6 =	vld [tilespmem:s10+$0x0];
	s1 =	sadd.s32 $0x10, s1;
	[tilespmem:s0+$0x10] =	vst v0  }
0x260: {  	v0 =	vld [tilespmem:s10+$0xFFFFFF20];
	p0 =	slt.u32 s1, $0xF0;
	[tilespmem:s0+$0x20] =	vst v1  }
0x261: {  	v1 =	vld [tilespmem:s10+$0xFFFFFF30];
	[tilespmem:s0+$0x30] =	vst v2  }
0x262: {  	v2 =	vld [tilespmem:s10+$0xFFFFFF40];
	[tilespmem:s0+$0x40] =	vst v3  }
0x263: {  	v3 =	vld [tilespmem:s10+$0xFFFFFF50];
	[tilespmem:s0+$0x50] =	vst v4  }
0x264: {  	v4 =	vld [tilespmem:s10+$0xFFFFFF60];
	[tilespmem:s0+$0x60] =	vst v5  }
0x265: {  	v5 =	vld [tilespmem:s10+$0xFFFFFF70]  }
0x266: {  	v7 =	vld [tilespmem:s10+$0xFFFFFF80]  }
0x267: {  	v6 =	vld.idx.msk [tilespmem:v6+s21+$0x0], $0xffff  }
0x268: {  	v8 =	vld [tilespmem:s10+$0xFFFFFF90]  }
0x269: {  	v9 =	vld [tilespmem:s10+$0xFFFFFFA0]  }
0x26a: {  	v10 =	vld [tilespmem:s10+$0xFFFFFFB0]  }
0x26b: {  	v11 =	vld [tilespmem:s10+$0xFFFFFFC0]  }
0x26c: {  	s0 =	sadd.s32 $0x100, s0;
	v12 =	vld [tilespmem:s10+$0xFFFFFFD0]  }
0x26d: {  	v13 =	vld [tilespmem:s10+$0xFFFFFFE0];
	[tilespmem:s0+$0x70] =	vst v6  }
0x26e: {  	v6 =	vld [tilespmem:s10+$0xFFFFFFF0]  }
0x26f: {  	v14 =	vld [tilespmem:s10+$0xFFFFFF10]  }
0x270: {  	v0 =	vld.idx.msk [tilespmem:v0+s21+$0x0], $0xffff  }
0x271: {  	v1 =	vld.idx.msk [tilespmem:v1+s21+$0x0], $0xffff  }
0x272: {  	v2 =	vld.idx.msk [tilespmem:v2+s21+$0x0], $0xffff  }
0x273: {  	v3 =	vld.idx.msk [tilespmem:v3+s21+$0x0], $0xffff  }
0x274: {  	v4 =	vld.idx.msk [tilespmem:v4+s21+$0x0], $0xffff  }
0x275: {  	v5 =	vld.idx.msk [tilespmem:v5+s21+$0x0], $0xffff  }
0x276: {  	[tilespmem:s0+$0xFFFFFF90] =	vst v0;
	v7 =	vld.idx.msk [tilespmem:v7+s21+$0x0], $0xffff  }
0x277: {  	v14 =	vld.idx.msk [tilespmem:v14+s21+$0x0], $0xffff;
	[tilespmem:s0+$0xFFFFFFA0] =	vst v1  }
0x278: {  	[tilespmem:s0+$0xFFFFFFB0] =	vst v2;
	v8 =	vld.idx.msk [tilespmem:v8+s21+$0x0], $0xffff  }
0x279: {  	[tilespmem:s0+$0xFFFFFFC0] =	vst v3;
	v0 =	vld.idx.msk [tilespmem:v9+s21+$0x0], $0xffff  }
.Ltmp7:
0x27a: {  	[tilespmem:s0+$0xFFFFFFD0] =	vst v4;
	v1 =	vld.idx.msk [tilespmem:v10+s21+$0x0], $0xffff;
	(pc) =	sbr.rel @p0 .LBB2_16-.Ltmp7, $4  }
0x27b: {  	[tilespmem:s0+$0xFFFFFFE0] =	vst v5;
	v2 =	vld.idx.msk [tilespmem:v11+s21+$0x0], $0xffff  }
0x27c: {  	[tilespmem:s0+$0xFFFFFFF0] =	vst v7;
	v3 =	vld.idx.msk [tilespmem:v12+s21+$0x0], $0xffff  }
0x27d: {  	[tilespmem:s0+$0xFFFFFF80] =	vst v14;
	v4 =	vld.idx.msk [tilespmem:v13+s21+$0x0], $0xffff  }
0x27e: {  	s10 =	sadd.s32 $0x100, s10;
	[tilespmem:s0+$0x0] =	vst v8;
	v5 =	vld.idx.msk [tilespmem:v6+s21+$0x0], $0xffff  }
0x27f: {  	[tilespmem:s0+$0x10] =	vst v0  }
0x280: {  	[tilespmem:s0+$0x20] =	vst v1  }
0x281: {  	[tilespmem:s0+$0x30] =	vst v2  }
0x282: {  	[tilespmem:s0+$0x40] =	vst v3  }
0x283: {  	[tilespmem:s0+$0x50] =	vst v4  }
0x284: {  	[tilespmem:s0+$0x60] =	vst v5  }
0x285: {  	s16 =	simm.s32 $0x80;
	s1 =	rddreg [dreg:$0xe]  }
0x286: {  	[hbm4b:s1+s16] =	stream.strided.scatter [tilespmem:s28], [sflag:$0x2], $0x1000, s19, s16, $0x38;
	[tilespmem:$0x1E700] =	vst v63  }
0x287: {  	s31 =	rddreg [dreg:$0xf]  }
0x288: {  	[tilespmem:s21], [sflag:$0x3] =	stream.strided.gather [hbm4b:s31+s16], $0x18700, s19, s16, $0x38;
	[tilespmem:$0x1E700] =	vst v63  }
0x289: {  	_ =	swait.ge [sflag:s23], $0x18700  }
0x28a: {  	[sflag:s23] =	ssyncset.done $0x0  }
0x28b: {  	[sflag:s23] =	ssyncadd.s32 $0xFFFE7900  }
0x28c: {  	_ =	swait.ge [sflag:s29], $0x1000  }
0x28d: {  	[sflag:s29] =	ssyncset.done $0x0  }
0x28e: {  	[sflag:s29] =	ssyncadd.s32 $0xFFFFF000  }
0x28f: {  	v0 =	vld [tilespmem:s16+$0x70]  }
0x290: {  	v1 =	vld [tilespmem:s16+$0xFFFFFF90]  }
0x291: {  	v2 =	vld [tilespmem:s16+$0xFFFFFFA0]  }
0x292: {  	v3 =	vld [tilespmem:s16+$0xFFFFFFB0]  }
0x293: {  	v4 =	vld [tilespmem:s16+$0xFFFFFFC0]  }
0x294: {  	v5 =	vld [tilespmem:s16+$0xFFFFFFD0]  }
0x295: {  	v6 =	vld [tilespmem:s16+$0xFFFFFFE0]  }
0x296: {  	v7 =	vld [tilespmem:s16+$0xFFFFFFF0]  }
0x297: {  	v8 =	vld [tilespmem:s16+$0x0]  }
0x298: {  	v9 =	vld [tilespmem:s16+$0x10]  }
0x299: {  	v10 =	vld [tilespmem:s16+$0x20]  }
0x29a: {  	v11 =	vld [tilespmem:s16+$0x30]  }
0x29b: {  	v12 =	vld [tilespmem:s16+$0x40]  }
0x29c: {  	v13 =	vld [tilespmem:s16+$0x50]  }
0x29d: {  	v14 =	vld [tilespmem:s16+$0x60]  }
0x29e: {  	v15 =	vld [tilespmem:s16+$0xFFFFFF80]  }
0x29f: {  	v0 =	vld.idx.msk [tilespmem:v0+s21+$0x0], $0xffff  }
0x2a0: {  	v1 =	vld.idx.msk [tilespmem:v1+s21+$0x0], $0xffff  }
0x2a1: {  	v2 =	vld.idx.msk [tilespmem:v2+s21+$0x0], $0xffff  }
0x2a2: {  	v3 =	vld.idx.msk [tilespmem:v3+s21+$0x0], $0xffff  }
0x2a3: {  	v4 =	vld.idx.msk [tilespmem:v4+s21+$0x0], $0xffff  }
0x2a4: {  	s0 =	simm.s32 $0x1C780;
	v5 =	vld.idx.msk [tilespmem:v5+s21+$0x0], $0xffff  }
0x2a5: {  	v6 =	vld.idx.msk [tilespmem:v6+s21+$0x0], $0xffff;
	[tilespmem:s0+$0x70] =	vst v0  }
0x2a6: {  	v7 =	vld.idx.msk [tilespmem:v7+s21+$0x0], $0xffff;
	[tilespmem:s0+$0xFFFFFF90] =	vst v1  }
0x2a7: {  	v15 =	vld.idx.msk [tilespmem:v15+s21+$0x0], $0xffff;
	[tilespmem:s0+$0xFFFFFFA0] =	vst v2  }
0x2a8: {  	v8 =	vld.idx.msk [tilespmem:v8+s21+$0x0], $0xffff;
	[tilespmem:s0+$0xFFFFFFB0] =	vst v3  }
0x2a9: {  	[tilespmem:s0+$0xFFFFFFC0] =	vst v4;
	v0 =	vld.idx.msk [tilespmem:v9+s21+$0x0], $0xffff  }
0x2aa: {  	[tilespmem:s0+$0xFFFFFFD0] =	vst v5;
	v1 =	vld.idx.msk [tilespmem:v10+s21+$0x0], $0xffff  }
0x2ab: {  	[tilespmem:s0+$0xFFFFFFE0] =	vst v6;
	v2 =	vld.idx.msk [tilespmem:v11+s21+$0x0], $0xffff  }
0x2ac: {  	[tilespmem:s0+$0xFFFFFFF0] =	vst v7;
	v3 =	vld.idx.msk [tilespmem:v12+s21+$0x0], $0xffff  }
0x2ad: {  	[tilespmem:s0+$0xFFFFFF80] =	vst v15;
	v4 =	vld.idx.msk [tilespmem:v13+s21+$0x0], $0xffff  }
0x2ae: {  	s10 =	simm.s32 $0x180;
	s1 =	simm.s32 $0x0;
	[tilespmem:s0+$0x0] =	vst v8;
	v5 =	vld.idx.msk [tilespmem:v14+s21+$0x0], $0xffff  }
.LBB2_18:
0x2af: {  	v6 =	vld [tilespmem:s10+$0x70];
	s1 =	sadd.s32 $0x10, s1;
	[tilespmem:s0+$0x10] =	vst v0  }
0x2b0: {  	v0 =	vld [tilespmem:s10+$0xFFFFFF90];
	p0 =	slt.u32 s1, $0xF0;
	[tilespmem:s0+$0x20] =	vst v1  }
0x2b1: {  	v1 =	vld [tilespmem:s10+$0xFFFFFFA0];
	[tilespmem:s0+$0x30] =	vst v2  }
0x2b2: {  	v2 =	vld [tilespmem:s10+$0xFFFFFFB0];
	[tilespmem:s0+$0x40] =	vst v3  }
0x2b3: {  	v3 =	vld [tilespmem:s10+$0xFFFFFFC0];
	[tilespmem:s0+$0x50] =	vst v4  }
0x2b4: {  	v4 =	vld [tilespmem:s10+$0xFFFFFFD0];
	[tilespmem:s0+$0x60] =	vst v5  }
0x2b5: {  	v5 =	vld [tilespmem:s10+$0xFFFFFFE0]  }
0x2b6: {  	v7 =	vld [tilespmem:s10+$0xFFFFFFF0]  }
0x2b7: {  	v6 =	vld.idx.msk [tilespmem:v6+s21+$0x0], $0xffff  }
0x2b8: {  	v8 =	vld [tilespmem:s10+$0x0]  }
0x2b9: {  	v9 =	vld [tilespmem:s10+$0x10]  }
0x2ba: {  	v10 =	vld [tilespmem:s10+$0x20]  }
0x2bb: {  	v11 =	vld [tilespmem:s10+$0x30]  }
0x2bc: {  	s0 =	sadd.s32 $0x100, s0;
	v12 =	vld [tilespmem:s10+$0x40]  }
0x2bd: {  	v13 =	vld [tilespmem:s10+$0x50];
	[tilespmem:s0+$0x70] =	vst v6  }
0x2be: {  	v6 =	vld [tilespmem:s10+$0x60]  }
0x2bf: {  	v14 =	vld [tilespmem:s10+$0xFFFFFF80]  }
0x2c0: {  	v0 =	vld.idx.msk [tilespmem:v0+s21+$0x0], $0xffff  }
0x2c1: {  	v1 =	vld.idx.msk [tilespmem:v1+s21+$0x0], $0xffff  }
0x2c2: {  	v2 =	vld.idx.msk [tilespmem:v2+s21+$0x0], $0xffff  }
0x2c3: {  	v3 =	vld.idx.msk [tilespmem:v3+s21+$0x0], $0xffff  }
0x2c4: {  	v4 =	vld.idx.msk [tilespmem:v4+s21+$0x0], $0xffff  }
0x2c5: {  	v5 =	vld.idx.msk [tilespmem:v5+s21+$0x0], $0xffff  }
0x2c6: {  	[tilespmem:s0+$0xFFFFFF90] =	vst v0;
	v7 =	vld.idx.msk [tilespmem:v7+s21+$0x0], $0xffff  }
0x2c7: {  	v14 =	vld.idx.msk [tilespmem:v14+s21+$0x0], $0xffff;
	[tilespmem:s0+$0xFFFFFFA0] =	vst v1  }
0x2c8: {  	[tilespmem:s0+$0xFFFFFFB0] =	vst v2;
	v8 =	vld.idx.msk [tilespmem:v8+s21+$0x0], $0xffff  }
0x2c9: {  	[tilespmem:s0+$0xFFFFFFC0] =	vst v3;
	v0 =	vld.idx.msk [tilespmem:v9+s21+$0x0], $0xffff  }
.Ltmp8:
0x2ca: {  	[tilespmem:s0+$0xFFFFFFD0] =	vst v4;
	v1 =	vld.idx.msk [tilespmem:v10+s21+$0x0], $0xffff;
	(pc) =	sbr.rel @p0 .LBB2_18-.Ltmp8, $4  }
0x2cb: {  	[tilespmem:s0+$0xFFFFFFE0] =	vst v5;
	v2 =	vld.idx.msk [tilespmem:v11+s21+$0x0], $0xffff  }
0x2cc: {  	[tilespmem:s0+$0xFFFFFFF0] =	vst v7;
	v3 =	vld.idx.msk [tilespmem:v12+s21+$0x0], $0xffff  }
0x2cd: {  	[tilespmem:s0+$0xFFFFFF80] =	vst v14;
	v4 =	vld.idx.msk [tilespmem:v13+s21+$0x0], $0xffff  }
0x2ce: {  	s10 =	sadd.s32 $0x100, s10;
	[tilespmem:s0+$0x0] =	vst v8;
	v5 =	vld.idx.msk [tilespmem:v6+s21+$0x0], $0xffff  }
0x2cf: {  	[tilespmem:s0+$0x10] =	vst v0  }
0x2d0: {  	[tilespmem:s0+$0x20] =	vst v1  }
0x2d1: {  	[tilespmem:s0+$0x30] =	vst v2  }
0x2d2: {  	[tilespmem:s0+$0x40] =	vst v3  }
0x2d3: {  	[tilespmem:s0+$0x50] =	vst v4  }
0x2d4: {  	[tilespmem:s0+$0x60] =	vst v5  }
0x2d5: {  	s0 =	rddreg [dreg:$0x10]  }
0x2d6: {  	[hbm4b:s0+s24] =	stream.strided.scatter [tilespmem:s25], [sflag:$0x1], $0x1000, s19, s24, $0x38;
	[tilespmem:$0x1E700] =	vst v63  }
0x2d7: {  	_ =	swait.ge [sflag:s30], $0x1000  }
0x2d8: {  	[sflag:s30] =	ssyncset.done $0x0  }
0x2d9: {  	s31 =	simm.s32 $0x10F0;
	[sflag:s30] =	ssyncadd.s32 $0xFFFFF000  }
0x2da: {  	v0 =	vld [tilespmem:s31+$0x0]  }
0x2db: {  	v1 =	vld [tilespmem:s31+$0xFFFFFF20]  }
0x2dc: {  	v2 =	vld [tilespmem:s31+$0xFFFFFF30]  }
0x2dd: {  	v3 =	vld [tilespmem:s31+$0xFFFFFF40]  }
0x2de: {  	v4 =	vld [tilespmem:s31+$0xFFFFFF50]  }
0x2df: {  	v5 =	vld [tilespmem:s31+$0xFFFFFF60]  }
0x2e0: {  	v6 =	vld [tilespmem:s31+$0xFFFFFF70]  }
0x2e1: {  	v7 =	vld [tilespmem:s31+$0xFFFFFF80]  }
0x2e2: {  	v8 =	vld [tilespmem:s31+$0xFFFFFF90]  }
0x2e3: {  	v9 =	vld [tilespmem:s31+$0xFFFFFFA0]  }
0x2e4: {  	v10 =	vld [tilespmem:s31+$0xFFFFFFB0]  }
0x2e5: {  	v11 =	vld [tilespmem:s31+$0xFFFFFFC0]  }
0x2e6: {  	v12 =	vld [tilespmem:s31+$0xFFFFFFD0]  }
0x2e7: {  	v13 =	vld [tilespmem:s31+$0xFFFFFFE0]  }
0x2e8: {  	v14 =	vld [tilespmem:s31+$0xFFFFFFF0]  }
0x2e9: {  	v15 =	vld [tilespmem:s31+$0xFFFFFF10]  }
0x2ea: {  	v0 =	vld.idx.msk [tilespmem:v0+s21+$0x0], $0xffff  }
0x2eb: {  	v1 =	vld.idx.msk [tilespmem:v1+s21+$0x0], $0xffff  }
0x2ec: {  	v2 =	vld.idx.msk [tilespmem:v2+s21+$0x0], $0xffff  }
0x2ed: {  	v3 =	vld.idx.msk [tilespmem:v3+s21+$0x0], $0xffff  }
0x2ee: {  	v4 =	vld.idx.msk [tilespmem:v4+s21+$0x0], $0xffff  }
0x2ef: {  	s0 =	simm.s32 $0x1D780;
	v5 =	vld.idx.msk [tilespmem:v5+s21+$0x0], $0xffff  }
0x2f0: {  	v6 =	vld.idx.msk [tilespmem:v6+s21+$0x0], $0xffff;
	[tilespmem:s0+$0x70] =	vst v0  }
0x2f1: {  	v7 =	vld.idx.msk [tilespmem:v7+s21+$0x0], $0xffff;
	[tilespmem:s0+$0xFFFFFF90] =	vst v1  }
0x2f2: {  	v15 =	vld.idx.msk [tilespmem:v15+s21+$0x0], $0xffff;
	[tilespmem:s0+$0xFFFFFFA0] =	vst v2  }
0x2f3: {  	v8 =	vld.idx.msk [tilespmem:v8+s21+$0x0], $0xffff;
	[tilespmem:s0+$0xFFFFFFB0] =	vst v3  }
0x2f4: {  	[tilespmem:s0+$0xFFFFFFC0] =	vst v4;
	v0 =	vld.idx.msk [tilespmem:v9+s21+$0x0], $0xffff  }
0x2f5: {  	[tilespmem:s0+$0xFFFFFFD0] =	vst v5;
	v1 =	vld.idx.msk [tilespmem:v10+s21+$0x0], $0xffff  }
0x2f6: {  	[tilespmem:s0+$0xFFFFFFE0] =	vst v6;
	v2 =	vld.idx.msk [tilespmem:v11+s21+$0x0], $0xffff  }
0x2f7: {  	[tilespmem:s0+$0xFFFFFFF0] =	vst v7;
	v3 =	vld.idx.msk [tilespmem:v12+s21+$0x0], $0xffff  }
0x2f8: {  	[tilespmem:s0+$0xFFFFFF80] =	vst v15;
	v4 =	vld.idx.msk [tilespmem:v13+s21+$0x0], $0xffff  }
0x2f9: {  	s1 =	simm.s32 $0x0;
	s10 =	simm.s32 $0x11F0;
	[tilespmem:s0+$0x0] =	vst v8;
	v5 =	vld.idx.msk [tilespmem:v14+s21+$0x0], $0xffff  }
.LBB2_20:
0x2fa: {  	v6 =	vld [tilespmem:s10+$0x0];
	s1 =	sadd.s32 $0x10, s1;
	[tilespmem:s0+$0x10] =	vst v0  }
0x2fb: {  	v0 =	vld [tilespmem:s10+$0xFFFFFF20];
	p0 =	slt.u32 s1, $0xF0;
	[tilespmem:s0+$0x20] =	vst v1  }
0x2fc: {  	v1 =	vld [tilespmem:s10+$0xFFFFFF30];
	[tilespmem:s0+$0x30] =	vst v2  }
0x2fd: {  	v2 =	vld [tilespmem:s10+$0xFFFFFF40];
	[tilespmem:s0+$0x40] =	vst v3  }
0x2fe: {  	v3 =	vld [tilespmem:s10+$0xFFFFFF50];
	[tilespmem:s0+$0x50] =	vst v4  }
0x2ff: {  	v4 =	vld [tilespmem:s10+$0xFFFFFF60];
	[tilespmem:s0+$0x60] =	vst v5  }
0x300: {  	v5 =	vld [tilespmem:s10+$0xFFFFFF70]  }
0x301: {  	v7 =	vld [tilespmem:s10+$0xFFFFFF80]  }
0x302: {  	v6 =	vld.idx.msk [tilespmem:v6+s21+$0x0], $0xffff  }
0x303: {  	v8 =	vld [tilespmem:s10+$0xFFFFFF90]  }
0x304: {  	v9 =	vld [tilespmem:s10+$0xFFFFFFA0]  }
0x305: {  	v10 =	vld [tilespmem:s10+$0xFFFFFFB0]  }
0x306: {  	v11 =	vld [tilespmem:s10+$0xFFFFFFC0]  }
0x307: {  	s0 =	sadd.s32 $0x100, s0;
	v12 =	vld [tilespmem:s10+$0xFFFFFFD0]  }
0x308: {  	v13 =	vld [tilespmem:s10+$0xFFFFFFE0];
	[tilespmem:s0+$0x70] =	vst v6  }
0x309: {  	v6 =	vld [tilespmem:s10+$0xFFFFFFF0]  }
0x30a: {  	v14 =	vld [tilespmem:s10+$0xFFFFFF10]  }
0x30b: {  	v0 =	vld.idx.msk [tilespmem:v0+s21+$0x0], $0xffff  }
0x30c: {  	v1 =	vld.idx.msk [tilespmem:v1+s21+$0x0], $0xffff  }
0x30d: {  	v2 =	vld.idx.msk [tilespmem:v2+s21+$0x0], $0xffff  }
0x30e: {  	v3 =	vld.idx.msk [tilespmem:v3+s21+$0x0], $0xffff  }
0x30f: {  	v4 =	vld.idx.msk [tilespmem:v4+s21+$0x0], $0xffff  }
0x310: {  	v5 =	vld.idx.msk [tilespmem:v5+s21+$0x0], $0xffff  }
0x311: {  	[tilespmem:s0+$0xFFFFFF90] =	vst v0;
	v7 =	vld.idx.msk [tilespmem:v7+s21+$0x0], $0xffff  }
0x312: {  	v14 =	vld.idx.msk [tilespmem:v14+s21+$0x0], $0xffff;
	[tilespmem:s0+$0xFFFFFFA0] =	vst v1  }
0x313: {  	[tilespmem:s0+$0xFFFFFFB0] =	vst v2;
	v8 =	vld.idx.msk [tilespmem:v8+s21+$0x0], $0xffff  }
0x314: {  	[tilespmem:s0+$0xFFFFFFC0] =	vst v3;
	v0 =	vld.idx.msk [tilespmem:v9+s21+$0x0], $0xffff  }
.Ltmp9:
0x315: {  	[tilespmem:s0+$0xFFFFFFD0] =	vst v4;
	v1 =	vld.idx.msk [tilespmem:v10+s21+$0x0], $0xffff;
	(pc) =	sbr.rel @p0 .LBB2_20-.Ltmp9, $4  }
0x316: {  	[tilespmem:s0+$0xFFFFFFE0] =	vst v5;
	v2 =	vld.idx.msk [tilespmem:v11+s21+$0x0], $0xffff  }
0x317: {  	[tilespmem:s0+$0xFFFFFFF0] =	vst v7;
	v3 =	vld.idx.msk [tilespmem:v12+s21+$0x0], $0xffff  }
0x318: {  	[tilespmem:s0+$0xFFFFFF80] =	vst v14;
	v4 =	vld.idx.msk [tilespmem:v13+s21+$0x0], $0xffff  }
0x319: {  	s10 =	sadd.s32 $0x100, s10;
	[tilespmem:s0+$0x0] =	vst v8;
	v5 =	vld.idx.msk [tilespmem:v6+s21+$0x0], $0xffff  }
0x31a: {  	[tilespmem:s0+$0x10] =	vst v0  }
0x31b: {  	[tilespmem:s0+$0x20] =	vst v1  }
0x31c: {  	[tilespmem:s0+$0x30] =	vst v2  }
0x31d: {  	[tilespmem:s0+$0x40] =	vst v3  }
0x31e: {  	[tilespmem:s0+$0x50] =	vst v4  }
0x31f: {  	[tilespmem:s0+$0x60] =	vst v5  }
0x320: {  	s0 =	rddreg [dreg:$0x11]  }
0x321: {  	[hbm4b:s0+s24] =	stream.strided.scatter [tilespmem:s28], [sflag:$0x2], $0x1000, s19, s24, $0x38;
	[tilespmem:$0x1E700] =	vst v63  }
0x322: {  	_ =	swait.ge [sflag:s29], $0x1000  }
0x323: {  	[sflag:s29] =	ssyncset.done $0x0  }
0x324: {  	s31 =	simm.s32 $0x20F0;
	[sflag:s29] =	ssyncadd.s32 $0xFFFFF000  }
0x325: {  	v0 =	vld [tilespmem:s31+$0x0]  }
0x326: {  	v1 =	vld [tilespmem:s31+$0xFFFFFF20]  }
0x327: {  	v2 =	vld [tilespmem:s31+$0xFFFFFF30]  }
0x328: {  	v3 =	vld [tilespmem:s31+$0xFFFFFF40]  }
0x329: {  	v4 =	vld [tilespmem:s31+$0xFFFFFF50]  }
0x32a: {  	v5 =	vld [tilespmem:s31+$0xFFFFFF60]  }
0x32b: {  	v6 =	vld [tilespmem:s31+$0xFFFFFF70]  }
0x32c: {  	v7 =	vld [tilespmem:s31+$0xFFFFFF80]  }
0x32d: {  	v8 =	vld [tilespmem:s31+$0xFFFFFF90]  }
0x32e: {  	v9 =	vld [tilespmem:s31+$0xFFFFFFA0]  }
0x32f: {  	v10 =	vld [tilespmem:s31+$0xFFFFFFB0]  }
0x330: {  	v11 =	vld [tilespmem:s31+$0xFFFFFFC0]  }
0x331: {  	v12 =	vld [tilespmem:s31+$0xFFFFFFD0]  }
0x332: {  	v13 =	vld [tilespmem:s31+$0xFFFFFFE0]  }
0x333: {  	v14 =	vld [tilespmem:s31+$0xFFFFFFF0]  }
0x334: {  	v15 =	vld [tilespmem:s31+$0xFFFFFF10]  }
0x335: {  	v0 =	vld.idx.msk [tilespmem:v0+s21+$0x0], $0xffff  }
0x336: {  	v1 =	vld.idx.msk [tilespmem:v1+s21+$0x0], $0xffff  }
0x337: {  	v2 =	vld.idx.msk [tilespmem:v2+s21+$0x0], $0xffff  }
0x338: {  	v3 =	vld.idx.msk [tilespmem:v3+s21+$0x0], $0xffff  }
0x339: {  	v4 =	vld.idx.msk [tilespmem:v4+s21+$0x0], $0xffff  }
0x33a: {  	s0 =	simm.s32 $0x1C780;
	v5 =	vld.idx.msk [tilespmem:v5+s21+$0x0], $0xffff  }
0x33b: {  	v6 =	vld.idx.msk [tilespmem:v6+s21+$0x0], $0xffff;
	[tilespmem:s0+$0x70] =	vst v0  }
0x33c: {  	v7 =	vld.idx.msk [tilespmem:v7+s21+$0x0], $0xffff;
	[tilespmem:s0+$0xFFFFFF90] =	vst v1  }
0x33d: {  	v15 =	vld.idx.msk [tilespmem:v15+s21+$0x0], $0xffff;
	[tilespmem:s0+$0xFFFFFFA0] =	vst v2  }
0x33e: {  	v8 =	vld.idx.msk [tilespmem:v8+s21+$0x0], $0xffff;
	[tilespmem:s0+$0xFFFFFFB0] =	vst v3  }
0x33f: {  	[tilespmem:s0+$0xFFFFFFC0] =	vst v4;
	v0 =	vld.idx.msk [tilespmem:v9+s21+$0x0], $0xffff  }
0x340: {  	[tilespmem:s0+$0xFFFFFFD0] =	vst v5;
	v1 =	vld.idx.msk [tilespmem:v10+s21+$0x0], $0xffff  }
0x341: {  	[tilespmem:s0+$0xFFFFFFE0] =	vst v6;
	v2 =	vld.idx.msk [tilespmem:v11+s21+$0x0], $0xffff  }
0x342: {  	[tilespmem:s0+$0xFFFFFFF0] =	vst v7;
	v3 =	vld.idx.msk [tilespmem:v12+s21+$0x0], $0xffff  }
0x343: {  	[tilespmem:s0+$0xFFFFFF80] =	vst v15;
	v4 =	vld.idx.msk [tilespmem:v13+s21+$0x0], $0xffff  }
0x344: {  	s1 =	simm.s32 $0x0;
	s10 =	simm.s32 $0x21F0;
	[tilespmem:s0+$0x0] =	vst v8;
	v5 =	vld.idx.msk [tilespmem:v14+s21+$0x0], $0xffff  }
.LBB2_22:
0x345: {  	v6 =	vld [tilespmem:s10+$0x0];
	s1 =	sadd.s32 $0x10, s1;
	[tilespmem:s0+$0x10] =	vst v0  }
0x346: {  	v0 =	vld [tilespmem:s10+$0xFFFFFF20];
	p0 =	slt.u32 s1, $0xF0;
	[tilespmem:s0+$0x20] =	vst v1  }
0x347: {  	v1 =	vld [tilespmem:s10+$0xFFFFFF30];
	[tilespmem:s0+$0x30] =	vst v2  }
0x348: {  	v2 =	vld [tilespmem:s10+$0xFFFFFF40];
	[tilespmem:s0+$0x40] =	vst v3  }
0x349: {  	v3 =	vld [tilespmem:s10+$0xFFFFFF50];
	[tilespmem:s0+$0x50] =	vst v4  }
0x34a: {  	v4 =	vld [tilespmem:s10+$0xFFFFFF60];
	[tilespmem:s0+$0x60] =	vst v5  }
0x34b: {  	v5 =	vld [tilespmem:s10+$0xFFFFFF70]  }
0x34c: {  	v7 =	vld [tilespmem:s10+$0xFFFFFF80]  }
0x34d: {  	v6 =	vld.idx.msk [tilespmem:v6+s21+$0x0], $0xffff  }
0x34e: {  	v8 =	vld [tilespmem:s10+$0xFFFFFF90]  }
0x34f: {  	v9 =	vld [tilespmem:s10+$0xFFFFFFA0]  }
0x350: {  	v10 =	vld [tilespmem:s10+$0xFFFFFFB0]  }
0x351: {  	v11 =	vld [tilespmem:s10+$0xFFFFFFC0]  }
0x352: {  	s0 =	sadd.s32 $0x100, s0;
	v12 =	vld [tilespmem:s10+$0xFFFFFFD0]  }
0x353: {  	v13 =	vld [tilespmem:s10+$0xFFFFFFE0];
	[tilespmem:s0+$0x70] =	vst v6  }
0x354: {  	v6 =	vld [tilespmem:s10+$0xFFFFFFF0]  }
0x355: {  	v14 =	vld [tilespmem:s10+$0xFFFFFF10]  }
0x356: {  	v0 =	vld.idx.msk [tilespmem:v0+s21+$0x0], $0xffff  }
0x357: {  	v1 =	vld.idx.msk [tilespmem:v1+s21+$0x0], $0xffff  }
0x358: {  	v2 =	vld.idx.msk [tilespmem:v2+s21+$0x0], $0xffff  }
0x359: {  	v3 =	vld.idx.msk [tilespmem:v3+s21+$0x0], $0xffff  }
0x35a: {  	v4 =	vld.idx.msk [tilespmem:v4+s21+$0x0], $0xffff  }
0x35b: {  	v5 =	vld.idx.msk [tilespmem:v5+s21+$0x0], $0xffff  }
0x35c: {  	[tilespmem:s0+$0xFFFFFF90] =	vst v0;
	v7 =	vld.idx.msk [tilespmem:v7+s21+$0x0], $0xffff  }
0x35d: {  	v14 =	vld.idx.msk [tilespmem:v14+s21+$0x0], $0xffff;
	[tilespmem:s0+$0xFFFFFFA0] =	vst v1  }
0x35e: {  	[tilespmem:s0+$0xFFFFFFB0] =	vst v2;
	v8 =	vld.idx.msk [tilespmem:v8+s21+$0x0], $0xffff  }
0x35f: {  	[tilespmem:s0+$0xFFFFFFC0] =	vst v3;
	v0 =	vld.idx.msk [tilespmem:v9+s21+$0x0], $0xffff  }
.Ltmp10:
0x360: {  	[tilespmem:s0+$0xFFFFFFD0] =	vst v4;
	v1 =	vld.idx.msk [tilespmem:v10+s21+$0x0], $0xffff;
	(pc) =	sbr.rel @p0 .LBB2_22-.Ltmp10, $4  }
0x361: {  	[tilespmem:s0+$0xFFFFFFE0] =	vst v5;
	v2 =	vld.idx.msk [tilespmem:v11+s21+$0x0], $0xffff  }
0x362: {  	[tilespmem:s0+$0xFFFFFFF0] =	vst v7;
	v3 =	vld.idx.msk [tilespmem:v12+s21+$0x0], $0xffff  }
0x363: {  	[tilespmem:s0+$0xFFFFFF80] =	vst v14;
	v4 =	vld.idx.msk [tilespmem:v13+s21+$0x0], $0xffff  }
0x364: {  	s10 =	sadd.s32 $0x100, s10;
	[tilespmem:s0+$0x0] =	vst v8;
	v5 =	vld.idx.msk [tilespmem:v6+s21+$0x0], $0xffff  }
0x365: {  	[tilespmem:s0+$0x10] =	vst v0  }
0x366: {  	[tilespmem:s0+$0x20] =	vst v1  }
0x367: {  	[tilespmem:s0+$0x30] =	vst v2  }
0x368: {  	[tilespmem:s0+$0x40] =	vst v3  }
0x369: {  	[tilespmem:s0+$0x50] =	vst v4  }
0x36a: {  	[tilespmem:s0+$0x60] =	vst v5  }
0x36b: {  	s0 =	rddreg [dreg:$0x12]  }
0x36c: {  	[hbm4b:s0+s24] =	stream.strided.scatter [tilespmem:s25], [sflag:$0x1], $0x1000, s19, s24, $0x38;
	[tilespmem:$0x1E700] =	vst v63  }
0x36d: {  	_ =	swait.ge [sflag:s30], $0x1000  }
0x36e: {  	[sflag:s30] =	ssyncset.done $0x0  }
0x36f: {  	s31 =	simm.s32 $0x30F0;
	[sflag:s30] =	ssyncadd.s32 $0xFFFFF000  }
0x370: {  	v0 =	vld [tilespmem:s31+$0x0]  }
0x371: {  	v1 =	vld [tilespmem:s31+$0xFFFFFF20]  }
0x372: {  	v2 =	vld [tilespmem:s31+$0xFFFFFF30]  }
0x373: {  	v3 =	vld [tilespmem:s31+$0xFFFFFF40]  }
0x374: {  	v4 =	vld [tilespmem:s31+$0xFFFFFF50]  }
0x375: {  	v5 =	vld [tilespmem:s31+$0xFFFFFF60]  }
0x376: {  	v6 =	vld [tilespmem:s31+$0xFFFFFF70]  }
0x377: {  	v7 =	vld [tilespmem:s31+$0xFFFFFF80]  }
0x378: {  	v8 =	vld [tilespmem:s31+$0xFFFFFF90]  }
0x379: {  	v9 =	vld [tilespmem:s31+$0xFFFFFFA0]  }
0x37a: {  	v10 =	vld [tilespmem:s31+$0xFFFFFFB0]  }
0x37b: {  	v11 =	vld [tilespmem:s31+$0xFFFFFFC0]  }
0x37c: {  	v12 =	vld [tilespmem:s31+$0xFFFFFFD0]  }
0x37d: {  	v13 =	vld [tilespmem:s31+$0xFFFFFFE0]  }
0x37e: {  	v14 =	vld [tilespmem:s31+$0xFFFFFFF0]  }
0x37f: {  	v15 =	vld [tilespmem:s31+$0xFFFFFF10]  }
0x380: {  	v0 =	vld.idx.msk [tilespmem:v0+s21+$0x0], $0xffff  }
0x381: {  	v1 =	vld.idx.msk [tilespmem:v1+s21+$0x0], $0xffff  }
0x382: {  	v2 =	vld.idx.msk [tilespmem:v2+s21+$0x0], $0xffff  }
0x383: {  	v3 =	vld.idx.msk [tilespmem:v3+s21+$0x0], $0xffff  }
0x384: {  	v4 =	vld.idx.msk [tilespmem:v4+s21+$0x0], $0xffff  }
0x385: {  	s0 =	simm.s32 $0x1D780;
	v5 =	vld.idx.msk [tilespmem:v5+s21+$0x0], $0xffff  }
0x386: {  	v6 =	vld.idx.msk [tilespmem:v6+s21+$0x0], $0xffff;
	[tilespmem:s0+$0x70] =	vst v0  }
0x387: {  	v7 =	vld.idx.msk [tilespmem:v7+s21+$0x0], $0xffff;
	[tilespmem:s0+$0xFFFFFF90] =	vst v1  }
0x388: {  	v15 =	vld.idx.msk [tilespmem:v15+s21+$0x0], $0xffff;
	[tilespmem:s0+$0xFFFFFFA0] =	vst v2  }
0x389: {  	v8 =	vld.idx.msk [tilespmem:v8+s21+$0x0], $0xffff;
	[tilespmem:s0+$0xFFFFFFB0] =	vst v3  }
0x38a: {  	[tilespmem:s0+$0xFFFFFFC0] =	vst v4;
	v0 =	vld.idx.msk [tilespmem:v9+s21+$0x0], $0xffff  }
0x38b: {  	[tilespmem:s0+$0xFFFFFFD0] =	vst v5;
	v1 =	vld.idx.msk [tilespmem:v10+s21+$0x0], $0xffff  }
0x38c: {  	[tilespmem:s0+$0xFFFFFFE0] =	vst v6;
	v2 =	vld.idx.msk [tilespmem:v11+s21+$0x0], $0xffff  }
0x38d: {  	[tilespmem:s0+$0xFFFFFFF0] =	vst v7;
	v3 =	vld.idx.msk [tilespmem:v12+s21+$0x0], $0xffff  }
0x38e: {  	[tilespmem:s0+$0xFFFFFF80] =	vst v15;
	v4 =	vld.idx.msk [tilespmem:v13+s21+$0x0], $0xffff  }
0x38f: {  	s1 =	simm.s32 $0x0;
	s10 =	simm.s32 $0x31F0;
	[tilespmem:s0+$0x0] =	vst v8;
	v5 =	vld.idx.msk [tilespmem:v14+s21+$0x0], $0xffff  }
.LBB2_24:
0x390: {  	v6 =	vld [tilespmem:s10+$0x0];
	s1 =	sadd.s32 $0x10, s1;
	[tilespmem:s0+$0x10] =	vst v0  }
0x391: {  	v0 =	vld [tilespmem:s10+$0xFFFFFF20];
	p0 =	slt.u32 s1, $0xF0;
	[tilespmem:s0+$0x20] =	vst v1  }
0x392: {  	v1 =	vld [tilespmem:s10+$0xFFFFFF30];
	[tilespmem:s0+$0x30] =	vst v2  }
0x393: {  	v2 =	vld [tilespmem:s10+$0xFFFFFF40];
	[tilespmem:s0+$0x40] =	vst v3  }
0x394: {  	v3 =	vld [tilespmem:s10+$0xFFFFFF50];
	[tilespmem:s0+$0x50] =	vst v4  }
0x395: {  	v4 =	vld [tilespmem:s10+$0xFFFFFF60];
	[tilespmem:s0+$0x60] =	vst v5  }
0x396: {  	v5 =	vld [tilespmem:s10+$0xFFFFFF70]  }
0x397: {  	v7 =	vld [tilespmem:s10+$0xFFFFFF80]  }
0x398: {  	v6 =	vld.idx.msk [tilespmem:v6+s21+$0x0], $0xffff  }
0x399: {  	v8 =	vld [tilespmem:s10+$0xFFFFFF90]  }
0x39a: {  	v9 =	vld [tilespmem:s10+$0xFFFFFFA0]  }
0x39b: {  	v10 =	vld [tilespmem:s10+$0xFFFFFFB0]  }
0x39c: {  	v11 =	vld [tilespmem:s10+$0xFFFFFFC0]  }
0x39d: {  	s0 =	sadd.s32 $0x100, s0;
	v12 =	vld [tilespmem:s10+$0xFFFFFFD0]  }
0x39e: {  	v13 =	vld [tilespmem:s10+$0xFFFFFFE0];
	[tilespmem:s0+$0x70] =	vst v6  }
0x39f: {  	v6 =	vld [tilespmem:s10+$0xFFFFFFF0]  }
0x3a0: {  	v14 =	vld [tilespmem:s10+$0xFFFFFF10]  }
0x3a1: {  	v0 =	vld.idx.msk [tilespmem:v0+s21+$0x0], $0xffff  }
0x3a2: {  	v1 =	vld.idx.msk [tilespmem:v1+s21+$0x0], $0xffff  }
0x3a3: {  	v2 =	vld.idx.msk [tilespmem:v2+s21+$0x0], $0xffff  }
0x3a4: {  	v3 =	vld.idx.msk [tilespmem:v3+s21+$0x0], $0xffff  }
0x3a5: {  	v4 =	vld.idx.msk [tilespmem:v4+s21+$0x0], $0xffff  }
0x3a6: {  	v5 =	vld.idx.msk [tilespmem:v5+s21+$0x0], $0xffff  }
0x3a7: {  	[tilespmem:s0+$0xFFFFFF90] =	vst v0;
	v7 =	vld.idx.msk [tilespmem:v7+s21+$0x0], $0xffff  }
0x3a8: {  	v14 =	vld.idx.msk [tilespmem:v14+s21+$0x0], $0xffff;
	[tilespmem:s0+$0xFFFFFFA0] =	vst v1  }
0x3a9: {  	[tilespmem:s0+$0xFFFFFFB0] =	vst v2;
	v8 =	vld.idx.msk [tilespmem:v8+s21+$0x0], $0xffff  }
0x3aa: {  	[tilespmem:s0+$0xFFFFFFC0] =	vst v3;
	v0 =	vld.idx.msk [tilespmem:v9+s21+$0x0], $0xffff  }
.Ltmp11:
0x3ab: {  	[tilespmem:s0+$0xFFFFFFD0] =	vst v4;
	v1 =	vld.idx.msk [tilespmem:v10+s21+$0x0], $0xffff;
	(pc) =	sbr.rel @p0 .LBB2_24-.Ltmp11, $4  }
0x3ac: {  	[tilespmem:s0+$0xFFFFFFE0] =	vst v5;
	v2 =	vld.idx.msk [tilespmem:v11+s21+$0x0], $0xffff  }
0x3ad: {  	[tilespmem:s0+$0xFFFFFFF0] =	vst v7;
	v3 =	vld.idx.msk [tilespmem:v12+s21+$0x0], $0xffff  }
0x3ae: {  	[tilespmem:s0+$0xFFFFFF80] =	vst v14;
	v4 =	vld.idx.msk [tilespmem:v13+s21+$0x0], $0xffff  }
0x3af: {  	s10 =	sadd.s32 $0x100, s10;
	[tilespmem:s0+$0x0] =	vst v8;
	v5 =	vld.idx.msk [tilespmem:v6+s21+$0x0], $0xffff  }
0x3b0: {  	[tilespmem:s0+$0x10] =	vst v0  }
0x3b1: {  	[tilespmem:s0+$0x20] =	vst v1  }
0x3b2: {  	[tilespmem:s0+$0x30] =	vst v2  }
0x3b3: {  	[tilespmem:s0+$0x40] =	vst v3  }
0x3b4: {  	[tilespmem:s0+$0x50] =	vst v4  }
0x3b5: {  	[tilespmem:s0+$0x60] =	vst v5  }
0x3b6: {  	s16 =	simm.s32 $0x80;
	s1 =	rddreg [dreg:$0x13]  }
0x3b7: {  	[hbm4b:s1+s16] =	stream.strided.scatter [tilespmem:s28], [sflag:$0x2], $0x1000, s19, s16, $0x38;
	[tilespmem:$0x1E700] =	vst v63  }
0x3b8: {  	s31 =	rddreg [dreg:$0x14]  }
0x3b9: {  	[tilespmem:s21], [sflag:$0x3] =	stream.strided.gather [hbm4b:s31+s16], $0x18700, s19, s16, $0x38;
	[tilespmem:$0x1E700] =	vst v63  }
0x3ba: {  	_ =	swait.ge [sflag:s23], $0x18700  }
0x3bb: {  	[sflag:s23] =	ssyncset.done $0x0  }
0x3bc: {  	[sflag:s23] =	ssyncadd.s32 $0xFFFE7900  }
0x3bd: {  	_ =	swait.ge [sflag:s29], $0x1000  }
0x3be: {  	[sflag:s29] =	ssyncset.done $0x0  }
0x3bf: {  	[sflag:s29] =	ssyncadd.s32 $0xFFFFF000  }
0x3c0: {  	v0 =	vld [tilespmem:s16+$0x70]  }
0x3c1: {  	v1 =	vld [tilespmem:s16+$0xFFFFFF90]  }
0x3c2: {  	v2 =	vld [tilespmem:s16+$0xFFFFFFA0]  }
0x3c3: {  	v3 =	vld [tilespmem:s16+$0xFFFFFFB0]  }
0x3c4: {  	v4 =	vld [tilespmem:s16+$0xFFFFFFC0]  }
0x3c5: {  	v5 =	vld [tilespmem:s16+$0xFFFFFFD0]  }
0x3c6: {  	v6 =	vld [tilespmem:s16+$0xFFFFFFE0]  }
0x3c7: {  	v7 =	vld [tilespmem:s16+$0xFFFFFFF0]  }
0x3c8: {  	v8 =	vld [tilespmem:s16+$0x0]  }
0x3c9: {  	v9 =	vld [tilespmem:s16+$0x10]  }
0x3ca: {  	v10 =	vld [tilespmem:s16+$0x20]  }
0x3cb: {  	v11 =	vld [tilespmem:s16+$0x30]  }
0x3cc: {  	v12 =	vld [tilespmem:s16+$0x40]  }
0x3cd: {  	v13 =	vld [tilespmem:s16+$0x50]  }
0x3ce: {  	v14 =	vld [tilespmem:s16+$0x60]  }
0x3cf: {  	v15 =	vld [tilespmem:s16+$0xFFFFFF80]  }
0x3d0: {  	v0 =	vld.idx.msk [tilespmem:v0+s21+$0x0], $0xffff  }
0x3d1: {  	v1 =	vld.idx.msk [tilespmem:v1+s21+$0x0], $0xffff  }
0x3d2: {  	v2 =	vld.idx.msk [tilespmem:v2+s21+$0x0], $0xffff  }
0x3d3: {  	v3 =	vld.idx.msk [tilespmem:v3+s21+$0x0], $0xffff  }
0x3d4: {  	v4 =	vld.idx.msk [tilespmem:v4+s21+$0x0], $0xffff  }
0x3d5: {  	s0 =	simm.s32 $0x1C780;
	v5 =	vld.idx.msk [tilespmem:v5+s21+$0x0], $0xffff  }
0x3d6: {  	v6 =	vld.idx.msk [tilespmem:v6+s21+$0x0], $0xffff;
	[tilespmem:s0+$0x70] =	vst v0  }
0x3d7: {  	v7 =	vld.idx.msk [tilespmem:v7+s21+$0x0], $0xffff;
	[tilespmem:s0+$0xFFFFFF90] =	vst v1  }
0x3d8: {  	v15 =	vld.idx.msk [tilespmem:v15+s21+$0x0], $0xffff;
	[tilespmem:s0+$0xFFFFFFA0] =	vst v2  }
0x3d9: {  	v8 =	vld.idx.msk [tilespmem:v8+s21+$0x0], $0xffff;
	[tilespmem:s0+$0xFFFFFFB0] =	vst v3  }
0x3da: {  	[tilespmem:s0+$0xFFFFFFC0] =	vst v4;
	v0 =	vld.idx.msk [tilespmem:v9+s21+$0x0], $0xffff  }
0x3db: {  	[tilespmem:s0+$0xFFFFFFD0] =	vst v5;
	v1 =	vld.idx.msk [tilespmem:v10+s21+$0x0], $0xffff  }
0x3dc: {  	[tilespmem:s0+$0xFFFFFFE0] =	vst v6;
	v2 =	vld.idx.msk [tilespmem:v11+s21+$0x0], $0xffff  }
0x3dd: {  	[tilespmem:s0+$0xFFFFFFF0] =	vst v7;
	v3 =	vld.idx.msk [tilespmem:v12+s21+$0x0], $0xffff  }
0x3de: {  	[tilespmem:s0+$0xFFFFFF80] =	vst v15;
	v4 =	vld.idx.msk [tilespmem:v13+s21+$0x0], $0xffff  }
0x3df: {  	s10 =	simm.s32 $0x180;
	s1 =	simm.s32 $0x0;
	[tilespmem:s0+$0x0] =	vst v8;
	v5 =	vld.idx.msk [tilespmem:v14+s21+$0x0], $0xffff  }
.LBB2_26:
0x3e0: {  	v6 =	vld [tilespmem:s10+$0x70];
	s1 =	sadd.s32 $0x10, s1;
	[tilespmem:s0+$0x10] =	vst v0  }
0x3e1: {  	v0 =	vld [tilespmem:s10+$0xFFFFFF90];
	p0 =	slt.u32 s1, $0xF0;
	[tilespmem:s0+$0x20] =	vst v1  }
0x3e2: {  	v1 =	vld [tilespmem:s10+$0xFFFFFFA0];
	[tilespmem:s0+$0x30] =	vst v2  }
0x3e3: {  	v2 =	vld [tilespmem:s10+$0xFFFFFFB0];
	[tilespmem:s0+$0x40] =	vst v3  }
0x3e4: {  	v3 =	vld [tilespmem:s10+$0xFFFFFFC0];
	[tilespmem:s0+$0x50] =	vst v4  }
0x3e5: {  	v4 =	vld [tilespmem:s10+$0xFFFFFFD0];
	[tilespmem:s0+$0x60] =	vst v5  }
0x3e6: {  	v5 =	vld [tilespmem:s10+$0xFFFFFFE0]  }
0x3e7: {  	v7 =	vld [tilespmem:s10+$0xFFFFFFF0]  }
0x3e8: {  	v6 =	vld.idx.msk [tilespmem:v6+s21+$0x0], $0xffff  }
0x3e9: {  	v8 =	vld [tilespmem:s10+$0x0]  }
0x3ea: {  	v9 =	vld [tilespmem:s10+$0x10]  }
0x3eb: {  	v10 =	vld [tilespmem:s10+$0x20]  }
0x3ec: {  	v11 =	vld [tilespmem:s10+$0x30]  }
0x3ed: {  	s0 =	sadd.s32 $0x100, s0;
	v12 =	vld [tilespmem:s10+$0x40]  }
0x3ee: {  	v13 =	vld [tilespmem:s10+$0x50];
	[tilespmem:s0+$0x70] =	vst v6  }
0x3ef: {  	v6 =	vld [tilespmem:s10+$0x60]  }
0x3f0: {  	v14 =	vld [tilespmem:s10+$0xFFFFFF80]  }
0x3f1: {  	v0 =	vld.idx.msk [tilespmem:v0+s21+$0x0], $0xffff  }
0x3f2: {  	v1 =	vld.idx.msk [tilespmem:v1+s21+$0x0], $0xffff  }
0x3f3: {  	v2 =	vld.idx.msk [tilespmem:v2+s21+$0x0], $0xffff  }
0x3f4: {  	v3 =	vld.idx.msk [tilespmem:v3+s21+$0x0], $0xffff  }
0x3f5: {  	v4 =	vld.idx.msk [tilespmem:v4+s21+$0x0], $0xffff  }
0x3f6: {  	v5 =	vld.idx.msk [tilespmem:v5+s21+$0x0], $0xffff  }
0x3f7: {  	[tilespmem:s0+$0xFFFFFF90] =	vst v0;
	v7 =	vld.idx.msk [tilespmem:v7+s21+$0x0], $0xffff  }
0x3f8: {  	v14 =	vld.idx.msk [tilespmem:v14+s21+$0x0], $0xffff;
	[tilespmem:s0+$0xFFFFFFA0] =	vst v1  }
0x3f9: {  	[tilespmem:s0+$0xFFFFFFB0] =	vst v2;
	v8 =	vld.idx.msk [tilespmem:v8+s21+$0x0], $0xffff  }
0x3fa: {  	[tilespmem:s0+$0xFFFFFFC0] =	vst v3;
	v0 =	vld.idx.msk [tilespmem:v9+s21+$0x0], $0xffff  }
.Ltmp12:
0x3fb: {  	[tilespmem:s0+$0xFFFFFFD0] =	vst v4;
	v1 =	vld.idx.msk [tilespmem:v10+s21+$0x0], $0xffff;
	(pc) =	sbr.rel @p0 .LBB2_26-.Ltmp12, $4  }
0x3fc: {  	[tilespmem:s0+$0xFFFFFFE0] =	vst v5;
	v2 =	vld.idx.msk [tilespmem:v11+s21+$0x0], $0xffff  }
0x3fd: {  	[tilespmem:s0+$0xFFFFFFF0] =	vst v7;
	v3 =	vld.idx.msk [tilespmem:v12+s21+$0x0], $0xffff  }
0x3fe: {  	[tilespmem:s0+$0xFFFFFF80] =	vst v14;
	v4 =	vld.idx.msk [tilespmem:v13+s21+$0x0], $0xffff  }
0x3ff: {  	s10 =	sadd.s32 $0x100, s10;
	[tilespmem:s0+$0x0] =	vst v8;
	v5 =	vld.idx.msk [tilespmem:v6+s21+$0x0], $0xffff  }
0x400: {  	[tilespmem:s0+$0x10] =	vst v0  }
0x401: {  	[tilespmem:s0+$0x20] =	vst v1  }
0x402: {  	[tilespmem:s0+$0x30] =	vst v2  }
0x403: {  	[tilespmem:s0+$0x40] =	vst v3  }
0x404: {  	[tilespmem:s0+$0x50] =	vst v4  }
0x405: {  	[tilespmem:s0+$0x60] =	vst v5  }
0x406: {  	s0 =	rddreg [dreg:$0x15]  }
0x407: {  	[hbm4b:s0+s24] =	stream.strided.scatter [tilespmem:s25], [sflag:$0x1], $0x1000, s19, s24, $0x38;
	[tilespmem:$0x1E700] =	vst v63  }
0x408: {  	_ =	swait.ge [sflag:s30], $0x1000  }
0x409: {  	[sflag:s30] =	ssyncset.done $0x0  }
0x40a: {  	s31 =	simm.s32 $0x10F0;
	[sflag:s30] =	ssyncadd.s32 $0xFFFFF000  }
0x40b: {  	v0 =	vld [tilespmem:s31+$0x0]  }
0x40c: {  	v1 =	vld [tilespmem:s31+$0xFFFFFF20]  }
0x40d: {  	v2 =	vld [tilespmem:s31+$0xFFFFFF30]  }
0x40e: {  	v3 =	vld [tilespmem:s31+$0xFFFFFF40]  }
0x40f: {  	v4 =	vld [tilespmem:s31+$0xFFFFFF50]  }
0x410: {  	v5 =	vld [tilespmem:s31+$0xFFFFFF60]  }
0x411: {  	v6 =	vld [tilespmem:s31+$0xFFFFFF70]  }
0x412: {  	v7 =	vld [tilespmem:s31+$0xFFFFFF80]  }
0x413: {  	v8 =	vld [tilespmem:s31+$0xFFFFFF90]  }
0x414: {  	v9 =	vld [tilespmem:s31+$0xFFFFFFA0]  }
0x415: {  	v10 =	vld [tilespmem:s31+$0xFFFFFFB0]  }
0x416: {  	v11 =	vld [tilespmem:s31+$0xFFFFFFC0]  }
0x417: {  	v12 =	vld [tilespmem:s31+$0xFFFFFFD0]  }
0x418: {  	v13 =	vld [tilespmem:s31+$0xFFFFFFE0]  }
0x419: {  	v14 =	vld [tilespmem:s31+$0xFFFFFFF0]  }
0x41a: {  	v15 =	vld [tilespmem:s31+$0xFFFFFF10]  }
0x41b: {  	v0 =	vld.idx.msk [tilespmem:v0+s21+$0x0], $0xffff  }
0x41c: {  	v1 =	vld.idx.msk [tilespmem:v1+s21+$0x0], $0xffff  }
0x41d: {  	v2 =	vld.idx.msk [tilespmem:v2+s21+$0x0], $0xffff  }
0x41e: {  	v3 =	vld.idx.msk [tilespmem:v3+s21+$0x0], $0xffff  }
0x41f: {  	v4 =	vld.idx.msk [tilespmem:v4+s21+$0x0], $0xffff  }
0x420: {  	s0 =	simm.s32 $0x1D780;
	v5 =	vld.idx.msk [tilespmem:v5+s21+$0x0], $0xffff  }
0x421: {  	v6 =	vld.idx.msk [tilespmem:v6+s21+$0x0], $0xffff;
	[tilespmem:s0+$0x70] =	vst v0  }
0x422: {  	v7 =	vld.idx.msk [tilespmem:v7+s21+$0x0], $0xffff;
	[tilespmem:s0+$0xFFFFFF90] =	vst v1  }
0x423: {  	v15 =	vld.idx.msk [tilespmem:v15+s21+$0x0], $0xffff;
	[tilespmem:s0+$0xFFFFFFA0] =	vst v2  }
0x424: {  	v8 =	vld.idx.msk [tilespmem:v8+s21+$0x0], $0xffff;
	[tilespmem:s0+$0xFFFFFFB0] =	vst v3  }
0x425: {  	[tilespmem:s0+$0xFFFFFFC0] =	vst v4;
	v0 =	vld.idx.msk [tilespmem:v9+s21+$0x0], $0xffff  }
0x426: {  	[tilespmem:s0+$0xFFFFFFD0] =	vst v5;
	v1 =	vld.idx.msk [tilespmem:v10+s21+$0x0], $0xffff  }
0x427: {  	[tilespmem:s0+$0xFFFFFFE0] =	vst v6;
	v2 =	vld.idx.msk [tilespmem:v11+s21+$0x0], $0xffff  }
0x428: {  	[tilespmem:s0+$0xFFFFFFF0] =	vst v7;
	v3 =	vld.idx.msk [tilespmem:v12+s21+$0x0], $0xffff  }
0x429: {  	[tilespmem:s0+$0xFFFFFF80] =	vst v15;
	v4 =	vld.idx.msk [tilespmem:v13+s21+$0x0], $0xffff  }
0x42a: {  	s1 =	simm.s32 $0x0;
	s10 =	simm.s32 $0x11F0;
	[tilespmem:s0+$0x0] =	vst v8;
	v5 =	vld.idx.msk [tilespmem:v14+s21+$0x0], $0xffff  }
.LBB2_28:
0x42b: {  	v6 =	vld [tilespmem:s10+$0x0];
	s1 =	sadd.s32 $0x10, s1;
	[tilespmem:s0+$0x10] =	vst v0  }
0x42c: {  	v0 =	vld [tilespmem:s10+$0xFFFFFF20];
	p0 =	slt.u32 s1, $0xF0;
	[tilespmem:s0+$0x20] =	vst v1  }
0x42d: {  	v1 =	vld [tilespmem:s10+$0xFFFFFF30];
	[tilespmem:s0+$0x30] =	vst v2  }
0x42e: {  	v2 =	vld [tilespmem:s10+$0xFFFFFF40];
	[tilespmem:s0+$0x40] =	vst v3  }
0x42f: {  	v3 =	vld [tilespmem:s10+$0xFFFFFF50];
	[tilespmem:s0+$0x50] =	vst v4  }
0x430: {  	v4 =	vld [tilespmem:s10+$0xFFFFFF60];
	[tilespmem:s0+$0x60] =	vst v5  }
0x431: {  	v5 =	vld [tilespmem:s10+$0xFFFFFF70]  }
0x432: {  	v7 =	vld [tilespmem:s10+$0xFFFFFF80]  }
0x433: {  	v6 =	vld.idx.msk [tilespmem:v6+s21+$0x0], $0xffff  }
0x434: {  	v8 =	vld [tilespmem:s10+$0xFFFFFF90]  }
0x435: {  	v9 =	vld [tilespmem:s10+$0xFFFFFFA0]  }
0x436: {  	v10 =	vld [tilespmem:s10+$0xFFFFFFB0]  }
0x437: {  	v11 =	vld [tilespmem:s10+$0xFFFFFFC0]  }
0x438: {  	s0 =	sadd.s32 $0x100, s0;
	v12 =	vld [tilespmem:s10+$0xFFFFFFD0]  }
0x439: {  	v13 =	vld [tilespmem:s10+$0xFFFFFFE0];
	[tilespmem:s0+$0x70] =	vst v6  }
0x43a: {  	v6 =	vld [tilespmem:s10+$0xFFFFFFF0]  }
0x43b: {  	v14 =	vld [tilespmem:s10+$0xFFFFFF10]  }
0x43c: {  	v0 =	vld.idx.msk [tilespmem:v0+s21+$0x0], $0xffff  }
0x43d: {  	v1 =	vld.idx.msk [tilespmem:v1+s21+$0x0], $0xffff  }
0x43e: {  	v2 =	vld.idx.msk [tilespmem:v2+s21+$0x0], $0xffff  }
0x43f: {  	v3 =	vld.idx.msk [tilespmem:v3+s21+$0x0], $0xffff  }
0x440: {  	v4 =	vld.idx.msk [tilespmem:v4+s21+$0x0], $0xffff  }
0x441: {  	v5 =	vld.idx.msk [tilespmem:v5+s21+$0x0], $0xffff  }
0x442: {  	[tilespmem:s0+$0xFFFFFF90] =	vst v0;
	v7 =	vld.idx.msk [tilespmem:v7+s21+$0x0], $0xffff  }
0x443: {  	v14 =	vld.idx.msk [tilespmem:v14+s21+$0x0], $0xffff;
	[tilespmem:s0+$0xFFFFFFA0] =	vst v1  }
0x444: {  	[tilespmem:s0+$0xFFFFFFB0] =	vst v2;
	v8 =	vld.idx.msk [tilespmem:v8+s21+$0x0], $0xffff  }
0x445: {  	[tilespmem:s0+$0xFFFFFFC0] =	vst v3;
	v0 =	vld.idx.msk [tilespmem:v9+s21+$0x0], $0xffff  }
.Ltmp13:
0x446: {  	[tilespmem:s0+$0xFFFFFFD0] =	vst v4;
	v1 =	vld.idx.msk [tilespmem:v10+s21+$0x0], $0xffff;
	(pc) =	sbr.rel @p0 .LBB2_28-.Ltmp13, $4  }
0x447: {  	[tilespmem:s0+$0xFFFFFFE0] =	vst v5;
	v2 =	vld.idx.msk [tilespmem:v11+s21+$0x0], $0xffff  }
0x448: {  	[tilespmem:s0+$0xFFFFFFF0] =	vst v7;
	v3 =	vld.idx.msk [tilespmem:v12+s21+$0x0], $0xffff  }
0x449: {  	[tilespmem:s0+$0xFFFFFF80] =	vst v14;
	v4 =	vld.idx.msk [tilespmem:v13+s21+$0x0], $0xffff  }
0x44a: {  	s10 =	sadd.s32 $0x100, s10;
	[tilespmem:s0+$0x0] =	vst v8;
	v5 =	vld.idx.msk [tilespmem:v6+s21+$0x0], $0xffff  }
0x44b: {  	[tilespmem:s0+$0x10] =	vst v0  }
0x44c: {  	[tilespmem:s0+$0x20] =	vst v1  }
0x44d: {  	[tilespmem:s0+$0x30] =	vst v2  }
0x44e: {  	[tilespmem:s0+$0x40] =	vst v3  }
0x44f: {  	[tilespmem:s0+$0x50] =	vst v4  }
0x450: {  	[tilespmem:s0+$0x60] =	vst v5  }
0x451: {  	s0 =	rddreg [dreg:$0x16]  }
0x452: {  	[hbm4b:s0+s24] =	stream.strided.scatter [tilespmem:s28], [sflag:$0x2], $0x1000, s19, s24, $0x38;
	[tilespmem:$0x1E700] =	vst v63  }
0x453: {  	_ =	swait.ge [sflag:s29], $0x1000  }
0x454: {  	[sflag:s29] =	ssyncset.done $0x0  }
0x455: {  	s31 =	simm.s32 $0x20F0;
	[sflag:s29] =	ssyncadd.s32 $0xFFFFF000  }
0x456: {  	v0 =	vld [tilespmem:s31+$0x0]  }
0x457: {  	v1 =	vld [tilespmem:s31+$0xFFFFFF20]  }
0x458: {  	v2 =	vld [tilespmem:s31+$0xFFFFFF30]  }
0x459: {  	v3 =	vld [tilespmem:s31+$0xFFFFFF40]  }
0x45a: {  	v4 =	vld [tilespmem:s31+$0xFFFFFF50]  }
0x45b: {  	v5 =	vld [tilespmem:s31+$0xFFFFFF60]  }
0x45c: {  	v6 =	vld [tilespmem:s31+$0xFFFFFF70]  }
0x45d: {  	v7 =	vld [tilespmem:s31+$0xFFFFFF80]  }
0x45e: {  	v8 =	vld [tilespmem:s31+$0xFFFFFF90]  }
0x45f: {  	v9 =	vld [tilespmem:s31+$0xFFFFFFA0]  }
0x460: {  	v10 =	vld [tilespmem:s31+$0xFFFFFFB0]  }
0x461: {  	v11 =	vld [tilespmem:s31+$0xFFFFFFC0]  }
0x462: {  	v12 =	vld [tilespmem:s31+$0xFFFFFFD0]  }
0x463: {  	v13 =	vld [tilespmem:s31+$0xFFFFFFE0]  }
0x464: {  	v14 =	vld [tilespmem:s31+$0xFFFFFFF0]  }
0x465: {  	v15 =	vld [tilespmem:s31+$0xFFFFFF10]  }
0x466: {  	v0 =	vld.idx.msk [tilespmem:v0+s21+$0x0], $0xffff  }
0x467: {  	v1 =	vld.idx.msk [tilespmem:v1+s21+$0x0], $0xffff  }
0x468: {  	v2 =	vld.idx.msk [tilespmem:v2+s21+$0x0], $0xffff  }
0x469: {  	v3 =	vld.idx.msk [tilespmem:v3+s21+$0x0], $0xffff  }
0x46a: {  	v4 =	vld.idx.msk [tilespmem:v4+s21+$0x0], $0xffff  }
0x46b: {  	s0 =	simm.s32 $0x1C780;
	v5 =	vld.idx.msk [tilespmem:v5+s21+$0x0], $0xffff  }
0x46c: {  	v6 =	vld.idx.msk [tilespmem:v6+s21+$0x0], $0xffff;
	[tilespmem:s0+$0x70] =	vst v0  }
0x46d: {  	v7 =	vld.idx.msk [tilespmem:v7+s21+$0x0], $0xffff;
	[tilespmem:s0+$0xFFFFFF90] =	vst v1  }
0x46e: {  	v15 =	vld.idx.msk [tilespmem:v15+s21+$0x0], $0xffff;
	[tilespmem:s0+$0xFFFFFFA0] =	vst v2  }
0x46f: {  	v8 =	vld.idx.msk [tilespmem:v8+s21+$0x0], $0xffff;
	[tilespmem:s0+$0xFFFFFFB0] =	vst v3  }
0x470: {  	[tilespmem:s0+$0xFFFFFFC0] =	vst v4;
	v0 =	vld.idx.msk [tilespmem:v9+s21+$0x0], $0xffff  }
0x471: {  	[tilespmem:s0+$0xFFFFFFD0] =	vst v5;
	v1 =	vld.idx.msk [tilespmem:v10+s21+$0x0], $0xffff  }
0x472: {  	[tilespmem:s0+$0xFFFFFFE0] =	vst v6;
	v2 =	vld.idx.msk [tilespmem:v11+s21+$0x0], $0xffff  }
0x473: {  	[tilespmem:s0+$0xFFFFFFF0] =	vst v7;
	v3 =	vld.idx.msk [tilespmem:v12+s21+$0x0], $0xffff  }
0x474: {  	[tilespmem:s0+$0xFFFFFF80] =	vst v15;
	v4 =	vld.idx.msk [tilespmem:v13+s21+$0x0], $0xffff  }
0x475: {  	s1 =	simm.s32 $0x0;
	s10 =	simm.s32 $0x21F0;
	[tilespmem:s0+$0x0] =	vst v8;
	v5 =	vld.idx.msk [tilespmem:v14+s21+$0x0], $0xffff  }
.LBB2_30:
0x476: {  	v6 =	vld [tilespmem:s10+$0x0];
	s1 =	sadd.s32 $0x10, s1;
	[tilespmem:s0+$0x10] =	vst v0  }
0x477: {  	v0 =	vld [tilespmem:s10+$0xFFFFFF20];
	p0 =	slt.u32 s1, $0xF0;
	[tilespmem:s0+$0x20] =	vst v1  }
0x478: {  	v1 =	vld [tilespmem:s10+$0xFFFFFF30];
	[tilespmem:s0+$0x30] =	vst v2  }
0x479: {  	v2 =	vld [tilespmem:s10+$0xFFFFFF40];
	[tilespmem:s0+$0x40] =	vst v3  }
0x47a: {  	v3 =	vld [tilespmem:s10+$0xFFFFFF50];
	[tilespmem:s0+$0x50] =	vst v4  }
0x47b: {  	v4 =	vld [tilespmem:s10+$0xFFFFFF60];
	[tilespmem:s0+$0x60] =	vst v5  }
0x47c: {  	v5 =	vld [tilespmem:s10+$0xFFFFFF70]  }
0x47d: {  	v7 =	vld [tilespmem:s10+$0xFFFFFF80]  }
0x47e: {  	v6 =	vld.idx.msk [tilespmem:v6+s21+$0x0], $0xffff  }
0x47f: {  	v8 =	vld [tilespmem:s10+$0xFFFFFF90]  }
0x480: {  	v9 =	vld [tilespmem:s10+$0xFFFFFFA0]  }
0x481: {  	v10 =	vld [tilespmem:s10+$0xFFFFFFB0]  }
0x482: {  	v11 =	vld [tilespmem:s10+$0xFFFFFFC0]  }
0x483: {  	s0 =	sadd.s32 $0x100, s0;
	v12 =	vld [tilespmem:s10+$0xFFFFFFD0]  }
0x484: {  	v13 =	vld [tilespmem:s10+$0xFFFFFFE0];
	[tilespmem:s0+$0x70] =	vst v6  }
0x485: {  	v6 =	vld [tilespmem:s10+$0xFFFFFFF0]  }
0x486: {  	v14 =	vld [tilespmem:s10+$0xFFFFFF10]  }
0x487: {  	v0 =	vld.idx.msk [tilespmem:v0+s21+$0x0], $0xffff  }
0x488: {  	v1 =	vld.idx.msk [tilespmem:v1+s21+$0x0], $0xffff  }
0x489: {  	v2 =	vld.idx.msk [tilespmem:v2+s21+$0x0], $0xffff  }
0x48a: {  	v3 =	vld.idx.msk [tilespmem:v3+s21+$0x0], $0xffff  }
0x48b: {  	v4 =	vld.idx.msk [tilespmem:v4+s21+$0x0], $0xffff  }
0x48c: {  	v5 =	vld.idx.msk [tilespmem:v5+s21+$0x0], $0xffff  }
0x48d: {  	[tilespmem:s0+$0xFFFFFF90] =	vst v0;
	v7 =	vld.idx.msk [tilespmem:v7+s21+$0x0], $0xffff  }
0x48e: {  	v14 =	vld.idx.msk [tilespmem:v14+s21+$0x0], $0xffff;
	[tilespmem:s0+$0xFFFFFFA0] =	vst v1  }
0x48f: {  	[tilespmem:s0+$0xFFFFFFB0] =	vst v2;
	v8 =	vld.idx.msk [tilespmem:v8+s21+$0x0], $0xffff  }
0x490: {  	[tilespmem:s0+$0xFFFFFFC0] =	vst v3;
	v0 =	vld.idx.msk [tilespmem:v9+s21+$0x0], $0xffff  }
.Ltmp14:
0x491: {  	[tilespmem:s0+$0xFFFFFFD0] =	vst v4;
	v1 =	vld.idx.msk [tilespmem:v10+s21+$0x0], $0xffff;
	(pc) =	sbr.rel @p0 .LBB2_30-.Ltmp14, $4  }
0x492: {  	[tilespmem:s0+$0xFFFFFFE0] =	vst v5;
	v2 =	vld.idx.msk [tilespmem:v11+s21+$0x0], $0xffff  }
0x493: {  	[tilespmem:s0+$0xFFFFFFF0] =	vst v7;
	v3 =	vld.idx.msk [tilespmem:v12+s21+$0x0], $0xffff  }
0x494: {  	[tilespmem:s0+$0xFFFFFF80] =	vst v14;
	v4 =	vld.idx.msk [tilespmem:v13+s21+$0x0], $0xffff  }
0x495: {  	s10 =	sadd.s32 $0x100, s10;
	[tilespmem:s0+$0x0] =	vst v8;
	v5 =	vld.idx.msk [tilespmem:v6+s21+$0x0], $0xffff  }
0x496: {  	[tilespmem:s0+$0x10] =	vst v0  }
0x497: {  	[tilespmem:s0+$0x20] =	vst v1  }
0x498: {  	[tilespmem:s0+$0x30] =	vst v2  }
0x499: {  	[tilespmem:s0+$0x40] =	vst v3  }
0x49a: {  	[tilespmem:s0+$0x50] =	vst v4  }
0x49b: {  	[tilespmem:s0+$0x60] =	vst v5  }
0x49c: {  	s0 =	rddreg [dreg:$0x17]  }
0x49d: {  	[hbm4b:s0+s24] =	stream.strided.scatter [tilespmem:s25], [sflag:$0x1], $0x1000, s19, s24, $0x38;
	[tilespmem:$0x1E700] =	vst v63  }
0x49e: {  	_ =	swait.ge [sflag:s30], $0x1000  }
0x49f: {  	[sflag:s30] =	ssyncset.done $0x0  }
0x4a0: {  	s31 =	simm.s32 $0x30F0;
	[sflag:s30] =	ssyncadd.s32 $0xFFFFF000  }
0x4a1: {  	v0 =	vld [tilespmem:s31+$0x0]  }
0x4a2: {  	v1 =	vld [tilespmem:s31+$0xFFFFFF20]  }
0x4a3: {  	v2 =	vld [tilespmem:s31+$0xFFFFFF30]  }
0x4a4: {  	v3 =	vld [tilespmem:s31+$0xFFFFFF40]  }
0x4a5: {  	v4 =	vld [tilespmem:s31+$0xFFFFFF50]  }
0x4a6: {  	v5 =	vld [tilespmem:s31+$0xFFFFFF60]  }
0x4a7: {  	v6 =	vld [tilespmem:s31+$0xFFFFFF70]  }
0x4a8: {  	v7 =	vld [tilespmem:s31+$0xFFFFFF80]  }
0x4a9: {  	v8 =	vld [tilespmem:s31+$0xFFFFFF90]  }
0x4aa: {  	v9 =	vld [tilespmem:s31+$0xFFFFFFA0]  }
0x4ab: {  	v10 =	vld [tilespmem:s31+$0xFFFFFFB0]  }
0x4ac: {  	v11 =	vld [tilespmem:s31+$0xFFFFFFC0]  }
0x4ad: {  	v12 =	vld [tilespmem:s31+$0xFFFFFFD0]  }
0x4ae: {  	v13 =	vld [tilespmem:s31+$0xFFFFFFE0]  }
0x4af: {  	v14 =	vld [tilespmem:s31+$0xFFFFFFF0]  }
0x4b0: {  	v15 =	vld [tilespmem:s31+$0xFFFFFF10]  }
0x4b1: {  	v0 =	vld.idx.msk [tilespmem:v0+s21+$0x0], $0xffff  }
0x4b2: {  	v1 =	vld.idx.msk [tilespmem:v1+s21+$0x0], $0xffff  }
0x4b3: {  	v2 =	vld.idx.msk [tilespmem:v2+s21+$0x0], $0xffff  }
0x4b4: {  	v3 =	vld.idx.msk [tilespmem:v3+s21+$0x0], $0xffff  }
0x4b5: {  	v4 =	vld.idx.msk [tilespmem:v4+s21+$0x0], $0xffff  }
0x4b6: {  	s0 =	simm.s32 $0x1D780;
	v5 =	vld.idx.msk [tilespmem:v5+s21+$0x0], $0xffff  }
0x4b7: {  	v6 =	vld.idx.msk [tilespmem:v6+s21+$0x0], $0xffff;
	[tilespmem:s0+$0x70] =	vst v0  }
0x4b8: {  	v7 =	vld.idx.msk [tilespmem:v7+s21+$0x0], $0xffff;
	[tilespmem:s0+$0xFFFFFF90] =	vst v1  }
0x4b9: {  	v15 =	vld.idx.msk [tilespmem:v15+s21+$0x0], $0xffff;
	[tilespmem:s0+$0xFFFFFFA0] =	vst v2  }
0x4ba: {  	v8 =	vld.idx.msk [tilespmem:v8+s21+$0x0], $0xffff;
	[tilespmem:s0+$0xFFFFFFB0] =	vst v3  }
0x4bb: {  	[tilespmem:s0+$0xFFFFFFC0] =	vst v4;
	v0 =	vld.idx.msk [tilespmem:v9+s21+$0x0], $0xffff  }
0x4bc: {  	[tilespmem:s0+$0xFFFFFFD0] =	vst v5;
	v1 =	vld.idx.msk [tilespmem:v10+s21+$0x0], $0xffff  }
0x4bd: {  	[tilespmem:s0+$0xFFFFFFE0] =	vst v6;
	v2 =	vld.idx.msk [tilespmem:v11+s21+$0x0], $0xffff  }
0x4be: {  	[tilespmem:s0+$0xFFFFFFF0] =	vst v7;
	v3 =	vld.idx.msk [tilespmem:v12+s21+$0x0], $0xffff  }
0x4bf: {  	[tilespmem:s0+$0xFFFFFF80] =	vst v15;
	v4 =	vld.idx.msk [tilespmem:v13+s21+$0x0], $0xffff  }
0x4c0: {  	s1 =	simm.s32 $0x0;
	s10 =	simm.s32 $0x31F0;
	[tilespmem:s0+$0x0] =	vst v8;
	v5 =	vld.idx.msk [tilespmem:v14+s21+$0x0], $0xffff  }
.LBB2_32:
0x4c1: {  	v6 =	vld [tilespmem:s10+$0x0];
	s1 =	sadd.s32 $0x10, s1;
	[tilespmem:s0+$0x10] =	vst v0  }
0x4c2: {  	v0 =	vld [tilespmem:s10+$0xFFFFFF20];
	p0 =	slt.u32 s1, $0xF0;
	[tilespmem:s0+$0x20] =	vst v1  }
0x4c3: {  	v1 =	vld [tilespmem:s10+$0xFFFFFF30];
	[tilespmem:s0+$0x30] =	vst v2  }
0x4c4: {  	v2 =	vld [tilespmem:s10+$0xFFFFFF40];
	[tilespmem:s0+$0x40] =	vst v3  }
0x4c5: {  	v3 =	vld [tilespmem:s10+$0xFFFFFF50];
	[tilespmem:s0+$0x50] =	vst v4  }
0x4c6: {  	v4 =	vld [tilespmem:s10+$0xFFFFFF60];
	[tilespmem:s0+$0x60] =	vst v5  }
0x4c7: {  	v5 =	vld [tilespmem:s10+$0xFFFFFF70]  }
0x4c8: {  	v7 =	vld [tilespmem:s10+$0xFFFFFF80]  }
0x4c9: {  	v6 =	vld.idx.msk [tilespmem:v6+s21+$0x0], $0xffff  }
0x4ca: {  	v8 =	vld [tilespmem:s10+$0xFFFFFF90]  }
0x4cb: {  	v9 =	vld [tilespmem:s10+$0xFFFFFFA0]  }
0x4cc: {  	v10 =	vld [tilespmem:s10+$0xFFFFFFB0]  }
0x4cd: {  	v11 =	vld [tilespmem:s10+$0xFFFFFFC0]  }
0x4ce: {  	s0 =	sadd.s32 $0x100, s0;
	v12 =	vld [tilespmem:s10+$0xFFFFFFD0]  }
0x4cf: {  	v13 =	vld [tilespmem:s10+$0xFFFFFFE0];
	[tilespmem:s0+$0x70] =	vst v6  }
0x4d0: {  	v6 =	vld [tilespmem:s10+$0xFFFFFFF0]  }
0x4d1: {  	v14 =	vld [tilespmem:s10+$0xFFFFFF10]  }
0x4d2: {  	v0 =	vld.idx.msk [tilespmem:v0+s21+$0x0], $0xffff  }
0x4d3: {  	v1 =	vld.idx.msk [tilespmem:v1+s21+$0x0], $0xffff  }
0x4d4: {  	v2 =	vld.idx.msk [tilespmem:v2+s21+$0x0], $0xffff  }
0x4d5: {  	v3 =	vld.idx.msk [tilespmem:v3+s21+$0x0], $0xffff  }
0x4d6: {  	v4 =	vld.idx.msk [tilespmem:v4+s21+$0x0], $0xffff  }
0x4d7: {  	v5 =	vld.idx.msk [tilespmem:v5+s21+$0x0], $0xffff  }
0x4d8: {  	[tilespmem:s0+$0xFFFFFF90] =	vst v0;
	v7 =	vld.idx.msk [tilespmem:v7+s21+$0x0], $0xffff  }
0x4d9: {  	v14 =	vld.idx.msk [tilespmem:v14+s21+$0x0], $0xffff;
	[tilespmem:s0+$0xFFFFFFA0] =	vst v1  }
0x4da: {  	[tilespmem:s0+$0xFFFFFFB0] =	vst v2;
	v8 =	vld.idx.msk [tilespmem:v8+s21+$0x0], $0xffff  }
0x4db: {  	[tilespmem:s0+$0xFFFFFFC0] =	vst v3;
	v0 =	vld.idx.msk [tilespmem:v9+s21+$0x0], $0xffff  }
.Ltmp15:
0x4dc: {  	[tilespmem:s0+$0xFFFFFFD0] =	vst v4;
	v1 =	vld.idx.msk [tilespmem:v10+s21+$0x0], $0xffff;
	(pc) =	sbr.rel @p0 .LBB2_32-.Ltmp15, $4  }
0x4dd: {  	[tilespmem:s0+$0xFFFFFFE0] =	vst v5;
	v2 =	vld.idx.msk [tilespmem:v11+s21+$0x0], $0xffff  }
0x4de: {  	[tilespmem:s0+$0xFFFFFFF0] =	vst v7;
	v3 =	vld.idx.msk [tilespmem:v12+s21+$0x0], $0xffff  }
0x4df: {  	[tilespmem:s0+$0xFFFFFF80] =	vst v14;
	v4 =	vld.idx.msk [tilespmem:v13+s21+$0x0], $0xffff  }
0x4e0: {  	s10 =	sadd.s32 $0x100, s10;
	[tilespmem:s0+$0x0] =	vst v8;
	v5 =	vld.idx.msk [tilespmem:v6+s21+$0x0], $0xffff  }
0x4e1: {  	[tilespmem:s0+$0x10] =	vst v0  }
0x4e2: {  	[tilespmem:s0+$0x20] =	vst v1  }
0x4e3: {  	[tilespmem:s0+$0x30] =	vst v2  }
0x4e4: {  	[tilespmem:s0+$0x40] =	vst v3  }
0x4e5: {  	[tilespmem:s0+$0x50] =	vst v4  }
0x4e6: {  	[tilespmem:s0+$0x60] =	vst v5  }
0x4e7: {  	s0 =	rddreg [dreg:$0x18]  }
0x4e8: {  	[hbm4b:s0+s24] =	stream.strided.scatter [tilespmem:s28], [sflag:$0x2], $0x1000, s19, s24, $0x38;
	[tilespmem:$0x1E700] =	vst v63  }
0x4e9: {  	s0 =	simm.s32 $0x1  }
.LBB2_34:
0x4ea: {  	s10 =	sadd.s32 s6, s0  }
0x4eb: {  	s1 =	sshll.u32 s10, $0x4  }
0x4ec: {  	s11 =	sshll.u32 s10, $0xB;
	s1 =	sand.u32 $0x70, s1  }
0x4ed: {  	s11 =	sand.u32 $0xC000, s11;
	s1 =	sadd.s32 s2, s1  }
0x4ee: {  	s15 =	simm.s32 $0x80;
	s12 =	smul.u32 $0x61C000, s10;
	s1 =	sadd.s32 s11, s1  }
0x4ef: {  	[tilespmem:s5], [sflag:$0x4] =	stream.strided.gather [hbm4b:s1+s15], $0x4000, s19, s15, $0x38;
	[tilespmem:$0x1E700] =	vst v63  }
0x4f0: {  	s1 =	sadd.s32 s7, s12  }
0x4f1: {  	_ =	swait.ge [sflag:s20], $0x4000;
	s12 =	sor.u32 s8, s1  }
0x4f2: {  	[sflag:s20] =	ssyncset.done $0x0;
	s12 =	sshrl.u32 s12, $0x3  }
0x4f3: {  	[sflag:s20] =	ssyncadd.s32 $0xFFFFC000;
	s12 =	sadd.s32 s3, s12  }
0x4f4: {  	[tilespmem:s21], [sflag:$0x3] =	stream.strided.gather [hbm4b:s12+s15], $0x18700, s19, s15, $0x38;
	[tilespmem:$0x1E700] =	vst v63  }
0x4f5: {  	_ =	swait.ge [sflag:s23], $0x18700  }
0x4f6: {  	[sflag:s23] =	ssyncset.done $0x0  }
0x4f7: {  	[sflag:s23] =	ssyncadd.s32 $0xFFFE7900  }
0x4f8: {  	_ =	swait.ge [sflag:s29], $0x1000  }
0x4f9: {  	[sflag:s29] =	ssyncset.done $0x0  }
0x4fa: {  	[sflag:s29] =	ssyncadd.s32 $0xFFFFF000  }
0x4fb: {  	v0 =	vld [tilespmem:s15+$0x70]  }
0x4fc: {  	v1 =	vld [tilespmem:s15+$0xFFFFFF90]  }
0x4fd: {  	v2 =	vld [tilespmem:s15+$0xFFFFFFA0]  }
0x4fe: {  	v3 =	vld [tilespmem:s15+$0xFFFFFFB0]  }
0x4ff: {  	v4 =	vld [tilespmem:s15+$0xFFFFFFC0]  }
0x500: {  	v5 =	vld [tilespmem:s15+$0xFFFFFFD0]  }
0x501: {  	v6 =	vld [tilespmem:s15+$0xFFFFFFE0]  }
0x502: {  	v7 =	vld [tilespmem:s15+$0xFFFFFFF0]  }
0x503: {  	v8 =	vld [tilespmem:s15+$0x0]  }
0x504: {  	v9 =	vld [tilespmem:s15+$0x10]  }
0x505: {  	v10 =	vld [tilespmem:s15+$0x20]  }
0x506: {  	v11 =	vld [tilespmem:s15+$0x30]  }
0x507: {  	v12 =	vld [tilespmem:s15+$0x40]  }
0x508: {  	v13 =	vld [tilespmem:s15+$0x50]  }
0x509: {  	v14 =	vld [tilespmem:s15+$0x60]  }
0x50a: {  	v15 =	vld [tilespmem:s15+$0xFFFFFF80]  }
0x50b: {  	v0 =	vld.idx.msk [tilespmem:v0+s21+$0x0], $0xffff  }
0x50c: {  	v1 =	vld.idx.msk [tilespmem:v1+s21+$0x0], $0xffff  }
0x50d: {  	v2 =	vld.idx.msk [tilespmem:v2+s21+$0x0], $0xffff  }
0x50e: {  	v3 =	vld.idx.msk [tilespmem:v3+s21+$0x0], $0xffff  }
0x50f: {  	v4 =	vld.idx.msk [tilespmem:v4+s21+$0x0], $0xffff  }
0x510: {  	s12 =	simm.s32 $0x1C780;
	v5 =	vld.idx.msk [tilespmem:v5+s21+$0x0], $0xffff  }
0x511: {  	v6 =	vld.idx.msk [tilespmem:v6+s21+$0x0], $0xffff;
	[tilespmem:s12+$0x70] =	vst v0  }
0x512: {  	v7 =	vld.idx.msk [tilespmem:v7+s21+$0x0], $0xffff;
	[tilespmem:s12+$0xFFFFFF90] =	vst v1  }
0x513: {  	v15 =	vld.idx.msk [tilespmem:v15+s21+$0x0], $0xffff;
	[tilespmem:s12+$0xFFFFFFA0] =	vst v2  }
0x514: {  	v8 =	vld.idx.msk [tilespmem:v8+s21+$0x0], $0xffff;
	[tilespmem:s12+$0xFFFFFFB0] =	vst v3  }
0x515: {  	[tilespmem:s12+$0xFFFFFFC0] =	vst v4;
	v0 =	vld.idx.msk [tilespmem:v9+s21+$0x0], $0xffff  }
0x516: {  	s10 =	sshll.u32 s10, $0x14;
	[tilespmem:s12+$0xFFFFFFD0] =	vst v5;
	v1 =	vld.idx.msk [tilespmem:v10+s21+$0x0], $0xffff  }
0x517: {  	s10 =	sor.u32 s9, s10;
	[tilespmem:s12+$0xFFFFFFE0] =	vst v6;
	v2 =	vld.idx.msk [tilespmem:v11+s21+$0x0], $0xffff  }
0x518: {  	s16 =	sor.u32 s8, s10;
	[tilespmem:s12+$0xFFFFFFF0] =	vst v7;
	v3 =	vld.idx.msk [tilespmem:v12+s21+$0x0], $0xffff  }
0x519: {  	s11 =	sshrl.u32 s16, $0x3;
	[tilespmem:s12+$0xFFFFFF80] =	vst v15;
	v4 =	vld.idx.msk [tilespmem:v13+s21+$0x0], $0xffff  }
0x51a: {  	s31 =	simm.s32 $0x180;
	s16 =	simm.s32 $0x0;
	s15 =	sadd.s32 s4, s11;
	[tilespmem:s12+$0x0] =	vst v8;
	v5 =	vld.idx.msk [tilespmem:v14+s21+$0x0], $0xffff  }
.LBB2_35:
0x51b: {  	v6 =	vld [tilespmem:s31+$0x70];
	s16 =	sadd.s32 $0x10, s16;
	[tilespmem:s12+$0x10] =	vst v0  }
0x51c: {  	v0 =	vld [tilespmem:s31+$0xFFFFFF90];
	p0 =	slt.u32 s16, $0xF0;
	[tilespmem:s12+$0x20] =	vst v1  }
0x51d: {  	v1 =	vld [tilespmem:s31+$0xFFFFFFA0];
	[tilespmem:s12+$0x30] =	vst v2  }
0x51e: {  	v2 =	vld [tilespmem:s31+$0xFFFFFFB0];
	[tilespmem:s12+$0x40] =	vst v3  }
0x51f: {  	v3 =	vld [tilespmem:s31+$0xFFFFFFC0];
	[tilespmem:s12+$0x50] =	vst v4  }
0x520: {  	v4 =	vld [tilespmem:s31+$0xFFFFFFD0];
	[tilespmem:s12+$0x60] =	vst v5  }
0x521: {  	v5 =	vld [tilespmem:s31+$0xFFFFFFE0]  }
0x522: {  	v7 =	vld [tilespmem:s31+$0xFFFFFFF0]  }
0x523: {  	v6 =	vld.idx.msk [tilespmem:v6+s21+$0x0], $0xffff  }
0x524: {  	v8 =	vld [tilespmem:s31+$0x0]  }
0x525: {  	v9 =	vld [tilespmem:s31+$0x10]  }
0x526: {  	v10 =	vld [tilespmem:s31+$0x20]  }
0x527: {  	v11 =	vld [tilespmem:s31+$0x30]  }
0x528: {  	s12 =	sadd.s32 $0x100, s12;
	v12 =	vld [tilespmem:s31+$0x40]  }
0x529: {  	v13 =	vld [tilespmem:s31+$0x50];
	[tilespmem:s12+$0x70] =	vst v6  }
0x52a: {  	v6 =	vld [tilespmem:s31+$0x60]  }
0x52b: {  	v14 =	vld [tilespmem:s31+$0xFFFFFF80]  }
0x52c: {  	v0 =	vld.idx.msk [tilespmem:v0+s21+$0x0], $0xffff  }
0x52d: {  	v1 =	vld.idx.msk [tilespmem:v1+s21+$0x0], $0xffff  }
0x52e: {  	v2 =	vld.idx.msk [tilespmem:v2+s21+$0x0], $0xffff  }
0x52f: {  	v3 =	vld.idx.msk [tilespmem:v3+s21+$0x0], $0xffff  }
0x530: {  	v4 =	vld.idx.msk [tilespmem:v4+s21+$0x0], $0xffff  }
0x531: {  	v5 =	vld.idx.msk [tilespmem:v5+s21+$0x0], $0xffff  }
0x532: {  	[tilespmem:s12+$0xFFFFFF90] =	vst v0;
	v7 =	vld.idx.msk [tilespmem:v7+s21+$0x0], $0xffff  }
0x533: {  	v14 =	vld.idx.msk [tilespmem:v14+s21+$0x0], $0xffff;
	[tilespmem:s12+$0xFFFFFFA0] =	vst v1  }
0x534: {  	[tilespmem:s12+$0xFFFFFFB0] =	vst v2;
	v8 =	vld.idx.msk [tilespmem:v8+s21+$0x0], $0xffff  }
0x535: {  	[tilespmem:s12+$0xFFFFFFC0] =	vst v3;
	v0 =	vld.idx.msk [tilespmem:v9+s21+$0x0], $0xffff  }
.Ltmp16:
0x536: {  	[tilespmem:s12+$0xFFFFFFD0] =	vst v4;
	v1 =	vld.idx.msk [tilespmem:v10+s21+$0x0], $0xffff;
	(pc) =	sbr.rel @p0 .LBB2_35-.Ltmp16, $4  }
0x537: {  	[tilespmem:s12+$0xFFFFFFE0] =	vst v5;
	v2 =	vld.idx.msk [tilespmem:v11+s21+$0x0], $0xffff  }
0x538: {  	[tilespmem:s12+$0xFFFFFFF0] =	vst v7;
	v3 =	vld.idx.msk [tilespmem:v12+s21+$0x0], $0xffff  }
0x539: {  	[tilespmem:s12+$0xFFFFFF80] =	vst v14;
	v4 =	vld.idx.msk [tilespmem:v13+s21+$0x0], $0xffff  }
0x53a: {  	s31 =	sadd.s32 $0x100, s31;
	[tilespmem:s12+$0x0] =	vst v8;
	v5 =	vld.idx.msk [tilespmem:v6+s21+$0x0], $0xffff  }
0x53b: {  	[tilespmem:s12+$0x10] =	vst v0  }
0x53c: {  	[tilespmem:s12+$0x20] =	vst v1  }
0x53d: {  	[tilespmem:s12+$0x30] =	vst v2  }
0x53e: {  	[tilespmem:s12+$0x40] =	vst v3  }
0x53f: {  	[tilespmem:s12+$0x50] =	vst v4  }
0x540: {  	[tilespmem:s12+$0x60] =	vst v5  }
0x541: {  	[hbm4b:s15+s24] =	stream.strided.scatter [tilespmem:s25], [sflag:$0x1], $0x1000, s19, s24, $0x38;
	[tilespmem:$0x1E700] =	vst v63  }
0x542: {  	_ =	swait.ge [sflag:s30], $0x1000  }
0x543: {  	[sflag:s30] =	ssyncset.done $0x0  }
0x544: {  	s16 =	simm.s32 $0x10F0;
	[sflag:s30] =	ssyncadd.s32 $0xFFFFF000  }
0x545: {  	v0 =	vld [tilespmem:s16+$0x0]  }
0x546: {  	v1 =	vld [tilespmem:s16+$0xFFFFFF20]  }
0x547: {  	v2 =	vld [tilespmem:s16+$0xFFFFFF30]  }
0x548: {  	v3 =	vld [tilespmem:s16+$0xFFFFFF40]  }
0x549: {  	v4 =	vld [tilespmem:s16+$0xFFFFFF50]  }
0x54a: {  	v5 =	vld [tilespmem:s16+$0xFFFFFF60]  }
0x54b: {  	v6 =	vld [tilespmem:s16+$0xFFFFFF70]  }
0x54c: {  	v7 =	vld [tilespmem:s16+$0xFFFFFF80]  }
0x54d: {  	v8 =	vld [tilespmem:s16+$0xFFFFFF90]  }
0x54e: {  	v9 =	vld [tilespmem:s16+$0xFFFFFFA0]  }
0x54f: {  	v10 =	vld [tilespmem:s16+$0xFFFFFFB0]  }
0x550: {  	v11 =	vld [tilespmem:s16+$0xFFFFFFC0]  }
0x551: {  	v12 =	vld [tilespmem:s16+$0xFFFFFFD0]  }
0x552: {  	v13 =	vld [tilespmem:s16+$0xFFFFFFE0]  }
0x553: {  	v14 =	vld [tilespmem:s16+$0xFFFFFFF0]  }
0x554: {  	v15 =	vld [tilespmem:s16+$0xFFFFFF10]  }
0x555: {  	v0 =	vld.idx.msk [tilespmem:v0+s21+$0x0], $0xffff  }
0x556: {  	v1 =	vld.idx.msk [tilespmem:v1+s21+$0x0], $0xffff  }
0x557: {  	v2 =	vld.idx.msk [tilespmem:v2+s21+$0x0], $0xffff  }
0x558: {  	v3 =	vld.idx.msk [tilespmem:v3+s21+$0x0], $0xffff  }
0x559: {  	v4 =	vld.idx.msk [tilespmem:v4+s21+$0x0], $0xffff  }
0x55a: {  	s12 =	simm.s32 $0x1D780;
	v5 =	vld.idx.msk [tilespmem:v5+s21+$0x0], $0xffff  }
0x55b: {  	v6 =	vld.idx.msk [tilespmem:v6+s21+$0x0], $0xffff;
	[tilespmem:s12+$0x70] =	vst v0  }
0x55c: {  	v7 =	vld.idx.msk [tilespmem:v7+s21+$0x0], $0xffff;
	[tilespmem:s12+$0xFFFFFF90] =	vst v1  }
0x55d: {  	v15 =	vld.idx.msk [tilespmem:v15+s21+$0x0], $0xffff;
	[tilespmem:s12+$0xFFFFFFA0] =	vst v2  }
0x55e: {  	v8 =	vld.idx.msk [tilespmem:v8+s21+$0x0], $0xffff;
	[tilespmem:s12+$0xFFFFFFB0] =	vst v3  }
0x55f: {  	[tilespmem:s12+$0xFFFFFFC0] =	vst v4;
	v0 =	vld.idx.msk [tilespmem:v9+s21+$0x0], $0xffff  }
0x560: {  	[tilespmem:s12+$0xFFFFFFD0] =	vst v5;
	v1 =	vld.idx.msk [tilespmem:v10+s21+$0x0], $0xffff  }
0x561: {  	[tilespmem:s12+$0xFFFFFFE0] =	vst v6;
	v2 =	vld.idx.msk [tilespmem:v11+s21+$0x0], $0xffff  }
0x562: {  	[tilespmem:s12+$0xFFFFFFF0] =	vst v7;
	v3 =	vld.idx.msk [tilespmem:v12+s21+$0x0], $0xffff  }
0x563: {  	[tilespmem:s12+$0xFFFFFF80] =	vst v15;
	v4 =	vld.idx.msk [tilespmem:v13+s21+$0x0], $0xffff  }
0x564: {  	s31 =	simm.s32 $0x11F0;
	s15 =	sadd.s32 s11, s13;
	s16 =	simm.s32 $0x0;
	[tilespmem:s12+$0x0] =	vst v8;
	v5 =	vld.idx.msk [tilespmem:v14+s21+$0x0], $0xffff  }
.LBB2_37:
0x565: {  	v6 =	vld [tilespmem:s31+$0x0];
	s16 =	sadd.s32 $0x10, s16;
	[tilespmem:s12+$0x10] =	vst v0  }
0x566: {  	v0 =	vld [tilespmem:s31+$0xFFFFFF20];
	p0 =	slt.u32 s16, $0xF0;
	[tilespmem:s12+$0x20] =	vst v1  }
0x567: {  	v1 =	vld [tilespmem:s31+$0xFFFFFF30];
	[tilespmem:s12+$0x30] =	vst v2  }
0x568: {  	v2 =	vld [tilespmem:s31+$0xFFFFFF40];
	[tilespmem:s12+$0x40] =	vst v3  }
0x569: {  	v3 =	vld [tilespmem:s31+$0xFFFFFF50];
	[tilespmem:s12+$0x50] =	vst v4  }
0x56a: {  	v4 =	vld [tilespmem:s31+$0xFFFFFF60];
	[tilespmem:s12+$0x60] =	vst v5  }
0x56b: {  	v5 =	vld [tilespmem:s31+$0xFFFFFF70]  }
0x56c: {  	v7 =	vld [tilespmem:s31+$0xFFFFFF80]  }
0x56d: {  	v6 =	vld.idx.msk [tilespmem:v6+s21+$0x0], $0xffff  }
0x56e: {  	v8 =	vld [tilespmem:s31+$0xFFFFFF90]  }
0x56f: {  	v9 =	vld [tilespmem:s31+$0xFFFFFFA0]  }
0x570: {  	v10 =	vld [tilespmem:s31+$0xFFFFFFB0]  }
0x571: {  	v11 =	vld [tilespmem:s31+$0xFFFFFFC0]  }
0x572: {  	s12 =	sadd.s32 $0x100, s12;
	v12 =	vld [tilespmem:s31+$0xFFFFFFD0]  }
0x573: {  	v13 =	vld [tilespmem:s31+$0xFFFFFFE0];
	[tilespmem:s12+$0x70] =	vst v6  }
0x574: {  	v6 =	vld [tilespmem:s31+$0xFFFFFFF0]  }
0x575: {  	v14 =	vld [tilespmem:s31+$0xFFFFFF10]  }
0x576: {  	v0 =	vld.idx.msk [tilespmem:v0+s21+$0x0], $0xffff  }
0x577: {  	v1 =	vld.idx.msk [tilespmem:v1+s21+$0x0], $0xffff  }
0x578: {  	v2 =	vld.idx.msk [tilespmem:v2+s21+$0x0], $0xffff  }
0x579: {  	v3 =	vld.idx.msk [tilespmem:v3+s21+$0x0], $0xffff  }
0x57a: {  	v4 =	vld.idx.msk [tilespmem:v4+s21+$0x0], $0xffff  }
0x57b: {  	v5 =	vld.idx.msk [tilespmem:v5+s21+$0x0], $0xffff  }
0x57c: {  	[tilespmem:s12+$0xFFFFFF90] =	vst v0;
	v7 =	vld.idx.msk [tilespmem:v7+s21+$0x0], $0xffff  }
0x57d: {  	v14 =	vld.idx.msk [tilespmem:v14+s21+$0x0], $0xffff;
	[tilespmem:s12+$0xFFFFFFA0] =	vst v1  }
0x57e: {  	[tilespmem:s12+$0xFFFFFFB0] =	vst v2;
	v8 =	vld.idx.msk [tilespmem:v8+s21+$0x0], $0xffff  }
0x57f: {  	[tilespmem:s12+$0xFFFFFFC0] =	vst v3;
	v0 =	vld.idx.msk [tilespmem:v9+s21+$0x0], $0xffff  }
.Ltmp17:
0x580: {  	[tilespmem:s12+$0xFFFFFFD0] =	vst v4;
	v1 =	vld.idx.msk [tilespmem:v10+s21+$0x0], $0xffff;
	(pc) =	sbr.rel @p0 .LBB2_37-.Ltmp17, $4  }
0x581: {  	[tilespmem:s12+$0xFFFFFFE0] =	vst v5;
	v2 =	vld.idx.msk [tilespmem:v11+s21+$0x0], $0xffff  }
0x582: {  	[tilespmem:s12+$0xFFFFFFF0] =	vst v7;
	v3 =	vld.idx.msk [tilespmem:v12+s21+$0x0], $0xffff  }
0x583: {  	[tilespmem:s12+$0xFFFFFF80] =	vst v14;
	v4 =	vld.idx.msk [tilespmem:v13+s21+$0x0], $0xffff  }
0x584: {  	s31 =	sadd.s32 $0x100, s31;
	[tilespmem:s12+$0x0] =	vst v8;
	v5 =	vld.idx.msk [tilespmem:v6+s21+$0x0], $0xffff  }
0x585: {  	[tilespmem:s12+$0x10] =	vst v0  }
0x586: {  	[tilespmem:s12+$0x20] =	vst v1  }
0x587: {  	[tilespmem:s12+$0x30] =	vst v2  }
0x588: {  	[tilespmem:s12+$0x40] =	vst v3  }
0x589: {  	[tilespmem:s12+$0x50] =	vst v4  }
0x58a: {  	[tilespmem:s12+$0x60] =	vst v5  }
0x58b: {  	[hbm4b:s15+s24] =	stream.strided.scatter [tilespmem:s28], [sflag:$0x2], $0x1000, s19, s24, $0x38;
	[tilespmem:$0x1E700] =	vst v63  }
0x58c: {  	_ =	swait.ge [sflag:s29], $0x1000  }
0x58d: {  	[sflag:s29] =	ssyncset.done $0x0  }
0x58e: {  	s16 =	simm.s32 $0x20F0;
	[sflag:s29] =	ssyncadd.s32 $0xFFFFF000  }
0x58f: {  	v0 =	vld [tilespmem:s16+$0x0]  }
0x590: {  	v1 =	vld [tilespmem:s16+$0xFFFFFF20]  }
0x591: {  	v2 =	vld [tilespmem:s16+$0xFFFFFF30]  }
0x592: {  	v3 =	vld [tilespmem:s16+$0xFFFFFF40]  }
0x593: {  	v4 =	vld [tilespmem:s16+$0xFFFFFF50]  }
0x594: {  	v5 =	vld [tilespmem:s16+$0xFFFFFF60]  }
0x595: {  	v6 =	vld [tilespmem:s16+$0xFFFFFF70]  }
0x596: {  	v7 =	vld [tilespmem:s16+$0xFFFFFF80]  }
0x597: {  	v8 =	vld [tilespmem:s16+$0xFFFFFF90]  }
0x598: {  	v9 =	vld [tilespmem:s16+$0xFFFFFFA0]  }
0x599: {  	v10 =	vld [tilespmem:s16+$0xFFFFFFB0]  }
0x59a: {  	v11 =	vld [tilespmem:s16+$0xFFFFFFC0]  }
0x59b: {  	v12 =	vld [tilespmem:s16+$0xFFFFFFD0]  }
0x59c: {  	v13 =	vld [tilespmem:s16+$0xFFFFFFE0]  }
0x59d: {  	v14 =	vld [tilespmem:s16+$0xFFFFFFF0]  }
0x59e: {  	v15 =	vld [tilespmem:s16+$0xFFFFFF10]  }
0x59f: {  	v0 =	vld.idx.msk [tilespmem:v0+s21+$0x0], $0xffff  }
0x5a0: {  	v1 =	vld.idx.msk [tilespmem:v1+s21+$0x0], $0xffff  }
0x5a1: {  	v2 =	vld.idx.msk [tilespmem:v2+s21+$0x0], $0xffff  }
0x5a2: {  	v3 =	vld.idx.msk [tilespmem:v3+s21+$0x0], $0xffff  }
0x5a3: {  	v4 =	vld.idx.msk [tilespmem:v4+s21+$0x0], $0xffff  }
0x5a4: {  	s12 =	simm.s32 $0x1C780;
	v5 =	vld.idx.msk [tilespmem:v5+s21+$0x0], $0xffff  }
0x5a5: {  	v6 =	vld.idx.msk [tilespmem:v6+s21+$0x0], $0xffff;
	[tilespmem:s12+$0x70] =	vst v0  }
0x5a6: {  	v7 =	vld.idx.msk [tilespmem:v7+s21+$0x0], $0xffff;
	[tilespmem:s12+$0xFFFFFF90] =	vst v1  }
0x5a7: {  	v15 =	vld.idx.msk [tilespmem:v15+s21+$0x0], $0xffff;
	[tilespmem:s12+$0xFFFFFFA0] =	vst v2  }
0x5a8: {  	v8 =	vld.idx.msk [tilespmem:v8+s21+$0x0], $0xffff;
	[tilespmem:s12+$0xFFFFFFB0] =	vst v3  }
0x5a9: {  	[tilespmem:s12+$0xFFFFFFC0] =	vst v4;
	v0 =	vld.idx.msk [tilespmem:v9+s21+$0x0], $0xffff  }
0x5aa: {  	[tilespmem:s12+$0xFFFFFFD0] =	vst v5;
	v1 =	vld.idx.msk [tilespmem:v10+s21+$0x0], $0xffff  }
0x5ab: {  	[tilespmem:s12+$0xFFFFFFE0] =	vst v6;
	v2 =	vld.idx.msk [tilespmem:v11+s21+$0x0], $0xffff  }
0x5ac: {  	[tilespmem:s12+$0xFFFFFFF0] =	vst v7;
	v3 =	vld.idx.msk [tilespmem:v12+s21+$0x0], $0xffff  }
0x5ad: {  	[tilespmem:s12+$0xFFFFFF80] =	vst v15;
	v4 =	vld.idx.msk [tilespmem:v13+s21+$0x0], $0xffff  }
0x5ae: {  	s31 =	simm.s32 $0x21F0;
	s15 =	sadd.s32 s11, s14;
	s16 =	simm.s32 $0x0;
	[tilespmem:s12+$0x0] =	vst v8;
	v5 =	vld.idx.msk [tilespmem:v14+s21+$0x0], $0xffff  }
.LBB2_39:
0x5af: {  	v6 =	vld [tilespmem:s31+$0x0];
	s16 =	sadd.s32 $0x10, s16;
	[tilespmem:s12+$0x10] =	vst v0  }
0x5b0: {  	v0 =	vld [tilespmem:s31+$0xFFFFFF20];
	p0 =	slt.u32 s16, $0xF0;
	[tilespmem:s12+$0x20] =	vst v1  }
0x5b1: {  	v1 =	vld [tilespmem:s31+$0xFFFFFF30];
	[tilespmem:s12+$0x30] =	vst v2  }
0x5b2: {  	v2 =	vld [tilespmem:s31+$0xFFFFFF40];
	[tilespmem:s12+$0x40] =	vst v3  }
0x5b3: {  	v3 =	vld [tilespmem:s31+$0xFFFFFF50];
	[tilespmem:s12+$0x50] =	vst v4  }
0x5b4: {  	v4 =	vld [tilespmem:s31+$0xFFFFFF60];
	[tilespmem:s12+$0x60] =	vst v5  }
0x5b5: {  	v5 =	vld [tilespmem:s31+$0xFFFFFF70]  }
0x5b6: {  	v7 =	vld [tilespmem:s31+$0xFFFFFF80]  }
0x5b7: {  	v6 =	vld.idx.msk [tilespmem:v6+s21+$0x0], $0xffff  }
0x5b8: {  	v8 =	vld [tilespmem:s31+$0xFFFFFF90]  }
0x5b9: {  	v9 =	vld [tilespmem:s31+$0xFFFFFFA0]  }
0x5ba: {  	v10 =	vld [tilespmem:s31+$0xFFFFFFB0]  }
0x5bb: {  	v11 =	vld [tilespmem:s31+$0xFFFFFFC0]  }
0x5bc: {  	s12 =	sadd.s32 $0x100, s12;
	v12 =	vld [tilespmem:s31+$0xFFFFFFD0]  }
0x5bd: {  	v13 =	vld [tilespmem:s31+$0xFFFFFFE0];
	[tilespmem:s12+$0x70] =	vst v6  }
0x5be: {  	v6 =	vld [tilespmem:s31+$0xFFFFFFF0]  }
0x5bf: {  	v14 =	vld [tilespmem:s31+$0xFFFFFF10]  }
0x5c0: {  	v0 =	vld.idx.msk [tilespmem:v0+s21+$0x0], $0xffff  }
0x5c1: {  	v1 =	vld.idx.msk [tilespmem:v1+s21+$0x0], $0xffff  }
0x5c2: {  	v2 =	vld.idx.msk [tilespmem:v2+s21+$0x0], $0xffff  }
0x5c3: {  	v3 =	vld.idx.msk [tilespmem:v3+s21+$0x0], $0xffff  }
0x5c4: {  	v4 =	vld.idx.msk [tilespmem:v4+s21+$0x0], $0xffff  }
0x5c5: {  	v5 =	vld.idx.msk [tilespmem:v5+s21+$0x0], $0xffff  }
0x5c6: {  	[tilespmem:s12+$0xFFFFFF90] =	vst v0;
	v7 =	vld.idx.msk [tilespmem:v7+s21+$0x0], $0xffff  }
0x5c7: {  	v14 =	vld.idx.msk [tilespmem:v14+s21+$0x0], $0xffff;
	[tilespmem:s12+$0xFFFFFFA0] =	vst v1  }
0x5c8: {  	[tilespmem:s12+$0xFFFFFFB0] =	vst v2;
	v8 =	vld.idx.msk [tilespmem:v8+s21+$0x0], $0xffff  }
0x5c9: {  	[tilespmem:s12+$0xFFFFFFC0] =	vst v3;
	v0 =	vld.idx.msk [tilespmem:v9+s21+$0x0], $0xffff  }
.Ltmp18:
0x5ca: {  	[tilespmem:s12+$0xFFFFFFD0] =	vst v4;
	v1 =	vld.idx.msk [tilespmem:v10+s21+$0x0], $0xffff;
	(pc) =	sbr.rel @p0 .LBB2_39-.Ltmp18, $4  }
0x5cb: {  	[tilespmem:s12+$0xFFFFFFE0] =	vst v5;
	v2 =	vld.idx.msk [tilespmem:v11+s21+$0x0], $0xffff  }
0x5cc: {  	[tilespmem:s12+$0xFFFFFFF0] =	vst v7;
	v3 =	vld.idx.msk [tilespmem:v12+s21+$0x0], $0xffff  }
0x5cd: {  	[tilespmem:s12+$0xFFFFFF80] =	vst v14;
	v4 =	vld.idx.msk [tilespmem:v13+s21+$0x0], $0xffff  }
0x5ce: {  	s31 =	sadd.s32 $0x100, s31;
	[tilespmem:s12+$0x0] =	vst v8;
	v5 =	vld.idx.msk [tilespmem:v6+s21+$0x0], $0xffff  }
0x5cf: {  	[tilespmem:s12+$0x10] =	vst v0  }
0x5d0: {  	[tilespmem:s12+$0x20] =	vst v1  }
0x5d1: {  	[tilespmem:s12+$0x30] =	vst v2  }
0x5d2: {  	[tilespmem:s12+$0x40] =	vst v3  }
0x5d3: {  	[tilespmem:s12+$0x50] =	vst v4  }
0x5d4: {  	[tilespmem:s12+$0x60] =	vst v5  }
0x5d5: {  	[hbm4b:s15+s24] =	stream.strided.scatter [tilespmem:s25], [sflag:$0x1], $0x1000, s19, s24, $0x38;
	[tilespmem:$0x1E700] =	vst v63  }
0x5d6: {  	_ =	swait.ge [sflag:s30], $0x1000  }
0x5d7: {  	[sflag:s30] =	ssyncset.done $0x0  }
0x5d8: {  	s31 =	simm.s32 $0x30F0;
	[sflag:s30] =	ssyncadd.s32 $0xFFFFF000  }
0x5d9: {  	v0 =	vld [tilespmem:s31+$0x0]  }
0x5da: {  	v1 =	vld [tilespmem:s31+$0xFFFFFF20]  }
0x5db: {  	v2 =	vld [tilespmem:s31+$0xFFFFFF30]  }
0x5dc: {  	v3 =	vld [tilespmem:s31+$0xFFFFFF40]  }
0x5dd: {  	v4 =	vld [tilespmem:s31+$0xFFFFFF50]  }
0x5de: {  	v5 =	vld [tilespmem:s31+$0xFFFFFF60]  }
0x5df: {  	v6 =	vld [tilespmem:s31+$0xFFFFFF70]  }
0x5e0: {  	v7 =	vld [tilespmem:s31+$0xFFFFFF80]  }
0x5e1: {  	v8 =	vld [tilespmem:s31+$0xFFFFFF90]  }
0x5e2: {  	v9 =	vld [tilespmem:s31+$0xFFFFFFA0]  }
0x5e3: {  	v10 =	vld [tilespmem:s31+$0xFFFFFFB0]  }
0x5e4: {  	v11 =	vld [tilespmem:s31+$0xFFFFFFC0]  }
0x5e5: {  	v12 =	vld [tilespmem:s31+$0xFFFFFFD0]  }
0x5e6: {  	v13 =	vld [tilespmem:s31+$0xFFFFFFE0]  }
0x5e7: {  	v14 =	vld [tilespmem:s31+$0xFFFFFFF0]  }
0x5e8: {  	v15 =	vld [tilespmem:s31+$0xFFFFFF10]  }
0x5e9: {  	v0 =	vld.idx.msk [tilespmem:v0+s21+$0x0], $0xffff  }
0x5ea: {  	v1 =	vld.idx.msk [tilespmem:v1+s21+$0x0], $0xffff  }
0x5eb: {  	v2 =	vld.idx.msk [tilespmem:v2+s21+$0x0], $0xffff  }
0x5ec: {  	v3 =	vld.idx.msk [tilespmem:v3+s21+$0x0], $0xffff  }
0x5ed: {  	v4 =	vld.idx.msk [tilespmem:v4+s21+$0x0], $0xffff  }
0x5ee: {  	s12 =	simm.s32 $0x1D780;
	v5 =	vld.idx.msk [tilespmem:v5+s21+$0x0], $0xffff  }
0x5ef: {  	v6 =	vld.idx.msk [tilespmem:v6+s21+$0x0], $0xffff;
	[tilespmem:s12+$0x70] =	vst v0  }
0x5f0: {  	v7 =	vld.idx.msk [tilespmem:v7+s21+$0x0], $0xffff;
	[tilespmem:s12+$0xFFFFFF90] =	vst v1  }
0x5f1: {  	v15 =	vld.idx.msk [tilespmem:v15+s21+$0x0], $0xffff;
	[tilespmem:s12+$0xFFFFFFA0] =	vst v2  }
0x5f2: {  	v8 =	vld.idx.msk [tilespmem:v8+s21+$0x0], $0xffff;
	[tilespmem:s12+$0xFFFFFFB0] =	vst v3  }
0x5f3: {  	[tilespmem:s12+$0xFFFFFFC0] =	vst v4;
	v0 =	vld.idx.msk [tilespmem:v9+s21+$0x0], $0xffff  }
0x5f4: {  	[tilespmem:s12+$0xFFFFFFD0] =	vst v5;
	v1 =	vld.idx.msk [tilespmem:v10+s21+$0x0], $0xffff  }
0x5f5: {  	[tilespmem:s12+$0xFFFFFFE0] =	vst v6;
	v2 =	vld.idx.msk [tilespmem:v11+s21+$0x0], $0xffff  }
0x5f6: {  	[tilespmem:s12+$0xFFFFFFF0] =	vst v7;
	v3 =	vld.idx.msk [tilespmem:v12+s21+$0x0], $0xffff  }
0x5f7: {  	[tilespmem:s12+$0xFFFFFF80] =	vst v15;
	v4 =	vld.idx.msk [tilespmem:v13+s21+$0x0], $0xffff  }
0x5f8: {  	s11 =	sadd.s32 s11, s18;
	s16 =	simm.s32 $0x31F0;
	s15 =	simm.s32 $0x0;
	[tilespmem:s12+$0x0] =	vst v8;
	v5 =	vld.idx.msk [tilespmem:v14+s21+$0x0], $0xffff  }
.LBB2_41:
0x5f9: {  	v6 =	vld [tilespmem:s16+$0x0];
	s15 =	sadd.s32 $0x10, s15;
	[tilespmem:s12+$0x10] =	vst v0  }
0x5fa: {  	v0 =	vld [tilespmem:s16+$0xFFFFFF20];
	p0 =	slt.u32 s15, $0xF0;
	[tilespmem:s12+$0x20] =	vst v1  }
0x5fb: {  	v1 =	vld [tilespmem:s16+$0xFFFFFF30];
	[tilespmem:s12+$0x30] =	vst v2  }
0x5fc: {  	v2 =	vld [tilespmem:s16+$0xFFFFFF40];
	[tilespmem:s12+$0x40] =	vst v3  }
0x5fd: {  	v3 =	vld [tilespmem:s16+$0xFFFFFF50];
	[tilespmem:s12+$0x50] =	vst v4  }
0x5fe: {  	v4 =	vld [tilespmem:s16+$0xFFFFFF60];
	[tilespmem:s12+$0x60] =	vst v5  }
0x5ff: {  	v5 =	vld [tilespmem:s16+$0xFFFFFF70]  }
0x600: {  	v7 =	vld [tilespmem:s16+$0xFFFFFF80]  }
0x601: {  	v6 =	vld.idx.msk [tilespmem:v6+s21+$0x0], $0xffff  }
0x602: {  	v8 =	vld [tilespmem:s16+$0xFFFFFF90]  }
0x603: {  	v9 =	vld [tilespmem:s16+$0xFFFFFFA0]  }
0x604: {  	v10 =	vld [tilespmem:s16+$0xFFFFFFB0]  }
0x605: {  	v11 =	vld [tilespmem:s16+$0xFFFFFFC0]  }
0x606: {  	s12 =	sadd.s32 $0x100, s12;
	v12 =	vld [tilespmem:s16+$0xFFFFFFD0]  }
0x607: {  	v13 =	vld [tilespmem:s16+$0xFFFFFFE0];
	[tilespmem:s12+$0x70] =	vst v6  }
0x608: {  	v6 =	vld [tilespmem:s16+$0xFFFFFFF0]  }
0x609: {  	v14 =	vld [tilespmem:s16+$0xFFFFFF10]  }
0x60a: {  	v0 =	vld.idx.msk [tilespmem:v0+s21+$0x0], $0xffff  }
0x60b: {  	v1 =	vld.idx.msk [tilespmem:v1+s21+$0x0], $0xffff  }
0x60c: {  	v2 =	vld.idx.msk [tilespmem:v2+s21+$0x0], $0xffff  }
0x60d: {  	v3 =	vld.idx.msk [tilespmem:v3+s21+$0x0], $0xffff  }
0x60e: {  	v4 =	vld.idx.msk [tilespmem:v4+s21+$0x0], $0xffff  }
0x60f: {  	v5 =	vld.idx.msk [tilespmem:v5+s21+$0x0], $0xffff  }
0x610: {  	[tilespmem:s12+$0xFFFFFF90] =	vst v0;
	v7 =	vld.idx.msk [tilespmem:v7+s21+$0x0], $0xffff  }
0x611: {  	v14 =	vld.idx.msk [tilespmem:v14+s21+$0x0], $0xffff;
	[tilespmem:s12+$0xFFFFFFA0] =	vst v1  }
0x612: {  	[tilespmem:s12+$0xFFFFFFB0] =	vst v2;
	v8 =	vld.idx.msk [tilespmem:v8+s21+$0x0], $0xffff  }
0x613: {  	[tilespmem:s12+$0xFFFFFFC0] =	vst v3;
	v0 =	vld.idx.msk [tilespmem:v9+s21+$0x0], $0xffff  }
.Ltmp19:
0x614: {  	[tilespmem:s12+$0xFFFFFFD0] =	vst v4;
	v1 =	vld.idx.msk [tilespmem:v10+s21+$0x0], $0xffff;
	(pc) =	sbr.rel @p0 .LBB2_41-.Ltmp19, $4  }
0x615: {  	[tilespmem:s12+$0xFFFFFFE0] =	vst v5;
	v2 =	vld.idx.msk [tilespmem:v11+s21+$0x0], $0xffff  }
0x616: {  	[tilespmem:s12+$0xFFFFFFF0] =	vst v7;
	v3 =	vld.idx.msk [tilespmem:v12+s21+$0x0], $0xffff  }
0x617: {  	[tilespmem:s12+$0xFFFFFF80] =	vst v14;
	v4 =	vld.idx.msk [tilespmem:v13+s21+$0x0], $0xffff  }
0x618: {  	s16 =	sadd.s32 $0x100, s16;
	[tilespmem:s12+$0x0] =	vst v8;
	v5 =	vld.idx.msk [tilespmem:v6+s21+$0x0], $0xffff  }
0x619: {  	[tilespmem:s12+$0x10] =	vst v0  }
0x61a: {  	[tilespmem:s12+$0x20] =	vst v1  }
0x61b: {  	[tilespmem:s12+$0x30] =	vst v2  }
0x61c: {  	[tilespmem:s12+$0x40] =	vst v3  }
0x61d: {  	[tilespmem:s12+$0x50] =	vst v4  }
0x61e: {  	s16 =	simm.s32 $0x80;
	s15 =	sor.u32 s17, s1;
	[tilespmem:s12+$0x60] =	vst v5  }
0x61f: {  	[hbm4b:s11+s16] =	stream.strided.scatter [tilespmem:s28], [sflag:$0x2], $0x1000, s19, s16, $0x38;
	[tilespmem:$0x1E700] =	vst v63  }
0x620: {  	s11 =	sshrl.u32 s15, $0x3  }
0x621: {  	s11 =	sadd.s32 s3, s11  }
0x622: {  	[tilespmem:s21], [sflag:$0x3] =	stream.strided.gather [hbm4b:s11+s16], $0x18700, s19, s16, $0x38;
	[tilespmem:$0x1E700] =	vst v63  }
0x623: {  	_ =	swait.ge [sflag:s23], $0x18700  }
0x624: {  	[sflag:s23] =	ssyncset.done $0x0  }
0x625: {  	[sflag:s23] =	ssyncadd.s32 $0xFFFE7900  }
0x626: {  	_ =	swait.ge [sflag:s29], $0x1000  }
0x627: {  	[sflag:s29] =	ssyncset.done $0x0  }
0x628: {  	[sflag:s29] =	ssyncadd.s32 $0xFFFFF000  }
0x629: {  	v0 =	vld [tilespmem:s16+$0x70]  }
0x62a: {  	v1 =	vld [tilespmem:s16+$0xFFFFFF90]  }
0x62b: {  	v2 =	vld [tilespmem:s16+$0xFFFFFFA0]  }
0x62c: {  	v3 =	vld [tilespmem:s16+$0xFFFFFFB0]  }
0x62d: {  	v4 =	vld [tilespmem:s16+$0xFFFFFFC0]  }
0x62e: {  	v5 =	vld [tilespmem:s16+$0xFFFFFFD0]  }
0x62f: {  	v6 =	vld [tilespmem:s16+$0xFFFFFFE0]  }
0x630: {  	v7 =	vld [tilespmem:s16+$0xFFFFFFF0]  }
0x631: {  	v8 =	vld [tilespmem:s16+$0x0]  }
0x632: {  	v9 =	vld [tilespmem:s16+$0x10]  }
0x633: {  	v10 =	vld [tilespmem:s16+$0x20]  }
0x634: {  	v11 =	vld [tilespmem:s16+$0x30]  }
0x635: {  	v12 =	vld [tilespmem:s16+$0x40]  }
0x636: {  	v13 =	vld [tilespmem:s16+$0x50]  }
0x637: {  	v14 =	vld [tilespmem:s16+$0x60]  }
0x638: {  	v15 =	vld [tilespmem:s16+$0xFFFFFF80]  }
0x639: {  	v0 =	vld.idx.msk [tilespmem:v0+s21+$0x0], $0xffff  }
0x63a: {  	v1 =	vld.idx.msk [tilespmem:v1+s21+$0x0], $0xffff  }
0x63b: {  	v2 =	vld.idx.msk [tilespmem:v2+s21+$0x0], $0xffff  }
0x63c: {  	v3 =	vld.idx.msk [tilespmem:v3+s21+$0x0], $0xffff  }
0x63d: {  	v4 =	vld.idx.msk [tilespmem:v4+s21+$0x0], $0xffff  }
0x63e: {  	s12 =	simm.s32 $0x1C780;
	v5 =	vld.idx.msk [tilespmem:v5+s21+$0x0], $0xffff  }
0x63f: {  	v6 =	vld.idx.msk [tilespmem:v6+s21+$0x0], $0xffff;
	[tilespmem:s12+$0x70] =	vst v0  }
0x640: {  	v7 =	vld.idx.msk [tilespmem:v7+s21+$0x0], $0xffff;
	[tilespmem:s12+$0xFFFFFF90] =	vst v1  }
0x641: {  	v15 =	vld.idx.msk [tilespmem:v15+s21+$0x0], $0xffff;
	[tilespmem:s12+$0xFFFFFFA0] =	vst v2  }
0x642: {  	v8 =	vld.idx.msk [tilespmem:v8+s21+$0x0], $0xffff;
	[tilespmem:s12+$0xFFFFFFB0] =	vst v3  }
0x643: {  	[tilespmem:s12+$0xFFFFFFC0] =	vst v4;
	v0 =	vld.idx.msk [tilespmem:v9+s21+$0x0], $0xffff  }
0x644: {  	[tilespmem:s12+$0xFFFFFFD0] =	vst v5;
	v1 =	vld.idx.msk [tilespmem:v10+s21+$0x0], $0xffff  }
0x645: {  	[tilespmem:s12+$0xFFFFFFE0] =	vst v6;
	v2 =	vld.idx.msk [tilespmem:v11+s21+$0x0], $0xffff  }
0x646: {  	s16 =	sor.u32 s17, s10;
	[tilespmem:s12+$0xFFFFFFF0] =	vst v7;
	v3 =	vld.idx.msk [tilespmem:v12+s21+$0x0], $0xffff  }
0x647: {  	s11 =	sshrl.u32 s16, $0x3;
	[tilespmem:s12+$0xFFFFFF80] =	vst v15;
	v4 =	vld.idx.msk [tilespmem:v13+s21+$0x0], $0xffff  }
0x648: {  	s31 =	simm.s32 $0x180;
	s16 =	simm.s32 $0x0;
	s15 =	sadd.s32 s4, s11;
	[tilespmem:s12+$0x0] =	vst v8;
	v5 =	vld.idx.msk [tilespmem:v14+s21+$0x0], $0xffff  }
.LBB2_43:
0x649: {  	v6 =	vld [tilespmem:s31+$0x70];
	s16 =	sadd.s32 $0x10, s16;
	[tilespmem:s12+$0x10] =	vst v0  }
0x64a: {  	v0 =	vld [tilespmem:s31+$0xFFFFFF90];
	p0 =	slt.u32 s16, $0xF0;
	[tilespmem:s12+$0x20] =	vst v1  }
0x64b: {  	v1 =	vld [tilespmem:s31+$0xFFFFFFA0];
	[tilespmem:s12+$0x30] =	vst v2  }
0x64c: {  	v2 =	vld [tilespmem:s31+$0xFFFFFFB0];
	[tilespmem:s12+$0x40] =	vst v3  }
0x64d: {  	v3 =	vld [tilespmem:s31+$0xFFFFFFC0];
	[tilespmem:s12+$0x50] =	vst v4  }
0x64e: {  	v4 =	vld [tilespmem:s31+$0xFFFFFFD0];
	[tilespmem:s12+$0x60] =	vst v5  }
0x64f: {  	v5 =	vld [tilespmem:s31+$0xFFFFFFE0]  }
0x650: {  	v7 =	vld [tilespmem:s31+$0xFFFFFFF0]  }
0x651: {  	v6 =	vld.idx.msk [tilespmem:v6+s21+$0x0], $0xffff  }
0x652: {  	v8 =	vld [tilespmem:s31+$0x0]  }
0x653: {  	v9 =	vld [tilespmem:s31+$0x10]  }
0x654: {  	v10 =	vld [tilespmem:s31+$0x20]  }
0x655: {  	v11 =	vld [tilespmem:s31+$0x30]  }
0x656: {  	s12 =	sadd.s32 $0x100, s12;
	v12 =	vld [tilespmem:s31+$0x40]  }
0x657: {  	v13 =	vld [tilespmem:s31+$0x50];
	[tilespmem:s12+$0x70] =	vst v6  }
0x658: {  	v6 =	vld [tilespmem:s31+$0x60]  }
0x659: {  	v14 =	vld [tilespmem:s31+$0xFFFFFF80]  }
0x65a: {  	v0 =	vld.idx.msk [tilespmem:v0+s21+$0x0], $0xffff  }
0x65b: {  	v1 =	vld.idx.msk [tilespmem:v1+s21+$0x0], $0xffff  }
0x65c: {  	v2 =	vld.idx.msk [tilespmem:v2+s21+$0x0], $0xffff  }
0x65d: {  	v3 =	vld.idx.msk [tilespmem:v3+s21+$0x0], $0xffff  }
0x65e: {  	v4 =	vld.idx.msk [tilespmem:v4+s21+$0x0], $0xffff  }
0x65f: {  	v5 =	vld.idx.msk [tilespmem:v5+s21+$0x0], $0xffff  }
0x660: {  	[tilespmem:s12+$0xFFFFFF90] =	vst v0;
	v7 =	vld.idx.msk [tilespmem:v7+s21+$0x0], $0xffff  }
0x661: {  	v14 =	vld.idx.msk [tilespmem:v14+s21+$0x0], $0xffff;
	[tilespmem:s12+$0xFFFFFFA0] =	vst v1  }
0x662: {  	[tilespmem:s12+$0xFFFFFFB0] =	vst v2;
	v8 =	vld.idx.msk [tilespmem:v8+s21+$0x0], $0xffff  }
0x663: {  	[tilespmem:s12+$0xFFFFFFC0] =	vst v3;
	v0 =	vld.idx.msk [tilespmem:v9+s21+$0x0], $0xffff  }
.Ltmp20:
0x664: {  	[tilespmem:s12+$0xFFFFFFD0] =	vst v4;
	v1 =	vld.idx.msk [tilespmem:v10+s21+$0x0], $0xffff;
	(pc) =	sbr.rel @p0 .LBB2_43-.Ltmp20, $4  }
0x665: {  	[tilespmem:s12+$0xFFFFFFE0] =	vst v5;
	v2 =	vld.idx.msk [tilespmem:v11+s21+$0x0], $0xffff  }
0x666: {  	[tilespmem:s12+$0xFFFFFFF0] =	vst v7;
	v3 =	vld.idx.msk [tilespmem:v12+s21+$0x0], $0xffff  }
0x667: {  	[tilespmem:s12+$0xFFFFFF80] =	vst v14;
	v4 =	vld.idx.msk [tilespmem:v13+s21+$0x0], $0xffff  }
0x668: {  	s31 =	sadd.s32 $0x100, s31;
	[tilespmem:s12+$0x0] =	vst v8;
	v5 =	vld.idx.msk [tilespmem:v6+s21+$0x0], $0xffff  }
0x669: {  	[tilespmem:s12+$0x10] =	vst v0  }
0x66a: {  	[tilespmem:s12+$0x20] =	vst v1  }
0x66b: {  	[tilespmem:s12+$0x30] =	vst v2  }
0x66c: {  	[tilespmem:s12+$0x40] =	vst v3  }
0x66d: {  	[tilespmem:s12+$0x50] =	vst v4  }
0x66e: {  	[tilespmem:s12+$0x60] =	vst v5  }
0x66f: {  	[hbm4b:s15+s24] =	stream.strided.scatter [tilespmem:s25], [sflag:$0x1], $0x1000, s19, s24, $0x38;
	[tilespmem:$0x1E700] =	vst v63  }
0x670: {  	_ =	swait.ge [sflag:s30], $0x1000  }
0x671: {  	[sflag:s30] =	ssyncset.done $0x0  }
0x672: {  	s16 =	simm.s32 $0x10F0;
	[sflag:s30] =	ssyncadd.s32 $0xFFFFF000  }
0x673: {  	v0 =	vld [tilespmem:s16+$0x0]  }
0x674: {  	v1 =	vld [tilespmem:s16+$0xFFFFFF20]  }
0x675: {  	v2 =	vld [tilespmem:s16+$0xFFFFFF30]  }
0x676: {  	v3 =	vld [tilespmem:s16+$0xFFFFFF40]  }
0x677: {  	v4 =	vld [tilespmem:s16+$0xFFFFFF50]  }
0x678: {  	v5 =	vld [tilespmem:s16+$0xFFFFFF60]  }
0x679: {  	v6 =	vld [tilespmem:s16+$0xFFFFFF70]  }
0x67a: {  	v7 =	vld [tilespmem:s16+$0xFFFFFF80]  }
0x67b: {  	v8 =	vld [tilespmem:s16+$0xFFFFFF90]  }
0x67c: {  	v9 =	vld [tilespmem:s16+$0xFFFFFFA0]  }
0x67d: {  	v10 =	vld [tilespmem:s16+$0xFFFFFFB0]  }
0x67e: {  	v11 =	vld [tilespmem:s16+$0xFFFFFFC0]  }
0x67f: {  	v12 =	vld [tilespmem:s16+$0xFFFFFFD0]  }
0x680: {  	v13 =	vld [tilespmem:s16+$0xFFFFFFE0]  }
0x681: {  	v14 =	vld [tilespmem:s16+$0xFFFFFFF0]  }
0x682: {  	v15 =	vld [tilespmem:s16+$0xFFFFFF10]  }
0x683: {  	v0 =	vld.idx.msk [tilespmem:v0+s21+$0x0], $0xffff  }
0x684: {  	v1 =	vld.idx.msk [tilespmem:v1+s21+$0x0], $0xffff  }
0x685: {  	v2 =	vld.idx.msk [tilespmem:v2+s21+$0x0], $0xffff  }
0x686: {  	v3 =	vld.idx.msk [tilespmem:v3+s21+$0x0], $0xffff  }
0x687: {  	v4 =	vld.idx.msk [tilespmem:v4+s21+$0x0], $0xffff  }
0x688: {  	s12 =	simm.s32 $0x1D780;
	v5 =	vld.idx.msk [tilespmem:v5+s21+$0x0], $0xffff  }
0x689: {  	v6 =	vld.idx.msk [tilespmem:v6+s21+$0x0], $0xffff;
	[tilespmem:s12+$0x70] =	vst v0  }
0x68a: {  	v7 =	vld.idx.msk [tilespmem:v7+s21+$0x0], $0xffff;
	[tilespmem:s12+$0xFFFFFF90] =	vst v1  }
0x68b: {  	v15 =	vld.idx.msk [tilespmem:v15+s21+$0x0], $0xffff;
	[tilespmem:s12+$0xFFFFFFA0] =	vst v2  }
0x68c: {  	v8 =	vld.idx.msk [tilespmem:v8+s21+$0x0], $0xffff;
	[tilespmem:s12+$0xFFFFFFB0] =	vst v3  }
0x68d: {  	[tilespmem:s12+$0xFFFFFFC0] =	vst v4;
	v0 =	vld.idx.msk [tilespmem:v9+s21+$0x0], $0xffff  }
0x68e: {  	[tilespmem:s12+$0xFFFFFFD0] =	vst v5;
	v1 =	vld.idx.msk [tilespmem:v10+s21+$0x0], $0xffff  }
0x68f: {  	[tilespmem:s12+$0xFFFFFFE0] =	vst v6;
	v2 =	vld.idx.msk [tilespmem:v11+s21+$0x0], $0xffff  }
0x690: {  	[tilespmem:s12+$0xFFFFFFF0] =	vst v7;
	v3 =	vld.idx.msk [tilespmem:v12+s21+$0x0], $0xffff  }
0x691: {  	[tilespmem:s12+$0xFFFFFF80] =	vst v15;
	v4 =	vld.idx.msk [tilespmem:v13+s21+$0x0], $0xffff  }
0x692: {  	s31 =	simm.s32 $0x11F0;
	s15 =	sadd.s32 s11, s13;
	s16 =	simm.s32 $0x0;
	[tilespmem:s12+$0x0] =	vst v8;
	v5 =	vld.idx.msk [tilespmem:v14+s21+$0x0], $0xffff  }
.LBB2_45:
0x693: {  	v6 =	vld [tilespmem:s31+$0x0];
	s16 =	sadd.s32 $0x10, s16;
	[tilespmem:s12+$0x10] =	vst v0  }
0x694: {  	v0 =	vld [tilespmem:s31+$0xFFFFFF20];
	p0 =	slt.u32 s16, $0xF0;
	[tilespmem:s12+$0x20] =	vst v1  }
0x695: {  	v1 =	vld [tilespmem:s31+$0xFFFFFF30];
	[tilespmem:s12+$0x30] =	vst v2  }
0x696: {  	v2 =	vld [tilespmem:s31+$0xFFFFFF40];
	[tilespmem:s12+$0x40] =	vst v3  }
0x697: {  	v3 =	vld [tilespmem:s31+$0xFFFFFF50];
	[tilespmem:s12+$0x50] =	vst v4  }
0x698: {  	v4 =	vld [tilespmem:s31+$0xFFFFFF60];
	[tilespmem:s12+$0x60] =	vst v5  }
0x699: {  	v5 =	vld [tilespmem:s31+$0xFFFFFF70]  }
0x69a: {  	v7 =	vld [tilespmem:s31+$0xFFFFFF80]  }
0x69b: {  	v6 =	vld.idx.msk [tilespmem:v6+s21+$0x0], $0xffff  }
0x69c: {  	v8 =	vld [tilespmem:s31+$0xFFFFFF90]  }
0x69d: {  	v9 =	vld [tilespmem:s31+$0xFFFFFFA0]  }
0x69e: {  	v10 =	vld [tilespmem:s31+$0xFFFFFFB0]  }
0x69f: {  	v11 =	vld [tilespmem:s31+$0xFFFFFFC0]  }
0x6a0: {  	s12 =	sadd.s32 $0x100, s12;
	v12 =	vld [tilespmem:s31+$0xFFFFFFD0]  }
0x6a1: {  	v13 =	vld [tilespmem:s31+$0xFFFFFFE0];
	[tilespmem:s12+$0x70] =	vst v6  }
0x6a2: {  	v6 =	vld [tilespmem:s31+$0xFFFFFFF0]  }
0x6a3: {  	v14 =	vld [tilespmem:s31+$0xFFFFFF10]  }
0x6a4: {  	v0 =	vld.idx.msk [tilespmem:v0+s21+$0x0], $0xffff  }
0x6a5: {  	v1 =	vld.idx.msk [tilespmem:v1+s21+$0x0], $0xffff  }
0x6a6: {  	v2 =	vld.idx.msk [tilespmem:v2+s21+$0x0], $0xffff  }
0x6a7: {  	v3 =	vld.idx.msk [tilespmem:v3+s21+$0x0], $0xffff  }
0x6a8: {  	v4 =	vld.idx.msk [tilespmem:v4+s21+$0x0], $0xffff  }
0x6a9: {  	v5 =	vld.idx.msk [tilespmem:v5+s21+$0x0], $0xffff  }
0x6aa: {  	[tilespmem:s12+$0xFFFFFF90] =	vst v0;
	v7 =	vld.idx.msk [tilespmem:v7+s21+$0x0], $0xffff  }
0x6ab: {  	v14 =	vld.idx.msk [tilespmem:v14+s21+$0x0], $0xffff;
	[tilespmem:s12+$0xFFFFFFA0] =	vst v1  }
0x6ac: {  	[tilespmem:s12+$0xFFFFFFB0] =	vst v2;
	v8 =	vld.idx.msk [tilespmem:v8+s21+$0x0], $0xffff  }
0x6ad: {  	[tilespmem:s12+$0xFFFFFFC0] =	vst v3;
	v0 =	vld.idx.msk [tilespmem:v9+s21+$0x0], $0xffff  }
.Ltmp21:
0x6ae: {  	[tilespmem:s12+$0xFFFFFFD0] =	vst v4;
	v1 =	vld.idx.msk [tilespmem:v10+s21+$0x0], $0xffff;
	(pc) =	sbr.rel @p0 .LBB2_45-.Ltmp21, $4  }
0x6af: {  	[tilespmem:s12+$0xFFFFFFE0] =	vst v5;
	v2 =	vld.idx.msk [tilespmem:v11+s21+$0x0], $0xffff  }
0x6b0: {  	[tilespmem:s12+$0xFFFFFFF0] =	vst v7;
	v3 =	vld.idx.msk [tilespmem:v12+s21+$0x0], $0xffff  }
0x6b1: {  	[tilespmem:s12+$0xFFFFFF80] =	vst v14;
	v4 =	vld.idx.msk [tilespmem:v13+s21+$0x0], $0xffff  }
0x6b2: {  	s31 =	sadd.s32 $0x100, s31;
	[tilespmem:s12+$0x0] =	vst v8;
	v5 =	vld.idx.msk [tilespmem:v6+s21+$0x0], $0xffff  }
0x6b3: {  	[tilespmem:s12+$0x10] =	vst v0  }
0x6b4: {  	[tilespmem:s12+$0x20] =	vst v1  }
0x6b5: {  	[tilespmem:s12+$0x30] =	vst v2  }
0x6b6: {  	[tilespmem:s12+$0x40] =	vst v3  }
0x6b7: {  	[tilespmem:s12+$0x50] =	vst v4  }
0x6b8: {  	[tilespmem:s12+$0x60] =	vst v5  }
0x6b9: {  	[hbm4b:s15+s24] =	stream.strided.scatter [tilespmem:s28], [sflag:$0x2], $0x1000, s19, s24, $0x38;
	[tilespmem:$0x1E700] =	vst v63  }
0x6ba: {  	_ =	swait.ge [sflag:s29], $0x1000  }
0x6bb: {  	[sflag:s29] =	ssyncset.done $0x0  }
0x6bc: {  	s16 =	simm.s32 $0x20F0;
	[sflag:s29] =	ssyncadd.s32 $0xFFFFF000  }
0x6bd: {  	v0 =	vld [tilespmem:s16+$0x0]  }
0x6be: {  	v1 =	vld [tilespmem:s16+$0xFFFFFF20]  }
0x6bf: {  	v2 =	vld [tilespmem:s16+$0xFFFFFF30]  }
0x6c0: {  	v3 =	vld [tilespmem:s16+$0xFFFFFF40]  }
0x6c1: {  	v4 =	vld [tilespmem:s16+$0xFFFFFF50]  }
0x6c2: {  	v5 =	vld [tilespmem:s16+$0xFFFFFF60]  }
0x6c3: {  	v6 =	vld [tilespmem:s16+$0xFFFFFF70]  }
0x6c4: {  	v7 =	vld [tilespmem:s16+$0xFFFFFF80]  }
0x6c5: {  	v8 =	vld [tilespmem:s16+$0xFFFFFF90]  }
0x6c6: {  	v9 =	vld [tilespmem:s16+$0xFFFFFFA0]  }
0x6c7: {  	v10 =	vld [tilespmem:s16+$0xFFFFFFB0]  }
0x6c8: {  	v11 =	vld [tilespmem:s16+$0xFFFFFFC0]  }
0x6c9: {  	v12 =	vld [tilespmem:s16+$0xFFFFFFD0]  }
0x6ca: {  	v13 =	vld [tilespmem:s16+$0xFFFFFFE0]  }
0x6cb: {  	v14 =	vld [tilespmem:s16+$0xFFFFFFF0]  }
0x6cc: {  	v15 =	vld [tilespmem:s16+$0xFFFFFF10]  }
0x6cd: {  	v0 =	vld.idx.msk [tilespmem:v0+s21+$0x0], $0xffff  }
0x6ce: {  	v1 =	vld.idx.msk [tilespmem:v1+s21+$0x0], $0xffff  }
0x6cf: {  	v2 =	vld.idx.msk [tilespmem:v2+s21+$0x0], $0xffff  }
0x6d0: {  	v3 =	vld.idx.msk [tilespmem:v3+s21+$0x0], $0xffff  }
0x6d1: {  	v4 =	vld.idx.msk [tilespmem:v4+s21+$0x0], $0xffff  }
0x6d2: {  	s12 =	simm.s32 $0x1C780;
	v5 =	vld.idx.msk [tilespmem:v5+s21+$0x0], $0xffff  }
0x6d3: {  	v6 =	vld.idx.msk [tilespmem:v6+s21+$0x0], $0xffff;
	[tilespmem:s12+$0x70] =	vst v0  }
0x6d4: {  	v7 =	vld.idx.msk [tilespmem:v7+s21+$0x0], $0xffff;
	[tilespmem:s12+$0xFFFFFF90] =	vst v1  }
0x6d5: {  	v15 =	vld.idx.msk [tilespmem:v15+s21+$0x0], $0xffff;
	[tilespmem:s12+$0xFFFFFFA0] =	vst v2  }
0x6d6: {  	v8 =	vld.idx.msk [tilespmem:v8+s21+$0x0], $0xffff;
	[tilespmem:s12+$0xFFFFFFB0] =	vst v3  }
0x6d7: {  	[tilespmem:s12+$0xFFFFFFC0] =	vst v4;
	v0 =	vld.idx.msk [tilespmem:v9+s21+$0x0], $0xffff  }
0x6d8: {  	[tilespmem:s12+$0xFFFFFFD0] =	vst v5;
	v1 =	vld.idx.msk [tilespmem:v10+s21+$0x0], $0xffff  }
0x6d9: {  	[tilespmem:s12+$0xFFFFFFE0] =	vst v6;
	v2 =	vld.idx.msk [tilespmem:v11+s21+$0x0], $0xffff  }
0x6da: {  	[tilespmem:s12+$0xFFFFFFF0] =	vst v7;
	v3 =	vld.idx.msk [tilespmem:v12+s21+$0x0], $0xffff  }
0x6db: {  	[tilespmem:s12+$0xFFFFFF80] =	vst v15;
	v4 =	vld.idx.msk [tilespmem:v13+s21+$0x0], $0xffff  }
0x6dc: {  	s31 =	simm.s32 $0x21F0;
	s15 =	sadd.s32 s11, s14;
	s16 =	simm.s32 $0x0;
	[tilespmem:s12+$0x0] =	vst v8;
	v5 =	vld.idx.msk [tilespmem:v14+s21+$0x0], $0xffff  }
.LBB2_47:
0x6dd: {  	v6 =	vld [tilespmem:s31+$0x0];
	s16 =	sadd.s32 $0x10, s16;
	[tilespmem:s12+$0x10] =	vst v0  }
0x6de: {  	v0 =	vld [tilespmem:s31+$0xFFFFFF20];
	p0 =	slt.u32 s16, $0xF0;
	[tilespmem:s12+$0x20] =	vst v1  }
0x6df: {  	v1 =	vld [tilespmem:s31+$0xFFFFFF30];
	[tilespmem:s12+$0x30] =	vst v2  }
0x6e0: {  	v2 =	vld [tilespmem:s31+$0xFFFFFF40];
	[tilespmem:s12+$0x40] =	vst v3  }
0x6e1: {  	v3 =	vld [tilespmem:s31+$0xFFFFFF50];
	[tilespmem:s12+$0x50] =	vst v4  }
0x6e2: {  	v4 =	vld [tilespmem:s31+$0xFFFFFF60];
	[tilespmem:s12+$0x60] =	vst v5  }
0x6e3: {  	v5 =	vld [tilespmem:s31+$0xFFFFFF70]  }
0x6e4: {  	v7 =	vld [tilespmem:s31+$0xFFFFFF80]  }
0x6e5: {  	v6 =	vld.idx.msk [tilespmem:v6+s21+$0x0], $0xffff  }
0x6e6: {  	v8 =	vld [tilespmem:s31+$0xFFFFFF90]  }
0x6e7: {  	v9 =	vld [tilespmem:s31+$0xFFFFFFA0]  }
0x6e8: {  	v10 =	vld [tilespmem:s31+$0xFFFFFFB0]  }
0x6e9: {  	v11 =	vld [tilespmem:s31+$0xFFFFFFC0]  }
0x6ea: {  	s12 =	sadd.s32 $0x100, s12;
	v12 =	vld [tilespmem:s31+$0xFFFFFFD0]  }
0x6eb: {  	v13 =	vld [tilespmem:s31+$0xFFFFFFE0];
	[tilespmem:s12+$0x70] =	vst v6  }
0x6ec: {  	v6 =	vld [tilespmem:s31+$0xFFFFFFF0]  }
0x6ed: {  	v14 =	vld [tilespmem:s31+$0xFFFFFF10]  }
0x6ee: {  	v0 =	vld.idx.msk [tilespmem:v0+s21+$0x0], $0xffff  }
0x6ef: {  	v1 =	vld.idx.msk [tilespmem:v1+s21+$0x0], $0xffff  }
0x6f0: {  	v2 =	vld.idx.msk [tilespmem:v2+s21+$0x0], $0xffff  }
0x6f1: {  	v3 =	vld.idx.msk [tilespmem:v3+s21+$0x0], $0xffff  }
0x6f2: {  	v4 =	vld.idx.msk [tilespmem:v4+s21+$0x0], $0xffff  }
0x6f3: {  	v5 =	vld.idx.msk [tilespmem:v5+s21+$0x0], $0xffff  }
0x6f4: {  	[tilespmem:s12+$0xFFFFFF90] =	vst v0;
	v7 =	vld.idx.msk [tilespmem:v7+s21+$0x0], $0xffff  }
0x6f5: {  	v14 =	vld.idx.msk [tilespmem:v14+s21+$0x0], $0xffff;
	[tilespmem:s12+$0xFFFFFFA0] =	vst v1  }
0x6f6: {  	[tilespmem:s12+$0xFFFFFFB0] =	vst v2;
	v8 =	vld.idx.msk [tilespmem:v8+s21+$0x0], $0xffff  }
0x6f7: {  	[tilespmem:s12+$0xFFFFFFC0] =	vst v3;
	v0 =	vld.idx.msk [tilespmem:v9+s21+$0x0], $0xffff  }
.Ltmp22:
0x6f8: {  	[tilespmem:s12+$0xFFFFFFD0] =	vst v4;
	v1 =	vld.idx.msk [tilespmem:v10+s21+$0x0], $0xffff;
	(pc) =	sbr.rel @p0 .LBB2_47-.Ltmp22, $4  }
0x6f9: {  	[tilespmem:s12+$0xFFFFFFE0] =	vst v5;
	v2 =	vld.idx.msk [tilespmem:v11+s21+$0x0], $0xffff  }
0x6fa: {  	[tilespmem:s12+$0xFFFFFFF0] =	vst v7;
	v3 =	vld.idx.msk [tilespmem:v12+s21+$0x0], $0xffff  }
0x6fb: {  	[tilespmem:s12+$0xFFFFFF80] =	vst v14;
	v4 =	vld.idx.msk [tilespmem:v13+s21+$0x0], $0xffff  }
0x6fc: {  	s31 =	sadd.s32 $0x100, s31;
	[tilespmem:s12+$0x0] =	vst v8;
	v5 =	vld.idx.msk [tilespmem:v6+s21+$0x0], $0xffff  }
0x6fd: {  	[tilespmem:s12+$0x10] =	vst v0  }
0x6fe: {  	[tilespmem:s12+$0x20] =	vst v1  }
0x6ff: {  	[tilespmem:s12+$0x30] =	vst v2  }
0x700: {  	[tilespmem:s12+$0x40] =	vst v3  }
0x701: {  	[tilespmem:s12+$0x50] =	vst v4  }
0x702: {  	[tilespmem:s12+$0x60] =	vst v5  }
0x703: {  	[hbm4b:s15+s24] =	stream.strided.scatter [tilespmem:s25], [sflag:$0x1], $0x1000, s19, s24, $0x38;
	[tilespmem:$0x1E700] =	vst v63  }
0x704: {  	_ =	swait.ge [sflag:s30], $0x1000  }
0x705: {  	[sflag:s30] =	ssyncset.done $0x0  }
0x706: {  	s31 =	simm.s32 $0x30F0;
	[sflag:s30] =	ssyncadd.s32 $0xFFFFF000  }
0x707: {  	v0 =	vld [tilespmem:s31+$0x0]  }
0x708: {  	v1 =	vld [tilespmem:s31+$0xFFFFFF20]  }
0x709: {  	v2 =	vld [tilespmem:s31+$0xFFFFFF30]  }
0x70a: {  	v3 =	vld [tilespmem:s31+$0xFFFFFF40]  }
0x70b: {  	v4 =	vld [tilespmem:s31+$0xFFFFFF50]  }
0x70c: {  	v5 =	vld [tilespmem:s31+$0xFFFFFF60]  }
0x70d: {  	v6 =	vld [tilespmem:s31+$0xFFFFFF70]  }
0x70e: {  	v7 =	vld [tilespmem:s31+$0xFFFFFF80]  }
0x70f: {  	v8 =	vld [tilespmem:s31+$0xFFFFFF90]  }
0x710: {  	v9 =	vld [tilespmem:s31+$0xFFFFFFA0]  }
0x711: {  	v10 =	vld [tilespmem:s31+$0xFFFFFFB0]  }
0x712: {  	v11 =	vld [tilespmem:s31+$0xFFFFFFC0]  }
0x713: {  	v12 =	vld [tilespmem:s31+$0xFFFFFFD0]  }
0x714: {  	v13 =	vld [tilespmem:s31+$0xFFFFFFE0]  }
0x715: {  	v14 =	vld [tilespmem:s31+$0xFFFFFFF0]  }
0x716: {  	v15 =	vld [tilespmem:s31+$0xFFFFFF10]  }
0x717: {  	v0 =	vld.idx.msk [tilespmem:v0+s21+$0x0], $0xffff  }
0x718: {  	v1 =	vld.idx.msk [tilespmem:v1+s21+$0x0], $0xffff  }
0x719: {  	v2 =	vld.idx.msk [tilespmem:v2+s21+$0x0], $0xffff  }
0x71a: {  	v3 =	vld.idx.msk [tilespmem:v3+s21+$0x0], $0xffff  }
0x71b: {  	v4 =	vld.idx.msk [tilespmem:v4+s21+$0x0], $0xffff  }
0x71c: {  	s12 =	simm.s32 $0x1D780;
	v5 =	vld.idx.msk [tilespmem:v5+s21+$0x0], $0xffff  }
0x71d: {  	v6 =	vld.idx.msk [tilespmem:v6+s21+$0x0], $0xffff;
	[tilespmem:s12+$0x70] =	vst v0  }
0x71e: {  	v7 =	vld.idx.msk [tilespmem:v7+s21+$0x0], $0xffff;
	[tilespmem:s12+$0xFFFFFF90] =	vst v1  }
0x71f: {  	v15 =	vld.idx.msk [tilespmem:v15+s21+$0x0], $0xffff;
	[tilespmem:s12+$0xFFFFFFA0] =	vst v2  }
0x720: {  	v8 =	vld.idx.msk [tilespmem:v8+s21+$0x0], $0xffff;
	[tilespmem:s12+$0xFFFFFFB0] =	vst v3  }
0x721: {  	[tilespmem:s12+$0xFFFFFFC0] =	vst v4;
	v0 =	vld.idx.msk [tilespmem:v9+s21+$0x0], $0xffff  }
0x722: {  	[tilespmem:s12+$0xFFFFFFD0] =	vst v5;
	v1 =	vld.idx.msk [tilespmem:v10+s21+$0x0], $0xffff  }
0x723: {  	[tilespmem:s12+$0xFFFFFFE0] =	vst v6;
	v2 =	vld.idx.msk [tilespmem:v11+s21+$0x0], $0xffff  }
0x724: {  	[tilespmem:s12+$0xFFFFFFF0] =	vst v7;
	v3 =	vld.idx.msk [tilespmem:v12+s21+$0x0], $0xffff  }
0x725: {  	[tilespmem:s12+$0xFFFFFF80] =	vst v15;
	v4 =	vld.idx.msk [tilespmem:v13+s21+$0x0], $0xffff  }
0x726: {  	s11 =	sadd.s32 s11, s18;
	s16 =	simm.s32 $0x31F0;
	s15 =	simm.s32 $0x0;
	[tilespmem:s12+$0x0] =	vst v8;
	v5 =	vld.idx.msk [tilespmem:v14+s21+$0x0], $0xffff  }
.LBB2_49:
0x727: {  	v6 =	vld [tilespmem:s16+$0x0];
	s15 =	sadd.s32 $0x10, s15;
	[tilespmem:s12+$0x10] =	vst v0  }
0x728: {  	v0 =	vld [tilespmem:s16+$0xFFFFFF20];
	p0 =	slt.u32 s15, $0xF0;
	[tilespmem:s12+$0x20] =	vst v1  }
0x729: {  	v1 =	vld [tilespmem:s16+$0xFFFFFF30];
	[tilespmem:s12+$0x30] =	vst v2  }
0x72a: {  	v2 =	vld [tilespmem:s16+$0xFFFFFF40];
	[tilespmem:s12+$0x40] =	vst v3  }
0x72b: {  	v3 =	vld [tilespmem:s16+$0xFFFFFF50];
	[tilespmem:s12+$0x50] =	vst v4  }
0x72c: {  	v4 =	vld [tilespmem:s16+$0xFFFFFF60];
	[tilespmem:s12+$0x60] =	vst v5  }
0x72d: {  	v5 =	vld [tilespmem:s16+$0xFFFFFF70]  }
0x72e: {  	v7 =	vld [tilespmem:s16+$0xFFFFFF80]  }
0x72f: {  	v6 =	vld.idx.msk [tilespmem:v6+s21+$0x0], $0xffff  }
0x730: {  	v8 =	vld [tilespmem:s16+$0xFFFFFF90]  }
0x731: {  	v9 =	vld [tilespmem:s16+$0xFFFFFFA0]  }
0x732: {  	v10 =	vld [tilespmem:s16+$0xFFFFFFB0]  }
0x733: {  	v11 =	vld [tilespmem:s16+$0xFFFFFFC0]  }
0x734: {  	s12 =	sadd.s32 $0x100, s12;
	v12 =	vld [tilespmem:s16+$0xFFFFFFD0]  }
0x735: {  	v13 =	vld [tilespmem:s16+$0xFFFFFFE0];
	[tilespmem:s12+$0x70] =	vst v6  }
0x736: {  	v6 =	vld [tilespmem:s16+$0xFFFFFFF0]  }
0x737: {  	v14 =	vld [tilespmem:s16+$0xFFFFFF10]  }
0x738: {  	v0 =	vld.idx.msk [tilespmem:v0+s21+$0x0], $0xffff  }
0x739: {  	v1 =	vld.idx.msk [tilespmem:v1+s21+$0x0], $0xffff  }
0x73a: {  	v2 =	vld.idx.msk [tilespmem:v2+s21+$0x0], $0xffff  }
0x73b: {  	v3 =	vld.idx.msk [tilespmem:v3+s21+$0x0], $0xffff  }
0x73c: {  	v4 =	vld.idx.msk [tilespmem:v4+s21+$0x0], $0xffff  }
0x73d: {  	v5 =	vld.idx.msk [tilespmem:v5+s21+$0x0], $0xffff  }
0x73e: {  	[tilespmem:s12+$0xFFFFFF90] =	vst v0;
	v7 =	vld.idx.msk [tilespmem:v7+s21+$0x0], $0xffff  }
0x73f: {  	v14 =	vld.idx.msk [tilespmem:v14+s21+$0x0], $0xffff;
	[tilespmem:s12+$0xFFFFFFA0] =	vst v1  }
0x740: {  	[tilespmem:s12+$0xFFFFFFB0] =	vst v2;
	v8 =	vld.idx.msk [tilespmem:v8+s21+$0x0], $0xffff  }
0x741: {  	[tilespmem:s12+$0xFFFFFFC0] =	vst v3;
	v0 =	vld.idx.msk [tilespmem:v9+s21+$0x0], $0xffff  }
.Ltmp23:
0x742: {  	[tilespmem:s12+$0xFFFFFFD0] =	vst v4;
	v1 =	vld.idx.msk [tilespmem:v10+s21+$0x0], $0xffff;
	(pc) =	sbr.rel @p0 .LBB2_49-.Ltmp23, $4  }
0x743: {  	[tilespmem:s12+$0xFFFFFFE0] =	vst v5;
	v2 =	vld.idx.msk [tilespmem:v11+s21+$0x0], $0xffff  }
0x744: {  	[tilespmem:s12+$0xFFFFFFF0] =	vst v7;
	v3 =	vld.idx.msk [tilespmem:v12+s21+$0x0], $0xffff  }
0x745: {  	[tilespmem:s12+$0xFFFFFF80] =	vst v14;
	v4 =	vld.idx.msk [tilespmem:v13+s21+$0x0], $0xffff  }
0x746: {  	s16 =	sadd.s32 $0x100, s16;
	[tilespmem:s12+$0x0] =	vst v8;
	v5 =	vld.idx.msk [tilespmem:v6+s21+$0x0], $0xffff  }
0x747: {  	[tilespmem:s12+$0x10] =	vst v0  }
0x748: {  	[tilespmem:s12+$0x20] =	vst v1  }
0x749: {  	[tilespmem:s12+$0x30] =	vst v2  }
0x74a: {  	[tilespmem:s12+$0x40] =	vst v3  }
0x74b: {  	[tilespmem:s12+$0x50] =	vst v4  }
0x74c: {  	s16 =	simm.s32 $0x80;
	s15 =	sor.u32 s22, s1;
	[tilespmem:s12+$0x60] =	vst v5  }
0x74d: {  	[hbm4b:s11+s16] =	stream.strided.scatter [tilespmem:s28], [sflag:$0x2], $0x1000, s19, s16, $0x38;
	[tilespmem:$0x1E700] =	vst v63  }
0x74e: {  	s11 =	sshrl.u32 s15, $0x3  }
0x74f: {  	s11 =	sadd.s32 s3, s11  }
0x750: {  	[tilespmem:s21], [sflag:$0x3] =	stream.strided.gather [hbm4b:s11+s16], $0x18700, s19, s16, $0x38;
	[tilespmem:$0x1E700] =	vst v63  }
0x751: {  	_ =	swait.ge [sflag:s23], $0x18700  }
0x752: {  	[sflag:s23] =	ssyncset.done $0x0  }
0x753: {  	[sflag:s23] =	ssyncadd.s32 $0xFFFE7900  }
0x754: {  	_ =	swait.ge [sflag:s29], $0x1000  }
0x755: {  	[sflag:s29] =	ssyncset.done $0x0  }
0x756: {  	[sflag:s29] =	ssyncadd.s32 $0xFFFFF000  }
0x757: {  	v0 =	vld [tilespmem:s16+$0x70]  }
0x758: {  	v1 =	vld [tilespmem:s16+$0xFFFFFF90]  }
0x759: {  	v2 =	vld [tilespmem:s16+$0xFFFFFFA0]  }
0x75a: {  	v3 =	vld [tilespmem:s16+$0xFFFFFFB0]  }
0x75b: {  	v4 =	vld [tilespmem:s16+$0xFFFFFFC0]  }
0x75c: {  	v5 =	vld [tilespmem:s16+$0xFFFFFFD0]  }
0x75d: {  	v6 =	vld [tilespmem:s16+$0xFFFFFFE0]  }
0x75e: {  	v7 =	vld [tilespmem:s16+$0xFFFFFFF0]  }
0x75f: {  	v8 =	vld [tilespmem:s16+$0x0]  }
0x760: {  	v9 =	vld [tilespmem:s16+$0x10]  }
0x761: {  	v10 =	vld [tilespmem:s16+$0x20]  }
0x762: {  	v11 =	vld [tilespmem:s16+$0x30]  }
0x763: {  	v12 =	vld [tilespmem:s16+$0x40]  }
0x764: {  	v13 =	vld [tilespmem:s16+$0x50]  }
0x765: {  	v14 =	vld [tilespmem:s16+$0x60]  }
0x766: {  	v15 =	vld [tilespmem:s16+$0xFFFFFF80]  }
0x767: {  	v0 =	vld.idx.msk [tilespmem:v0+s21+$0x0], $0xffff  }
0x768: {  	v1 =	vld.idx.msk [tilespmem:v1+s21+$0x0], $0xffff  }
0x769: {  	v2 =	vld.idx.msk [tilespmem:v2+s21+$0x0], $0xffff  }
0x76a: {  	v3 =	vld.idx.msk [tilespmem:v3+s21+$0x0], $0xffff  }
0x76b: {  	v4 =	vld.idx.msk [tilespmem:v4+s21+$0x0], $0xffff  }
0x76c: {  	s12 =	simm.s32 $0x1C780;
	v5 =	vld.idx.msk [tilespmem:v5+s21+$0x0], $0xffff  }
0x76d: {  	v6 =	vld.idx.msk [tilespmem:v6+s21+$0x0], $0xffff;
	[tilespmem:s12+$0x70] =	vst v0  }
0x76e: {  	v7 =	vld.idx.msk [tilespmem:v7+s21+$0x0], $0xffff;
	[tilespmem:s12+$0xFFFFFF90] =	vst v1  }
0x76f: {  	v15 =	vld.idx.msk [tilespmem:v15+s21+$0x0], $0xffff;
	[tilespmem:s12+$0xFFFFFFA0] =	vst v2  }
0x770: {  	v8 =	vld.idx.msk [tilespmem:v8+s21+$0x0], $0xffff;
	[tilespmem:s12+$0xFFFFFFB0] =	vst v3  }
0x771: {  	[tilespmem:s12+$0xFFFFFFC0] =	vst v4;
	v0 =	vld.idx.msk [tilespmem:v9+s21+$0x0], $0xffff  }
0x772: {  	[tilespmem:s12+$0xFFFFFFD0] =	vst v5;
	v1 =	vld.idx.msk [tilespmem:v10+s21+$0x0], $0xffff  }
0x773: {  	[tilespmem:s12+$0xFFFFFFE0] =	vst v6;
	v2 =	vld.idx.msk [tilespmem:v11+s21+$0x0], $0xffff  }
0x774: {  	s16 =	sor.u32 s22, s10;
	[tilespmem:s12+$0xFFFFFFF0] =	vst v7;
	v3 =	vld.idx.msk [tilespmem:v12+s21+$0x0], $0xffff  }
0x775: {  	s11 =	sshrl.u32 s16, $0x3;
	[tilespmem:s12+$0xFFFFFF80] =	vst v15;
	v4 =	vld.idx.msk [tilespmem:v13+s21+$0x0], $0xffff  }
0x776: {  	s31 =	simm.s32 $0x180;
	s16 =	simm.s32 $0x0;
	s15 =	sadd.s32 s4, s11;
	[tilespmem:s12+$0x0] =	vst v8;
	v5 =	vld.idx.msk [tilespmem:v14+s21+$0x0], $0xffff  }
.LBB2_51:
0x777: {  	v6 =	vld [tilespmem:s31+$0x70];
	s16 =	sadd.s32 $0x10, s16;
	[tilespmem:s12+$0x10] =	vst v0  }
0x778: {  	v0 =	vld [tilespmem:s31+$0xFFFFFF90];
	p0 =	slt.u32 s16, $0xF0;
	[tilespmem:s12+$0x20] =	vst v1  }
0x779: {  	v1 =	vld [tilespmem:s31+$0xFFFFFFA0];
	[tilespmem:s12+$0x30] =	vst v2  }
0x77a: {  	v2 =	vld [tilespmem:s31+$0xFFFFFFB0];
	[tilespmem:s12+$0x40] =	vst v3  }
0x77b: {  	v3 =	vld [tilespmem:s31+$0xFFFFFFC0];
	[tilespmem:s12+$0x50] =	vst v4  }
0x77c: {  	v4 =	vld [tilespmem:s31+$0xFFFFFFD0];
	[tilespmem:s12+$0x60] =	vst v5  }
0x77d: {  	v5 =	vld [tilespmem:s31+$0xFFFFFFE0]  }
0x77e: {  	v7 =	vld [tilespmem:s31+$0xFFFFFFF0]  }
0x77f: {  	v6 =	vld.idx.msk [tilespmem:v6+s21+$0x0], $0xffff  }
0x780: {  	v8 =	vld [tilespmem:s31+$0x0]  }
0x781: {  	v9 =	vld [tilespmem:s31+$0x10]  }
0x782: {  	v10 =	vld [tilespmem:s31+$0x20]  }
0x783: {  	v11 =	vld [tilespmem:s31+$0x30]  }
0x784: {  	s12 =	sadd.s32 $0x100, s12;
	v12 =	vld [tilespmem:s31+$0x40]  }
0x785: {  	v13 =	vld [tilespmem:s31+$0x50];
	[tilespmem:s12+$0x70] =	vst v6  }
0x786: {  	v6 =	vld [tilespmem:s31+$0x60]  }
0x787: {  	v14 =	vld [tilespmem:s31+$0xFFFFFF80]  }
0x788: {  	v0 =	vld.idx.msk [tilespmem:v0+s21+$0x0], $0xffff  }
0x789: {  	v1 =	vld.idx.msk [tilespmem:v1+s21+$0x0], $0xffff  }
0x78a: {  	v2 =	vld.idx.msk [tilespmem:v2+s21+$0x0], $0xffff  }
0x78b: {  	v3 =	vld.idx.msk [tilespmem:v3+s21+$0x0], $0xffff  }
0x78c: {  	v4 =	vld.idx.msk [tilespmem:v4+s21+$0x0], $0xffff  }
0x78d: {  	v5 =	vld.idx.msk [tilespmem:v5+s21+$0x0], $0xffff  }
0x78e: {  	[tilespmem:s12+$0xFFFFFF90] =	vst v0;
	v7 =	vld.idx.msk [tilespmem:v7+s21+$0x0], $0xffff  }
0x78f: {  	v14 =	vld.idx.msk [tilespmem:v14+s21+$0x0], $0xffff;
	[tilespmem:s12+$0xFFFFFFA0] =	vst v1  }
0x790: {  	[tilespmem:s12+$0xFFFFFFB0] =	vst v2;
	v8 =	vld.idx.msk [tilespmem:v8+s21+$0x0], $0xffff  }
0x791: {  	[tilespmem:s12+$0xFFFFFFC0] =	vst v3;
	v0 =	vld.idx.msk [tilespmem:v9+s21+$0x0], $0xffff  }
.Ltmp24:
0x792: {  	[tilespmem:s12+$0xFFFFFFD0] =	vst v4;
	v1 =	vld.idx.msk [tilespmem:v10+s21+$0x0], $0xffff;
	(pc) =	sbr.rel @p0 .LBB2_51-.Ltmp24, $4  }
0x793: {  	[tilespmem:s12+$0xFFFFFFE0] =	vst v5;
	v2 =	vld.idx.msk [tilespmem:v11+s21+$0x0], $0xffff  }
0x794: {  	[tilespmem:s12+$0xFFFFFFF0] =	vst v7;
	v3 =	vld.idx.msk [tilespmem:v12+s21+$0x0], $0xffff  }
0x795: {  	[tilespmem:s12+$0xFFFFFF80] =	vst v14;
	v4 =	vld.idx.msk [tilespmem:v13+s21+$0x0], $0xffff  }
0x796: {  	s31 =	sadd.s32 $0x100, s31;
	[tilespmem:s12+$0x0] =	vst v8;
	v5 =	vld.idx.msk [tilespmem:v6+s21+$0x0], $0xffff  }
0x797: {  	[tilespmem:s12+$0x10] =	vst v0  }
0x798: {  	[tilespmem:s12+$0x20] =	vst v1  }
0x799: {  	[tilespmem:s12+$0x30] =	vst v2  }
0x79a: {  	[tilespmem:s12+$0x40] =	vst v3  }
0x79b: {  	[tilespmem:s12+$0x50] =	vst v4  }
0x79c: {  	[tilespmem:s12+$0x60] =	vst v5  }
0x79d: {  	[hbm4b:s15+s24] =	stream.strided.scatter [tilespmem:s25], [sflag:$0x1], $0x1000, s19, s24, $0x38;
	[tilespmem:$0x1E700] =	vst v63  }
0x79e: {  	_ =	swait.ge [sflag:s30], $0x1000  }
0x79f: {  	[sflag:s30] =	ssyncset.done $0x0  }
0x7a0: {  	s16 =	simm.s32 $0x10F0;
	[sflag:s30] =	ssyncadd.s32 $0xFFFFF000  }
0x7a1: {  	v0 =	vld [tilespmem:s16+$0x0]  }
0x7a2: {  	v1 =	vld [tilespmem:s16+$0xFFFFFF20]  }
0x7a3: {  	v2 =	vld [tilespmem:s16+$0xFFFFFF30]  }
0x7a4: {  	v3 =	vld [tilespmem:s16+$0xFFFFFF40]  }
0x7a5: {  	v4 =	vld [tilespmem:s16+$0xFFFFFF50]  }
0x7a6: {  	v5 =	vld [tilespmem:s16+$0xFFFFFF60]  }
0x7a7: {  	v6 =	vld [tilespmem:s16+$0xFFFFFF70]  }
0x7a8: {  	v7 =	vld [tilespmem:s16+$0xFFFFFF80]  }
0x7a9: {  	v8 =	vld [tilespmem:s16+$0xFFFFFF90]  }
0x7aa: {  	v9 =	vld [tilespmem:s16+$0xFFFFFFA0]  }
0x7ab: {  	v10 =	vld [tilespmem:s16+$0xFFFFFFB0]  }
0x7ac: {  	v11 =	vld [tilespmem:s16+$0xFFFFFFC0]  }
0x7ad: {  	v12 =	vld [tilespmem:s16+$0xFFFFFFD0]  }
0x7ae: {  	v13 =	vld [tilespmem:s16+$0xFFFFFFE0]  }
0x7af: {  	v14 =	vld [tilespmem:s16+$0xFFFFFFF0]  }
0x7b0: {  	v15 =	vld [tilespmem:s16+$0xFFFFFF10]  }
0x7b1: {  	v0 =	vld.idx.msk [tilespmem:v0+s21+$0x0], $0xffff  }
0x7b2: {  	v1 =	vld.idx.msk [tilespmem:v1+s21+$0x0], $0xffff  }
0x7b3: {  	v2 =	vld.idx.msk [tilespmem:v2+s21+$0x0], $0xffff  }
0x7b4: {  	v3 =	vld.idx.msk [tilespmem:v3+s21+$0x0], $0xffff  }
0x7b5: {  	v4 =	vld.idx.msk [tilespmem:v4+s21+$0x0], $0xffff  }
0x7b6: {  	s12 =	simm.s32 $0x1D780;
	v5 =	vld.idx.msk [tilespmem:v5+s21+$0x0], $0xffff  }
0x7b7: {  	v6 =	vld.idx.msk [tilespmem:v6+s21+$0x0], $0xffff;
	[tilespmem:s12+$0x70] =	vst v0  }
0x7b8: {  	v7 =	vld.idx.msk [tilespmem:v7+s21+$0x0], $0xffff;
	[tilespmem:s12+$0xFFFFFF90] =	vst v1  }
0x7b9: {  	v15 =	vld.idx.msk [tilespmem:v15+s21+$0x0], $0xffff;
	[tilespmem:s12+$0xFFFFFFA0] =	vst v2  }
0x7ba: {  	v8 =	vld.idx.msk [tilespmem:v8+s21+$0x0], $0xffff;
	[tilespmem:s12+$0xFFFFFFB0] =	vst v3  }
0x7bb: {  	[tilespmem:s12+$0xFFFFFFC0] =	vst v4;
	v0 =	vld.idx.msk [tilespmem:v9+s21+$0x0], $0xffff  }
0x7bc: {  	[tilespmem:s12+$0xFFFFFFD0] =	vst v5;
	v1 =	vld.idx.msk [tilespmem:v10+s21+$0x0], $0xffff  }
0x7bd: {  	[tilespmem:s12+$0xFFFFFFE0] =	vst v6;
	v2 =	vld.idx.msk [tilespmem:v11+s21+$0x0], $0xffff  }
0x7be: {  	[tilespmem:s12+$0xFFFFFFF0] =	vst v7;
	v3 =	vld.idx.msk [tilespmem:v12+s21+$0x0], $0xffff  }
0x7bf: {  	[tilespmem:s12+$0xFFFFFF80] =	vst v15;
	v4 =	vld.idx.msk [tilespmem:v13+s21+$0x0], $0xffff  }
0x7c0: {  	s31 =	simm.s32 $0x11F0;
	s15 =	sadd.s32 s11, s13;
	s16 =	simm.s32 $0x0;
	[tilespmem:s12+$0x0] =	vst v8;
	v5 =	vld.idx.msk [tilespmem:v14+s21+$0x0], $0xffff  }
.LBB2_53:
0x7c1: {  	v6 =	vld [tilespmem:s31+$0x0];
	s16 =	sadd.s32 $0x10, s16;
	[tilespmem:s12+$0x10] =	vst v0  }
0x7c2: {  	v0 =	vld [tilespmem:s31+$0xFFFFFF20];
	p0 =	slt.u32 s16, $0xF0;
	[tilespmem:s12+$0x20] =	vst v1  }
0x7c3: {  	v1 =	vld [tilespmem:s31+$0xFFFFFF30];
	[tilespmem:s12+$0x30] =	vst v2  }
0x7c4: {  	v2 =	vld [tilespmem:s31+$0xFFFFFF40];
	[tilespmem:s12+$0x40] =	vst v3  }
0x7c5: {  	v3 =	vld [tilespmem:s31+$0xFFFFFF50];
	[tilespmem:s12+$0x50] =	vst v4  }
0x7c6: {  	v4 =	vld [tilespmem:s31+$0xFFFFFF60];
	[tilespmem:s12+$0x60] =	vst v5  }
0x7c7: {  	v5 =	vld [tilespmem:s31+$0xFFFFFF70]  }
0x7c8: {  	v7 =	vld [tilespmem:s31+$0xFFFFFF80]  }
0x7c9: {  	v6 =	vld.idx.msk [tilespmem:v6+s21+$0x0], $0xffff  }
0x7ca: {  	v8 =	vld [tilespmem:s31+$0xFFFFFF90]  }
0x7cb: {  	v9 =	vld [tilespmem:s31+$0xFFFFFFA0]  }
0x7cc: {  	v10 =	vld [tilespmem:s31+$0xFFFFFFB0]  }
0x7cd: {  	v11 =	vld [tilespmem:s31+$0xFFFFFFC0]  }
0x7ce: {  	s12 =	sadd.s32 $0x100, s12;
	v12 =	vld [tilespmem:s31+$0xFFFFFFD0]  }
0x7cf: {  	v13 =	vld [tilespmem:s31+$0xFFFFFFE0];
	[tilespmem:s12+$0x70] =	vst v6  }
0x7d0: {  	v6 =	vld [tilespmem:s31+$0xFFFFFFF0]  }
0x7d1: {  	v14 =	vld [tilespmem:s31+$0xFFFFFF10]  }
0x7d2: {  	v0 =	vld.idx.msk [tilespmem:v0+s21+$0x0], $0xffff  }
0x7d3: {  	v1 =	vld.idx.msk [tilespmem:v1+s21+$0x0], $0xffff  }
0x7d4: {  	v2 =	vld.idx.msk [tilespmem:v2+s21+$0x0], $0xffff  }
0x7d5: {  	v3 =	vld.idx.msk [tilespmem:v3+s21+$0x0], $0xffff  }
0x7d6: {  	v4 =	vld.idx.msk [tilespmem:v4+s21+$0x0], $0xffff  }
0x7d7: {  	v5 =	vld.idx.msk [tilespmem:v5+s21+$0x0], $0xffff  }
0x7d8: {  	[tilespmem:s12+$0xFFFFFF90] =	vst v0;
	v7 =	vld.idx.msk [tilespmem:v7+s21+$0x0], $0xffff  }
0x7d9: {  	v14 =	vld.idx.msk [tilespmem:v14+s21+$0x0], $0xffff;
	[tilespmem:s12+$0xFFFFFFA0] =	vst v1  }
0x7da: {  	[tilespmem:s12+$0xFFFFFFB0] =	vst v2;
	v8 =	vld.idx.msk [tilespmem:v8+s21+$0x0], $0xffff  }
0x7db: {  	[tilespmem:s12+$0xFFFFFFC0] =	vst v3;
	v0 =	vld.idx.msk [tilespmem:v9+s21+$0x0], $0xffff  }
.Ltmp25:
0x7dc: {  	[tilespmem:s12+$0xFFFFFFD0] =	vst v4;
	v1 =	vld.idx.msk [tilespmem:v10+s21+$0x0], $0xffff;
	(pc) =	sbr.rel @p0 .LBB2_53-.Ltmp25, $4  }
0x7dd: {  	[tilespmem:s12+$0xFFFFFFE0] =	vst v5;
	v2 =	vld.idx.msk [tilespmem:v11+s21+$0x0], $0xffff  }
0x7de: {  	[tilespmem:s12+$0xFFFFFFF0] =	vst v7;
	v3 =	vld.idx.msk [tilespmem:v12+s21+$0x0], $0xffff  }
0x7df: {  	[tilespmem:s12+$0xFFFFFF80] =	vst v14;
	v4 =	vld.idx.msk [tilespmem:v13+s21+$0x0], $0xffff  }
0x7e0: {  	s31 =	sadd.s32 $0x100, s31;
	[tilespmem:s12+$0x0] =	vst v8;
	v5 =	vld.idx.msk [tilespmem:v6+s21+$0x0], $0xffff  }
0x7e1: {  	[tilespmem:s12+$0x10] =	vst v0  }
0x7e2: {  	[tilespmem:s12+$0x20] =	vst v1  }
0x7e3: {  	[tilespmem:s12+$0x30] =	vst v2  }
0x7e4: {  	[tilespmem:s12+$0x40] =	vst v3  }
0x7e5: {  	[tilespmem:s12+$0x50] =	vst v4  }
0x7e6: {  	[tilespmem:s12+$0x60] =	vst v5  }
0x7e7: {  	[hbm4b:s15+s24] =	stream.strided.scatter [tilespmem:s28], [sflag:$0x2], $0x1000, s19, s24, $0x38;
	[tilespmem:$0x1E700] =	vst v63  }
0x7e8: {  	_ =	swait.ge [sflag:s29], $0x1000  }
0x7e9: {  	[sflag:s29] =	ssyncset.done $0x0  }
0x7ea: {  	s16 =	simm.s32 $0x20F0;
	[sflag:s29] =	ssyncadd.s32 $0xFFFFF000  }
0x7eb: {  	v0 =	vld [tilespmem:s16+$0x0]  }
0x7ec: {  	v1 =	vld [tilespmem:s16+$0xFFFFFF20]  }
0x7ed: {  	v2 =	vld [tilespmem:s16+$0xFFFFFF30]  }
0x7ee: {  	v3 =	vld [tilespmem:s16+$0xFFFFFF40]  }
0x7ef: {  	v4 =	vld [tilespmem:s16+$0xFFFFFF50]  }
0x7f0: {  	v5 =	vld [tilespmem:s16+$0xFFFFFF60]  }
0x7f1: {  	v6 =	vld [tilespmem:s16+$0xFFFFFF70]  }
0x7f2: {  	v7 =	vld [tilespmem:s16+$0xFFFFFF80]  }
0x7f3: {  	v8 =	vld [tilespmem:s16+$0xFFFFFF90]  }
0x7f4: {  	v9 =	vld [tilespmem:s16+$0xFFFFFFA0]  }
0x7f5: {  	v10 =	vld [tilespmem:s16+$0xFFFFFFB0]  }
0x7f6: {  	v11 =	vld [tilespmem:s16+$0xFFFFFFC0]  }
0x7f7: {  	v12 =	vld [tilespmem:s16+$0xFFFFFFD0]  }
0x7f8: {  	v13 =	vld [tilespmem:s16+$0xFFFFFFE0]  }
0x7f9: {  	v14 =	vld [tilespmem:s16+$0xFFFFFFF0]  }
0x7fa: {  	v15 =	vld [tilespmem:s16+$0xFFFFFF10]  }
0x7fb: {  	v0 =	vld.idx.msk [tilespmem:v0+s21+$0x0], $0xffff  }
0x7fc: {  	v1 =	vld.idx.msk [tilespmem:v1+s21+$0x0], $0xffff  }
0x7fd: {  	v2 =	vld.idx.msk [tilespmem:v2+s21+$0x0], $0xffff  }
0x7fe: {  	v3 =	vld.idx.msk [tilespmem:v3+s21+$0x0], $0xffff  }
0x7ff: {  	v4 =	vld.idx.msk [tilespmem:v4+s21+$0x0], $0xffff  }
0x800: {  	s12 =	simm.s32 $0x1C780;
	v5 =	vld.idx.msk [tilespmem:v5+s21+$0x0], $0xffff  }
0x801: {  	v6 =	vld.idx.msk [tilespmem:v6+s21+$0x0], $0xffff;
	[tilespmem:s12+$0x70] =	vst v0  }
0x802: {  	v7 =	vld.idx.msk [tilespmem:v7+s21+$0x0], $0xffff;
	[tilespmem:s12+$0xFFFFFF90] =	vst v1  }
0x803: {  	v15 =	vld.idx.msk [tilespmem:v15+s21+$0x0], $0xffff;
	[tilespmem:s12+$0xFFFFFFA0] =	vst v2  }
0x804: {  	v8 =	vld.idx.msk [tilespmem:v8+s21+$0x0], $0xffff;
	[tilespmem:s12+$0xFFFFFFB0] =	vst v3  }
0x805: {  	[tilespmem:s12+$0xFFFFFFC0] =	vst v4;
	v0 =	vld.idx.msk [tilespmem:v9+s21+$0x0], $0xffff  }
0x806: {  	[tilespmem:s12+$0xFFFFFFD0] =	vst v5;
	v1 =	vld.idx.msk [tilespmem:v10+s21+$0x0], $0xffff  }
0x807: {  	[tilespmem:s12+$0xFFFFFFE0] =	vst v6;
	v2 =	vld.idx.msk [tilespmem:v11+s21+$0x0], $0xffff  }
0x808: {  	[tilespmem:s12+$0xFFFFFFF0] =	vst v7;
	v3 =	vld.idx.msk [tilespmem:v12+s21+$0x0], $0xffff  }
0x809: {  	[tilespmem:s12+$0xFFFFFF80] =	vst v15;
	v4 =	vld.idx.msk [tilespmem:v13+s21+$0x0], $0xffff  }
0x80a: {  	s31 =	simm.s32 $0x21F0;
	s15 =	sadd.s32 s11, s14;
	s16 =	simm.s32 $0x0;
	[tilespmem:s12+$0x0] =	vst v8;
	v5 =	vld.idx.msk [tilespmem:v14+s21+$0x0], $0xffff  }
.LBB2_55:
0x80b: {  	v6 =	vld [tilespmem:s31+$0x0];
	s16 =	sadd.s32 $0x10, s16;
	[tilespmem:s12+$0x10] =	vst v0  }
0x80c: {  	v0 =	vld [tilespmem:s31+$0xFFFFFF20];
	p0 =	slt.u32 s16, $0xF0;
	[tilespmem:s12+$0x20] =	vst v1  }
0x80d: {  	v1 =	vld [tilespmem:s31+$0xFFFFFF30];
	[tilespmem:s12+$0x30] =	vst v2  }
0x80e: {  	v2 =	vld [tilespmem:s31+$0xFFFFFF40];
	[tilespmem:s12+$0x40] =	vst v3  }
0x80f: {  	v3 =	vld [tilespmem:s31+$0xFFFFFF50];
	[tilespmem:s12+$0x50] =	vst v4  }
0x810: {  	v4 =	vld [tilespmem:s31+$0xFFFFFF60];
	[tilespmem:s12+$0x60] =	vst v5  }
0x811: {  	v5 =	vld [tilespmem:s31+$0xFFFFFF70]  }
0x812: {  	v7 =	vld [tilespmem:s31+$0xFFFFFF80]  }
0x813: {  	v6 =	vld.idx.msk [tilespmem:v6+s21+$0x0], $0xffff  }
0x814: {  	v8 =	vld [tilespmem:s31+$0xFFFFFF90]  }
0x815: {  	v9 =	vld [tilespmem:s31+$0xFFFFFFA0]  }
0x816: {  	v10 =	vld [tilespmem:s31+$0xFFFFFFB0]  }
0x817: {  	v11 =	vld [tilespmem:s31+$0xFFFFFFC0]  }
0x818: {  	s12 =	sadd.s32 $0x100, s12;
	v12 =	vld [tilespmem:s31+$0xFFFFFFD0]  }
0x819: {  	v13 =	vld [tilespmem:s31+$0xFFFFFFE0];
	[tilespmem:s12+$0x70] =	vst v6  }
0x81a: {  	v6 =	vld [tilespmem:s31+$0xFFFFFFF0]  }
0x81b: {  	v14 =	vld [tilespmem:s31+$0xFFFFFF10]  }
0x81c: {  	v0 =	vld.idx.msk [tilespmem:v0+s21+$0x0], $0xffff  }
0x81d: {  	v1 =	vld.idx.msk [tilespmem:v1+s21+$0x0], $0xffff  }
0x81e: {  	v2 =	vld.idx.msk [tilespmem:v2+s21+$0x0], $0xffff  }
0x81f: {  	v3 =	vld.idx.msk [tilespmem:v3+s21+$0x0], $0xffff  }
0x820: {  	v4 =	vld.idx.msk [tilespmem:v4+s21+$0x0], $0xffff  }
0x821: {  	v5 =	vld.idx.msk [tilespmem:v5+s21+$0x0], $0xffff  }
0x822: {  	[tilespmem:s12+$0xFFFFFF90] =	vst v0;
	v7 =	vld.idx.msk [tilespmem:v7+s21+$0x0], $0xffff  }
0x823: {  	v14 =	vld.idx.msk [tilespmem:v14+s21+$0x0], $0xffff;
	[tilespmem:s12+$0xFFFFFFA0] =	vst v1  }
0x824: {  	[tilespmem:s12+$0xFFFFFFB0] =	vst v2;
	v8 =	vld.idx.msk [tilespmem:v8+s21+$0x0], $0xffff  }
0x825: {  	[tilespmem:s12+$0xFFFFFFC0] =	vst v3;
	v0 =	vld.idx.msk [tilespmem:v9+s21+$0x0], $0xffff  }
.Ltmp26:
0x826: {  	[tilespmem:s12+$0xFFFFFFD0] =	vst v4;
	v1 =	vld.idx.msk [tilespmem:v10+s21+$0x0], $0xffff;
	(pc) =	sbr.rel @p0 .LBB2_55-.Ltmp26, $4  }
0x827: {  	[tilespmem:s12+$0xFFFFFFE0] =	vst v5;
	v2 =	vld.idx.msk [tilespmem:v11+s21+$0x0], $0xffff  }
0x828: {  	[tilespmem:s12+$0xFFFFFFF0] =	vst v7;
	v3 =	vld.idx.msk [tilespmem:v12+s21+$0x0], $0xffff  }
0x829: {  	[tilespmem:s12+$0xFFFFFF80] =	vst v14;
	v4 =	vld.idx.msk [tilespmem:v13+s21+$0x0], $0xffff  }
0x82a: {  	s31 =	sadd.s32 $0x100, s31;
	[tilespmem:s12+$0x0] =	vst v8;
	v5 =	vld.idx.msk [tilespmem:v6+s21+$0x0], $0xffff  }
0x82b: {  	[tilespmem:s12+$0x10] =	vst v0  }
0x82c: {  	[tilespmem:s12+$0x20] =	vst v1  }
0x82d: {  	[tilespmem:s12+$0x30] =	vst v2  }
0x82e: {  	[tilespmem:s12+$0x40] =	vst v3  }
0x82f: {  	[tilespmem:s12+$0x50] =	vst v4  }
0x830: {  	[tilespmem:s12+$0x60] =	vst v5  }
0x831: {  	[hbm4b:s15+s24] =	stream.strided.scatter [tilespmem:s25], [sflag:$0x1], $0x1000, s19, s24, $0x38;
	[tilespmem:$0x1E700] =	vst v63  }
0x832: {  	_ =	swait.ge [sflag:s30], $0x1000  }
0x833: {  	[sflag:s30] =	ssyncset.done $0x0  }
0x834: {  	s31 =	simm.s32 $0x30F0;
	[sflag:s30] =	ssyncadd.s32 $0xFFFFF000  }
0x835: {  	v0 =	vld [tilespmem:s31+$0x0]  }
0x836: {  	v1 =	vld [tilespmem:s31+$0xFFFFFF20]  }
0x837: {  	v2 =	vld [tilespmem:s31+$0xFFFFFF30]  }
0x838: {  	v3 =	vld [tilespmem:s31+$0xFFFFFF40]  }
0x839: {  	v4 =	vld [tilespmem:s31+$0xFFFFFF50]  }
0x83a: {  	v5 =	vld [tilespmem:s31+$0xFFFFFF60]  }
0x83b: {  	v6 =	vld [tilespmem:s31+$0xFFFFFF70]  }
0x83c: {  	v7 =	vld [tilespmem:s31+$0xFFFFFF80]  }
0x83d: {  	v8 =	vld [tilespmem:s31+$0xFFFFFF90]  }
0x83e: {  	v9 =	vld [tilespmem:s31+$0xFFFFFFA0]  }
0x83f: {  	v10 =	vld [tilespmem:s31+$0xFFFFFFB0]  }
0x840: {  	v11 =	vld [tilespmem:s31+$0xFFFFFFC0]  }
0x841: {  	v12 =	vld [tilespmem:s31+$0xFFFFFFD0]  }
0x842: {  	v13 =	vld [tilespmem:s31+$0xFFFFFFE0]  }
0x843: {  	v14 =	vld [tilespmem:s31+$0xFFFFFFF0]  }
0x844: {  	v15 =	vld [tilespmem:s31+$0xFFFFFF10]  }
0x845: {  	v0 =	vld.idx.msk [tilespmem:v0+s21+$0x0], $0xffff  }
0x846: {  	v1 =	vld.idx.msk [tilespmem:v1+s21+$0x0], $0xffff  }
0x847: {  	v2 =	vld.idx.msk [tilespmem:v2+s21+$0x0], $0xffff  }
0x848: {  	v3 =	vld.idx.msk [tilespmem:v3+s21+$0x0], $0xffff  }
0x849: {  	v4 =	vld.idx.msk [tilespmem:v4+s21+$0x0], $0xffff  }
0x84a: {  	s12 =	simm.s32 $0x1D780;
	v5 =	vld.idx.msk [tilespmem:v5+s21+$0x0], $0xffff  }
0x84b: {  	v6 =	vld.idx.msk [tilespmem:v6+s21+$0x0], $0xffff;
	[tilespmem:s12+$0x70] =	vst v0  }
0x84c: {  	v7 =	vld.idx.msk [tilespmem:v7+s21+$0x0], $0xffff;
	[tilespmem:s12+$0xFFFFFF90] =	vst v1  }
0x84d: {  	v15 =	vld.idx.msk [tilespmem:v15+s21+$0x0], $0xffff;
	[tilespmem:s12+$0xFFFFFFA0] =	vst v2  }
0x84e: {  	v8 =	vld.idx.msk [tilespmem:v8+s21+$0x0], $0xffff;
	[tilespmem:s12+$0xFFFFFFB0] =	vst v3  }
0x84f: {  	[tilespmem:s12+$0xFFFFFFC0] =	vst v4;
	v0 =	vld.idx.msk [tilespmem:v9+s21+$0x0], $0xffff  }
0x850: {  	[tilespmem:s12+$0xFFFFFFD0] =	vst v5;
	v1 =	vld.idx.msk [tilespmem:v10+s21+$0x0], $0xffff  }
0x851: {  	[tilespmem:s12+$0xFFFFFFE0] =	vst v6;
	v2 =	vld.idx.msk [tilespmem:v11+s21+$0x0], $0xffff  }
0x852: {  	[tilespmem:s12+$0xFFFFFFF0] =	vst v7;
	v3 =	vld.idx.msk [tilespmem:v12+s21+$0x0], $0xffff  }
0x853: {  	[tilespmem:s12+$0xFFFFFF80] =	vst v15;
	v4 =	vld.idx.msk [tilespmem:v13+s21+$0x0], $0xffff  }
0x854: {  	s11 =	sadd.s32 s11, s18;
	s16 =	simm.s32 $0x31F0;
	s15 =	simm.s32 $0x0;
	[tilespmem:s12+$0x0] =	vst v8;
	v5 =	vld.idx.msk [tilespmem:v14+s21+$0x0], $0xffff  }
.LBB2_57:
0x855: {  	v6 =	vld [tilespmem:s16+$0x0];
	s15 =	sadd.s32 $0x10, s15;
	[tilespmem:s12+$0x10] =	vst v0  }
0x856: {  	v0 =	vld [tilespmem:s16+$0xFFFFFF20];
	p0 =	slt.u32 s15, $0xF0;
	[tilespmem:s12+$0x20] =	vst v1  }
0x857: {  	v1 =	vld [tilespmem:s16+$0xFFFFFF30];
	[tilespmem:s12+$0x30] =	vst v2  }
0x858: {  	v2 =	vld [tilespmem:s16+$0xFFFFFF40];
	[tilespmem:s12+$0x40] =	vst v3  }
0x859: {  	v3 =	vld [tilespmem:s16+$0xFFFFFF50];
	[tilespmem:s12+$0x50] =	vst v4  }
0x85a: {  	v4 =	vld [tilespmem:s16+$0xFFFFFF60];
	[tilespmem:s12+$0x60] =	vst v5  }
0x85b: {  	v5 =	vld [tilespmem:s16+$0xFFFFFF70]  }
0x85c: {  	v7 =	vld [tilespmem:s16+$0xFFFFFF80]  }
0x85d: {  	v6 =	vld.idx.msk [tilespmem:v6+s21+$0x0], $0xffff  }
0x85e: {  	v8 =	vld [tilespmem:s16+$0xFFFFFF90]  }
0x85f: {  	v9 =	vld [tilespmem:s16+$0xFFFFFFA0]  }
0x860: {  	v10 =	vld [tilespmem:s16+$0xFFFFFFB0]  }
0x861: {  	v11 =	vld [tilespmem:s16+$0xFFFFFFC0]  }
0x862: {  	s12 =	sadd.s32 $0x100, s12;
	v12 =	vld [tilespmem:s16+$0xFFFFFFD0]  }
0x863: {  	v13 =	vld [tilespmem:s16+$0xFFFFFFE0];
	[tilespmem:s12+$0x70] =	vst v6  }
0x864: {  	v6 =	vld [tilespmem:s16+$0xFFFFFFF0]  }
0x865: {  	v14 =	vld [tilespmem:s16+$0xFFFFFF10]  }
0x866: {  	v0 =	vld.idx.msk [tilespmem:v0+s21+$0x0], $0xffff  }
0x867: {  	v1 =	vld.idx.msk [tilespmem:v1+s21+$0x0], $0xffff  }
0x868: {  	v2 =	vld.idx.msk [tilespmem:v2+s21+$0x0], $0xffff  }
0x869: {  	v3 =	vld.idx.msk [tilespmem:v3+s21+$0x0], $0xffff  }
0x86a: {  	v4 =	vld.idx.msk [tilespmem:v4+s21+$0x0], $0xffff  }
0x86b: {  	v5 =	vld.idx.msk [tilespmem:v5+s21+$0x0], $0xffff  }
0x86c: {  	[tilespmem:s12+$0xFFFFFF90] =	vst v0;
	v7 =	vld.idx.msk [tilespmem:v7+s21+$0x0], $0xffff  }
0x86d: {  	v14 =	vld.idx.msk [tilespmem:v14+s21+$0x0], $0xffff;
	[tilespmem:s12+$0xFFFFFFA0] =	vst v1  }
0x86e: {  	[tilespmem:s12+$0xFFFFFFB0] =	vst v2;
	v8 =	vld.idx.msk [tilespmem:v8+s21+$0x0], $0xffff  }
0x86f: {  	[tilespmem:s12+$0xFFFFFFC0] =	vst v3;
	v0 =	vld.idx.msk [tilespmem:v9+s21+$0x0], $0xffff  }
.Ltmp27:
0x870: {  	[tilespmem:s12+$0xFFFFFFD0] =	vst v4;
	v1 =	vld.idx.msk [tilespmem:v10+s21+$0x0], $0xffff;
	(pc) =	sbr.rel @p0 .LBB2_57-.Ltmp27, $4  }
0x871: {  	[tilespmem:s12+$0xFFFFFFE0] =	vst v5;
	v2 =	vld.idx.msk [tilespmem:v11+s21+$0x0], $0xffff  }
0x872: {  	[tilespmem:s12+$0xFFFFFFF0] =	vst v7;
	v3 =	vld.idx.msk [tilespmem:v12+s21+$0x0], $0xffff  }
0x873: {  	[tilespmem:s12+$0xFFFFFF80] =	vst v14;
	v4 =	vld.idx.msk [tilespmem:v13+s21+$0x0], $0xffff  }
0x874: {  	s16 =	sadd.s32 $0x100, s16;
	[tilespmem:s12+$0x0] =	vst v8;
	v5 =	vld.idx.msk [tilespmem:v6+s21+$0x0], $0xffff  }
0x875: {  	[tilespmem:s12+$0x10] =	vst v0  }
0x876: {  	[tilespmem:s12+$0x20] =	vst v1  }
0x877: {  	[tilespmem:s12+$0x30] =	vst v2  }
0x878: {  	[tilespmem:s12+$0x40] =	vst v3  }
0x879: {  	s1 =	sor.u32 s26, s1;
	[tilespmem:s12+$0x50] =	vst v4  }
0x87a: {  	s16 =	simm.s32 $0x80;
	s1 =	sshrl.u32 s1, $0x3;
	[tilespmem:s12+$0x60] =	vst v5  }
0x87b: {  	[hbm4b:s11+s16] =	stream.strided.scatter [tilespmem:s28], [sflag:$0x2], $0x1000, s19, s16, $0x38;
	[tilespmem:$0x1E700] =	vst v63  }
0x87c: {  	s1 =	sadd.s32 s3, s1  }
0x87d: {  	[tilespmem:s21], [sflag:$0x3] =	stream.strided.gather [hbm4b:s1+s16], $0x18700, s19, s16, $0x38;
	[tilespmem:$0x1E700] =	vst v63  }
0x87e: {  	_ =	swait.ge [sflag:s23], $0x18700  }
0x87f: {  	[sflag:s23] =	ssyncset.done $0x0  }
0x880: {  	[sflag:s23] =	ssyncadd.s32 $0xFFFE7900  }
0x881: {  	_ =	swait.ge [sflag:s29], $0x1000  }
0x882: {  	[sflag:s29] =	ssyncset.done $0x0  }
0x883: {  	[sflag:s29] =	ssyncadd.s32 $0xFFFFF000  }
0x884: {  	v0 =	vld [tilespmem:s16+$0x70]  }
0x885: {  	v1 =	vld [tilespmem:s16+$0xFFFFFF90]  }
0x886: {  	v2 =	vld [tilespmem:s16+$0xFFFFFFA0]  }
0x887: {  	v3 =	vld [tilespmem:s16+$0xFFFFFFB0]  }
0x888: {  	v4 =	vld [tilespmem:s16+$0xFFFFFFC0]  }
0x889: {  	v5 =	vld [tilespmem:s16+$0xFFFFFFD0]  }
0x88a: {  	v6 =	vld [tilespmem:s16+$0xFFFFFFE0]  }
0x88b: {  	v7 =	vld [tilespmem:s16+$0xFFFFFFF0]  }
0x88c: {  	v8 =	vld [tilespmem:s16+$0x0]  }
0x88d: {  	v9 =	vld [tilespmem:s16+$0x10]  }
0x88e: {  	v10 =	vld [tilespmem:s16+$0x20]  }
0x88f: {  	v11 =	vld [tilespmem:s16+$0x30]  }
0x890: {  	v12 =	vld [tilespmem:s16+$0x40]  }
0x891: {  	v13 =	vld [tilespmem:s16+$0x50]  }
0x892: {  	v14 =	vld [tilespmem:s16+$0x60]  }
0x893: {  	v15 =	vld [tilespmem:s16+$0xFFFFFF80]  }
0x894: {  	v0 =	vld.idx.msk [tilespmem:v0+s21+$0x0], $0xffff  }
0x895: {  	v1 =	vld.idx.msk [tilespmem:v1+s21+$0x0], $0xffff  }
0x896: {  	v2 =	vld.idx.msk [tilespmem:v2+s21+$0x0], $0xffff  }
0x897: {  	v3 =	vld.idx.msk [tilespmem:v3+s21+$0x0], $0xffff  }
0x898: {  	v4 =	vld.idx.msk [tilespmem:v4+s21+$0x0], $0xffff  }
0x899: {  	s11 =	simm.s32 $0x1C780;
	v5 =	vld.idx.msk [tilespmem:v5+s21+$0x0], $0xffff  }
0x89a: {  	v6 =	vld.idx.msk [tilespmem:v6+s21+$0x0], $0xffff;
	[tilespmem:s11+$0x70] =	vst v0  }
0x89b: {  	v7 =	vld.idx.msk [tilespmem:v7+s21+$0x0], $0xffff;
	[tilespmem:s11+$0xFFFFFF90] =	vst v1  }
0x89c: {  	v15 =	vld.idx.msk [tilespmem:v15+s21+$0x0], $0xffff;
	[tilespmem:s11+$0xFFFFFFA0] =	vst v2  }
0x89d: {  	v8 =	vld.idx.msk [tilespmem:v8+s21+$0x0], $0xffff;
	[tilespmem:s11+$0xFFFFFFB0] =	vst v3  }
0x89e: {  	[tilespmem:s11+$0xFFFFFFC0] =	vst v4;
	v0 =	vld.idx.msk [tilespmem:v9+s21+$0x0], $0xffff  }
0x89f: {  	[tilespmem:s11+$0xFFFFFFD0] =	vst v5;
	v1 =	vld.idx.msk [tilespmem:v10+s21+$0x0], $0xffff  }
0x8a0: {  	[tilespmem:s11+$0xFFFFFFE0] =	vst v6;
	v2 =	vld.idx.msk [tilespmem:v11+s21+$0x0], $0xffff  }
0x8a1: {  	s31 =	sor.u32 s26, s10;
	[tilespmem:s11+$0xFFFFFFF0] =	vst v7;
	v3 =	vld.idx.msk [tilespmem:v12+s21+$0x0], $0xffff  }
0x8a2: {  	s1 =	sshrl.u32 s31, $0x3;
	[tilespmem:s11+$0xFFFFFF80] =	vst v15;
	v4 =	vld.idx.msk [tilespmem:v13+s21+$0x0], $0xffff  }
0x8a3: {  	s15 =	simm.s32 $0x180;
	s12 =	simm.s32 $0x0;
	s10 =	sadd.s32 s4, s1;
	[tilespmem:s11+$0x0] =	vst v8;
	v5 =	vld.idx.msk [tilespmem:v14+s21+$0x0], $0xffff  }
.LBB2_59:
0x8a4: {  	v6 =	vld [tilespmem:s15+$0x70];
	s12 =	sadd.s32 $0x10, s12;
	[tilespmem:s11+$0x10] =	vst v0  }
0x8a5: {  	v0 =	vld [tilespmem:s15+$0xFFFFFF90];
	p0 =	slt.u32 s12, $0xF0;
	[tilespmem:s11+$0x20] =	vst v1  }
0x8a6: {  	v1 =	vld [tilespmem:s15+$0xFFFFFFA0];
	[tilespmem:s11+$0x30] =	vst v2  }
0x8a7: {  	v2 =	vld [tilespmem:s15+$0xFFFFFFB0];
	[tilespmem:s11+$0x40] =	vst v3  }
0x8a8: {  	v3 =	vld [tilespmem:s15+$0xFFFFFFC0];
	[tilespmem:s11+$0x50] =	vst v4  }
0x8a9: {  	v4 =	vld [tilespmem:s15+$0xFFFFFFD0];
	[tilespmem:s11+$0x60] =	vst v5  }
0x8aa: {  	v5 =	vld [tilespmem:s15+$0xFFFFFFE0]  }
0x8ab: {  	v7 =	vld [tilespmem:s15+$0xFFFFFFF0]  }
0x8ac: {  	v6 =	vld.idx.msk [tilespmem:v6+s21+$0x0], $0xffff  }
0x8ad: {  	v8 =	vld [tilespmem:s15+$0x0]  }
0x8ae: {  	v9 =	vld [tilespmem:s15+$0x10]  }
0x8af: {  	v10 =	vld [tilespmem:s15+$0x20]  }
0x8b0: {  	v11 =	vld [tilespmem:s15+$0x30]  }
0x8b1: {  	s11 =	sadd.s32 $0x100, s11;
	v12 =	vld [tilespmem:s15+$0x40]  }
0x8b2: {  	v13 =	vld [tilespmem:s15+$0x50];
	[tilespmem:s11+$0x70] =	vst v6  }
0x8b3: {  	v6 =	vld [tilespmem:s15+$0x60]  }
0x8b4: {  	v14 =	vld [tilespmem:s15+$0xFFFFFF80]  }
0x8b5: {  	v0 =	vld.idx.msk [tilespmem:v0+s21+$0x0], $0xffff  }
0x8b6: {  	v1 =	vld.idx.msk [tilespmem:v1+s21+$0x0], $0xffff  }
0x8b7: {  	v2 =	vld.idx.msk [tilespmem:v2+s21+$0x0], $0xffff  }
0x8b8: {  	v3 =	vld.idx.msk [tilespmem:v3+s21+$0x0], $0xffff  }
0x8b9: {  	v4 =	vld.idx.msk [tilespmem:v4+s21+$0x0], $0xffff  }
0x8ba: {  	v5 =	vld.idx.msk [tilespmem:v5+s21+$0x0], $0xffff  }
0x8bb: {  	[tilespmem:s11+$0xFFFFFF90] =	vst v0;
	v7 =	vld.idx.msk [tilespmem:v7+s21+$0x0], $0xffff  }
0x8bc: {  	v14 =	vld.idx.msk [tilespmem:v14+s21+$0x0], $0xffff;
	[tilespmem:s11+$0xFFFFFFA0] =	vst v1  }
0x8bd: {  	[tilespmem:s11+$0xFFFFFFB0] =	vst v2;
	v8 =	vld.idx.msk [tilespmem:v8+s21+$0x0], $0xffff  }
0x8be: {  	[tilespmem:s11+$0xFFFFFFC0] =	vst v3;
	v0 =	vld.idx.msk [tilespmem:v9+s21+$0x0], $0xffff  }
.Ltmp28:
0x8bf: {  	[tilespmem:s11+$0xFFFFFFD0] =	vst v4;
	v1 =	vld.idx.msk [tilespmem:v10+s21+$0x0], $0xffff;
	(pc) =	sbr.rel @p0 .LBB2_59-.Ltmp28, $4  }
0x8c0: {  	[tilespmem:s11+$0xFFFFFFE0] =	vst v5;
	v2 =	vld.idx.msk [tilespmem:v11+s21+$0x0], $0xffff  }
0x8c1: {  	[tilespmem:s11+$0xFFFFFFF0] =	vst v7;
	v3 =	vld.idx.msk [tilespmem:v12+s21+$0x0], $0xffff  }
0x8c2: {  	[tilespmem:s11+$0xFFFFFF80] =	vst v14;
	v4 =	vld.idx.msk [tilespmem:v13+s21+$0x0], $0xffff  }
0x8c3: {  	s15 =	sadd.s32 $0x100, s15;
	[tilespmem:s11+$0x0] =	vst v8;
	v5 =	vld.idx.msk [tilespmem:v6+s21+$0x0], $0xffff  }
0x8c4: {  	[tilespmem:s11+$0x10] =	vst v0  }
0x8c5: {  	[tilespmem:s11+$0x20] =	vst v1  }
0x8c6: {  	[tilespmem:s11+$0x30] =	vst v2  }
0x8c7: {  	[tilespmem:s11+$0x40] =	vst v3  }
0x8c8: {  	[tilespmem:s11+$0x50] =	vst v4  }
0x8c9: {  	[tilespmem:s11+$0x60] =	vst v5  }
0x8ca: {  	[hbm4b:s10+s24] =	stream.strided.scatter [tilespmem:s25], [sflag:$0x1], $0x1000, s19, s24, $0x38;
	[tilespmem:$0x1E700] =	vst v63  }
0x8cb: {  	_ =	swait.ge [sflag:s30], $0x1000  }
0x8cc: {  	[sflag:s30] =	ssyncset.done $0x0  }
0x8cd: {  	s31 =	simm.s32 $0x10F0;
	[sflag:s30] =	ssyncadd.s32 $0xFFFFF000  }
0x8ce: {  	v0 =	vld [tilespmem:s31+$0x0]  }
0x8cf: {  	v1 =	vld [tilespmem:s31+$0xFFFFFF20]  }
0x8d0: {  	v2 =	vld [tilespmem:s31+$0xFFFFFF30]  }
0x8d1: {  	v3 =	vld [tilespmem:s31+$0xFFFFFF40]  }
0x8d2: {  	v4 =	vld [tilespmem:s31+$0xFFFFFF50]  }
0x8d3: {  	v5 =	vld [tilespmem:s31+$0xFFFFFF60]  }
0x8d4: {  	v6 =	vld [tilespmem:s31+$0xFFFFFF70]  }
0x8d5: {  	v7 =	vld [tilespmem:s31+$0xFFFFFF80]  }
0x8d6: {  	v8 =	vld [tilespmem:s31+$0xFFFFFF90]  }
0x8d7: {  	v9 =	vld [tilespmem:s31+$0xFFFFFFA0]  }
0x8d8: {  	v10 =	vld [tilespmem:s31+$0xFFFFFFB0]  }
0x8d9: {  	v11 =	vld [tilespmem:s31+$0xFFFFFFC0]  }
0x8da: {  	v12 =	vld [tilespmem:s31+$0xFFFFFFD0]  }
0x8db: {  	v13 =	vld [tilespmem:s31+$0xFFFFFFE0]  }
0x8dc: {  	v14 =	vld [tilespmem:s31+$0xFFFFFFF0]  }
0x8dd: {  	v15 =	vld [tilespmem:s31+$0xFFFFFF10]  }
0x8de: {  	v0 =	vld.idx.msk [tilespmem:v0+s21+$0x0], $0xffff  }
0x8df: {  	v1 =	vld.idx.msk [tilespmem:v1+s21+$0x0], $0xffff  }
0x8e0: {  	v2 =	vld.idx.msk [tilespmem:v2+s21+$0x0], $0xffff  }
0x8e1: {  	v3 =	vld.idx.msk [tilespmem:v3+s21+$0x0], $0xffff  }
0x8e2: {  	v4 =	vld.idx.msk [tilespmem:v4+s21+$0x0], $0xffff  }
0x8e3: {  	s10 =	simm.s32 $0x1D780;
	v5 =	vld.idx.msk [tilespmem:v5+s21+$0x0], $0xffff  }
0x8e4: {  	v6 =	vld.idx.msk [tilespmem:v6+s21+$0x0], $0xffff;
	[tilespmem:s10+$0x70] =	vst v0  }
0x8e5: {  	v7 =	vld.idx.msk [tilespmem:v7+s21+$0x0], $0xffff;
	[tilespmem:s10+$0xFFFFFF90] =	vst v1  }
0x8e6: {  	v15 =	vld.idx.msk [tilespmem:v15+s21+$0x0], $0xffff;
	[tilespmem:s10+$0xFFFFFFA0] =	vst v2  }
0x8e7: {  	v8 =	vld.idx.msk [tilespmem:v8+s21+$0x0], $0xffff;
	[tilespmem:s10+$0xFFFFFFB0] =	vst v3  }
0x8e8: {  	[tilespmem:s10+$0xFFFFFFC0] =	vst v4;
	v0 =	vld.idx.msk [tilespmem:v9+s21+$0x0], $0xffff  }
0x8e9: {  	[tilespmem:s10+$0xFFFFFFD0] =	vst v5;
	v1 =	vld.idx.msk [tilespmem:v10+s21+$0x0], $0xffff  }
0x8ea: {  	[tilespmem:s10+$0xFFFFFFE0] =	vst v6;
	v2 =	vld.idx.msk [tilespmem:v11+s21+$0x0], $0xffff  }
0x8eb: {  	[tilespmem:s10+$0xFFFFFFF0] =	vst v7;
	v3 =	vld.idx.msk [tilespmem:v12+s21+$0x0], $0xffff  }
0x8ec: {  	[tilespmem:s10+$0xFFFFFF80] =	vst v15;
	v4 =	vld.idx.msk [tilespmem:v13+s21+$0x0], $0xffff  }
0x8ed: {  	s12 =	simm.s32 $0x0;
	s15 =	simm.s32 $0x11F0;
	s11 =	sadd.s32 s1, s13;
	[tilespmem:s10+$0x0] =	vst v8;
	v5 =	vld.idx.msk [tilespmem:v14+s21+$0x0], $0xffff  }
.LBB2_61:
0x8ee: {  	v6 =	vld [tilespmem:s15+$0x0];
	s12 =	sadd.s32 $0x10, s12;
	[tilespmem:s10+$0x10] =	vst v0  }
0x8ef: {  	v0 =	vld [tilespmem:s15+$0xFFFFFF20];
	p0 =	slt.u32 s12, $0xF0;
	[tilespmem:s10+$0x20] =	vst v1  }
0x8f0: {  	v1 =	vld [tilespmem:s15+$0xFFFFFF30];
	[tilespmem:s10+$0x30] =	vst v2  }
0x8f1: {  	v2 =	vld [tilespmem:s15+$0xFFFFFF40];
	[tilespmem:s10+$0x40] =	vst v3  }
0x8f2: {  	v3 =	vld [tilespmem:s15+$0xFFFFFF50];
	[tilespmem:s10+$0x50] =	vst v4  }
0x8f3: {  	v4 =	vld [tilespmem:s15+$0xFFFFFF60];
	[tilespmem:s10+$0x60] =	vst v5  }
0x8f4: {  	v5 =	vld [tilespmem:s15+$0xFFFFFF70]  }
0x8f5: {  	v7 =	vld [tilespmem:s15+$0xFFFFFF80]  }
0x8f6: {  	v6 =	vld.idx.msk [tilespmem:v6+s21+$0x0], $0xffff  }
0x8f7: {  	v8 =	vld [tilespmem:s15+$0xFFFFFF90]  }
0x8f8: {  	v9 =	vld [tilespmem:s15+$0xFFFFFFA0]  }
0x8f9: {  	v10 =	vld [tilespmem:s15+$0xFFFFFFB0]  }
0x8fa: {  	v11 =	vld [tilespmem:s15+$0xFFFFFFC0]  }
0x8fb: {  	s10 =	sadd.s32 $0x100, s10;
	v12 =	vld [tilespmem:s15+$0xFFFFFFD0]  }
0x8fc: {  	v13 =	vld [tilespmem:s15+$0xFFFFFFE0];
	[tilespmem:s10+$0x70] =	vst v6  }
0x8fd: {  	v6 =	vld [tilespmem:s15+$0xFFFFFFF0]  }
0x8fe: {  	v14 =	vld [tilespmem:s15+$0xFFFFFF10]  }
0x8ff: {  	v0 =	vld.idx.msk [tilespmem:v0+s21+$0x0], $0xffff  }
0x900: {  	v1 =	vld.idx.msk [tilespmem:v1+s21+$0x0], $0xffff  }
0x901: {  	v2 =	vld.idx.msk [tilespmem:v2+s21+$0x0], $0xffff  }
0x902: {  	v3 =	vld.idx.msk [tilespmem:v3+s21+$0x0], $0xffff  }
0x903: {  	v4 =	vld.idx.msk [tilespmem:v4+s21+$0x0], $0xffff  }
0x904: {  	v5 =	vld.idx.msk [tilespmem:v5+s21+$0x0], $0xffff  }
0x905: {  	[tilespmem:s10+$0xFFFFFF90] =	vst v0;
	v7 =	vld.idx.msk [tilespmem:v7+s21+$0x0], $0xffff  }
0x906: {  	v14 =	vld.idx.msk [tilespmem:v14+s21+$0x0], $0xffff;
	[tilespmem:s10+$0xFFFFFFA0] =	vst v1  }
0x907: {  	[tilespmem:s10+$0xFFFFFFB0] =	vst v2;
	v8 =	vld.idx.msk [tilespmem:v8+s21+$0x0], $0xffff  }
0x908: {  	[tilespmem:s10+$0xFFFFFFC0] =	vst v3;
	v0 =	vld.idx.msk [tilespmem:v9+s21+$0x0], $0xffff  }
.Ltmp29:
0x909: {  	[tilespmem:s10+$0xFFFFFFD0] =	vst v4;
	v1 =	vld.idx.msk [tilespmem:v10+s21+$0x0], $0xffff;
	(pc) =	sbr.rel @p0 .LBB2_61-.Ltmp29, $4  }
0x90a: {  	[tilespmem:s10+$0xFFFFFFE0] =	vst v5;
	v2 =	vld.idx.msk [tilespmem:v11+s21+$0x0], $0xffff  }
0x90b: {  	[tilespmem:s10+$0xFFFFFFF0] =	vst v7;
	v3 =	vld.idx.msk [tilespmem:v12+s21+$0x0], $0xffff  }
0x90c: {  	[tilespmem:s10+$0xFFFFFF80] =	vst v14;
	v4 =	vld.idx.msk [tilespmem:v13+s21+$0x0], $0xffff  }
0x90d: {  	s15 =	sadd.s32 $0x100, s15;
	[tilespmem:s10+$0x0] =	vst v8;
	v5 =	vld.idx.msk [tilespmem:v6+s21+$0x0], $0xffff  }
0x90e: {  	[tilespmem:s10+$0x10] =	vst v0  }
0x90f: {  	[tilespmem:s10+$0x20] =	vst v1  }
0x910: {  	[tilespmem:s10+$0x30] =	vst v2  }
0x911: {  	[tilespmem:s10+$0x40] =	vst v3  }
0x912: {  	[tilespmem:s10+$0x50] =	vst v4  }
0x913: {  	[tilespmem:s10+$0x60] =	vst v5  }
0x914: {  	[hbm4b:s11+s24] =	stream.strided.scatter [tilespmem:s28], [sflag:$0x2], $0x1000, s19, s24, $0x38;
	[tilespmem:$0x1E700] =	vst v63  }
0x915: {  	_ =	swait.ge [sflag:s29], $0x1000  }
0x916: {  	[sflag:s29] =	ssyncset.done $0x0  }
0x917: {  	s31 =	simm.s32 $0x20F0;
	[sflag:s29] =	ssyncadd.s32 $0xFFFFF000  }
0x918: {  	v0 =	vld [tilespmem:s31+$0x0]  }
0x919: {  	v1 =	vld [tilespmem:s31+$0xFFFFFF20]  }
0x91a: {  	v2 =	vld [tilespmem:s31+$0xFFFFFF30]  }
0x91b: {  	v3 =	vld [tilespmem:s31+$0xFFFFFF40]  }
0x91c: {  	v4 =	vld [tilespmem:s31+$0xFFFFFF50]  }
0x91d: {  	v5 =	vld [tilespmem:s31+$0xFFFFFF60]  }
0x91e: {  	v6 =	vld [tilespmem:s31+$0xFFFFFF70]  }
0x91f: {  	v7 =	vld [tilespmem:s31+$0xFFFFFF80]  }
0x920: {  	v8 =	vld [tilespmem:s31+$0xFFFFFF90]  }
0x921: {  	v9 =	vld [tilespmem:s31+$0xFFFFFFA0]  }
0x922: {  	v10 =	vld [tilespmem:s31+$0xFFFFFFB0]  }
0x923: {  	v11 =	vld [tilespmem:s31+$0xFFFFFFC0]  }
0x924: {  	v12 =	vld [tilespmem:s31+$0xFFFFFFD0]  }
0x925: {  	v13 =	vld [tilespmem:s31+$0xFFFFFFE0]  }
0x926: {  	v14 =	vld [tilespmem:s31+$0xFFFFFFF0]  }
0x927: {  	v15 =	vld [tilespmem:s31+$0xFFFFFF10]  }
0x928: {  	v0 =	vld.idx.msk [tilespmem:v0+s21+$0x0], $0xffff  }
0x929: {  	v1 =	vld.idx.msk [tilespmem:v1+s21+$0x0], $0xffff  }
0x92a: {  	v2 =	vld.idx.msk [tilespmem:v2+s21+$0x0], $0xffff  }
0x92b: {  	v3 =	vld.idx.msk [tilespmem:v3+s21+$0x0], $0xffff  }
0x92c: {  	v4 =	vld.idx.msk [tilespmem:v4+s21+$0x0], $0xffff  }
0x92d: {  	s10 =	simm.s32 $0x1C780;
	v5 =	vld.idx.msk [tilespmem:v5+s21+$0x0], $0xffff  }
0x92e: {  	v6 =	vld.idx.msk [tilespmem:v6+s21+$0x0], $0xffff;
	[tilespmem:s10+$0x70] =	vst v0  }
0x92f: {  	v7 =	vld.idx.msk [tilespmem:v7+s21+$0x0], $0xffff;
	[tilespmem:s10+$0xFFFFFF90] =	vst v1  }
0x930: {  	v15 =	vld.idx.msk [tilespmem:v15+s21+$0x0], $0xffff;
	[tilespmem:s10+$0xFFFFFFA0] =	vst v2  }
0x931: {  	v8 =	vld.idx.msk [tilespmem:v8+s21+$0x0], $0xffff;
	[tilespmem:s10+$0xFFFFFFB0] =	vst v3  }
0x932: {  	[tilespmem:s10+$0xFFFFFFC0] =	vst v4;
	v0 =	vld.idx.msk [tilespmem:v9+s21+$0x0], $0xffff  }
0x933: {  	[tilespmem:s10+$0xFFFFFFD0] =	vst v5;
	v1 =	vld.idx.msk [tilespmem:v10+s21+$0x0], $0xffff  }
0x934: {  	[tilespmem:s10+$0xFFFFFFE0] =	vst v6;
	v2 =	vld.idx.msk [tilespmem:v11+s21+$0x0], $0xffff  }
0x935: {  	[tilespmem:s10+$0xFFFFFFF0] =	vst v7;
	v3 =	vld.idx.msk [tilespmem:v12+s21+$0x0], $0xffff  }
0x936: {  	[tilespmem:s10+$0xFFFFFF80] =	vst v15;
	v4 =	vld.idx.msk [tilespmem:v13+s21+$0x0], $0xffff  }
0x937: {  	s12 =	simm.s32 $0x0;
	s15 =	simm.s32 $0x21F0;
	s11 =	sadd.s32 s1, s14;
	[tilespmem:s10+$0x0] =	vst v8;
	v5 =	vld.idx.msk [tilespmem:v14+s21+$0x0], $0xffff  }
.LBB2_63:
0x938: {  	v6 =	vld [tilespmem:s15+$0x0];
	s12 =	sadd.s32 $0x10, s12;
	[tilespmem:s10+$0x10] =	vst v0  }
0x939: {  	v0 =	vld [tilespmem:s15+$0xFFFFFF20];
	p0 =	slt.u32 s12, $0xF0;
	[tilespmem:s10+$0x20] =	vst v1  }
0x93a: {  	v1 =	vld [tilespmem:s15+$0xFFFFFF30];
	[tilespmem:s10+$0x30] =	vst v2  }
0x93b: {  	v2 =	vld [tilespmem:s15+$0xFFFFFF40];
	[tilespmem:s10+$0x40] =	vst v3  }
0x93c: {  	v3 =	vld [tilespmem:s15+$0xFFFFFF50];
	[tilespmem:s10+$0x50] =	vst v4  }
0x93d: {  	v4 =	vld [tilespmem:s15+$0xFFFFFF60];
	[tilespmem:s10+$0x60] =	vst v5  }
0x93e: {  	v5 =	vld [tilespmem:s15+$0xFFFFFF70]  }
0x93f: {  	v7 =	vld [tilespmem:s15+$0xFFFFFF80]  }
0x940: {  	v6 =	vld.idx.msk [tilespmem:v6+s21+$0x0], $0xffff  }
0x941: {  	v8 =	vld [tilespmem:s15+$0xFFFFFF90]  }
0x942: {  	v9 =	vld [tilespmem:s15+$0xFFFFFFA0]  }
0x943: {  	v10 =	vld [tilespmem:s15+$0xFFFFFFB0]  }
0x944: {  	v11 =	vld [tilespmem:s15+$0xFFFFFFC0]  }
0x945: {  	s10 =	sadd.s32 $0x100, s10;
	v12 =	vld [tilespmem:s15+$0xFFFFFFD0]  }
0x946: {  	v13 =	vld [tilespmem:s15+$0xFFFFFFE0];
	[tilespmem:s10+$0x70] =	vst v6  }
0x947: {  	v6 =	vld [tilespmem:s15+$0xFFFFFFF0]  }
0x948: {  	v14 =	vld [tilespmem:s15+$0xFFFFFF10]  }
0x949: {  	v0 =	vld.idx.msk [tilespmem:v0+s21+$0x0], $0xffff  }
0x94a: {  	v1 =	vld.idx.msk [tilespmem:v1+s21+$0x0], $0xffff  }
0x94b: {  	v2 =	vld.idx.msk [tilespmem:v2+s21+$0x0], $0xffff  }
0x94c: {  	v3 =	vld.idx.msk [tilespmem:v3+s21+$0x0], $0xffff  }
0x94d: {  	v4 =	vld.idx.msk [tilespmem:v4+s21+$0x0], $0xffff  }
0x94e: {  	v5 =	vld.idx.msk [tilespmem:v5+s21+$0x0], $0xffff  }
0x94f: {  	[tilespmem:s10+$0xFFFFFF90] =	vst v0;
	v7 =	vld.idx.msk [tilespmem:v7+s21+$0x0], $0xffff  }
0x950: {  	v14 =	vld.idx.msk [tilespmem:v14+s21+$0x0], $0xffff;
	[tilespmem:s10+$0xFFFFFFA0] =	vst v1  }
0x951: {  	[tilespmem:s10+$0xFFFFFFB0] =	vst v2;
	v8 =	vld.idx.msk [tilespmem:v8+s21+$0x0], $0xffff  }
0x952: {  	[tilespmem:s10+$0xFFFFFFC0] =	vst v3;
	v0 =	vld.idx.msk [tilespmem:v9+s21+$0x0], $0xffff  }
.Ltmp30:
0x953: {  	[tilespmem:s10+$0xFFFFFFD0] =	vst v4;
	v1 =	vld.idx.msk [tilespmem:v10+s21+$0x0], $0xffff;
	(pc) =	sbr.rel @p0 .LBB2_63-.Ltmp30, $4  }
0x954: {  	[tilespmem:s10+$0xFFFFFFE0] =	vst v5;
	v2 =	vld.idx.msk [tilespmem:v11+s21+$0x0], $0xffff  }
0x955: {  	[tilespmem:s10+$0xFFFFFFF0] =	vst v7;
	v3 =	vld.idx.msk [tilespmem:v12+s21+$0x0], $0xffff  }
0x956: {  	[tilespmem:s10+$0xFFFFFF80] =	vst v14;
	v4 =	vld.idx.msk [tilespmem:v13+s21+$0x0], $0xffff  }
0x957: {  	s15 =	sadd.s32 $0x100, s15;
	[tilespmem:s10+$0x0] =	vst v8;
	v5 =	vld.idx.msk [tilespmem:v6+s21+$0x0], $0xffff  }
0x958: {  	[tilespmem:s10+$0x10] =	vst v0  }
0x959: {  	[tilespmem:s10+$0x20] =	vst v1  }
0x95a: {  	[tilespmem:s10+$0x30] =	vst v2  }
0x95b: {  	[tilespmem:s10+$0x40] =	vst v3  }
0x95c: {  	[tilespmem:s10+$0x50] =	vst v4  }
0x95d: {  	[tilespmem:s10+$0x60] =	vst v5  }
0x95e: {  	[hbm4b:s11+s24] =	stream.strided.scatter [tilespmem:s25], [sflag:$0x1], $0x1000, s19, s24, $0x38;
	[tilespmem:$0x1E700] =	vst v63  }
0x95f: {  	_ =	swait.ge [sflag:s30], $0x1000  }
0x960: {  	[sflag:s30] =	ssyncset.done $0x0  }
0x961: {  	s31 =	simm.s32 $0x30F0;
	[sflag:s30] =	ssyncadd.s32 $0xFFFFF000  }
0x962: {  	v0 =	vld [tilespmem:s31+$0x0]  }
0x963: {  	v1 =	vld [tilespmem:s31+$0xFFFFFF20]  }
0x964: {  	v2 =	vld [tilespmem:s31+$0xFFFFFF30]  }
0x965: {  	v3 =	vld [tilespmem:s31+$0xFFFFFF40]  }
0x966: {  	v4 =	vld [tilespmem:s31+$0xFFFFFF50]  }
0x967: {  	v5 =	vld [tilespmem:s31+$0xFFFFFF60]  }
0x968: {  	v6 =	vld [tilespmem:s31+$0xFFFFFF70]  }
0x969: {  	v7 =	vld [tilespmem:s31+$0xFFFFFF80]  }
0x96a: {  	v8 =	vld [tilespmem:s31+$0xFFFFFF90]  }
0x96b: {  	v9 =	vld [tilespmem:s31+$0xFFFFFFA0]  }
0x96c: {  	v10 =	vld [tilespmem:s31+$0xFFFFFFB0]  }
0x96d: {  	v11 =	vld [tilespmem:s31+$0xFFFFFFC0]  }
0x96e: {  	v12 =	vld [tilespmem:s31+$0xFFFFFFD0]  }
0x96f: {  	v13 =	vld [tilespmem:s31+$0xFFFFFFE0]  }
0x970: {  	v14 =	vld [tilespmem:s31+$0xFFFFFFF0]  }
0x971: {  	v15 =	vld [tilespmem:s31+$0xFFFFFF10]  }
0x972: {  	v0 =	vld.idx.msk [tilespmem:v0+s21+$0x0], $0xffff  }
0x973: {  	v1 =	vld.idx.msk [tilespmem:v1+s21+$0x0], $0xffff  }
0x974: {  	v2 =	vld.idx.msk [tilespmem:v2+s21+$0x0], $0xffff  }
0x975: {  	v3 =	vld.idx.msk [tilespmem:v3+s21+$0x0], $0xffff  }
0x976: {  	v4 =	vld.idx.msk [tilespmem:v4+s21+$0x0], $0xffff  }
0x977: {  	s10 =	simm.s32 $0x1D780;
	v5 =	vld.idx.msk [tilespmem:v5+s21+$0x0], $0xffff  }
0x978: {  	v6 =	vld.idx.msk [tilespmem:v6+s21+$0x0], $0xffff;
	[tilespmem:s10+$0x70] =	vst v0  }
0x979: {  	v7 =	vld.idx.msk [tilespmem:v7+s21+$0x0], $0xffff;
	[tilespmem:s10+$0xFFFFFF90] =	vst v1  }
0x97a: {  	v15 =	vld.idx.msk [tilespmem:v15+s21+$0x0], $0xffff;
	[tilespmem:s10+$0xFFFFFFA0] =	vst v2  }
0x97b: {  	v8 =	vld.idx.msk [tilespmem:v8+s21+$0x0], $0xffff;
	[tilespmem:s10+$0xFFFFFFB0] =	vst v3  }
0x97c: {  	[tilespmem:s10+$0xFFFFFFC0] =	vst v4;
	v0 =	vld.idx.msk [tilespmem:v9+s21+$0x0], $0xffff  }
0x97d: {  	[tilespmem:s10+$0xFFFFFFD0] =	vst v5;
	v1 =	vld.idx.msk [tilespmem:v10+s21+$0x0], $0xffff  }
0x97e: {  	[tilespmem:s10+$0xFFFFFFE0] =	vst v6;
	v2 =	vld.idx.msk [tilespmem:v11+s21+$0x0], $0xffff  }
0x97f: {  	[tilespmem:s10+$0xFFFFFFF0] =	vst v7;
	v3 =	vld.idx.msk [tilespmem:v12+s21+$0x0], $0xffff  }
0x980: {  	[tilespmem:s10+$0xFFFFFF80] =	vst v15;
	v4 =	vld.idx.msk [tilespmem:v13+s21+$0x0], $0xffff  }
0x981: {  	s1 =	sadd.s32 s1, s18;
	s12 =	simm.s32 $0x31F0;
	s11 =	simm.s32 $0x0;
	[tilespmem:s10+$0x0] =	vst v8;
	v5 =	vld.idx.msk [tilespmem:v14+s21+$0x0], $0xffff  }
.LBB2_65:
0x982: {  	v6 =	vld [tilespmem:s12+$0x0];
	s11 =	sadd.s32 $0x10, s11;
	[tilespmem:s10+$0x10] =	vst v0  }
0x983: {  	v0 =	vld [tilespmem:s12+$0xFFFFFF20];
	p0 =	slt.u32 s11, $0xF0;
	[tilespmem:s10+$0x20] =	vst v1  }
0x984: {  	v1 =	vld [tilespmem:s12+$0xFFFFFF30];
	[tilespmem:s10+$0x30] =	vst v2  }
0x985: {  	v2 =	vld [tilespmem:s12+$0xFFFFFF40];
	[tilespmem:s10+$0x40] =	vst v3  }
0x986: {  	v3 =	vld [tilespmem:s12+$0xFFFFFF50];
	[tilespmem:s10+$0x50] =	vst v4  }
0x987: {  	v4 =	vld [tilespmem:s12+$0xFFFFFF60];
	[tilespmem:s10+$0x60] =	vst v5  }
0x988: {  	v5 =	vld [tilespmem:s12+$0xFFFFFF70]  }
0x989: {  	v7 =	vld [tilespmem:s12+$0xFFFFFF80]  }
0x98a: {  	v6 =	vld.idx.msk [tilespmem:v6+s21+$0x0], $0xffff  }
0x98b: {  	v8 =	vld [tilespmem:s12+$0xFFFFFF90]  }
0x98c: {  	v9 =	vld [tilespmem:s12+$0xFFFFFFA0]  }
0x98d: {  	v10 =	vld [tilespmem:s12+$0xFFFFFFB0]  }
0x98e: {  	v11 =	vld [tilespmem:s12+$0xFFFFFFC0]  }
0x98f: {  	s10 =	sadd.s32 $0x100, s10;
	v12 =	vld [tilespmem:s12+$0xFFFFFFD0]  }
0x990: {  	v13 =	vld [tilespmem:s12+$0xFFFFFFE0];
	[tilespmem:s10+$0x70] =	vst v6  }
0x991: {  	v6 =	vld [tilespmem:s12+$0xFFFFFFF0]  }
0x992: {  	v14 =	vld [tilespmem:s12+$0xFFFFFF10]  }
0x993: {  	v0 =	vld.idx.msk [tilespmem:v0+s21+$0x0], $0xffff  }
0x994: {  	v1 =	vld.idx.msk [tilespmem:v1+s21+$0x0], $0xffff  }
0x995: {  	v2 =	vld.idx.msk [tilespmem:v2+s21+$0x0], $0xffff  }
0x996: {  	v3 =	vld.idx.msk [tilespmem:v3+s21+$0x0], $0xffff  }
0x997: {  	v4 =	vld.idx.msk [tilespmem:v4+s21+$0x0], $0xffff  }
0x998: {  	v5 =	vld.idx.msk [tilespmem:v5+s21+$0x0], $0xffff  }
0x999: {  	[tilespmem:s10+$0xFFFFFF90] =	vst v0;
	v7 =	vld.idx.msk [tilespmem:v7+s21+$0x0], $0xffff  }
0x99a: {  	v14 =	vld.idx.msk [tilespmem:v14+s21+$0x0], $0xffff;
	[tilespmem:s10+$0xFFFFFFA0] =	vst v1  }
0x99b: {  	[tilespmem:s10+$0xFFFFFFB0] =	vst v2;
	v8 =	vld.idx.msk [tilespmem:v8+s21+$0x0], $0xffff  }
0x99c: {  	[tilespmem:s10+$0xFFFFFFC0] =	vst v3;
	v0 =	vld.idx.msk [tilespmem:v9+s21+$0x0], $0xffff  }
.Ltmp31:
0x99d: {  	[tilespmem:s10+$0xFFFFFFD0] =	vst v4;
	v1 =	vld.idx.msk [tilespmem:v10+s21+$0x0], $0xffff;
	(pc) =	sbr.rel @p0 .LBB2_65-.Ltmp31, $4  }
0x99e: {  	[tilespmem:s10+$0xFFFFFFE0] =	vst v5;
	v2 =	vld.idx.msk [tilespmem:v11+s21+$0x0], $0xffff  }
0x99f: {  	[tilespmem:s10+$0xFFFFFFF0] =	vst v7;
	v3 =	vld.idx.msk [tilespmem:v12+s21+$0x0], $0xffff  }
0x9a0: {  	[tilespmem:s10+$0xFFFFFF80] =	vst v14;
	v4 =	vld.idx.msk [tilespmem:v13+s21+$0x0], $0xffff  }
0x9a1: {  	s12 =	sadd.s32 $0x100, s12;
	[tilespmem:s10+$0x0] =	vst v8;
	v5 =	vld.idx.msk [tilespmem:v6+s21+$0x0], $0xffff  }
0x9a2: {  	[tilespmem:s10+$0x10] =	vst v0;
	s0 =	sadd.s32 $0x1, s0  }
0x9a3: {  	[tilespmem:s10+$0x20] =	vst v1;
	p0 =	sne.s32 s0, $0xD  }
.Ltmp32:
0x9a4: {  	[tilespmem:s10+$0x30] =	vst v2;
	(pc) =	sbr.rel @p0 .LBB2_34-.Ltmp32, $4  }
0x9a5: {  	[tilespmem:s10+$0x40] =	vst v3  }
0x9a6: {  	[tilespmem:s10+$0x50] =	vst v4  }
0x9a7: {  	[tilespmem:s10+$0x60] =	vst v5  }
0x9a8: {  	[hbm4b:s1+s24] =	stream.strided.scatter [tilespmem:s28], [sflag:$0x2], $0x1000, s19, s24, $0x38;
	[tilespmem:$0x1E700] =	vst v63  }
0x9a9: {  	_ =	swait.ge [sflag:s29], $0x1000  }
0x9aa: {  	[sflag:s29] =	ssyncset.done $0x0  }
0x9ab: {  	[sflag:s29] =	ssyncadd.s32 $0xFFFFF000  }
0x9ac: {  	_ =	swait.ge [sflag:s30], $0x1000  }
0x9ad: {  	s1 =	rddreg [dreg:$0x1a]  }
0x9ae: {  	s0 =	rddreg [dreg:$0x19];
	s1 =	sadd.s32 $0x1, s1  }
0x9af: {  	p0 =	sne.s32 s1, s0  }
.Ltmp33:
0x9b0: {  	_ = 	snop;
	(pc) =	sbr.rel @p0 .LBB2_1-.Ltmp33, $3  }
0x9b1: {  	_ =	sdelay $0x1  }
0x9b2: {  	[sflag:s30] =	ssyncset.done $0x0  }
0x9b3: {  	[sflag:s30] =	ssyncadd.s32 $0xFFFFF000  }
0x9b4: {  	_ =	sfence.sel $0x180000  }
0x9b5: {  	[bflag:$0x0] =	sbarrier.arrive $0xFFFF  }
0x9b6: {  	_ =	strace $0x90000047  }
0x9b7: {  	s0 =	stileid.u32;
	[bflag:$0x2] =	sbarrier.arrive $0xFFFF  }
0x9b8: {  	p0 =	sne.s32 s0, $0x0;
	s0 =	rddreg [dreg:$0x3]  }
0x9b9: {  	s0 =	sadd.s32 @!p0 $0x100000, s0  }
0x9ba: {  	[sflag:s0] =	ssyncadd.tile.s32 @!p0 $0x1;
	_ =	shalt  }
.Lfunc_end2:
_tile_overlayer_lowered:
.L_overlay_start_2:
0x9bb: {  	(tag) =	ssettag $0x2  }
0x9bc: {  	s0 =	rddreg [dreg:$0x0];
	s2 =	stileid.u32  }
0x9bd: {  	s1 =	rddreg [dreg:$0x1];
	p0 =	sne.s32 s2, $0x0  }
0x9be: {  	s3 =	rddreg [dreg:$0x2];
	[bflag:$0x3] =	sbarrier.arrive $0xFFFF;
	s2 =	simm.s32 @!p0 $0x1C04  }
0x9bf: {  	[timem:s3], [sflag:s2] =	dma.local @!p0 [hbm:s0], s1  }
0x9c0: {  	s0 =	simm.s32 @!p0 $0x4  }
0x9c1: {  	_ =	swait.ge @!p0 [sflag:s0], s1  }
0x9c2: {  	s1 =	ssub.s32 @!p0 $0x0, s1;
	[sflag:s0] =	ssyncset.done @!p0 $0x0  }
0x9c3: {  	[sflag:s0] =	ssyncadd.s32 @!p0 s1  }
0x9c4: {  	[bflag:$0x3] =	sbarrier.arrive $0xFFFF  }
0x9c5: {  	_ =	shalt  }

</sc_bundles>
